<compile_context>
chip_gen: v7x
topology: tpu7x:2x2x1
jax: 0.10.2.dev20260603
libtpu: 0.0.44.dev20260713+nightly
codegen_flags: <defaults>
</compile_context>

<pallas_src>
import functools

import jax
import jax.numpy as jnp
from jax import lax
from jax.experimental import pallas as pl
from jax.experimental.pallas import tpu as pltpu
from jax.experimental.pallas import tpu_sc as plsc

_B, _S, _H = 8, 4, 1024
_VOCAB = 131072
_NCENT = 128
_VPC = _VOCAB // _NCENT
_T = _B * _S

_VB_LG = 2048
_NBLK_LG = _VOCAB // _VB_LG
_VB_AP = 2048
_NBLK_AP = _VOCAB // _VB_AP


def _router_body(hid_ref, wc_ref, top2_ref):
    h = hid_ref[...]
    wc = wc_ref[...]
    logits = lax.dot_general(
        h, wc, (((1,), (1,)), ((), ())),
        preferred_element_type=jnp.float32,
        precision=lax.Precision.HIGHEST,
    )
    col = lax.broadcasted_iota(jnp.int32, logits.shape, 1)
    m1 = jnp.max(logits, axis=1, keepdims=True)
    i1 = jnp.min(jnp.where(logits == m1, col, _NCENT), axis=1, keepdims=True)
    masked = jnp.where(col == i1, -jnp.inf, logits)
    m2 = jnp.max(masked, axis=1, keepdims=True)
    i2 = jnp.min(jnp.where(masked == m2, col, _NCENT), axis=1, keepdims=True)
    top2_ref[...] = jnp.concatenate([i1, i2], axis=1)


def _router(hid, wc):
    return pl.pallas_call(
        _router_body,
        out_shape=jax.ShapeDtypeStruct((_T, 2), jnp.int32),
    )(hid, wc)


_ROWS_TOTAL = _VOCAB // 128
_ROWS_PER_W = _ROWS_TOTAL // 32


def _invperm_body(tord_hbm, out_hbm, idx_v, vals_v, sem):
    wid = lax.axis_index("s") * 2 + lax.axis_index("c")
    base_row = wid * _ROWS_PER_W
    pltpu.sync_copy(tord_hbm.at[pl.ds(base_row, _ROWS_PER_W)], idx_v)
    for j in range(_ROWS_PER_W):
        val = (base_row + j) // 8
        vec = jnp.full((16,), val, jnp.int32)
        for q in range(8):
            vals_v[j, pl.ds(q * 16, 16)] = vec
    handles = [
        pltpu.async_copy(vals_v.at[j], out_hbm.at[idx_v.at[j]], sem)
        for j in range(_ROWS_PER_W)
    ]
    for h in handles:
        h.wait()


def _invperm(tord2d):
    mesh = plsc.VectorSubcoreMesh(core_axis_name="c", subcore_axis_name="s")
    fn = functools.partial(
        pl.kernel,
        out_type=jax.ShapeDtypeStruct((_VOCAB,), jnp.int32),
        mesh=mesh,
        scratch_types=[
            pltpu.VMEM((_ROWS_PER_W, 128), jnp.int32),
            pltpu.VMEM((_ROWS_PER_W, 128), jnp.int32),
            pltpu.SemaphoreType.DMA,
        ],
    )(_invperm_body)
    return fn(tord2d)


def _logits_body(hid_ref, w_ref, out_ref):
    out_ref[...] = lax.dot_general(
        hid_ref[...], w_ref[...], (((1,), (1,)), ((), ())),
        preferred_element_type=jnp.float32,
    )


def _logits_call(hid, w):
    return pl.pallas_call(
        _logits_body,
        grid=(_NBLK_LG,),
        in_specs=[
            pl.BlockSpec((_T, _H), lambda i: (0, 0)),
            pl.BlockSpec((_VB_LG, _H), lambda i: (i, 0)),
        ],
        out_specs=pl.BlockSpec((_T, _VB_LG), lambda i: (0, i)),
        out_shape=jax.ShapeDtypeStruct((_T, _VOCAB), jnp.float32),
    )(hid, w)


def _minpass_body(lg_ref, top2_ref, clu_ref, gmin_ref, acc_ref):
    i = pl.program_id(0)
    clu = clu_ref[0]
    mask = (clu == top2_ref[:, 0:1]) | (clu == top2_ref[:, 1:2])
    bmin = jnp.min(jnp.where(mask, lg_ref[...], jnp.inf))
    prev = jnp.where(i == 0, jnp.inf, acc_ref[0, 0])
    acc = jnp.minimum(prev, bmin)
    acc_ref[0, 0] = acc
    gmin_ref[0, 0] = acc


def _minpass_call(logits, top2, clu3):
    return pl.pallas_call(
        _minpass_body,
        grid=(_NBLK_AP,),
        in_specs=[
            pl.BlockSpec((_T, _VB_AP), lambda i: (0, i)),
            pl.BlockSpec((_T, 2), lambda i: (0, 0)),
            pl.BlockSpec((1, 1, _VB_AP), lambda i: (i, 0, 0)),
        ],
        out_specs=pl.BlockSpec(memory_space=pltpu.SMEM),
        out_shape=jax.ShapeDtypeStruct((1, 1), jnp.float32),
        scratch_shapes=[pltpu.SMEM((1, 1), jnp.float32)],
    )(logits, top2, clu3)


def _apply_body(lg_ref, top2_ref, clu_ref, gmin_ref, out_ref):
    clu = clu_ref[0]
    mask = (clu == top2_ref[:, 0:1]) | (clu == top2_ref[:, 1:2])
    mv = gmin_ref[0, 0] - 1.0
    out_ref[...] = jnp.where(mask, lg_ref[...], mv)


def _apply_call(logits, top2, clu3, gmin):
    return pl.pallas_call(
        _apply_body,
        grid=(_NBLK_AP,),
        in_specs=[
            pl.BlockSpec((_T, _VB_AP), lambda i: (0, i)),
            pl.BlockSpec((_T, 2), lambda i: (0, 0)),
            pl.BlockSpec((1, 1, _VB_AP), lambda i: (i, 0, 0)),
            pl.BlockSpec(memory_space=pltpu.SMEM),
        ],
        out_specs=pl.BlockSpec((_T, _VB_AP), lambda i: (0, i)),
        out_shape=jax.ShapeDtypeStruct((_T, _VOCAB), jnp.float32),
    )(logits, top2, clu3, gmin)


def kernel(hidden_states, lm_head_weight, W_centroids, token_ordering):
    tord2d = token_ordering.astype(jnp.int32).reshape(_ROWS_TOTAL, 128)
    return _invperm(tord2d)


def _kernel_full(hidden_states, lm_head_weight, W_centroids, token_ordering):
    hid = hidden_states.reshape(_T, _H)
    top2 = _router(hid, W_centroids)
    tord2d = token_ordering.astype(jnp.int32).reshape(_ROWS_TOTAL, 128)
    cluster_of = _invperm(tord2d)
    clu_ap = cluster_of.reshape(_NBLK_AP, 1, _VB_AP)
    logits = _logits_call(hid, lm_head_weight)
    gmin = _minpass_call(logits, top2, clu_ap)
    out = _apply_call(logits, top2, clu_ap, gmin)
    return out.reshape(_B, _S, _VOCAB)

# --- scband reference (transcript-rebuilt; emitter-appended) ---
"""Pipeline reference for scband-gemma4-assistant-masked-embedder-47029891891428 (READ-ONLY COPY).

The authoritative reference and input builder live on the scoring server;
editing this copy changes nothing except your own understanding.
"""

import jax, jax.numpy as jnp
import numpy as np

B, S, H = 8, 4, 1024
VOCAB = 131072
NUM_CENTROIDS = 128
TOP_K = 2
VPC = VOCAB // NUM_CENTROIDS


def setup_inputs(seed: int = 0) -> dict:
    key = jax.random.key(seed)
    k1, k2, k3, k4 = jax.random.split(key, 4)
    hidden_states = jax.random.normal(k1, (B, S, H), dtype=jnp.float32)
    lm_head_weight = jax.random.normal(k2, (VOCAB, H), dtype=jnp.float32) * 0.02
    W_centroids = jax.random.normal(k3, (NUM_CENTROIDS, H), dtype=jnp.float32) * 0.02
    token_ordering = jax.random.permutation(k4, VOCAB)
    return {
        "hidden_states": hidden_states,
        "lm_head_weight": lm_head_weight,
        "W_centroids": W_centroids,
        "token_ordering": token_ordering,
    }


def reference(hidden_states, lm_head_weight, W_centroids, token_ordering):
    batch, seq_len, hidden = hidden_states.shape
    # centroid router logits (nn.Linear, no bias)
    centroid_logits = hidden_states @ W_centroids.T  # [B, S, num_centroids]
    _, top_k_indices = jax.lax.top_k(centroid_logits, TOP_K)  # [B, S, top_k]
    canonical_positions_per_cluster = token_ordering.reshape(NUM_CENTROIDS, VPC)
    selected_canonical = canonical_positions_per_cluster[top_k_indices]  # [B, S, top_k, VPC]
    selected_flat = selected_canonical.reshape(-1)
    selected_embeddings = jnp.take(lm_head_weight, selected_flat, axis=0).reshape(
        batch, seq_len, TOP_K * VPC, hidden
    )
    # (hidden_states.unsqueeze(-2) @ selected_embeddings.transpose(-1,-2)).squeeze(-2)
    selected_logits = jnp.einsum("bsh,bskh->bsk", hidden_states, selected_embeddings)
    # torch does .item() -> detached constant
    mask_value = jax.lax.stop_gradient(selected_logits.min()) - 1.0
    output = jnp.full((batch, seq_len, VOCAB), mask_value, dtype=hidden_states.dtype)
    scatter_idx = selected_canonical.reshape(batch, seq_len, -1)
    b_idx = jnp.arange(batch)[:, None, None]
    s_idx = jnp.arange(seq_len)[None, :, None]
    output = output.at[b_idx, s_idx, scatter_idx].set(selected_logits)
    return output


if False:  # reference __main__ guard neutralized (emitter)
    out = reference(**setup_inputs())
    print(out.shape, out.dtype)

if __name__ == "__main__":
    import jax
    _d = setup_inputs()
    print(jax.jit(kernel)(*tuple(_d.values())))

</pallas_src>

<mosaic_0001>
#map = affine_map<(d0, d1) -> (0, 0)>
#map1 = affine_map<(d0, d1) -> (0)>
module attributes {stable_mosaic.version = 14 : i64} {
  func.func @_invperm_body(%arg0: i32, %arg1: i32, %arg2: memref<1024x128xi32, #tpu.memory_space<hbm>>, %arg3: memref<131072xi32, #tpu.memory_space<hbm>>, %arg4: memref<32x128xi32, #tpu.memory_space<vmem>>, %arg5: memref<32x128xi32, #tpu.memory_space<vmem>>, %arg6: memref<!tpu.dma_semaphore, #tpu.memory_space<semaphore_mem>>) attributes {dimension_semantics = [#tpu.dimension_semantics<core_parallel>, #tpu.dimension_semantics<subcore_parallel>], iteration_bounds = array<i64: 2, 16>, scalar_prefetch = 0 : i64, scratch_operands = 3 : i64, tpu.core_type = #tpu.core_type<sc_vector_subcore>, window_params = [{transform_indices = #map}, {transform_indices = #map1}]} {
    %mul3A = arith.constant 2 : i32
    %mul3A_0 = arith.muli %arg1, %mul3A : i32
    %add3A = arith.addi %mul3A_0, %arg0 : i32
    %mul3A_1 = arith.constant 32 : i32
    %mul3A_2 = arith.muli %add3A, %mul3A_1 : i32
    "tpu.region"() ({
      %run_scoped3A = tpu.sem_alloc : memref<!tpu.dma_semaphore, #tpu.memory_space<semaphore_mem>>
      %dma_start3A_3031 = arith.constant 0 : i32
      %dma_start3A_3032 = tpu.memref_slice %arg2[%mul3A_2, %dma_start3A_3031] : memref<1024x128xi32, #tpu.memory_space<hbm>> -> memref<32x128xi32, #tpu.memory_space<hbm>>
      %dma_start3A_3033 = arith.constant 0 : i32
      %dma_start3A_3034 = tpu.memref_slice %arg2[%mul3A_2, %dma_start3A_3033] : memref<1024x128xi32, #tpu.memory_space<hbm>> -> memref<32x128xi32, #tpu.memory_space<hbm>>
      tpu.enqueue_dma source(%dma_start3A_3034 : memref<32x128xi32, #tpu.memory_space<hbm>>) target(%arg4 : memref<32x128xi32, #tpu.memory_space<vmem>>) target_semaphore(%run_scoped3A : memref<!tpu.dma_semaphore, #tpu.memory_space<semaphore_mem>>)
      %dma_wait3A_3035 = arith.constant 0 : i32
      %dma_wait3A_3036 = tpu.memref_slice %arg2[%mul3A_2, %dma_wait3A_3035] : memref<1024x128xi32, #tpu.memory_space<hbm>> -> memref<32x128xi32, #tpu.memory_space<hbm>>
      %dma_wait3A_3037 = arith.constant 0 : i32
      %dma_wait3A_3038 = tpu.memref_slice %arg2[%mul3A_2, %dma_wait3A_3037] : memref<1024x128xi32, #tpu.memory_space<hbm>> -> memref<32x128xi32, #tpu.memory_space<hbm>>
      tpu.wait_dma2 semaphore(%run_scoped3A : memref<!tpu.dma_semaphore, #tpu.memory_space<semaphore_mem>>) src(%dma_wait3A_3038 : memref<32x128xi32, #tpu.memory_space<hbm>>) dst(%arg4 : memref<32x128xi32, #tpu.memory_space<vmem>>)
      tpu.yield
    }) : () -> ()
    %add3A_3 = arith.constant 0 : i32
    %add3A_4 = arith.addi %mul3A_2, %add3A_3 : i32
    %jit3A = arith.constant 8 : i32
    %div3A = arith.divsi %add3A_4, %jit3A : i32
    %sign3A = arith.constant 0 : i32
    %sign3A_5 = arith.cmpi sgt, %add3A_4, %sign3A : i32
    %sign3A_6 = arith.extui %sign3A_5 : i1 to i32
    %sign3A_7 = arith.constant 0 : i32
    %sign3A_8 = arith.cmpi slt, %add3A_4, %sign3A_7 : i32
    %sign3A_9 = arith.extui %sign3A_8 : i1 to i32
    %sign3A_10 = arith.subi %sign3A_6, %sign3A_9 : i32
    %sign3A_11 = arith.constant 0 : i32
    %sign3A_12 = arith.cmpi sgt, %jit3A, %sign3A_11 : i32
    %sign3A_13 = arith.extui %sign3A_12 : i1 to i32
    %sign3A_14 = arith.constant 0 : i32
    %sign3A_15 = arith.cmpi slt, %jit3A, %sign3A_14 : i32
    %sign3A_16 = arith.extui %sign3A_15 : i1 to i32
    %sign3A_17 = arith.subi %sign3A_13, %sign3A_16 : i32
    %ne3A = arith.cmpi ne, %sign3A_10, %sign3A_17 : i32
    %rem3A = arith.remsi %add3A_4, %jit3A : i32
    %ne3A_18 = arith.constant 0 : i32
    %ne3A_19 = arith.cmpi ne, %rem3A, %ne3A_18 : i32
    %and3A = arith.andi %ne3A, %ne3A_19 : i1
    %sub3A = arith.constant 1 : i32
    %sub3A_20 = arith.subi %div3A, %sub3A : i32
    %select_n3A = arith.select %and3A, %sub3A_20, %div3A : i32
    %broadcast_in_dim3A = vector.broadcast %select_n3A : i32 to vector<16xi32>
    %swap3A = arith.constant 0 : i32
    %swap3A_21 = arith.index_cast %swap3A : i32 to index
    %swap3A_22 = arith.constant 0 : index
    %swap3A_23 = tpu.vector_load %arg5[%swap3A_21, %swap3A_22] {strides = array<i32>} : memref<32x128xi32, #tpu.memory_space<vmem>>, vector<1x16xi32>,
    %swap3A_24 = vector.shape_cast %swap3A_23 : vector<1x16xi32> to vector<16xi32>
    %swap3A_25 = vector.shape_cast %broadcast_in_dim3A : vector<16xi32> to vector<1x16xi32>
    tpu.vector_store %arg5[%swap3A_21, %swap3A_22], %swap3A_25 {strides = array<i32>} : memref<32x128xi32, #tpu.memory_space<vmem>>, vector<1x16xi32>,
    %swap3A_26 = arith.constant 0 : i32
    %swap3A_27 = arith.index_cast %swap3A_26 : i32 to index
    %swap3A_28 = arith.constant 16 : index
    %swap3A_29 = tpu.vector_load %arg5[%swap3A_27, %swap3A_28] {strides = array<i32>} : memref<32x128xi32, #tpu.memory_space<vmem>>, vector<1x16xi32>,
    %swap3A_30 = vector.shape_cast %swap3A_29 : vector<1x16xi32> to vector<16xi32>
    %swap3A_31 = vector.shape_cast %broadcast_in_dim3A : vector<16xi32> to vector<1x16xi32>
    tpu.vector_store %arg5[%swap3A_27, %swap3A_28], %swap3A_31 {strides = array<i32>} : memref<32x128xi32, #tpu.memory_space<vmem>>, vector<1x16xi32>,
    %swap3A_32 = arith.constant 0 : i32
    %swap3A_33 = arith.index_cast %swap3A_32 : i32 to index
    %swap3A_34 = arith.constant 32 : index
    %swap3A_35 = tpu.vector_load %arg5[%swap3A_33, %swap3A_34] {strides = array<i32>} : memref<32x128xi32, #tpu.memory_space<vmem>>, vector<1x16xi32>,
    %swap3A_36 = vector.shape_cast %swap3A_35 : vector<1x16xi32> to vector<16xi32>
    %swap3A_37 = vector.shape_cast %broadcast_in_dim3A : vector<16xi32> to vector<1x16xi32>
    tpu.vector_store %arg5[%swap3A_33, %swap3A_34], %swap3A_37 {strides = array<i32>} : memref<32x128xi32, #tpu.memory_space<vmem>>, vector<1x16xi32>,
    %swap3A_38 = arith.constant 0 : i32
    %swap3A_39 = arith.index_cast %swap3A_38 : i32 to index
    %swap3A_40 = arith.constant 48 : index
    %swap3A_41 = tpu.vector_load %arg5[%swap3A_39, %swap3A_40] {strides = array<i32>} : memref<32x128xi32, #tpu.memory_space<vmem>>, vector<1x16xi32>,
    %swap3A_42 = vector.shape_cast %swap3A_41 : vector<1x16xi32> to vector<16xi32>
    %swap3A_43 = vector.shape_cast %broadcast_in_dim3A : vector<16xi32> to vector<1x16xi32>
    tpu.vector_store %arg5[%swap3A_39, %swap3A_40], %swap3A_43 {strides = array<i32>} : memref<32x128xi32, #tpu.memory_space<vmem>>, vector<1x16xi32>,
    %swap3A_44 = arith.constant 0 : i32
    %swap3A_45 = arith.index_cast %swap3A_44 : i32 to index
    %swap3A_46 = arith.constant 64 : index
    %swap3A_47 = tpu.vector_load %arg5[%swap3A_45, %swap3A_46] {strides = array<i32>} : memref<32x128xi32, #tpu.memory_space<vmem>>, vector<1x16xi32>,
    %swap3A_48 = vector.shape_cast %swap3A_47 : vector<1x16xi32> to vector<16xi32>
    %swap3A_49 = vector.shape_cast %broadcast_in_dim3A : vector<16xi32> to vector<1x16xi32>
    tpu.vector_store %arg5[%swap3A_45, %swap3A_46], %swap3A_49 {strides = array<i32>} : memref<32x128xi32, #tpu.memory_space<vmem>>, vector<1x16xi32>,
    %swap3A_50 = arith.constant 0 : i32
    %swap3A_51 = arith.index_cast %swap3A_50 : i32 to index
    %swap3A_52 = arith.constant 80 : index
    %swap3A_53 = tpu.vector_load %arg5[%swap3A_51, %swap3A_52] {strides = array<i32>} : memref<32x128xi32, #tpu.memory_space<vmem>>, vector<1x16xi32>,
    %swap3A_54 = vector.shape_cast %swap3A_53 : vector<1x16xi32> to vector<16xi32>
    %swap3A_55 = vector.shape_cast %broadcast_in_dim3A : vector<16xi32> to vector<1x16xi32>
    tpu.vector_store %arg5[%swap3A_51, %swap3A_52], %swap3A_55 {strides = array<i32>} : memref<32x128xi32, #tpu.memory_space<vmem>>, vector<1x16xi32>,
    %swap3A_56 = arith.constant 0 : i32
    %swap3A_57 = arith.index_cast %swap3A_56 : i32 to index
    %swap3A_58 = arith.constant 96 : index
    %swap3A_59 = tpu.vector_load %arg5[%swap3A_57, %swap3A_58] {strides = array<i32>} : memref<32x128xi32, #tpu.memory_space<vmem>>, vector<1x16xi32>,
    %swap3A_60 = vector.shape_cast %swap3A_59 : vector<1x16xi32> to vector<16xi32>
    %swap3A_61 = vector.shape_cast %broadcast_in_dim3A : vector<16xi32> to vector<1x16xi32>
    tpu.vector_store %arg5[%swap3A_57, %swap3A_58], %swap3A_61 {strides = array<i32>} : memref<32x128xi32, #tpu.memory_space<vmem>>, vector<1x16xi32>,
    %swap3A_62 = arith.constant 0 : i32
    %swap3A_63 = arith.index_cast %swap3A_62 : i32 to index
    %swap3A_64 = arith.constant 112 : index
    %swap3A_65 = tpu.vector_load %arg5[%swap3A_63, %swap3A_64] {strides = array<i32>} : memref<32x128xi32, #tpu.memory_space<vmem>>, vector<1x16xi32>,
    %swap3A_66 = vector.shape_cast %swap3A_65 : vector<1x16xi32> to vector<16xi32>
    %swap3A_67 = vector.shape_cast %broadcast_in_dim3A : vector<16xi32> to vector<1x16xi32>
    tpu.vector_store %arg5[%swap3A_63, %swap3A_64], %swap3A_67 {strides = array<i32>} : memref<32x128xi32, #tpu.memory_space<vmem>>, vector<1x16xi32>,
    %add3A_68 = arith.constant 1 : i32
    %add3A_69 = arith.addi %mul3A_2, %add3A_68 : i32
    %jit3A_70 = arith.constant 8 : i32
    %div3A_71 = arith.divsi %add3A_69, %jit3A_70 : i32
    %sign3A_72 = arith.constant 0 : i32
    %sign3A_73 = arith.cmpi sgt, %add3A_69, %sign3A_72 : i32
    %sign3A_74 = arith.extui %sign3A_73 : i1 to i32
    %sign3A_75 = arith.constant 0 : i32
    %sign3A_76 = arith.cmpi slt, %add3A_69, %sign3A_75 : i32
    %sign3A_77 = arith.extui %sign3A_76 : i1 to i32
    %sign3A_78 = arith.subi %sign3A_74, %sign3A_77 : i32
    %sign3A_79 = arith.constant 0 : i32
    %sign3A_80 = arith.cmpi sgt, %jit3A_70, %sign3A_79 : i32
    %sign3A_81 = arith.extui %sign3A_80 : i1 to i32
    %sign3A_82 = arith.constant 0 : i32
    %sign3A_83 = arith.cmpi slt, %jit3A_70, %sign3A_82 : i32
    %sign3A_84 = arith.extui %sign3A_83 : i1 to i32
    %sign3A_85 = arith.subi %sign3A_81, %sign3A_84 : i32
    %ne3A_86 = arith.cmpi ne, %sign3A_78, %sign3A_85 : i32
    %rem3A_87 = arith.remsi %add3A_69, %jit3A_70 : i32
    %ne3A_88 = arith.constant 0 : i32
    %ne3A_89 = arith.cmpi ne, %rem3A_87, %ne3A_88 : i32
    %and3A_90 = arith.andi %ne3A_86, %ne3A_89 : i1
    %sub3A_91 = arith.constant 1 : i32
    %sub3A_92 = arith.subi %div3A_71, %sub3A_91 : i32
    %select_n3A_93 = arith.select %and3A_90, %sub3A_92, %div3A_71 : i32
    %broadcast_in_dim3A_94 = vector.broadcast %select_n3A_93 : i32 to vector<16xi32>
    %swap3A_95 = arith.constant 1 : i32
    %swap3A_96 = arith.index_cast %swap3A_95 : i32 to index
    %swap3A_97 = arith.constant 0 : index
    %swap3A_98 = tpu.vector_load %arg5[%swap3A_96, %swap3A_97] {strides = array<i32>} : memref<32x128xi32, #tpu.memory_space<vmem>>, vector<1x16xi32>,
    %swap3A_99 = vector.shape_cast %swap3A_98 : vector<1x16xi32> to vector<16xi32>
    %swap3A_100 = vector.shape_cast %broadcast_in_dim3A_94 : vector<16xi32> to vector<1x16xi32>
    tpu.vector_store %arg5[%swap3A_96, %swap3A_97], %swap3A_100 {strides = array<i32>} : memref<32x128xi32, #tpu.memory_space<vmem>>, vector<1x16xi32>,
    %swap3A_101 = arith.constant 1 : i32
    %swap3A_102 = arith.index_cast %swap3A_101 : i32 to index
    %swap3A_103 = arith.constant 16 : index
    %swap3A_104 = tpu.vector_load %arg5[%swap3A_102, %swap3A_103] {strides = array<i32>} : memref<32x128xi32, #tpu.memory_space<vmem>>, vector<1x16xi32>,
    %swap3A_105 = vector.shape_cast %swap3A_104 : vector<1x16xi32> to vector<16xi32>
    %swap3A_106 = vector.shape_cast %broadcast_in_dim3A_94 : vector<16xi32> to vector<1x16xi32>
    tpu.vector_store %arg5[%swap3A_102, %swap3A_103], %swap3A_106 {strides = array<i32>} : memref<32x128xi32, #tpu.memory_space<vmem>>, vector<1x16xi32>,
    %swap3A_107 = arith.constant 1 : i32
    %swap3A_108 = arith.index_cast %swap3A_107 : i32 to index
    %swap3A_109 = arith.constant 32 : index
    %swap3A_110 = tpu.vector_load %arg5[%swap3A_108, %swap3A_109] {strides = array<i32>} : memref<32x128xi32, #tpu.memory_space<vmem>>, vector<1x16xi32>,
    %swap3A_111 = vector.shape_cast %swap3A_110 : vector<1x16xi32> to vector<16xi32>
    %swap3A_112 = vector.shape_cast %broadcast_in_dim3A_94 : vector<16xi32> to vector<1x16xi32>
    tpu.vector_store %arg5[%swap3A_108, %swap3A_109], %swap3A_112 {strides = array<i32>} : memref<32x128xi32, #tpu.memory_space<vmem>>, vector<1x16xi32>,
    %swap3A_113 = arith.constant 1 : i32
    %swap3A_114 = arith.index_cast %swap3A_113 : i32 to index
    %swap3A_115 = arith.constant 48 : index
    %swap3A_116 = tpu.vector_load %arg5[%swap3A_114, %swap3A_115] {strides = array<i32>} : memref<32x128xi32, #tpu.memory_space<vmem>>, vector<1x16xi32>,
    %swap3A_117 = vector.shape_cast %swap3A_116 : vector<1x16xi32> to vector<16xi32>
    %swap3A_118 = vector.shape_cast %broadcast_in_dim3A_94 : vector<16xi32> to vector<1x16xi32>
    tpu.vector_store %arg5[%swap3A_114, %swap3A_115], %swap3A_118 {strides = array<i32>} : memref<32x128xi32, #tpu.memory_space<vmem>>, vector<1x16xi32>,
    %swap3A_119 = arith.constant 1 : i32
    %swap3A_120 = arith.index_cast %swap3A_119 : i32 to index
    %swap3A_121 = arith.constant 64 : index
    %swap3A_122 = tpu.vector_load %arg5[%swap3A_120, %swap3A_121] {strides = array<i32>} : memref<32x128xi32, #tpu.memory_space<vmem>>, vector<1x16xi32>,
    %swap3A_123 = vector.shape_cast %swap3A_122 : vector<1x16xi32> to vector<16xi32>
    %swap3A_124 = vector.shape_cast %broadcast_in_dim3A_94 : vector<16xi32> to vector<1x16xi32>
    tpu.vector_store %arg5[%swap3A_120, %swap3A_121], %swap3A_124 {strides = array<i32>} : memref<32x128xi32, #tpu.memory_space<vmem>>, vector<1x16xi32>,
    %swap3A_125 = arith.constant 1 : i32
    %swap3A_126 = arith.index_cast %swap3A_125 : i32 to index
    %swap3A_127 = arith.constant 80 : index
    %swap3A_128 = tpu.vector_load %arg5[%swap3A_126, %swap3A_127] {strides = array<i32>} : memref<32x128xi32, #tpu.memory_space<vmem>>, vector<1x16xi32>,
    %swap3A_129 = vector.shape_cast %swap3A_128 : vector<1x16xi32> to vector<16xi32>
    %swap3A_130 = vector.shape_cast %broadcast_in_dim3A_94 : vector<16xi32> to vector<1x16xi32>
    tpu.vector_store %arg5[%swap3A_126, %swap3A_127], %swap3A_130 {strides = array<i32>} : memref<32x128xi32, #tpu.memory_space<vmem>>, vector<1x16xi32>,
    %swap3A_131 = arith.constant 1 : i32
    %swap3A_132 = arith.index_cast %swap3A_131 : i32 to index
    %swap3A_133 = arith.constant 96 : index
    %swap3A_134 = tpu.vector_load %arg5[%swap3A_132, %swap3A_133] {strides = array<i32>} : memref<32x128xi32, #tpu.memory_space<vmem>>, vector<1x16xi32>,
    %swap3A_135 = vector.shape_cast %swap3A_134 : vector<1x16xi32> to vector<16xi32>
    %swap3A_136 = vector.shape_cast %broadcast_in_dim3A_94 : vector<16xi32> to vector<1x16xi32>
    tpu.vector_store %arg5[%swap3A_132, %swap3A_133], %swap3A_136 {strides = array<i32>} : memref<32x128xi32, #tpu.memory_space<vmem>>, vector<1x16xi32>,
    %swap3A_137 = arith.constant 1 : i32
    %swap3A_138 = arith.index_cast %swap3A_137 : i32 to index
    %swap3A_139 = arith.constant 112 : index
    %swap3A_140 = tpu.vector_load %arg5[%swap3A_138, %swap3A_139] {strides = array<i32>} : memref<32x128xi32, #tpu.memory_space<vmem>>, vector<1x16xi32>,
    %swap3A_141 = vector.shape_cast %swap3A_140 : vector<1x16xi32> to vector<16xi32>
    %swap3A_142 = vector.shape_cast %broadcast_in_dim3A_94 : vector<16xi32> to vector<1x16xi32>
    tpu.vector_store %arg5[%swap3A_138, %swap3A_139], %swap3A_142 {strides = array<i32>} : memref<32x128xi32, #tpu.memory_space<vmem>>, vector<1x16xi32>,
    %add3A_143 = arith.constant 2 : i32
    %add3A_144 = arith.addi %mul3A_2, %add3A_143 : i32
    %jit3A_145 = arith.constant 8 : i32
    %div3A_146 = arith.divsi %add3A_144, %jit3A_145 : i32
    %sign3A_147 = arith.constant 0 : i32
    %sign3A_148 = arith.cmpi sgt, %add3A_144, %sign3A_147 : i32
    %sign3A_149 = arith.extui %sign3A_148 : i1 to i32
    %sign3A_150 = arith.constant 0 : i32
    %sign3A_151 = arith.cmpi slt, %add3A_144, %sign3A_150 : i32
    %sign3A_152 = arith.extui %sign3A_151 : i1 to i32
    %sign3A_153 = arith.subi %sign3A_149, %sign3A_152 : i32
    %sign3A_154 = arith.constant 0 : i32
    %sign3A_155 = arith.cmpi sgt, %jit3A_145, %sign3A_154 : i32
    %sign3A_156 = arith.extui %sign3A_155 : i1 to i32
    %sign3A_157 = arith.constant 0 : i32
    %sign3A_158 = arith.cmpi slt, %jit3A_145, %sign3A_157 : i32
    %sign3A_159 = arith.extui %sign3A_158 : i1 to i32
    %sign3A_160 = arith.subi %sign3A_156, %sign3A_159 : i32
    %ne3A_161 = arith.cmpi ne, %sign3A_153, %sign3A_160 : i32
    %rem3A_162 = arith.remsi %add3A_144, %jit3A_145 : i32
    %ne3A_163 = arith.constant 0 : i32
    %ne3A_164 = arith.cmpi ne, %rem3A_162, %ne3A_163 : i32
    %and3A_165 = arith.andi %ne3A_161, %ne3A_164 : i1
    %sub3A_166 = arith.constant 1 : i32
    %sub3A_167 = arith.subi %div3A_146, %sub3A_166 : i32
    %select_n3A_168 = arith.select %and3A_165, %sub3A_167, %div3A_146 : i32
    %broadcast_in_dim3A_169 = vector.broadcast %select_n3A_168 : i32 to vector<16xi32>
    %swap3A_170 = arith.constant 2 : i32
    %swap3A_171 = arith.index_cast %swap3A_170 : i32 to index
    %swap3A_172 = arith.constant 0 : index
    %swap3A_173 = tpu.vector_load %arg5[%swap3A_171, %swap3A_172] {strides = array<i32>} : memref<32x128xi32, #tpu.memory_space<vmem>>, vector<1x16xi32>,
    %swap3A_174 = vector.shape_cast %swap3A_173 : vector<1x16xi32> to vector<16xi32>
    %swap3A_175 = vector.shape_cast %broadcast_in_dim3A_169 : vector<16xi32> to vector<1x16xi32>
    tpu.vector_store %arg5[%swap3A_171, %swap3A_172], %swap3A_175 {strides = array<i32>} : memref<32x128xi32, #tpu.memory_space<vmem>>, vector<1x16xi32>,
    %swap3A_176 = arith.constant 2 : i32
    %swap3A_177 = arith.index_cast %swap3A_176 : i32 to index
    %swap3A_178 = arith.constant 16 : index
    %swap3A_179 = tpu.vector_load %arg5[%swap3A_177, %swap3A_178] {strides = array<i32>} : memref<32x128xi32, #tpu.memory_space<vmem>>, vector<1x16xi32>,
    %swap3A_180 = vector.shape_cast %swap3A_179 : vector<1x16xi32> to vector<16xi32>
    %swap3A_181 = vector.shape_cast %broadcast_in_dim3A_169 : vector<16xi32> to vector<1x16xi32>
    tpu.vector_store %arg5[%swap3A_177, %swap3A_178], %swap3A_181 {strides = array<i32>} : memref<32x128xi32, #tpu.memory_space<vmem>>, vector<1x16xi32>,
    %swap3A_182 = arith.constant 2 : i32
    %swap3A_183 = arith.index_cast %swap3A_182 : i32 to index
    %swap3A_184 = arith.constant 32 : index
    %swap3A_185 = tpu.vector_load %arg5[%swap3A_183, %swap3A_184] {strides = array<i32>} : memref<32x128xi32, #tpu.memory_space<vmem>>, vector<1x16xi32>,
    %swap3A_186 = vector.shape_cast %swap3A_185 : vector<1x16xi32> to vector<16xi32>
    %swap3A_187 = vector.shape_cast %broadcast_in_dim3A_169 : vector<16xi32> to vector<1x16xi32>
    tpu.vector_store %arg5[%swap3A_183, %swap3A_184], %swap3A_187 {strides = array<i32>} : memref<32x128xi32, #tpu.memory_space<vmem>>, vector<1x16xi32>,
    %swap3A_188 = arith.constant 2 : i32
    %swap3A_189 = arith.index_cast %swap3A_188 : i32 to index
    %swap3A_190 = arith.constant 48 : index
    %swap3A_191 = tpu.vector_load %arg5[%swap3A_189, %swap3A_190] {strides = array<i32>} : memref<32x128xi32, #tpu.memory_space<vmem>>, vector<1x16xi32>,
    %swap3A_192 = vector.shape_cast %swap3A_191 : vector<1x16xi32> to vector<16xi32>
    %swap3A_193 = vector.shape_cast %broadcast_in_dim3A_169 : vector<16xi32> to vector<1x16xi32>
    tpu.vector_store %arg5[%swap3A_189, %swap3A_190], %swap3A_193 {strides = array<i32>} : memref<32x128xi32, #tpu.memory_space<vmem>>, vector<1x16xi32>,
    %swap3A_194 = arith.constant 2 : i32
    %swap3A_195 = arith.index_cast %swap3A_194 : i32 to index
    %swap3A_196 = arith.constant 64 : index
    %swap3A_197 = tpu.vector_load %arg5[%swap3A_195, %swap3A_196] {strides = array<i32>} : memref<32x128xi32, #tpu.memory_space<vmem>>, vector<1x16xi32>,
    %swap3A_198 = vector.shape_cast %swap3A_197 : vector<1x16xi32> to vector<16xi32>
    %swap3A_199 = vector.shape_cast %broadcast_in_dim3A_169 : vector<16xi32> to vector<1x16xi32>
    tpu.vector_store %arg5[%swap3A_195, %swap3A_196], %swap3A_199 {strides = array<i32>} : memref<32x128xi32, #tpu.memory_space<vmem>>, vector<1x16xi32>,
    %swap3A_200 = arith.constant 2 : i32
    %swap3A_201 = arith.index_cast %swap3A_200 : i32 to index
    %swap3A_202 = arith.constant 80 : index
    %swap3A_203 = tpu.vector_load %arg5[%swap3A_201, %swap3A_202] {strides = array<i32>} : memref<32x128xi32, #tpu.memory_space<vmem>>, vector<1x16xi32>,
    %swap3A_204 = vector.shape_cast %swap3A_203 : vector<1x16xi32> to vector<16xi32>
    %swap3A_205 = vector.shape_cast %broadcast_in_dim3A_169 : vector<16xi32> to vector<1x16xi32>
    tpu.vector_store %arg5[%swap3A_201, %swap3A_202], %swap3A_205 {strides = array<i32>} : memref<32x128xi32, #tpu.memory_space<vmem>>, vector<1x16xi32>,
    %swap3A_206 = arith.constant 2 : i32
    %swap3A_207 = arith.index_cast %swap3A_206 : i32 to index
    %swap3A_208 = arith.constant 96 : index
    %swap3A_209 = tpu.vector_load %arg5[%swap3A_207, %swap3A_208] {strides = array<i32>} : memref<32x128xi32, #tpu.memory_space<vmem>>, vector<1x16xi32>,
    %swap3A_210 = vector.shape_cast %swap3A_209 : vector<1x16xi32> to vector<16xi32>
    %swap3A_211 = vector.shape_cast %broadcast_in_dim3A_169 : vector<16xi32> to vector<1x16xi32>
    tpu.vector_store %arg5[%swap3A_207, %swap3A_208], %swap3A_211 {strides = array<i32>} : memref<32x128xi32, #tpu.memory_space<vmem>>, vector<1x16xi32>,
    %swap3A_212 = arith.constant 2 : i32
    %swap3A_213 = arith.index_cast %swap3A_212 : i32 to index
    %swap3A_214 = arith.constant 112 : index
    %swap3A_215 = tpu.vector_load %arg5[%swap3A_213, %swap3A_214] {strides = array<i32>} : memref<32x128xi32, #tpu.memory_space<vmem>>, vector<1x16xi32>,
    %swap3A_216 = vector.shape_cast %swap3A_215 : vector<1x16xi32> to vector<16xi32>
    %swap3A_217 = vector.shape_cast %broadcast_in_dim3A_169 : vector<16xi32> to vector<1x16xi32>
    tpu.vector_store %arg5[%swap3A_213, %swap3A_214], %swap3A_217 {strides = array<i32>} : memref<32x128xi32, #tpu.memory_space<vmem>>, vector<1x16xi32>,
    %add3A_218 = arith.constant 3 : i32
    %add3A_219 = arith.addi %mul3A_2, %add3A_218 : i32
    %jit3A_220 = arith.constant 8 : i32
    %div3A_221 = arith.divsi %add3A_219, %jit3A_220 : i32
    %sign3A_222 = arith.constant 0 : i32
    %sign3A_223 = arith.cmpi sgt, %add3A_219, %sign3A_222 : i32
    %sign3A_224 = arith.extui %sign3A_223 : i1 to i32
    %sign3A_225 = arith.constant 0 : i32
    %sign3A_226 = arith.cmpi slt, %add3A_219, %sign3A_225 : i32
    %sign3A_227 = arith.extui %sign3A_226 : i1 to i32
    %sign3A_228 = arith.subi %sign3A_224, %sign3A_227 : i32
    %sign3A_229 = arith.constant 0 : i32
    %sign3A_230 = arith.cmpi sgt, %jit3A_220, %sign3A_229 : i32
    %sign3A_231 = arith.extui %sign3A_230 : i1 to i32
    %sign3A_232 = arith.constant 0 : i32
    %sign3A_233 = arith.cmpi slt, %jit3A_220, %sign3A_232 : i32
    %sign3A_234 = arith.extui %sign3A_233 : i1 to i32
    %sign3A_235 = arith.subi %sign3A_231, %sign3A_234 : i32
    %ne3A_236 = arith.cmpi ne, %sign3A_228, %sign3A_235 : i32
    %rem3A_237 = arith.remsi %add3A_219, %jit3A_220 : i32
    %ne3A_238 = arith.constant 0 : i32
    %ne3A_239 = arith.cmpi ne, %rem3A_237, %ne3A_238 : i32
    %and3A_240 = arith.andi %ne3A_236, %ne3A_239 : i1
    %sub3A_241 = arith.constant 1 : i32
    %sub3A_242 = arith.subi %div3A_221, %sub3A_241 : i32
    %select_n3A_243 = arith.select %and3A_240, %sub3A_242, %div3A_221 : i32
    %broadcast_in_dim3A_244 = vector.broadcast %select_n3A_243 : i32 to vector<16xi32>
    %swap3A_245 = arith.constant 3 : i32
    %swap3A_246 = arith.index_cast %swap3A_245 : i32 to index
    %swap3A_247 = arith.constant 0 : index
    %swap3A_248 = tpu.vector_load %arg5[%swap3A_246, %swap3A_247] {strides = array<i32>} : memref<32x128xi32, #tpu.memory_space<vmem>>, vector<1x16xi32>,
    %swap3A_249 = vector.shape_cast %swap3A_248 : vector<1x16xi32> to vector<16xi32>
    %swap3A_250 = vector.shape_cast %broadcast_in_dim3A_244 : vector<16xi32> to vector<1x16xi32>
    tpu.vector_store %arg5[%swap3A_246, %swap3A_247], %swap3A_250 {strides = array<i32>} : memref<32x128xi32, #tpu.memory_space<vmem>>, vector<1x16xi32>,
    %swap3A_251 = arith.constant 3 : i32
    %swap3A_252 = arith.index_cast %swap3A_251 : i32 to index
    %swap3A_253 = arith.constant 16 : index
    %swap3A_254 = tpu.vector_load %arg5[%swap3A_252, %swap3A_253] {strides = array<i32>} : memref<32x128xi32, #tpu.memory_space<vmem>>, vector<1x16xi32>,
    %swap3A_255 = vector.shape_cast %swap3A_254 : vector<1x16xi32> to vector<16xi32>
    %swap3A_256 = vector.shape_cast %broadcast_in_dim3A_244 : vector<16xi32> to vector<1x16xi32>
    tpu.vector_store %arg5[%swap3A_252, %swap3A_253], %swap3A_256 {strides = array<i32>} : memref<32x128xi32, #tpu.memory_space<vmem>>, vector<1x16xi32>,
    %swap3A_257 = arith.constant 3 : i32
    %swap3A_258 = arith.index_cast %swap3A_257 : i32 to index
    %swap3A_259 = arith.constant 32 : index
    %swap3A_260 = tpu.vector_load %arg5[%swap3A_258, %swap3A_259] {strides = array<i32>} : memref<32x128xi32, #tpu.memory_space<vmem>>, vector<1x16xi32>,
    %swap3A_261 = vector.shape_cast %swap3A_260 : vector<1x16xi32> to vector<16xi32>
    %swap3A_262 = vector.shape_cast %broadcast_in_dim3A_244 : vector<16xi32> to vector<1x16xi32>
    tpu.vector_store %arg5[%swap3A_258, %swap3A_259], %swap3A_262 {strides = array<i32>} : memref<32x128xi32, #tpu.memory_space<vmem>>, vector<1x16xi32>,
    %swap3A_263 = arith.constant 3 : i32
    %swap3A_264 = arith.index_cast %swap3A_263 : i32 to index
    %swap3A_265 = arith.constant 48 : index
    %swap3A_266 = tpu.vector_load %arg5[%swap3A_264, %swap3A_265] {strides = array<i32>} : memref<32x128xi32, #tpu.memory_space<vmem>>, vector<1x16xi32>,
    %swap3A_267 = vector.shape_cast %swap3A_266 : vector<1x16xi32> to vector<16xi32>
    %swap3A_268 = vector.shape_cast %broadcast_in_dim3A_244 : vector<16xi32> to vector<1x16xi32>
    tpu.vector_store %arg5[%swap3A_264, %swap3A_265], %swap3A_268 {strides = array<i32>} : memref<32x128xi32, #tpu.memory_space<vmem>>, vector<1x16xi32>,
    %swap3A_269 = arith.constant 3 : i32
    %swap3A_270 = arith.index_cast %swap3A_269 : i32 to index
    %swap3A_271 = arith.constant 64 : index
    %swap3A_272 = tpu.vector_load %arg5[%swap3A_270, %swap3A_271] {strides = array<i32>} : memref<32x128xi32, #tpu.memory_space<vmem>>, vector<1x16xi32>,
    %swap3A_273 = vector.shape_cast %swap3A_272 : vector<1x16xi32> to vector<16xi32>
    %swap3A_274 = vector.shape_cast %broadcast_in_dim3A_244 : vector<16xi32> to vector<1x16xi32>
    tpu.vector_store %arg5[%swap3A_270, %swap3A_271], %swap3A_274 {strides = array<i32>} : memref<32x128xi32, #tpu.memory_space<vmem>>, vector<1x16xi32>,
    %swap3A_275 = arith.constant 3 : i32
    %swap3A_276 = arith.index_cast %swap3A_275 : i32 to index
    %swap3A_277 = arith.constant 80 : index
    %swap3A_278 = tpu.vector_load %arg5[%swap3A_276, %swap3A_277] {strides = array<i32>} : memref<32x128xi32, #tpu.memory_space<vmem>>, vector<1x16xi32>,
    %swap3A_279 = vector.shape_cast %swap3A_278 : vector<1x16xi32> to vector<16xi32>
    %swap3A_280 = vector.shape_cast %broadcast_in_dim3A_244 : vector<16xi32> to vector<1x16xi32>
    tpu.vector_store %arg5[%swap3A_276, %swap3A_277], %swap3A_280 {strides = array<i32>} : memref<32x128xi32, #tpu.memory_space<vmem>>, vector<1x16xi32>,
    %swap3A_281 = arith.constant 3 : i32
    %swap3A_282 = arith.index_cast %swap3A_281 : i32 to index
    %swap3A_283 = arith.constant 96 : index
    %swap3A_284 = tpu.vector_load %arg5[%swap3A_282, %swap3A_283] {strides = array<i32>} : memref<32x128xi32, #tpu.memory_space<vmem>>, vector<1x16xi32>,
    %swap3A_285 = vector.shape_cast %swap3A_284 : vector<1x16xi32> to vector<16xi32>
    %swap3A_286 = vector.shape_cast %broadcast_in_dim3A_244 : vector<16xi32> to vector<1x16xi32>
    tpu.vector_store %arg5[%swap3A_282, %swap3A_283], %swap3A_286 {strides = array<i32>} : memref<32x128xi32, #tpu.memory_space<vmem>>, vector<1x16xi32>,
    %swap3A_287 = arith.constant 3 : i32
    %swap3A_288 = arith.index_cast %swap3A_287 : i32 to index
    %swap3A_289 = arith.constant 112 : index
    %swap3A_290 = tpu.vector_load %arg5[%swap3A_288, %swap3A_289] {strides = array<i32>} : memref<32x128xi32, #tpu.memory_space<vmem>>, vector<1x16xi32>,
    %swap3A_291 = vector.shape_cast %swap3A_290 : vector<1x16xi32> to vector<16xi32>
    %swap3A_292 = vector.shape_cast %broadcast_in_dim3A_244 : vector<16xi32> to vector<1x16xi32>
    tpu.vector_store %arg5[%swap3A_288, %swap3A_289], %swap3A_292 {strides = array<i32>} : memref<32x128xi32, #tpu.memory_space<vmem>>, vector<1x16xi32>,
    %add3A_293 = arith.constant 4 : i32
    %add3A_294 = arith.addi %mul3A_2, %add3A_293 : i32
    %jit3A_295 = arith.constant 8 : i32
    %div3A_296 = arith.divsi %add3A_294, %jit3A_295 : i32
    %sign3A_297 = arith.constant 0 : i32
    %sign3A_298 = arith.cmpi sgt, %add3A_294, %sign3A_297 : i32
    %sign3A_299 = arith.extui %sign3A_298 : i1 to i32
    %sign3A_300 = arith.constant 0 : i32
    %sign3A_301 = arith.cmpi slt, %add3A_294, %sign3A_300 : i32
    %sign3A_302 = arith.extui %sign3A_301 : i1 to i32
    %sign3A_303 = arith.subi %sign3A_299, %sign3A_302 : i32
    %sign3A_304 = arith.constant 0 : i32
    %sign3A_305 = arith.cmpi sgt, %jit3A_295, %sign3A_304 : i32
    %sign3A_306 = arith.extui %sign3A_305 : i1 to i32
    %sign3A_307 = arith.constant 0 : i32
    %sign3A_308 = arith.cmpi slt, %jit3A_295, %sign3A_307 : i32
    %sign3A_309 = arith.extui %sign3A_308 : i1 to i32
    %sign3A_310 = arith.subi %sign3A_306, %sign3A_309 : i32
    %ne3A_311 = arith.cmpi ne, %sign3A_303, %sign3A_310 : i32
    %rem3A_312 = arith.remsi %add3A_294, %jit3A_295 : i32
    %ne3A_313 = arith.constant 0 : i32
    %ne3A_314 = arith.cmpi ne, %rem3A_312, %ne3A_313 : i32
    %and3A_315 = arith.andi %ne3A_311, %ne3A_314 : i1
    %sub3A_316 = arith.constant 1 : i32
    %sub3A_317 = arith.subi %div3A_296, %sub3A_316 : i32
    %select_n3A_318 = arith.select %and3A_315, %sub3A_317, %div3A_296 : i32
    %broadcast_in_dim3A_319 = vector.broadcast %select_n3A_318 : i32 to vector<16xi32>
    %swap3A_320 = arith.constant 4 : i32
    %swap3A_321 = arith.index_cast %swap3A_320 : i32 to index
    %swap3A_322 = arith.constant 0 : index
    %swap3A_323 = tpu.vector_load %arg5[%swap3A_321, %swap3A_322] {strides = array<i32>} : memref<32x128xi32, #tpu.memory_space<vmem>>, vector<1x16xi32>,
    %swap3A_324 = vector.shape_cast %swap3A_323 : vector<1x16xi32> to vector<16xi32>
    %swap3A_325 = vector.shape_cast %broadcast_in_dim3A_319 : vector<16xi32> to vector<1x16xi32>
    tpu.vector_store %arg5[%swap3A_321, %swap3A_322], %swap3A_325 {strides = array<i32>} : memref<32x128xi32, #tpu.memory_space<vmem>>, vector<1x16xi32>,
    %swap3A_326 = arith.constant 4 : i32
    %swap3A_327 = arith.index_cast %swap3A_326 : i32 to index
    %swap3A_328 = arith.constant 16 : index
    %swap3A_329 = tpu.vector_load %arg5[%swap3A_327, %swap3A_328] {strides = array<i32>} : memref<32x128xi32, #tpu.memory_space<vmem>>, vector<1x16xi32>,
    %swap3A_330 = vector.shape_cast %swap3A_329 : vector<1x16xi32> to vector<16xi32>
    %swap3A_331 = vector.shape_cast %broadcast_in_dim3A_319 : vector<16xi32> to vector<1x16xi32>
    tpu.vector_store %arg5[%swap3A_327, %swap3A_328], %swap3A_331 {strides = array<i32>} : memref<32x128xi32, #tpu.memory_space<vmem>>, vector<1x16xi32>,
    %swap3A_332 = arith.constant 4 : i32
    %swap3A_333 = arith.index_cast %swap3A_332 : i32 to index
    %swap3A_334 = arith.constant 32 : index
    %swap3A_335 = tpu.vector_load %arg5[%swap3A_333, %swap3A_334] {strides = array<i32>} : memref<32x128xi32, #tpu.memory_space<vmem>>, vector<1x16xi32>,
    %swap3A_336 = vector.shape_cast %swap3A_335 : vector<1x16xi32> to vector<16xi32>
    %swap3A_337 = vector.shape_cast %broadcast_in_dim3A_319 : vector<16xi32> to vector<1x16xi32>
    tpu.vector_store %arg5[%swap3A_333, %swap3A_334], %swap3A_337 {strides = array<i32>} : memref<32x128xi32, #tpu.memory_space<vmem>>, vector<1x16xi32>,
    %swap3A_338 = arith.constant 4 : i32
    %swap3A_339 = arith.index_cast %swap3A_338 : i32 to index
    %swap3A_340 = arith.constant 48 : index
    %swap3A_341 = tpu.vector_load %arg5[%swap3A_339, %swap3A_340] {strides = array<i32>} : memref<32x128xi32, #tpu.memory_space<vmem>>, vector<1x16xi32>,
    %swap3A_342 = vector.shape_cast %swap3A_341 : vector<1x16xi32> to vector<16xi32>
    %swap3A_343 = vector.shape_cast %broadcast_in_dim3A_319 : vector<16xi32> to vector<1x16xi32>
    tpu.vector_store %arg5[%swap3A_339, %swap3A_340], %swap3A_343 {strides = array<i32>} : memref<32x128xi32, #tpu.memory_space<vmem>>, vector<1x16xi32>,
    %swap3A_344 = arith.constant 4 : i32
    %swap3A_345 = arith.index_cast %swap3A_344 : i32 to index
    %swap3A_346 = arith.constant 64 : index
    %swap3A_347 = tpu.vector_load %arg5[%swap3A_345, %swap3A_346] {strides = array<i32>} : memref<32x128xi32, #tpu.memory_space<vmem>>, vector<1x16xi32>,
    %swap3A_348 = vector.shape_cast %swap3A_347 : vector<1x16xi32> to vector<16xi32>
    %swap3A_349 = vector.shape_cast %broadcast_in_dim3A_319 : vector<16xi32> to vector<1x16xi32>
    tpu.vector_store %arg5[%swap3A_345, %swap3A_346], %swap3A_349 {strides = array<i32>} : memref<32x128xi32, #tpu.memory_space<vmem>>, vector<1x16xi32>,
    %swap3A_350 = arith.constant 4 : i32
    %swap3A_351 = arith.index_cast %swap3A_350 : i32 to index
    %swap3A_352 = arith.constant 80 : index
    %swap3A_353 = tpu.vector_load %arg5[%swap3A_351, %swap3A_352] {strides = array<i32>} : memref<32x128xi32, #tpu.memory_space<vmem>>, vector<1x16xi32>,
    %swap3A_354 = vector.shape_cast %swap3A_353 : vector<1x16xi32> to vector<16xi32>
    %swap3A_355 = vector.shape_cast %broadcast_in_dim3A_319 : vector<16xi32> to vector<1x16xi32>
    tpu.vector_store %arg5[%swap3A_351, %swap3A_352], %swap3A_355 {strides = array<i32>} : memref<32x128xi32, #tpu.memory_space<vmem>>, vector<1x16xi32>,
    %swap3A_356 = arith.constant 4 : i32
    %swap3A_357 = arith.index_cast %swap3A_356 : i32 to index
    %swap3A_358 = arith.constant 96 : index
    %swap3A_359 = tpu.vector_load %arg5[%swap3A_357, %swap3A_358] {strides = array<i32>} : memref<32x128xi32, #tpu.memory_space<vmem>>, vector<1x16xi32>,
    %swap3A_360 = vector.shape_cast %swap3A_359 : vector<1x16xi32> to vector<16xi32>
    %swap3A_361 = vector.shape_cast %broadcast_in_dim3A_319 : vector<16xi32> to vector<1x16xi32>
    tpu.vector_store %arg5[%swap3A_357, %swap3A_358], %swap3A_361 {strides = array<i32>} : memref<32x128xi32, #tpu.memory_space<vmem>>, vector<1x16xi32>,
    %swap3A_362 = arith.constant 4 : i32
    %swap3A_363 = arith.index_cast %swap3A_362 : i32 to index
    %swap3A_364 = arith.constant 112 : index
    %swap3A_365 = tpu.vector_load %arg5[%swap3A_363, %swap3A_364] {strides = array<i32>} : memref<32x128xi32, #tpu.memory_space<vmem>>, vector<1x16xi32>,
    %swap3A_366 = vector.shape_cast %swap3A_365 : vector<1x16xi32> to vector<16xi32>
    %swap3A_367 = vector.shape_cast %broadcast_in_dim3A_319 : vector<16xi32> to vector<1x16xi32>
    tpu.vector_store %arg5[%swap3A_363, %swap3A_364], %swap3A_367 {strides = array<i32>} : memref<32x128xi32, #tpu.memory_space<vmem>>, vector<1x16xi32>,
    %add3A_368 = arith.constant 5 : i32
    %add3A_369 = arith.addi %mul3A_2, %add3A_368 : i32
    %jit3A_370 = arith.constant 8 : i32
    %div3A_371 = arith.divsi %add3A_369, %jit3A_370 : i32
    %sign3A_372 = arith.constant 0 : i32
    %sign3A_373 = arith.cmpi sgt, %add3A_369, %sign3A_372 : i32
    %sign3A_374 = arith.extui %sign3A_373 : i1 to i32
    %sign3A_375 = arith.constant 0 : i32
    %sign3A_376 = arith.cmpi slt, %add3A_369, %sign3A_375 : i32
    %sign3A_377 = arith.extui %sign3A_376 : i1 to i32
    %sign3A_378 = arith.subi %sign3A_374, %sign3A_377 : i32
    %sign3A_379 = arith.constant 0 : i32
    %sign3A_380 = arith.cmpi sgt, %jit3A_370, %sign3A_379 : i32
    %sign3A_381 = arith.extui %sign3A_380 : i1 to i32
    %sign3A_382 = arith.constant 0 : i32
    %sign3A_383 = arith.cmpi slt, %jit3A_370, %sign3A_382 : i32
    %sign3A_384 = arith.extui %sign3A_383 : i1 to i32
    %sign3A_385 = arith.subi %sign3A_381, %sign3A_384 : i32
    %ne3A_386 = arith.cmpi ne, %sign3A_378, %sign3A_385 : i32
    %rem3A_387 = arith.remsi %add3A_369, %jit3A_370 : i32
    %ne3A_388 = arith.constant 0 : i32
    %ne3A_389 = arith.cmpi ne, %rem3A_387, %ne3A_388 : i32
    %and3A_390 = arith.andi %ne3A_386, %ne3A_389 : i1
    %sub3A_391 = arith.constant 1 : i32
    %sub3A_392 = arith.subi %div3A_371, %sub3A_391 : i32
    %select_n3A_393 = arith.select %and3A_390, %sub3A_392, %div3A_371 : i32
    %broadcast_in_dim3A_394 = vector.broadcast %select_n3A_393 : i32 to vector<16xi32>
    %swap3A_395 = arith.constant 5 : i32
    %swap3A_396 = arith.index_cast %swap3A_395 : i32 to index
    %swap3A_397 = arith.constant 0 : index
    %swap3A_398 = tpu.vector_load %arg5[%swap3A_396, %swap3A_397] {strides = array<i32>} : memref<32x128xi32, #tpu.memory_space<vmem>>, vector<1x16xi32>,
    %swap3A_399 = vector.shape_cast %swap3A_398 : vector<1x16xi32> to vector<16xi32>
    %swap3A_400 = vector.shape_cast %broadcast_in_dim3A_394 : vector<16xi32> to vector<1x16xi32>
    tpu.vector_store %arg5[%swap3A_396, %swap3A_397], %swap3A_400 {strides = array<i32>} : memref<32x128xi32, #tpu.memory_space<vmem>>, vector<1x16xi32>,
    %swap3A_401 = arith.constant 5 : i32
    %swap3A_402 = arith.index_cast %swap3A_401 : i32 to index
    %swap3A_403 = arith.constant 16 : index
    %swap3A_404 = tpu.vector_load %arg5[%swap3A_402, %swap3A_403] {strides = array<i32>} : memref<32x128xi32, #tpu.memory_space<vmem>>, vector<1x16xi32>,
    %swap3A_405 = vector.shape_cast %swap3A_404 : vector<1x16xi32> to vector<16xi32>
    %swap3A_406 = vector.shape_cast %broadcast_in_dim3A_394 : vector<16xi32> to vector<1x16xi32>
    tpu.vector_store %arg5[%swap3A_402, %swap3A_403], %swap3A_406 {strides = array<i32>} : memref<32x128xi32, #tpu.memory_space<vmem>>, vector<1x16xi32>,
    %swap3A_407 = arith.constant 5 : i32
    %swap3A_408 = arith.index_cast %swap3A_407 : i32 to index
    %swap3A_409 = arith.constant 32 : index
    %swap3A_410 = tpu.vector_load %arg5[%swap3A_408, %swap3A_409] {strides = array<i32>} : memref<32x128xi32, #tpu.memory_space<vmem>>, vector<1x16xi32>,
    %swap3A_411 = vector.shape_cast %swap3A_410 : vector<1x16xi32> to vector<16xi32>
    %swap3A_412 = vector.shape_cast %broadcast_in_dim3A_394 : vector<16xi32> to vector<1x16xi32>
    tpu.vector_store %arg5[%swap3A_408, %swap3A_409], %swap3A_412 {strides = array<i32>} : memref<32x128xi32, #tpu.memory_space<vmem>>, vector<1x16xi32>,
    %swap3A_413 = arith.constant 5 : i32
    %swap3A_414 = arith.index_cast %swap3A_413 : i32 to index
    %swap3A_415 = arith.constant 48 : index
    %swap3A_416 = tpu.vector_load %arg5[%swap3A_414, %swap3A_415] {strides = array<i32>} : memref<32x128xi32, #tpu.memory_space<vmem>>, vector<1x16xi32>,
    %swap3A_417 = vector.shape_cast %swap3A_416 : vector<1x16xi32> to vector<16xi32>
    %swap3A_418 = vector.shape_cast %broadcast_in_dim3A_394 : vector<16xi32> to vector<1x16xi32>
    tpu.vector_store %arg5[%swap3A_414, %swap3A_415], %swap3A_418 {strides = array<i32>} : memref<32x128xi32, #tpu.memory_space<vmem>>, vector<1x16xi32>,
    %swap3A_419 = arith.constant 5 : i32
    %swap3A_420 = arith.index_cast %swap3A_419 : i32 to index
    %swap3A_421 = arith.constant 64 : index
    %swap3A_422 = tpu.vector_load %arg5[%swap3A_420, %swap3A_421] {strides = array<i32>} : memref<32x128xi32, #tpu.memory_space<vmem>>, vector<1x16xi32>,
    %swap3A_423 = vector.shape_cast %swap3A_422 : vector<1x16xi32> to vector<16xi32>
    %swap3A_424 = vector.shape_cast %broadcast_in_dim3A_394 : vector<16xi32> to vector<1x16xi32>
    tpu.vector_store %arg5[%swap3A_420, %swap3A_421], %swap3A_424 {strides = array<i32>} : memref<32x128xi32, #tpu.memory_space<vmem>>, vector<1x16xi32>,
    %swap3A_425 = arith.constant 5 : i32
    %swap3A_426 = arith.index_cast %swap3A_425 : i32 to index
    %swap3A_427 = arith.constant 80 : index
    %swap3A_428 = tpu.vector_load %arg5[%swap3A_426, %swap3A_427] {strides = array<i32>} : memref<32x128xi32, #tpu.memory_space<vmem>>, vector<1x16xi32>,
    %swap3A_429 = vector.shape_cast %swap3A_428 : vector<1x16xi32> to vector<16xi32>
    %swap3A_430 = vector.shape_cast %broadcast_in_dim3A_394 : vector<16xi32> to vector<1x16xi32>
    tpu.vector_store %arg5[%swap3A_426, %swap3A_427], %swap3A_430 {strides = array<i32>} : memref<32x128xi32, #tpu.memory_space<vmem>>, vector<1x16xi32>,
    %swap3A_431 = arith.constant 5 : i32
    %swap3A_432 = arith.index_cast %swap3A_431 : i32 to index
    %swap3A_433 = arith.constant 96 : index
    %swap3A_434 = tpu.vector_load %arg5[%swap3A_432, %swap3A_433] {strides = array<i32>} : memref<32x128xi32, #tpu.memory_space<vmem>>, vector<1x16xi32>,
    %swap3A_435 = vector.shape_cast %swap3A_434 : vector<1x16xi32> to vector<16xi32>
    %swap3A_436 = vector.shape_cast %broadcast_in_dim3A_394 : vector<16xi32> to vector<1x16xi32>
    tpu.vector_store %arg5[%swap3A_432, %swap3A_433], %swap3A_436 {strides = array<i32>} : memref<32x128xi32, #tpu.memory_space<vmem>>, vector<1x16xi32>,
    %swap3A_437 = arith.constant 5 : i32
    %swap3A_438 = arith.index_cast %swap3A_437 : i32 to index
    %swap3A_439 = arith.constant 112 : index
    %swap3A_440 = tpu.vector_load %arg5[%swap3A_438, %swap3A_439] {strides = array<i32>} : memref<32x128xi32, #tpu.memory_space<vmem>>, vector<1x16xi32>,
    %swap3A_441 = vector.shape_cast %swap3A_440 : vector<1x16xi32> to vector<16xi32>
    %swap3A_442 = vector.shape_cast %broadcast_in_dim3A_394 : vector<16xi32> to vector<1x16xi32>
    tpu.vector_store %arg5[%swap3A_438, %swap3A_439], %swap3A_442 {strides = array<i32>} : memref<32x128xi32, #tpu.memory_space<vmem>>, vector<1x16xi32>,
    %add3A_443 = arith.constant 6 : i32
    %add3A_444 = arith.addi %mul3A_2, %add3A_443 : i32
    %jit3A_445 = arith.constant 8 : i32
    %div3A_446 = arith.divsi %add3A_444, %jit3A_445 : i32
    %sign3A_447 = arith.constant 0 : i32
    %sign3A_448 = arith.cmpi sgt, %add3A_444, %sign3A_447 : i32
    %sign3A_449 = arith.extui %sign3A_448 : i1 to i32
    %sign3A_450 = arith.constant 0 : i32
    %sign3A_451 = arith.cmpi slt, %add3A_444, %sign3A_450 : i32
    %sign3A_452 = arith.extui %sign3A_451 : i1 to i32
    %sign3A_453 = arith.subi %sign3A_449, %sign3A_452 : i32
    %sign3A_454 = arith.constant 0 : i32
    %sign3A_455 = arith.cmpi sgt, %jit3A_445, %sign3A_454 : i32
    %sign3A_456 = arith.extui %sign3A_455 : i1 to i32
    %sign3A_457 = arith.constant 0 : i32
    %sign3A_458 = arith.cmpi slt, %jit3A_445, %sign3A_457 : i32
    %sign3A_459 = arith.extui %sign3A_458 : i1 to i32
    %sign3A_460 = arith.subi %sign3A_456, %sign3A_459 : i32
    %ne3A_461 = arith.cmpi ne, %sign3A_453, %sign3A_460 : i32
    %rem3A_462 = arith.remsi %add3A_444, %jit3A_445 : i32
    %ne3A_463 = arith.constant 0 : i32
    %ne3A_464 = arith.cmpi ne, %rem3A_462, %ne3A_463 : i32
    %and3A_465 = arith.andi %ne3A_461, %ne3A_464 : i1
    %sub3A_466 = arith.constant 1 : i32
    %sub3A_467 = arith.subi %div3A_446, %sub3A_466 : i32
    %select_n3A_468 = arith.select %and3A_465, %sub3A_467, %div3A_446 : i32
    %broadcast_in_dim3A_469 = vector.broadcast %select_n3A_468 : i32 to vector<16xi32>
    %swap3A_470 = arith.constant 6 : i32
    %swap3A_471 = arith.index_cast %swap3A_470 : i32 to index
    %swap3A_472 = arith.constant 0 : index
    %swap3A_473 = tpu.vector_load %arg5[%swap3A_471, %swap3A_472] {strides = array<i32>} : memref<32x128xi32, #tpu.memory_space<vmem>>, vector<1x16xi32>,
    %swap3A_474 = vector.shape_cast %swap3A_473 : vector<1x16xi32> to vector<16xi32>
    %swap3A_475 = vector.shape_cast %broadcast_in_dim3A_469 : vector<16xi32> to vector<1x16xi32>
    tpu.vector_store %arg5[%swap3A_471, %swap3A_472], %swap3A_475 {strides = array<i32>} : memref<32x128xi32, #tpu.memory_space<vmem>>, vector<1x16xi32>,
    %swap3A_476 = arith.constant 6 : i32
    %swap3A_477 = arith.index_cast %swap3A_476 : i32 to index
    %swap3A_478 = arith.constant 16 : index
    %swap3A_479 = tpu.vector_load %arg5[%swap3A_477, %swap3A_478] {strides = array<i32>} : memref<32x128xi32, #tpu.memory_space<vmem>>, vector<1x16xi32>,
    %swap3A_480 = vector.shape_cast %swap3A_479 : vector<1x16xi32> to vector<16xi32>
    %swap3A_481 = vector.shape_cast %broadcast_in_dim3A_469 : vector<16xi32> to vector<1x16xi32>
    tpu.vector_store %arg5[%swap3A_477, %swap3A_478], %swap3A_481 {strides = array<i32>} : memref<32x128xi32, #tpu.memory_space<vmem>>, vector<1x16xi32>,
    %swap3A_482 = arith.constant 6 : i32
    %swap3A_483 = arith.index_cast %swap3A_482 : i32 to index
    %swap3A_484 = arith.constant 32 : index
    %swap3A_485 = tpu.vector_load %arg5[%swap3A_483, %swap3A_484] {strides = array<i32>} : memref<32x128xi32, #tpu.memory_space<vmem>>, vector<1x16xi32>,
    %swap3A_486 = vector.shape_cast %swap3A_485 : vector<1x16xi32> to vector<16xi32>
    %swap3A_487 = vector.shape_cast %broadcast_in_dim3A_469 : vector<16xi32> to vector<1x16xi32>
    tpu.vector_store %arg5[%swap3A_483, %swap3A_484], %swap3A_487 {strides = array<i32>} : memref<32x128xi32, #tpu.memory_space<vmem>>, vector<1x16xi32>,
    %swap3A_488 = arith.constant 6 : i32
    %swap3A_489 = arith.index_cast %swap3A_488 : i32 to index
    %swap3A_490 = arith.constant 48 : index
    %swap3A_491 = tpu.vector_load %arg5[%swap3A_489, %swap3A_490] {strides = array<i32>} : memref<32x128xi32, #tpu.memory_space<vmem>>, vector<1x16xi32>,
    %swap3A_492 = vector.shape_cast %swap3A_491 : vector<1x16xi32> to vector<16xi32>
    %swap3A_493 = vector.shape_cast %broadcast_in_dim3A_469 : vector<16xi32> to vector<1x16xi32>
    tpu.vector_store %arg5[%swap3A_489, %swap3A_490], %swap3A_493 {strides = array<i32>} : memref<32x128xi32, #tpu.memory_space<vmem>>, vector<1x16xi32>,
    %swap3A_494 = arith.constant 6 : i32
    %swap3A_495 = arith.index_cast %swap3A_494 : i32 to index
    %swap3A_496 = arith.constant 64 : index
    %swap3A_497 = tpu.vector_load %arg5[%swap3A_495, %swap3A_496] {strides = array<i32>} : memref<32x128xi32, #tpu.memory_space<vmem>>, vector<1x16xi32>,
    %swap3A_498 = vector.shape_cast %swap3A_497 : vector<1x16xi32> to vector<16xi32>
    %swap3A_499 = vector.shape_cast %broadcast_in_dim3A_469 : vector<16xi32> to vector<1x16xi32>
    tpu.vector_store %arg5[%swap3A_495, %swap3A_496], %swap3A_499 {strides = array<i32>} : memref<32x128xi32, #tpu.memory_space<vmem>>, vector<1x16xi32>,
    %swap3A_500 = arith.constant 6 : i32
    %swap3A_501 = arith.index_cast %swap3A_500 : i32 to index
    %swap3A_502 = arith.constant 80 : index
    %swap3A_503 = tpu.vector_load %arg5[%swap3A_501, %swap3A_502] {strides = array<i32>} : memref<32x128xi32, #tpu.memory_space<vmem>>, vector<1x16xi32>,
    %swap3A_504 = vector.shape_cast %swap3A_503 : vector<1x16xi32> to vector<16xi32>
    %swap3A_505 = vector.shape_cast %broadcast_in_dim3A_469 : vector<16xi32> to vector<1x16xi32>
    tpu.vector_store %arg5[%swap3A_501, %swap3A_502], %swap3A_505 {strides = array<i32>} : memref<32x128xi32, #tpu.memory_space<vmem>>, vector<1x16xi32>,
    %swap3A_506 = arith.constant 6 : i32
    %swap3A_507 = arith.index_cast %swap3A_506 : i32 to index
    %swap3A_508 = arith.constant 96 : index
    %swap3A_509 = tpu.vector_load %arg5[%swap3A_507, %swap3A_508] {strides = array<i32>} : memref<32x128xi32, #tpu.memory_space<vmem>>, vector<1x16xi32>,
    %swap3A_510 = vector.shape_cast %swap3A_509 : vector<1x16xi32> to vector<16xi32>
    %swap3A_511 = vector.shape_cast %broadcast_in_dim3A_469 : vector<16xi32> to vector<1x16xi32>
    tpu.vector_store %arg5[%swap3A_507, %swap3A_508], %swap3A_511 {strides = array<i32>} : memref<32x128xi32, #tpu.memory_space<vmem>>, vector<1x16xi32>,
    %swap3A_512 = arith.constant 6 : i32
    %swap3A_513 = arith.index_cast %swap3A_512 : i32 to index
    %swap3A_514 = arith.constant 112 : index
    %swap3A_515 = tpu.vector_load %arg5[%swap3A_513, %swap3A_514] {strides = array<i32>} : memref<32x128xi32, #tpu.memory_space<vmem>>, vector<1x16xi32>,
    %swap3A_516 = vector.shape_cast %swap3A_515 : vector<1x16xi32> to vector<16xi32>
    %swap3A_517 = vector.shape_cast %broadcast_in_dim3A_469 : vector<16xi32> to vector<1x16xi32>
    tpu.vector_store %arg5[%swap3A_513, %swap3A_514], %swap3A_517 {strides = array<i32>} : memref<32x128xi32, #tpu.memory_space<vmem>>, vector<1x16xi32>,
    %add3A_518 = arith.constant 7 : i32
    %add3A_519 = arith.addi %mul3A_2, %add3A_518 : i32
    %jit3A_520 = arith.constant 8 : i32
    %div3A_521 = arith.divsi %add3A_519, %jit3A_520 : i32
    %sign3A_522 = arith.constant 0 : i32
    %sign3A_523 = arith.cmpi sgt, %add3A_519, %sign3A_522 : i32
    %sign3A_524 = arith.extui %sign3A_523 : i1 to i32
    %sign3A_525 = arith.constant 0 : i32
    %sign3A_526 = arith.cmpi slt, %add3A_519, %sign3A_525 : i32
    %sign3A_527 = arith.extui %sign3A_526 : i1 to i32
    %sign3A_528 = arith.subi %sign3A_524, %sign3A_527 : i32
    %sign3A_529 = arith.constant 0 : i32
    %sign3A_530 = arith.cmpi sgt, %jit3A_520, %sign3A_529 : i32
    %sign3A_531 = arith.extui %sign3A_530 : i1 to i32
    %sign3A_532 = arith.constant 0 : i32
    %sign3A_533 = arith.cmpi slt, %jit3A_520, %sign3A_532 : i32
    %sign3A_534 = arith.extui %sign3A_533 : i1 to i32
    %sign3A_535 = arith.subi %sign3A_531, %sign3A_534 : i32
    %ne3A_536 = arith.cmpi ne, %sign3A_528, %sign3A_535 : i32
    %rem3A_537 = arith.remsi %add3A_519, %jit3A_520 : i32
    %ne3A_538 = arith.constant 0 : i32
    %ne3A_539 = arith.cmpi ne, %rem3A_537, %ne3A_538 : i32
    %and3A_540 = arith.andi %ne3A_536, %ne3A_539 : i1
    %sub3A_541 = arith.constant 1 : i32
    %sub3A_542 = arith.subi %div3A_521, %sub3A_541 : i32
    %select_n3A_543 = arith.select %and3A_540, %sub3A_542, %div3A_521 : i32
    %broadcast_in_dim3A_544 = vector.broadcast %select_n3A_543 : i32 to vector<16xi32>
    %swap3A_545 = arith.constant 7 : i32
    %swap3A_546 = arith.index_cast %swap3A_545 : i32 to index
    %swap3A_547 = arith.constant 0 : index
    %swap3A_548 = tpu.vector_load %arg5[%swap3A_546, %swap3A_547] {strides = array<i32>} : memref<32x128xi32, #tpu.memory_space<vmem>>, vector<1x16xi32>,
    %swap3A_549 = vector.shape_cast %swap3A_548 : vector<1x16xi32> to vector<16xi32>
    %swap3A_550 = vector.shape_cast %broadcast_in_dim3A_544 : vector<16xi32> to vector<1x16xi32>
    tpu.vector_store %arg5[%swap3A_546, %swap3A_547], %swap3A_550 {strides = array<i32>} : memref<32x128xi32, #tpu.memory_space<vmem>>, vector<1x16xi32>,
    %swap3A_551 = arith.constant 7 : i32
    %swap3A_552 = arith.index_cast %swap3A_551 : i32 to index
    %swap3A_553 = arith.constant 16 : index
    %swap3A_554 = tpu.vector_load %arg5[%swap3A_552, %swap3A_553] {strides = array<i32>} : memref<32x128xi32, #tpu.memory_space<vmem>>, vector<1x16xi32>,
    %swap3A_555 = vector.shape_cast %swap3A_554 : vector<1x16xi32> to vector<16xi32>
    %swap3A_556 = vector.shape_cast %broadcast_in_dim3A_544 : vector<16xi32> to vector<1x16xi32>
    tpu.vector_store %arg5[%swap3A_552, %swap3A_553], %swap3A_556 {strides = array<i32>} : memref<32x128xi32, #tpu.memory_space<vmem>>, vector<1x16xi32>,
    %swap3A_557 = arith.constant 7 : i32
    %swap3A_558 = arith.index_cast %swap3A_557 : i32 to index
    %swap3A_559 = arith.constant 32 : index
    %swap3A_560 = tpu.vector_load %arg5[%swap3A_558, %swap3A_559] {strides = array<i32>} : memref<32x128xi32, #tpu.memory_space<vmem>>, vector<1x16xi32>,
    %swap3A_561 = vector.shape_cast %swap3A_560 : vector<1x16xi32> to vector<16xi32>
    %swap3A_562 = vector.shape_cast %broadcast_in_dim3A_544 : vector<16xi32> to vector<1x16xi32>
    tpu.vector_store %arg5[%swap3A_558, %swap3A_559], %swap3A_562 {strides = array<i32>} : memref<32x128xi32, #tpu.memory_space<vmem>>, vector<1x16xi32>,
    %swap3A_563 = arith.constant 7 : i32
    %swap3A_564 = arith.index_cast %swap3A_563 : i32 to index
    %swap3A_565 = arith.constant 48 : index
    %swap3A_566 = tpu.vector_load %arg5[%swap3A_564, %swap3A_565] {strides = array<i32>} : memref<32x128xi32, #tpu.memory_space<vmem>>, vector<1x16xi32>,
    %swap3A_567 = vector.shape_cast %swap3A_566 : vector<1x16xi32> to vector<16xi32>
    %swap3A_568 = vector.shape_cast %broadcast_in_dim3A_544 : vector<16xi32> to vector<1x16xi32>
    tpu.vector_store %arg5[%swap3A_564, %swap3A_565], %swap3A_568 {strides = array<i32>} : memref<32x128xi32, #tpu.memory_space<vmem>>, vector<1x16xi32>,
    %swap3A_569 = arith.constant 7 : i32
    %swap3A_570 = arith.index_cast %swap3A_569 : i32 to index
    %swap3A_571 = arith.constant 64 : index
    %swap3A_572 = tpu.vector_load %arg5[%swap3A_570, %swap3A_571] {strides = array<i32>} : memref<32x128xi32, #tpu.memory_space<vmem>>, vector<1x16xi32>,
    %swap3A_573 = vector.shape_cast %swap3A_572 : vector<1x16xi32> to vector<16xi32>
    %swap3A_574 = vector.shape_cast %broadcast_in_dim3A_544 : vector<16xi32> to vector<1x16xi32>
    tpu.vector_store %arg5[%swap3A_570, %swap3A_571], %swap3A_574 {strides = array<i32>} : memref<32x128xi32, #tpu.memory_space<vmem>>, vector<1x16xi32>,
    %swap3A_575 = arith.constant 7 : i32
    %swap3A_576 = arith.index_cast %swap3A_575 : i32 to index
    %swap3A_577 = arith.constant 80 : index
    %swap3A_578 = tpu.vector_load %arg5[%swap3A_576, %swap3A_577] {strides = array<i32>} : memref<32x128xi32, #tpu.memory_space<vmem>>, vector<1x16xi32>,
    %swap3A_579 = vector.shape_cast %swap3A_578 : vector<1x16xi32> to vector<16xi32>
    %swap3A_580 = vector.shape_cast %broadcast_in_dim3A_544 : vector<16xi32> to vector<1x16xi32>
    tpu.vector_store %arg5[%swap3A_576, %swap3A_577], %swap3A_580 {strides = array<i32>} : memref<32x128xi32, #tpu.memory_space<vmem>>, vector<1x16xi32>,
    %swap3A_581 = arith.constant 7 : i32
    %swap3A_582 = arith.index_cast %swap3A_581 : i32 to index
    %swap3A_583 = arith.constant 96 : index
    %swap3A_584 = tpu.vector_load %arg5[%swap3A_582, %swap3A_583] {strides = array<i32>} : memref<32x128xi32, #tpu.memory_space<vmem>>, vector<1x16xi32>,
    %swap3A_585 = vector.shape_cast %swap3A_584 : vector<1x16xi32> to vector<16xi32>
    %swap3A_586 = vector.shape_cast %broadcast_in_dim3A_544 : vector<16xi32> to vector<1x16xi32>
    tpu.vector_store %arg5[%swap3A_582, %swap3A_583], %swap3A_586 {strides = array<i32>} : memref<32x128xi32, #tpu.memory_space<vmem>>, vector<1x16xi32>,
    %swap3A_587 = arith.constant 7 : i32
    %swap3A_588 = arith.index_cast %swap3A_587 : i32 to index
    %swap3A_589 = arith.constant 112 : index
    %swap3A_590 = tpu.vector_load %arg5[%swap3A_588, %swap3A_589] {strides = array<i32>} : memref<32x128xi32, #tpu.memory_space<vmem>>, vector<1x16xi32>,
    %swap3A_591 = vector.shape_cast %swap3A_590 : vector<1x16xi32> to vector<16xi32>
    %swap3A_592 = vector.shape_cast %broadcast_in_dim3A_544 : vector<16xi32> to vector<1x16xi32>
    tpu.vector_store %arg5[%swap3A_588, %swap3A_589], %swap3A_592 {strides = array<i32>} : memref<32x128xi32, #tpu.memory_space<vmem>>, vector<1x16xi32>,
    %add3A_593 = arith.constant 8 : i32
    %add3A_594 = arith.addi %mul3A_2, %add3A_593 : i32
    %jit3A_595 = arith.constant 8 : i32
    %div3A_596 = arith.divsi %add3A_594, %jit3A_595 : i32
    %sign3A_597 = arith.constant 0 : i32
    %sign3A_598 = arith.cmpi sgt, %add3A_594, %sign3A_597 : i32
    %sign3A_599 = arith.extui %sign3A_598 : i1 to i32
    %sign3A_600 = arith.constant 0 : i32
    %sign3A_601 = arith.cmpi slt, %add3A_594, %sign3A_600 : i32
    %sign3A_602 = arith.extui %sign3A_601 : i1 to i32
    %sign3A_603 = arith.subi %sign3A_599, %sign3A_602 : i32
    %sign3A_604 = arith.constant 0 : i32
    %sign3A_605 = arith.cmpi sgt, %jit3A_595, %sign3A_604 : i32
    %sign3A_606 = arith.extui %sign3A_605 : i1 to i32
    %sign3A_607 = arith.constant 0 : i32
    %sign3A_608 = arith.cmpi slt, %jit3A_595, %sign3A_607 : i32
    %sign3A_609 = arith.extui %sign3A_608 : i1 to i32
    %sign3A_610 = arith.subi %sign3A_606, %sign3A_609 : i32
    %ne3A_611 = arith.cmpi ne, %sign3A_603, %sign3A_610 : i32
    %rem3A_612 = arith.remsi %add3A_594, %jit3A_595 : i32
    %ne3A_613 = arith.constant 0 : i32
    %ne3A_614 = arith.cmpi ne, %rem3A_612, %ne3A_613 : i32
    %and3A_615 = arith.andi %ne3A_611, %ne3A_614 : i1
    %sub3A_616 = arith.constant 1 : i32
    %sub3A_617 = arith.subi %div3A_596, %sub3A_616 : i32
    %select_n3A_618 = arith.select %and3A_615, %sub3A_617, %div3A_596 : i32
    %broadcast_in_dim3A_619 = vector.broadcast %select_n3A_618 : i32 to vector<16xi32>
    %swap3A_620 = arith.constant 8 : i32
    %swap3A_621 = arith.index_cast %swap3A_620 : i32 to index
    %swap3A_622 = arith.constant 0 : index
    %swap3A_623 = tpu.vector_load %arg5[%swap3A_621, %swap3A_622] {strides = array<i32>} : memref<32x128xi32, #tpu.memory_space<vmem>>, vector<1x16xi32>,
    %swap3A_624 = vector.shape_cast %swap3A_623 : vector<1x16xi32> to vector<16xi32>
    %swap3A_625 = vector.shape_cast %broadcast_in_dim3A_619 : vector<16xi32> to vector<1x16xi32>
    tpu.vector_store %arg5[%swap3A_621, %swap3A_622], %swap3A_625 {strides = array<i32>} : memref<32x128xi32, #tpu.memory_space<vmem>>, vector<1x16xi32>,
    %swap3A_626 = arith.constant 8 : i32
    %swap3A_627 = arith.index_cast %swap3A_626 : i32 to index
    %swap3A_628 = arith.constant 16 : index
    %swap3A_629 = tpu.vector_load %arg5[%swap3A_627, %swap3A_628] {strides = array<i32>} : memref<32x128xi32, #tpu.memory_space<vmem>>, vector<1x16xi32>,
    %swap3A_630 = vector.shape_cast %swap3A_629 : vector<1x16xi32> to vector<16xi32>
    %swap3A_631 = vector.shape_cast %broadcast_in_dim3A_619 : vector<16xi32> to vector<1x16xi32>
    tpu.vector_store %arg5[%swap3A_627, %swap3A_628], %swap3A_631 {strides = array<i32>} : memref<32x128xi32, #tpu.memory_space<vmem>>, vector<1x16xi32>,
    %swap3A_632 = arith.constant 8 : i32
    %swap3A_633 = arith.index_cast %swap3A_632 : i32 to index
    %swap3A_634 = arith.constant 32 : index
    %swap3A_635 = tpu.vector_load %arg5[%swap3A_633, %swap3A_634] {strides = array<i32>} : memref<32x128xi32, #tpu.memory_space<vmem>>, vector<1x16xi32>,
    %swap3A_636 = vector.shape_cast %swap3A_635 : vector<1x16xi32> to vector<16xi32>
    %swap3A_637 = vector.shape_cast %broadcast_in_dim3A_619 : vector<16xi32> to vector<1x16xi32>
    tpu.vector_store %arg5[%swap3A_633, %swap3A_634], %swap3A_637 {strides = array<i32>} : memref<32x128xi32, #tpu.memory_space<vmem>>, vector<1x16xi32>,
    %swap3A_638 = arith.constant 8 : i32
    %swap3A_639 = arith.index_cast %swap3A_638 : i32 to index
    %swap3A_640 = arith.constant 48 : index
    %swap3A_641 = tpu.vector_load %arg5[%swap3A_639, %swap3A_640] {strides = array<i32>} : memref<32x128xi32, #tpu.memory_space<vmem>>, vector<1x16xi32>,
    %swap3A_642 = vector.shape_cast %swap3A_641 : vector<1x16xi32> to vector<16xi32>
    %swap3A_643 = vector.shape_cast %broadcast_in_dim3A_619 : vector<16xi32> to vector<1x16xi32>
    tpu.vector_store %arg5[%swap3A_639, %swap3A_640], %swap3A_643 {strides = array<i32>} : memref<32x128xi32, #tpu.memory_space<vmem>>, vector<1x16xi32>,
    %swap3A_644 = arith.constant 8 : i32
    %swap3A_645 = arith.index_cast %swap3A_644 : i32 to index
    %swap3A_646 = arith.constant 64 : index
    %swap3A_647 = tpu.vector_load %arg5[%swap3A_645, %swap3A_646] {strides = array<i32>} : memref<32x128xi32, #tpu.memory_space<vmem>>, vector<1x16xi32>,
    %swap3A_648 = vector.shape_cast %swap3A_647 : vector<1x16xi32> to vector<16xi32>
    %swap3A_649 = vector.shape_cast %broadcast_in_dim3A_619 : vector<16xi32> to vector<1x16xi32>
    tpu.vector_store %arg5[%swap3A_645, %swap3A_646], %swap3A_649 {strides = array<i32>} : memref<32x128xi32, #tpu.memory_space<vmem>>, vector<1x16xi32>,
    %swap3A_650 = arith.constant 8 : i32
    %swap3A_651 = arith.index_cast %swap3A_650 : i32 to index
    %swap3A_652 = arith.constant 80 : index
    %swap3A_653 = tpu.vector_load %arg5[%swap3A_651, %swap3A_652] {strides = array<i32>} : memref<32x128xi32, #tpu.memory_space<vmem>>, vector<1x16xi32>,
    %swap3A_654 = vector.shape_cast %swap3A_653 : vector<1x16xi32> to vector<16xi32>
    %swap3A_655 = vector.shape_cast %broadcast_in_dim3A_619 : vector<16xi32> to vector<1x16xi32>
    tpu.vector_store %arg5[%swap3A_651, %swap3A_652], %swap3A_655 {strides = array<i32>} : memref<32x128xi32, #tpu.memory_space<vmem>>, vector<1x16xi32>,
    %swap3A_656 = arith.constant 8 : i32
    %swap3A_657 = arith.index_cast %swap3A_656 : i32 to index
    %swap3A_658 = arith.constant 96 : index
    %swap3A_659 = tpu.vector_load %arg5[%swap3A_657, %swap3A_658] {strides = array<i32>} : memref<32x128xi32, #tpu.memory_space<vmem>>, vector<1x16xi32>,
    %swap3A_660 = vector.shape_cast %swap3A_659 : vector<1x16xi32> to vector<16xi32>
    %swap3A_661 = vector.shape_cast %broadcast_in_dim3A_619 : vector<16xi32> to vector<1x16xi32>
    tpu.vector_store %arg5[%swap3A_657, %swap3A_658], %swap3A_661 {strides = array<i32>} : memref<32x128xi32, #tpu.memory_space<vmem>>, vector<1x16xi32>,
    %swap3A_662 = arith.constant 8 : i32
    %swap3A_663 = arith.index_cast %swap3A_662 : i32 to index
    %swap3A_664 = arith.constant 112 : index
    %swap3A_665 = tpu.vector_load %arg5[%swap3A_663, %swap3A_664] {strides = array<i32>} : memref<32x128xi32, #tpu.memory_space<vmem>>, vector<1x16xi32>,
    %swap3A_666 = vector.shape_cast %swap3A_665 : vector<1x16xi32> to vector<16xi32>
    %swap3A_667 = vector.shape_cast %broadcast_in_dim3A_619 : vector<16xi32> to vector<1x16xi32>
    tpu.vector_store %arg5[%swap3A_663, %swap3A_664], %swap3A_667 {strides = array<i32>} : memref<32x128xi32, #tpu.memory_space<vmem>>, vector<1x16xi32>,
    %add3A_668 = arith.constant 9 : i32
    %add3A_669 = arith.addi %mul3A_2, %add3A_668 : i32
    %jit3A_670 = arith.constant 8 : i32
    %div3A_671 = arith.divsi %add3A_669, %jit3A_670 : i32
    %sign3A_672 = arith.constant 0 : i32
    %sign3A_673 = arith.cmpi sgt, %add3A_669, %sign3A_672 : i32
    %sign3A_674 = arith.extui %sign3A_673 : i1 to i32
    %sign3A_675 = arith.constant 0 : i32
    %sign3A_676 = arith.cmpi slt, %add3A_669, %sign3A_675 : i32
    %sign3A_677 = arith.extui %sign3A_676 : i1 to i32
    %sign3A_678 = arith.subi %sign3A_674, %sign3A_677 : i32
    %sign3A_679 = arith.constant 0 : i32
    %sign3A_680 = arith.cmpi sgt, %jit3A_670, %sign3A_679 : i32
    %sign3A_681 = arith.extui %sign3A_680 : i1 to i32
    %sign3A_682 = arith.constant 0 : i32
    %sign3A_683 = arith.cmpi slt, %jit3A_670, %sign3A_682 : i32
    %sign3A_684 = arith.extui %sign3A_683 : i1 to i32
    %sign3A_685 = arith.subi %sign3A_681, %sign3A_684 : i32
    %ne3A_686 = arith.cmpi ne, %sign3A_678, %sign3A_685 : i32
    %rem3A_687 = arith.remsi %add3A_669, %jit3A_670 : i32
    %ne3A_688 = arith.constant 0 : i32
    %ne3A_689 = arith.cmpi ne, %rem3A_687, %ne3A_688 : i32
    %and3A_690 = arith.andi %ne3A_686, %ne3A_689 : i1
    %sub3A_691 = arith.constant 1 : i32
    %sub3A_692 = arith.subi %div3A_671, %sub3A_691 : i32
    %select_n3A_693 = arith.select %and3A_690, %sub3A_692, %div3A_671 : i32
    %broadcast_in_dim3A_694 = vector.broadcast %select_n3A_693 : i32 to vector<16xi32>
    %swap3A_695 = arith.constant 9 : i32
    %swap3A_696 = arith.index_cast %swap3A_695 : i32 to index
    %swap3A_697 = arith.constant 0 : index
    %swap3A_698 = tpu.vector_load %arg5[%swap3A_696, %swap3A_697] {strides = array<i32>} : memref<32x128xi32, #tpu.memory_space<vmem>>, vector<1x16xi32>,
    %swap3A_699 = vector.shape_cast %swap3A_698 : vector<1x16xi32> to vector<16xi32>
    %swap3A_700 = vector.shape_cast %broadcast_in_dim3A_694 : vector<16xi32> to vector<1x16xi32>
    tpu.vector_store %arg5[%swap3A_696, %swap3A_697], %swap3A_700 {strides = array<i32>} : memref<32x128xi32, #tpu.memory_space<vmem>>, vector<1x16xi32>,
    %swap3A_701 = arith.constant 9 : i32
    %swap3A_702 = arith.index_cast %swap3A_701 : i32 to index
    %swap3A_703 = arith.constant 16 : index
    %swap3A_704 = tpu.vector_load %arg5[%swap3A_702, %swap3A_703] {strides = array<i32>} : memref<32x128xi32, #tpu.memory_space<vmem>>, vector<1x16xi32>,
    %swap3A_705 = vector.shape_cast %swap3A_704 : vector<1x16xi32> to vector<16xi32>
    %swap3A_706 = vector.shape_cast %broadcast_in_dim3A_694 : vector<16xi32> to vector<1x16xi32>
    tpu.vector_store %arg5[%swap3A_702, %swap3A_703], %swap3A_706 {strides = array<i32>} : memref<32x128xi32, #tpu.memory_space<vmem>>, vector<1x16xi32>,
    %swap3A_707 = arith.constant 9 : i32
    %swap3A_708 = arith.index_cast %swap3A_707 : i32 to index
    %swap3A_709 = arith.constant 32 : index
    %swap3A_710 = tpu.vector_load %arg5[%swap3A_708, %swap3A_709] {strides = array<i32>} : memref<32x128xi32, #tpu.memory_space<vmem>>, vector<1x16xi32>,
    %swap3A_711 = vector.shape_cast %swap3A_710 : vector<1x16xi32> to vector<16xi32>
    %swap3A_712 = vector.shape_cast %broadcast_in_dim3A_694 : vector<16xi32> to vector<1x16xi32>
    tpu.vector_store %arg5[%swap3A_708, %swap3A_709], %swap3A_712 {strides = array<i32>} : memref<32x128xi32, #tpu.memory_space<vmem>>, vector<1x16xi32>,
    %swap3A_713 = arith.constant 9 : i32
    %swap3A_714 = arith.index_cast %swap3A_713 : i32 to index
    %swap3A_715 = arith.constant 48 : index
    %swap3A_716 = tpu.vector_load %arg5[%swap3A_714, %swap3A_715] {strides = array<i32>} : memref<32x128xi32, #tpu.memory_space<vmem>>, vector<1x16xi32>,
    %swap3A_717 = vector.shape_cast %swap3A_716 : vector<1x16xi32> to vector<16xi32>
    %swap3A_718 = vector.shape_cast %broadcast_in_dim3A_694 : vector<16xi32> to vector<1x16xi32>
    tpu.vector_store %arg5[%swap3A_714, %swap3A_715], %swap3A_718 {strides = array<i32>} : memref<32x128xi32, #tpu.memory_space<vmem>>, vector<1x16xi32>,
    %swap3A_719 = arith.constant 9 : i32
    %swap3A_720 = arith.index_cast %swap3A_719 : i32 to index
    %swap3A_721 = arith.constant 64 : index
    %swap3A_722 = tpu.vector_load %arg5[%swap3A_720, %swap3A_721] {strides = array<i32>} : memref<32x128xi32, #tpu.memory_space<vmem>>, vector<1x16xi32>,
    %swap3A_723 = vector.shape_cast %swap3A_722 : vector<1x16xi32> to vector<16xi32>
    %swap3A_724 = vector.shape_cast %broadcast_in_dim3A_694 : vector<16xi32> to vector<1x16xi32>
    tpu.vector_store %arg5[%swap3A_720, %swap3A_721], %swap3A_724 {strides = array<i32>} : memref<32x128xi32, #tpu.memory_space<vmem>>, vector<1x16xi32>,
    %swap3A_725 = arith.constant 9 : i32
    %swap3A_726 = arith.index_cast %swap3A_725 : i32 to index
    %swap3A_727 = arith.constant 80 : index
    %swap3A_728 = tpu.vector_load %arg5[%swap3A_726, %swap3A_727] {strides = array<i32>} : memref<32x128xi32, #tpu.memory_space<vmem>>, vector<1x16xi32>,
    %swap3A_729 = vector.shape_cast %swap3A_728 : vector<1x16xi32> to vector<16xi32>
    %swap3A_730 = vector.shape_cast %broadcast_in_dim3A_694 : vector<16xi32> to vector<1x16xi32>
    tpu.vector_store %arg5[%swap3A_726, %swap3A_727], %swap3A_730 {strides = array<i32>} : memref<32x128xi32, #tpu.memory_space<vmem>>, vector<1x16xi32>,
    %swap3A_731 = arith.constant 9 : i32
    %swap3A_732 = arith.index_cast %swap3A_731 : i32 to index
    %swap3A_733 = arith.constant 96 : index
    %swap3A_734 = tpu.vector_load %arg5[%swap3A_732, %swap3A_733] {strides = array<i32>} : memref<32x128xi32, #tpu.memory_space<vmem>>, vector<1x16xi32>,
    %swap3A_735 = vector.shape_cast %swap3A_734 : vector<1x16xi32> to vector<16xi32>
    %swap3A_736 = vector.shape_cast %broadcast_in_dim3A_694 : vector<16xi32> to vector<1x16xi32>
    tpu.vector_store %arg5[%swap3A_732, %swap3A_733], %swap3A_736 {strides = array<i32>} : memref<32x128xi32, #tpu.memory_space<vmem>>, vector<1x16xi32>,
    %swap3A_737 = arith.constant 9 : i32
    %swap3A_738 = arith.index_cast %swap3A_737 : i32 to index
    %swap3A_739 = arith.constant 112 : index
    %swap3A_740 = tpu.vector_load %arg5[%swap3A_738, %swap3A_739] {strides = array<i32>} : memref<32x128xi32, #tpu.memory_space<vmem>>, vector<1x16xi32>,
    %swap3A_741 = vector.shape_cast %swap3A_740 : vector<1x16xi32> to vector<16xi32>
    %swap3A_742 = vector.shape_cast %broadcast_in_dim3A_694 : vector<16xi32> to vector<1x16xi32>
    tpu.vector_store %arg5[%swap3A_738, %swap3A_739], %swap3A_742 {strides = array<i32>} : memref<32x128xi32, #tpu.memory_space<vmem>>, vector<1x16xi32>,
    %add3A_743 = arith.constant 10 : i32
    %add3A_744 = arith.addi %mul3A_2, %add3A_743 : i32
    %jit3A_745 = arith.constant 8 : i32
    %div3A_746 = arith.divsi %add3A_744, %jit3A_745 : i32
    %sign3A_747 = arith.constant 0 : i32
    %sign3A_748 = arith.cmpi sgt, %add3A_744, %sign3A_747 : i32
    %sign3A_749 = arith.extui %sign3A_748 : i1 to i32
    %sign3A_750 = arith.constant 0 : i32
    %sign3A_751 = arith.cmpi slt, %add3A_744, %sign3A_750 : i32
    %sign3A_752 = arith.extui %sign3A_751 : i1 to i32
    %sign3A_753 = arith.subi %sign3A_749, %sign3A_752 : i32
    %sign3A_754 = arith.constant 0 : i32
    %sign3A_755 = arith.cmpi sgt, %jit3A_745, %sign3A_754 : i32
    %sign3A_756 = arith.extui %sign3A_755 : i1 to i32
    %sign3A_757 = arith.constant 0 : i32
    %sign3A_758 = arith.cmpi slt, %jit3A_745, %sign3A_757 : i32
    %sign3A_759 = arith.extui %sign3A_758 : i1 to i32
    %sign3A_760 = arith.subi %sign3A_756, %sign3A_759 : i32
    %ne3A_761 = arith.cmpi ne, %sign3A_753, %sign3A_760 : i32
    %rem3A_762 = arith.remsi %add3A_744, %jit3A_745 : i32
    %ne3A_763 = arith.constant 0 : i32
    %ne3A_764 = arith.cmpi ne, %rem3A_762, %ne3A_763 : i32
    %and3A_765 = arith.andi %ne3A_761, %ne3A_764 : i1
    %sub3A_766 = arith.constant 1 : i32
    %sub3A_767 = arith.subi %div3A_746, %sub3A_766 : i32
    %select_n3A_768 = arith.select %and3A_765, %sub3A_767, %div3A_746 : i32
    %broadcast_in_dim3A_769 = vector.broadcast %select_n3A_768 : i32 to vector<16xi32>
    %swap3A_770 = arith.constant 10 : i32
    %swap3A_771 = arith.index_cast %swap3A_770 : i32 to index
    %swap3A_772 = arith.constant 0 : index
    %swap3A_773 = tpu.vector_load %arg5[%swap3A_771, %swap3A_772] {strides = array<i32>} : memref<32x128xi32, #tpu.memory_space<vmem>>, vector<1x16xi32>,
    %swap3A_774 = vector.shape_cast %swap3A_773 : vector<1x16xi32> to vector<16xi32>
    %swap3A_775 = vector.shape_cast %broadcast_in_dim3A_769 : vector<16xi32> to vector<1x16xi32>
    tpu.vector_store %arg5[%swap3A_771, %swap3A_772], %swap3A_775 {strides = array<i32>} : memref<32x128xi32, #tpu.memory_space<vmem>>, vector<1x16xi32>,
    %swap3A_776 = arith.constant 10 : i32
    %swap3A_777 = arith.index_cast %swap3A_776 : i32 to index
    %swap3A_778 = arith.constant 16 : index
    %swap3A_779 = tpu.vector_load %arg5[%swap3A_777, %swap3A_778] {strides = array<i32>} : memref<32x128xi32, #tpu.memory_space<vmem>>, vector<1x16xi32>,
    %swap3A_780 = vector.shape_cast %swap3A_779 : vector<1x16xi32> to vector<16xi32>
    %swap3A_781 = vector.shape_cast %broadcast_in_dim3A_769 : vector<16xi32> to vector<1x16xi32>
    tpu.vector_store %arg5[%swap3A_777, %swap3A_778], %swap3A_781 {strides = array<i32>} : memref<32x128xi32, #tpu.memory_space<vmem>>, vector<1x16xi32>,
    %swap3A_782 = arith.constant 10 : i32
    %swap3A_783 = arith.index_cast %swap3A_782 : i32 to index
    %swap3A_784 = arith.constant 32 : index
    %swap3A_785 = tpu.vector_load %arg5[%swap3A_783, %swap3A_784] {strides = array<i32>} : memref<32x128xi32, #tpu.memory_space<vmem>>, vector<1x16xi32>,
    %swap3A_786 = vector.shape_cast %swap3A_785 : vector<1x16xi32> to vector<16xi32>
    %swap3A_787 = vector.shape_cast %broadcast_in_dim3A_769 : vector<16xi32> to vector<1x16xi32>
    tpu.vector_store %arg5[%swap3A_783, %swap3A_784], %swap3A_787 {strides = array<i32>} : memref<32x128xi32, #tpu.memory_space<vmem>>, vector<1x16xi32>,
    %swap3A_788 = arith.constant 10 : i32
    %swap3A_789 = arith.index_cast %swap3A_788 : i32 to index
    %swap3A_790 = arith.constant 48 : index
    %swap3A_791 = tpu.vector_load %arg5[%swap3A_789, %swap3A_790] {strides = array<i32>} : memref<32x128xi32, #tpu.memory_space<vmem>>, vector<1x16xi32>,
    %swap3A_792 = vector.shape_cast %swap3A_791 : vector<1x16xi32> to vector<16xi32>
    %swap3A_793 = vector.shape_cast %broadcast_in_dim3A_769 : vector<16xi32> to vector<1x16xi32>
    tpu.vector_store %arg5[%swap3A_789, %swap3A_790], %swap3A_793 {strides = array<i32>} : memref<32x128xi32, #tpu.memory_space<vmem>>, vector<1x16xi32>,
    %swap3A_794 = arith.constant 10 : i32
    %swap3A_795 = arith.index_cast %swap3A_794 : i32 to index
    %swap3A_796 = arith.constant 64 : index
    %swap3A_797 = tpu.vector_load %arg5[%swap3A_795, %swap3A_796] {strides = array<i32>} : memref<32x128xi32, #tpu.memory_space<vmem>>, vector<1x16xi32>,
    %swap3A_798 = vector.shape_cast %swap3A_797 : vector<1x16xi32> to vector<16xi32>
    %swap3A_799 = vector.shape_cast %broadcast_in_dim3A_769 : vector<16xi32> to vector<1x16xi32>
    tpu.vector_store %arg5[%swap3A_795, %swap3A_796], %swap3A_799 {strides = array<i32>} : memref<32x128xi32, #tpu.memory_space<vmem>>, vector<1x16xi32>,
    %swap3A_800 = arith.constant 10 : i32
    %swap3A_801 = arith.index_cast %swap3A_800 : i32 to index
    %swap3A_802 = arith.constant 80 : index
    %swap3A_803 = tpu.vector_load %arg5[%swap3A_801, %swap3A_802] {strides = array<i32>} : memref<32x128xi32, #tpu.memory_space<vmem>>, vector<1x16xi32>,
    %swap3A_804 = vector.shape_cast %swap3A_803 : vector<1x16xi32> to vector<16xi32>
    %swap3A_805 = vector.shape_cast %broadcast_in_dim3A_769 : vector<16xi32> to vector<1x16xi32>
    tpu.vector_store %arg5[%swap3A_801, %swap3A_802], %swap3A_805 {strides = array<i32>} : memref<32x128xi32, #tpu.memory_space<vmem>>, vector<1x16xi32>,
    %swap3A_806 = arith.constant 10 : i32
    %swap3A_807 = arith.index_cast %swap3A_806 : i32 to index
    %swap3A_808 = arith.constant 96 : index
    %swap3A_809 = tpu.vector_load %arg5[%swap3A_807, %swap3A_808] {strides = array<i32>} : memref<32x128xi32, #tpu.memory_space<vmem>>, vector<1x16xi32>,
    %swap3A_810 = vector.shape_cast %swap3A_809 : vector<1x16xi32> to vector<16xi32>
    %swap3A_811 = vector.shape_cast %broadcast_in_dim3A_769 : vector<16xi32> to vector<1x16xi32>
    tpu.vector_store %arg5[%swap3A_807, %swap3A_808], %swap3A_811 {strides = array<i32>} : memref<32x128xi32, #tpu.memory_space<vmem>>, vector<1x16xi32>,
    %swap3A_812 = arith.constant 10 : i32
    %swap3A_813 = arith.index_cast %swap3A_812 : i32 to index
    %swap3A_814 = arith.constant 112 : index
    %swap3A_815 = tpu.vector_load %arg5[%swap3A_813, %swap3A_814] {strides = array<i32>} : memref<32x128xi32, #tpu.memory_space<vmem>>, vector<1x16xi32>,
    %swap3A_816 = vector.shape_cast %swap3A_815 : vector<1x16xi32> to vector<16xi32>
    %swap3A_817 = vector.shape_cast %broadcast_in_dim3A_769 : vector<16xi32> to vector<1x16xi32>
    tpu.vector_store %arg5[%swap3A_813, %swap3A_814], %swap3A_817 {strides = array<i32>} : memref<32x128xi32, #tpu.memory_space<vmem>>, vector<1x16xi32>,
    %add3A_818 = arith.constant 11 : i32
    %add3A_819 = arith.addi %mul3A_2, %add3A_818 : i32
    %jit3A_820 = arith.constant 8 : i32
    %div3A_821 = arith.divsi %add3A_819, %jit3A_820 : i32
    %sign3A_822 = arith.constant 0 : i32
    %sign3A_823 = arith.cmpi sgt, %add3A_819, %sign3A_822 : i32
    %sign3A_824 = arith.extui %sign3A_823 : i1 to i32
    %sign3A_825 = arith.constant 0 : i32
    %sign3A_826 = arith.cmpi slt, %add3A_819, %sign3A_825 : i32
    %sign3A_827 = arith.extui %sign3A_826 : i1 to i32
    %sign3A_828 = arith.subi %sign3A_824, %sign3A_827 : i32
    %sign3A_829 = arith.constant 0 : i32
    %sign3A_830 = arith.cmpi sgt, %jit3A_820, %sign3A_829 : i32
    %sign3A_831 = arith.extui %sign3A_830 : i1 to i32
    %sign3A_832 = arith.constant 0 : i32
    %sign3A_833 = arith.cmpi slt, %jit3A_820, %sign3A_832 : i32
    %sign3A_834 = arith.extui %sign3A_833 : i1 to i32
    %sign3A_835 = arith.subi %sign3A_831, %sign3A_834 : i32
    %ne3A_836 = arith.cmpi ne, %sign3A_828, %sign3A_835 : i32
    %rem3A_837 = arith.remsi %add3A_819, %jit3A_820 : i32
    %ne3A_838 = arith.constant 0 : i32
    %ne3A_839 = arith.cmpi ne, %rem3A_837, %ne3A_838 : i32
    %and3A_840 = arith.andi %ne3A_836, %ne3A_839 : i1
    %sub3A_841 = arith.constant 1 : i32
    %sub3A_842 = arith.subi %div3A_821, %sub3A_841 : i32
    %select_n3A_843 = arith.select %and3A_840, %sub3A_842, %div3A_821 : i32
    %broadcast_in_dim3A_844 = vector.broadcast %select_n3A_843 : i32 to vector<16xi32>
    %swap3A_845 = arith.constant 11 : i32
    %swap3A_846 = arith.index_cast %swap3A_845 : i32 to index
    %swap3A_847 = arith.constant 0 : index
    %swap3A_848 = tpu.vector_load %arg5[%swap3A_846, %swap3A_847] {strides = array<i32>} : memref<32x128xi32, #tpu.memory_space<vmem>>, vector<1x16xi32>,
    %swap3A_849 = vector.shape_cast %swap3A_848 : vector<1x16xi32> to vector<16xi32>
    %swap3A_850 = vector.shape_cast %broadcast_in_dim3A_844 : vector<16xi32> to vector<1x16xi32>
    tpu.vector_store %arg5[%swap3A_846, %swap3A_847], %swap3A_850 {strides = array<i32>} : memref<32x128xi32, #tpu.memory_space<vmem>>, vector<1x16xi32>,
    %swap3A_851 = arith.constant 11 : i32
    %swap3A_852 = arith.index_cast %swap3A_851 : i32 to index
    %swap3A_853 = arith.constant 16 : index
    %swap3A_854 = tpu.vector_load %arg5[%swap3A_852, %swap3A_853] {strides = array<i32>} : memref<32x128xi32, #tpu.memory_space<vmem>>, vector<1x16xi32>,
    %swap3A_855 = vector.shape_cast %swap3A_854 : vector<1x16xi32> to vector<16xi32>
    %swap3A_856 = vector.shape_cast %broadcast_in_dim3A_844 : vector<16xi32> to vector<1x16xi32>
    tpu.vector_store %arg5[%swap3A_852, %swap3A_853], %swap3A_856 {strides = array<i32>} : memref<32x128xi32, #tpu.memory_space<vmem>>, vector<1x16xi32>,
    %swap3A_857 = arith.constant 11 : i32
    %swap3A_858 = arith.index_cast %swap3A_857 : i32 to index
    %swap3A_859 = arith.constant 32 : index
    %swap3A_860 = tpu.vector_load %arg5[%swap3A_858, %swap3A_859] {strides = array<i32>} : memref<32x128xi32, #tpu.memory_space<vmem>>, vector<1x16xi32>,
    %swap3A_861 = vector.shape_cast %swap3A_860 : vector<1x16xi32> to vector<16xi32>
    %swap3A_862 = vector.shape_cast %broadcast_in_dim3A_844 : vector<16xi32> to vector<1x16xi32>
    tpu.vector_store %arg5[%swap3A_858, %swap3A_859], %swap3A_862 {strides = array<i32>} : memref<32x128xi32, #tpu.memory_space<vmem>>, vector<1x16xi32>,
    %swap3A_863 = arith.constant 11 : i32
    %swap3A_864 = arith.index_cast %swap3A_863 : i32 to index
    %swap3A_865 = arith.constant 48 : index
    %swap3A_866 = tpu.vector_load %arg5[%swap3A_864, %swap3A_865] {strides = array<i32>} : memref<32x128xi32, #tpu.memory_space<vmem>>, vector<1x16xi32>,
    %swap3A_867 = vector.shape_cast %swap3A_866 : vector<1x16xi32> to vector<16xi32>
    %swap3A_868 = vector.shape_cast %broadcast_in_dim3A_844 : vector<16xi32> to vector<1x16xi32>
    tpu.vector_store %arg5[%swap3A_864, %swap3A_865], %swap3A_868 {strides = array<i32>} : memref<32x128xi32, #tpu.memory_space<vmem>>, vector<1x16xi32>,
    %swap3A_869 = arith.constant 11 : i32
    %swap3A_870 = arith.index_cast %swap3A_869 : i32 to index
    %swap3A_871 = arith.constant 64 : index
    %swap3A_872 = tpu.vector_load %arg5[%swap3A_870, %swap3A_871] {strides = array<i32>} : memref<32x128xi32, #tpu.memory_space<vmem>>, vector<1x16xi32>,
    %swap3A_873 = vector.shape_cast %swap3A_872 : vector<1x16xi32> to vector<16xi32>
    %swap3A_874 = vector.shape_cast %broadcast_in_dim3A_844 : vector<16xi32> to vector<1x16xi32>
    tpu.vector_store %arg5[%swap3A_870, %swap3A_871], %swap3A_874 {strides = array<i32>} : memref<32x128xi32, #tpu.memory_space<vmem>>, vector<1x16xi32>,
    %swap3A_875 = arith.constant 11 : i32
    %swap3A_876 = arith.index_cast %swap3A_875 : i32 to index
    %swap3A_877 = arith.constant 80 : index
    %swap3A_878 = tpu.vector_load %arg5[%swap3A_876, %swap3A_877] {strides = array<i32>} : memref<32x128xi32, #tpu.memory_space<vmem>>, vector<1x16xi32>,
    %swap3A_879 = vector.shape_cast %swap3A_878 : vector<1x16xi32> to vector<16xi32>
    %swap3A_880 = vector.shape_cast %broadcast_in_dim3A_844 : vector<16xi32> to vector<1x16xi32>
    tpu.vector_store %arg5[%swap3A_876, %swap3A_877], %swap3A_880 {strides = array<i32>} : memref<32x128xi32, #tpu.memory_space<vmem>>, vector<1x16xi32>,
    %swap3A_881 = arith.constant 11 : i32
    %swap3A_882 = arith.index_cast %swap3A_881 : i32 to index
    %swap3A_883 = arith.constant 96 : index
    %swap3A_884 = tpu.vector_load %arg5[%swap3A_882, %swap3A_883] {strides = array<i32>} : memref<32x128xi32, #tpu.memory_space<vmem>>, vector<1x16xi32>,
    %swap3A_885 = vector.shape_cast %swap3A_884 : vector<1x16xi32> to vector<16xi32>
    %swap3A_886 = vector.shape_cast %broadcast_in_dim3A_844 : vector<16xi32> to vector<1x16xi32>
    tpu.vector_store %arg5[%swap3A_882, %swap3A_883], %swap3A_886 {strides = array<i32>} : memref<32x128xi32, #tpu.memory_space<vmem>>, vector<1x16xi32>,
    %swap3A_887 = arith.constant 11 : i32
    %swap3A_888 = arith.index_cast %swap3A_887 : i32 to index
    %swap3A_889 = arith.constant 112 : index
    %swap3A_890 = tpu.vector_load %arg5[%swap3A_888, %swap3A_889] {strides = array<i32>} : memref<32x128xi32, #tpu.memory_space<vmem>>, vector<1x16xi32>,
    %swap3A_891 = vector.shape_cast %swap3A_890 : vector<1x16xi32> to vector<16xi32>
    %swap3A_892 = vector.shape_cast %broadcast_in_dim3A_844 : vector<16xi32> to vector<1x16xi32>
    tpu.vector_store %arg5[%swap3A_888, %swap3A_889], %swap3A_892 {strides = array<i32>} : memref<32x128xi32, #tpu.memory_space<vmem>>, vector<1x16xi32>,
    %add3A_893 = arith.constant 12 : i32
    %add3A_894 = arith.addi %mul3A_2, %add3A_893 : i32
    %jit3A_895 = arith.constant 8 : i32
    %div3A_896 = arith.divsi %add3A_894, %jit3A_895 : i32
    %sign3A_897 = arith.constant 0 : i32
    %sign3A_898 = arith.cmpi sgt, %add3A_894, %sign3A_897 : i32
    %sign3A_899 = arith.extui %sign3A_898 : i1 to i32
    %sign3A_900 = arith.constant 0 : i32
    %sign3A_901 = arith.cmpi slt, %add3A_894, %sign3A_900 : i32
    %sign3A_902 = arith.extui %sign3A_901 : i1 to i32
    %sign3A_903 = arith.subi %sign3A_899, %sign3A_902 : i32
    %sign3A_904 = arith.constant 0 : i32
    %sign3A_905 = arith.cmpi sgt, %jit3A_895, %sign3A_904 : i32
    %sign3A_906 = arith.extui %sign3A_905 : i1 to i32
    %sign3A_907 = arith.constant 0 : i32
    %sign3A_908 = arith.cmpi slt, %jit3A_895, %sign3A_907 : i32
    %sign3A_909 = arith.extui %sign3A_908 : i1 to i32
    %sign3A_910 = arith.subi %sign3A_906, %sign3A_909 : i32
    %ne3A_911 = arith.cmpi ne, %sign3A_903, %sign3A_910 : i32
    %rem3A_912 = arith.remsi %add3A_894, %jit3A_895 : i32
    %ne3A_913 = arith.constant 0 : i32
    %ne3A_914 = arith.cmpi ne, %rem3A_912, %ne3A_913 : i32
    %and3A_915 = arith.andi %ne3A_911, %ne3A_914 : i1
    %sub3A_916 = arith.constant 1 : i32
    %sub3A_917 = arith.subi %div3A_896, %sub3A_916 : i32
    %select_n3A_918 = arith.select %and3A_915, %sub3A_917, %div3A_896 : i32
    %broadcast_in_dim3A_919 = vector.broadcast %select_n3A_918 : i32 to vector<16xi32>
    %swap3A_920 = arith.constant 12 : i32
    %swap3A_921 = arith.index_cast %swap3A_920 : i32 to index
    %swap3A_922 = arith.constant 0 : index
    %swap3A_923 = tpu.vector_load %arg5[%swap3A_921, %swap3A_922] {strides = array<i32>} : memref<32x128xi32, #tpu.memory_space<vmem>>, vector<1x16xi32>,
    %swap3A_924 = vector.shape_cast %swap3A_923 : vector<1x16xi32> to vector<16xi32>
    %swap3A_925 = vector.shape_cast %broadcast_in_dim3A_919 : vector<16xi32> to vector<1x16xi32>
    tpu.vector_store %arg5[%swap3A_921, %swap3A_922], %swap3A_925 {strides = array<i32>} : memref<32x128xi32, #tpu.memory_space<vmem>>, vector<1x16xi32>,
    %swap3A_926 = arith.constant 12 : i32
    %swap3A_927 = arith.index_cast %swap3A_926 : i32 to index
    %swap3A_928 = arith.constant 16 : index
    %swap3A_929 = tpu.vector_load %arg5[%swap3A_927, %swap3A_928] {strides = array<i32>} : memref<32x128xi32, #tpu.memory_space<vmem>>, vector<1x16xi32>,
    %swap3A_930 = vector.shape_cast %swap3A_929 : vector<1x16xi32> to vector<16xi32>
    %swap3A_931 = vector.shape_cast %broadcast_in_dim3A_919 : vector<16xi32> to vector<1x16xi32>
    tpu.vector_store %arg5[%swap3A_927, %swap3A_928], %swap3A_931 {strides = array<i32>} : memref<32x128xi32, #tpu.memory_space<vmem>>, vector<1x16xi32>,
    %swap3A_932 = arith.constant 12 : i32
    %swap3A_933 = arith.index_cast %swap3A_932 : i32 to index
    %swap3A_934 = arith.constant 32 : index
    %swap3A_935 = tpu.vector_load %arg5[%swap3A_933, %swap3A_934] {strides = array<i32>} : memref<32x128xi32, #tpu.memory_space<vmem>>, vector<1x16xi32>,
    %swap3A_936 = vector.shape_cast %swap3A_935 : vector<1x16xi32> to vector<16xi32>
    %swap3A_937 = vector.shape_cast %broadcast_in_dim3A_919 : vector<16xi32> to vector<1x16xi32>
    tpu.vector_store %arg5[%swap3A_933, %swap3A_934], %swap3A_937 {strides = array<i32>} : memref<32x128xi32, #tpu.memory_space<vmem>>, vector<1x16xi32>,
    %swap3A_938 = arith.constant 12 : i32
    %swap3A_939 = arith.index_cast %swap3A_938 : i32 to index
    %swap3A_940 = arith.constant 48 : index
    %swap3A_941 = tpu.vector_load %arg5[%swap3A_939, %swap3A_940] {strides = array<i32>} : memref<32x128xi32, #tpu.memory_space<vmem>>, vector<1x16xi32>,
    %swap3A_942 = vector.shape_cast %swap3A_941 : vector<1x16xi32> to vector<16xi32>
    %swap3A_943 = vector.shape_cast %broadcast_in_dim3A_919 : vector<16xi32> to vector<1x16xi32>
    tpu.vector_store %arg5[%swap3A_939, %swap3A_940], %swap3A_943 {strides = array<i32>} : memref<32x128xi32, #tpu.memory_space<vmem>>, vector<1x16xi32>,
    %swap3A_944 = arith.constant 12 : i32
    %swap3A_945 = arith.index_cast %swap3A_944 : i32 to index
    %swap3A_946 = arith.constant 64 : index
    %swap3A_947 = tpu.vector_load %arg5[%swap3A_945, %swap3A_946] {strides = array<i32>} : memref<32x128xi32, #tpu.memory_space<vmem>>, vector<1x16xi32>,
    %swap3A_948 = vector.shape_cast %swap3A_947 : vector<1x16xi32> to vector<16xi32>
    %swap3A_949 = vector.shape_cast %broadcast_in_dim3A_919 : vector<16xi32> to vector<1x16xi32>
    tpu.vector_store %arg5[%swap3A_945, %swap3A_946], %swap3A_949 {strides = array<i32>} : memref<32x128xi32, #tpu.memory_space<vmem>>, vector<1x16xi32>,
    %swap3A_950 = arith.constant 12 : i32
    %swap3A_951 = arith.index_cast %swap3A_950 : i32 to index
    %swap3A_952 = arith.constant 80 : index
    %swap3A_953 = tpu.vector_load %arg5[%swap3A_951, %swap3A_952] {strides = array<i32>} : memref<32x128xi32, #tpu.memory_space<vmem>>, vector<1x16xi32>,
    %swap3A_954 = vector.shape_cast %swap3A_953 : vector<1x16xi32> to vector<16xi32>
    %swap3A_955 = vector.shape_cast %broadcast_in_dim3A_919 : vector<16xi32> to vector<1x16xi32>
    tpu.vector_store %arg5[%swap3A_951, %swap3A_952], %swap3A_955 {strides = array<i32>} : memref<32x128xi32, #tpu.memory_space<vmem>>, vector<1x16xi32>,
    %swap3A_956 = arith.constant 12 : i32
    %swap3A_957 = arith.index_cast %swap3A_956 : i32 to index
    %swap3A_958 = arith.constant 96 : index
    %swap3A_959 = tpu.vector_load %arg5[%swap3A_957, %swap3A_958] {strides = array<i32>} : memref<32x128xi32, #tpu.memory_space<vmem>>, vector<1x16xi32>,
    %swap3A_960 = vector.shape_cast %swap3A_959 : vector<1x16xi32> to vector<16xi32>
    %swap3A_961 = vector.shape_cast %broadcast_in_dim3A_919 : vector<16xi32> to vector<1x16xi32>
    tpu.vector_store %arg5[%swap3A_957, %swap3A_958], %swap3A_961 {strides = array<i32>} : memref<32x128xi32, #tpu.memory_space<vmem>>, vector<1x16xi32>,
    %swap3A_962 = arith.constant 12 : i32
    %swap3A_963 = arith.index_cast %swap3A_962 : i32 to index
    %swap3A_964 = arith.constant 112 : index
    %swap3A_965 = tpu.vector_load %arg5[%swap3A_963, %swap3A_964] {strides = array<i32>} : memref<32x128xi32, #tpu.memory_space<vmem>>, vector<1x16xi32>,
    %swap3A_966 = vector.shape_cast %swap3A_965 : vector<1x16xi32> to vector<16xi32>
    %swap3A_967 = vector.shape_cast %broadcast_in_dim3A_919 : vector<16xi32> to vector<1x16xi32>
    tpu.vector_store %arg5[%swap3A_963, %swap3A_964], %swap3A_967 {strides = array<i32>} : memref<32x128xi32, #tpu.memory_space<vmem>>, vector<1x16xi32>,
    %add3A_968 = arith.constant 13 : i32
    %add3A_969 = arith.addi %mul3A_2, %add3A_968 : i32
    %jit3A_970 = arith.constant 8 : i32
    %div3A_971 = arith.divsi %add3A_969, %jit3A_970 : i32
    %sign3A_972 = arith.constant 0 : i32
    %sign3A_973 = arith.cmpi sgt, %add3A_969, %sign3A_972 : i32
    %sign3A_974 = arith.extui %sign3A_973 : i1 to i32
    %sign3A_975 = arith.constant 0 : i32
    %sign3A_976 = arith.cmpi slt, %add3A_969, %sign3A_975 : i32
    %sign3A_977 = arith.extui %sign3A_976 : i1 to i32
    %sign3A_978 = arith.subi %sign3A_974, %sign3A_977 : i32
    %sign3A_979 = arith.constant 0 : i32
    %sign3A_980 = arith.cmpi sgt, %jit3A_970, %sign3A_979 : i32
    %sign3A_981 = arith.extui %sign3A_980 : i1 to i32
    %sign3A_982 = arith.constant 0 : i32
    %sign3A_983 = arith.cmpi slt, %jit3A_970, %sign3A_982 : i32
    %sign3A_984 = arith.extui %sign3A_983 : i1 to i32
    %sign3A_985 = arith.subi %sign3A_981, %sign3A_984 : i32
    %ne3A_986 = arith.cmpi ne, %sign3A_978, %sign3A_985 : i32
    %rem3A_987 = arith.remsi %add3A_969, %jit3A_970 : i32
    %ne3A_988 = arith.constant 0 : i32
    %ne3A_989 = arith.cmpi ne, %rem3A_987, %ne3A_988 : i32
    %and3A_990 = arith.andi %ne3A_986, %ne3A_989 : i1
    %sub3A_991 = arith.constant 1 : i32
    %sub3A_992 = arith.subi %div3A_971, %sub3A_991 : i32
    %select_n3A_993 = arith.select %and3A_990, %sub3A_992, %div3A_971 : i32
    %broadcast_in_dim3A_994 = vector.broadcast %select_n3A_993 : i32 to vector<16xi32>
    %swap3A_995 = arith.constant 13 : i32
    %swap3A_996 = arith.index_cast %swap3A_995 : i32 to index
    %swap3A_997 = arith.constant 0 : index
    %swap3A_998 = tpu.vector_load %arg5[%swap3A_996, %swap3A_997] {strides = array<i32>} : memref<32x128xi32, #tpu.memory_space<vmem>>, vector<1x16xi32>,
    %swap3A_999 = vector.shape_cast %swap3A_998 : vector<1x16xi32> to vector<16xi32>
    %swap3A_1000 = vector.shape_cast %broadcast_in_dim3A_994 : vector<16xi32> to vector<1x16xi32>
    tpu.vector_store %arg5[%swap3A_996, %swap3A_997], %swap3A_1000 {strides = array<i32>} : memref<32x128xi32, #tpu.memory_space<vmem>>, vector<1x16xi32>,
    %swap3A_1001 = arith.constant 13 : i32
    %swap3A_1002 = arith.index_cast %swap3A_1001 : i32 to index
    %swap3A_1003 = arith.constant 16 : index
    %swap3A_1004 = tpu.vector_load %arg5[%swap3A_1002, %swap3A_1003] {strides = array<i32>} : memref<32x128xi32, #tpu.memory_space<vmem>>, vector<1x16xi32>,
    %swap3A_1005 = vector.shape_cast %swap3A_1004 : vector<1x16xi32> to vector<16xi32>
    %swap3A_1006 = vector.shape_cast %broadcast_in_dim3A_994 : vector<16xi32> to vector<1x16xi32>
    tpu.vector_store %arg5[%swap3A_1002, %swap3A_1003], %swap3A_1006 {strides = array<i32>} : memref<32x128xi32, #tpu.memory_space<vmem>>, vector<1x16xi32>,
    %swap3A_1007 = arith.constant 13 : i32
    %swap3A_1008 = arith.index_cast %swap3A_1007 : i32 to index
    %swap3A_1009 = arith.constant 32 : index
    %swap3A_1010 = tpu.vector_load %arg5[%swap3A_1008, %swap3A_1009] {strides = array<i32>} : memref<32x128xi32, #tpu.memory_space<vmem>>, vector<1x16xi32>,
    %swap3A_1011 = vector.shape_cast %swap3A_1010 : vector<1x16xi32> to vector<16xi32>
    %swap3A_1012 = vector.shape_cast %broadcast_in_dim3A_994 : vector<16xi32> to vector<1x16xi32>
    tpu.vector_store %arg5[%swap3A_1008, %swap3A_1009], %swap3A_1012 {strides = array<i32>} : memref<32x128xi32, #tpu.memory_space<vmem>>, vector<1x16xi32>,
    %swap3A_1013 = arith.constant 13 : i32
    %swap3A_1014 = arith.index_cast %swap3A_1013 : i32 to index
    %swap3A_1015 = arith.constant 48 : index
    %swap3A_1016 = tpu.vector_load %arg5[%swap3A_1014, %swap3A_1015] {strides = array<i32>} : memref<32x128xi32, #tpu.memory_space<vmem>>, vector<1x16xi32>,
    %swap3A_1017 = vector.shape_cast %swap3A_1016 : vector<1x16xi32> to vector<16xi32>
    %swap3A_1018 = vector.shape_cast %broadcast_in_dim3A_994 : vector<16xi32> to vector<1x16xi32>
    tpu.vector_store %arg5[%swap3A_1014, %swap3A_1015], %swap3A_1018 {strides = array<i32>} : memref<32x128xi32, #tpu.memory_space<vmem>>, vector<1x16xi32>,
    %swap3A_1019 = arith.constant 13 : i32
    %swap3A_1020 = arith.index_cast %swap3A_1019 : i32 to index
    %swap3A_1021 = arith.constant 64 : index
    %swap3A_1022 = tpu.vector_load %arg5[%swap3A_1020, %swap3A_1021] {strides = array<i32>} : memref<32x128xi32, #tpu.memory_space<vmem>>, vector<1x16xi32>,
    %swap3A_1023 = vector.shape_cast %swap3A_1022 : vector<1x16xi32> to vector<16xi32>
    %swap3A_1024 = vector.shape_cast %broadcast_in_dim3A_994 : vector<16xi32> to vector<1x16xi32>
    tpu.vector_store %arg5[%swap3A_1020, %swap3A_1021], %swap3A_1024 {strides = array<i32>} : memref<32x128xi32, #tpu.memory_space<vmem>>, vector<1x16xi32>,
    %swap3A_1025 = arith.constant 13 : i32
    %swap3A_1026 = arith.index_cast %swap3A_1025 : i32 to index
    %swap3A_1027 = arith.constant 80 : index
    %swap3A_1028 = tpu.vector_load %arg5[%swap3A_1026, %swap3A_1027] {strides = array<i32>} : memref<32x128xi32, #tpu.memory_space<vmem>>, vector<1x16xi32>,
    %swap3A_1029 = vector.shape_cast %swap3A_1028 : vector<1x16xi32> to vector<16xi32>
    %swap3A_1030 = vector.shape_cast %broadcast_in_dim3A_994 : vector<16xi32> to vector<1x16xi32>
    tpu.vector_store %arg5[%swap3A_1026, %swap3A_1027], %swap3A_1030 {strides = array<i32>} : memref<32x128xi32, #tpu.memory_space<vmem>>, vector<1x16xi32>,
    %swap3A_1031 = arith.constant 13 : i32
    %swap3A_1032 = arith.index_cast %swap3A_1031 : i32 to index
    %swap3A_1033 = arith.constant 96 : index
    %swap3A_1034 = tpu.vector_load %arg5[%swap3A_1032, %swap3A_1033] {strides = array<i32>} : memref<32x128xi32, #tpu.memory_space<vmem>>, vector<1x16xi32>,
    %swap3A_1035 = vector.shape_cast %swap3A_1034 : vector<1x16xi32> to vector<16xi32>
    %swap3A_1036 = vector.shape_cast %broadcast_in_dim3A_994 : vector<16xi32> to vector<1x16xi32>
    tpu.vector_store %arg5[%swap3A_1032, %swap3A_1033], %swap3A_1036 {strides = array<i32>} : memref<32x128xi32, #tpu.memory_space<vmem>>, vector<1x16xi32>,
    %swap3A_1037 = arith.constant 13 : i32
    %swap3A_1038 = arith.index_cast %swap3A_1037 : i32 to index
    %swap3A_1039 = arith.constant 112 : index
    %swap3A_1040 = tpu.vector_load %arg5[%swap3A_1038, %swap3A_1039] {strides = array<i32>} : memref<32x128xi32, #tpu.memory_space<vmem>>, vector<1x16xi32>,
    %swap3A_1041 = vector.shape_cast %swap3A_1040 : vector<1x16xi32> to vector<16xi32>
    %swap3A_1042 = vector.shape_cast %broadcast_in_dim3A_994 : vector<16xi32> to vector<1x16xi32>
    tpu.vector_store %arg5[%swap3A_1038, %swap3A_1039], %swap3A_1042 {strides = array<i32>} : memref<32x128xi32, #tpu.memory_space<vmem>>, vector<1x16xi32>,
    %add3A_1043 = arith.constant 14 : i32
    %add3A_1044 = arith.addi %mul3A_2, %add3A_1043 : i32
    %jit3A_1045 = arith.constant 8 : i32
    %div3A_1046 = arith.divsi %add3A_1044, %jit3A_1045 : i32
    %sign3A_1047 = arith.constant 0 : i32
    %sign3A_1048 = arith.cmpi sgt, %add3A_1044, %sign3A_1047 : i32
    %sign3A_1049 = arith.extui %sign3A_1048 : i1 to i32
    %sign3A_1050 = arith.constant 0 : i32
    %sign3A_1051 = arith.cmpi slt, %add3A_1044, %sign3A_1050 : i32
    %sign3A_1052 = arith.extui %sign3A_1051 : i1 to i32
    %sign3A_1053 = arith.subi %sign3A_1049, %sign3A_1052 : i32
    %sign3A_1054 = arith.constant 0 : i32
    %sign3A_1055 = arith.cmpi sgt, %jit3A_1045, %sign3A_1054 : i32
    %sign3A_1056 = arith.extui %sign3A_1055 : i1 to i32
    %sign3A_1057 = arith.constant 0 : i32
    %sign3A_1058 = arith.cmpi slt, %jit3A_1045, %sign3A_1057 : i32
    %sign3A_1059 = arith.extui %sign3A_1058 : i1 to i32
    %sign3A_1060 = arith.subi %sign3A_1056, %sign3A_1059 : i32
    %ne3A_1061 = arith.cmpi ne, %sign3A_1053, %sign3A_1060 : i32
    %rem3A_1062 = arith.remsi %add3A_1044, %jit3A_1045 : i32
    %ne3A_1063 = arith.constant 0 : i32
    %ne3A_1064 = arith.cmpi ne, %rem3A_1062, %ne3A_1063 : i32
    %and3A_1065 = arith.andi %ne3A_1061, %ne3A_1064 : i1
    %sub3A_1066 = arith.constant 1 : i32
    %sub3A_1067 = arith.subi %div3A_1046, %sub3A_1066 : i32
    %select_n3A_1068 = arith.select %and3A_1065, %sub3A_1067, %div3A_1046 : i32
    %broadcast_in_dim3A_1069 = vector.broadcast %select_n3A_1068 : i32 to vector<16xi32>
    %swap3A_1070 = arith.constant 14 : i32
    %swap3A_1071 = arith.index_cast %swap3A_1070 : i32 to index
    %swap3A_1072 = arith.constant 0 : index
    %swap3A_1073 = tpu.vector_load %arg5[%swap3A_1071, %swap3A_1072] {strides = array<i32>} : memref<32x128xi32, #tpu.memory_space<vmem>>, vector<1x16xi32>,
    %swap3A_1074 = vector.shape_cast %swap3A_1073 : vector<1x16xi32> to vector<16xi32>
    %swap3A_1075 = vector.shape_cast %broadcast_in_dim3A_1069 : vector<16xi32> to vector<1x16xi32>
    tpu.vector_store %arg5[%swap3A_1071, %swap3A_1072], %swap3A_1075 {strides = array<i32>} : memref<32x128xi32, #tpu.memory_space<vmem>>, vector<1x16xi32>,
    %swap3A_1076 = arith.constant 14 : i32
    %swap3A_1077 = arith.index_cast %swap3A_1076 : i32 to index
    %swap3A_1078 = arith.constant 16 : index
    %swap3A_1079 = tpu.vector_load %arg5[%swap3A_1077, %swap3A_1078] {strides = array<i32>} : memref<32x128xi32, #tpu.memory_space<vmem>>, vector<1x16xi32>,
    %swap3A_1080 = vector.shape_cast %swap3A_1079 : vector<1x16xi32> to vector<16xi32>
    %swap3A_1081 = vector.shape_cast %broadcast_in_dim3A_1069 : vector<16xi32> to vector<1x16xi32>
    tpu.vector_store %arg5[%swap3A_1077, %swap3A_1078], %swap3A_1081 {strides = array<i32>} : memref<32x128xi32, #tpu.memory_space<vmem>>, vector<1x16xi32>,
    %swap3A_1082 = arith.constant 14 : i32
    %swap3A_1083 = arith.index_cast %swap3A_1082 : i32 to index
    %swap3A_1084 = arith.constant 32 : index
    %swap3A_1085 = tpu.vector_load %arg5[%swap3A_1083, %swap3A_1084] {strides = array<i32>} : memref<32x128xi32, #tpu.memory_space<vmem>>, vector<1x16xi32>,
    %swap3A_1086 = vector.shape_cast %swap3A_1085 : vector<1x16xi32> to vector<16xi32>
    %swap3A_1087 = vector.shape_cast %broadcast_in_dim3A_1069 : vector<16xi32> to vector<1x16xi32>
    tpu.vector_store %arg5[%swap3A_1083, %swap3A_1084], %swap3A_1087 {strides = array<i32>} : memref<32x128xi32, #tpu.memory_space<vmem>>, vector<1x16xi32>,
    %swap3A_1088 = arith.constant 14 : i32
    %swap3A_1089 = arith.index_cast %swap3A_1088 : i32 to index
    %swap3A_1090 = arith.constant 48 : index
    %swap3A_1091 = tpu.vector_load %arg5[%swap3A_1089, %swap3A_1090] {strides = array<i32>} : memref<32x128xi32, #tpu.memory_space<vmem>>, vector<1x16xi32>,
    %swap3A_1092 = vector.shape_cast %swap3A_1091 : vector<1x16xi32> to vector<16xi32>
    %swap3A_1093 = vector.shape_cast %broadcast_in_dim3A_1069 : vector<16xi32> to vector<1x16xi32>
    tpu.vector_store %arg5[%swap3A_1089, %swap3A_1090], %swap3A_1093 {strides = array<i32>} : memref<32x128xi32, #tpu.memory_space<vmem>>, vector<1x16xi32>,
    %swap3A_1094 = arith.constant 14 : i32
    %swap3A_1095 = arith.index_cast %swap3A_1094 : i32 to index
    %swap3A_1096 = arith.constant 64 : index
    %swap3A_1097 = tpu.vector_load %arg5[%swap3A_1095, %swap3A_1096] {strides = array<i32>} : memref<32x128xi32, #tpu.memory_space<vmem>>, vector<1x16xi32>,
    %swap3A_1098 = vector.shape_cast %swap3A_1097 : vector<1x16xi32> to vector<16xi32>
    %swap3A_1099 = vector.shape_cast %broadcast_in_dim3A_1069 : vector<16xi32> to vector<1x16xi32>
    tpu.vector_store %arg5[%swap3A_1095, %swap3A_1096], %swap3A_1099 {strides = array<i32>} : memref<32x128xi32, #tpu.memory_space<vmem>>, vector<1x16xi32>,
    %swap3A_1100 = arith.constant 14 : i32
    %swap3A_1101 = arith.index_cast %swap3A_1100 : i32 to index
    %swap3A_1102 = arith.constant 80 : index
    %swap3A_1103 = tpu.vector_load %arg5[%swap3A_1101, %swap3A_1102] {strides = array<i32>} : memref<32x128xi32, #tpu.memory_space<vmem>>, vector<1x16xi32>,
    %swap3A_1104 = vector.shape_cast %swap3A_1103 : vector<1x16xi32> to vector<16xi32>
    %swap3A_1105 = vector.shape_cast %broadcast_in_dim3A_1069 : vector<16xi32> to vector<1x16xi32>
    tpu.vector_store %arg5[%swap3A_1101, %swap3A_1102], %swap3A_1105 {strides = array<i32>} : memref<32x128xi32, #tpu.memory_space<vmem>>, vector<1x16xi32>,
    %swap3A_1106 = arith.constant 14 : i32
    %swap3A_1107 = arith.index_cast %swap3A_1106 : i32 to index
    %swap3A_1108 = arith.constant 96 : index
    %swap3A_1109 = tpu.vector_load %arg5[%swap3A_1107, %swap3A_1108] {strides = array<i32>} : memref<32x128xi32, #tpu.memory_space<vmem>>, vector<1x16xi32>,
    %swap3A_1110 = vector.shape_cast %swap3A_1109 : vector<1x16xi32> to vector<16xi32>
    %swap3A_1111 = vector.shape_cast %broadcast_in_dim3A_1069 : vector<16xi32> to vector<1x16xi32>
    tpu.vector_store %arg5[%swap3A_1107, %swap3A_1108], %swap3A_1111 {strides = array<i32>} : memref<32x128xi32, #tpu.memory_space<vmem>>, vector<1x16xi32>,
    %swap3A_1112 = arith.constant 14 : i32
    %swap3A_1113 = arith.index_cast %swap3A_1112 : i32 to index
    %swap3A_1114 = arith.constant 112 : index
    %swap3A_1115 = tpu.vector_load %arg5[%swap3A_1113, %swap3A_1114] {strides = array<i32>} : memref<32x128xi32, #tpu.memory_space<vmem>>, vector<1x16xi32>,
    %swap3A_1116 = vector.shape_cast %swap3A_1115 : vector<1x16xi32> to vector<16xi32>
    %swap3A_1117 = vector.shape_cast %broadcast_in_dim3A_1069 : vector<16xi32> to vector<1x16xi32>
    tpu.vector_store %arg5[%swap3A_1113, %swap3A_1114], %swap3A_1117 {strides = array<i32>} : memref<32x128xi32, #tpu.memory_space<vmem>>, vector<1x16xi32>,
    %add3A_1118 = arith.constant 15 : i32
    %add3A_1119 = arith.addi %mul3A_2, %add3A_1118 : i32
    %jit3A_1120 = arith.constant 8 : i32
    %div3A_1121 = arith.divsi %add3A_1119, %jit3A_1120 : i32
    %sign3A_1122 = arith.constant 0 : i32
    %sign3A_1123 = arith.cmpi sgt, %add3A_1119, %sign3A_1122 : i32
    %sign3A_1124 = arith.extui %sign3A_1123 : i1 to i32
    %sign3A_1125 = arith.constant 0 : i32
    %sign3A_1126 = arith.cmpi slt, %add3A_1119, %sign3A_1125 : i32
    %sign3A_1127 = arith.extui %sign3A_1126 : i1 to i32
    %sign3A_1128 = arith.subi %sign3A_1124, %sign3A_1127 : i32
    %sign3A_1129 = arith.constant 0 : i32
    %sign3A_1130 = arith.cmpi sgt, %jit3A_1120, %sign3A_1129 : i32
    %sign3A_1131 = arith.extui %sign3A_1130 : i1 to i32
    %sign3A_1132 = arith.constant 0 : i32
    %sign3A_1133 = arith.cmpi slt, %jit3A_1120, %sign3A_1132 : i32
    %sign3A_1134 = arith.extui %sign3A_1133 : i1 to i32
    %sign3A_1135 = arith.subi %sign3A_1131, %sign3A_1134 : i32
    %ne3A_1136 = arith.cmpi ne, %sign3A_1128, %sign3A_1135 : i32
    %rem3A_1137 = arith.remsi %add3A_1119, %jit3A_1120 : i32
    %ne3A_1138 = arith.constant 0 : i32
    %ne3A_1139 = arith.cmpi ne, %rem3A_1137, %ne3A_1138 : i32
    %and3A_1140 = arith.andi %ne3A_1136, %ne3A_1139 : i1
    %sub3A_1141 = arith.constant 1 : i32
    %sub3A_1142 = arith.subi %div3A_1121, %sub3A_1141 : i32
    %select_n3A_1143 = arith.select %and3A_1140, %sub3A_1142, %div3A_1121 : i32
    %broadcast_in_dim3A_1144 = vector.broadcast %select_n3A_1143 : i32 to vector<16xi32>
    %swap3A_1145 = arith.constant 15 : i32
    %swap3A_1146 = arith.index_cast %swap3A_1145 : i32 to index
    %swap3A_1147 = arith.constant 0 : index
    %swap3A_1148 = tpu.vector_load %arg5[%swap3A_1146, %swap3A_1147] {strides = array<i32>} : memref<32x128xi32, #tpu.memory_space<vmem>>, vector<1x16xi32>,
    %swap3A_1149 = vector.shape_cast %swap3A_1148 : vector<1x16xi32> to vector<16xi32>
    %swap3A_1150 = vector.shape_cast %broadcast_in_dim3A_1144 : vector<16xi32> to vector<1x16xi32>
    tpu.vector_store %arg5[%swap3A_1146, %swap3A_1147], %swap3A_1150 {strides = array<i32>} : memref<32x128xi32, #tpu.memory_space<vmem>>, vector<1x16xi32>,
    %swap3A_1151 = arith.constant 15 : i32
    %swap3A_1152 = arith.index_cast %swap3A_1151 : i32 to index
    %swap3A_1153 = arith.constant 16 : index
    %swap3A_1154 = tpu.vector_load %arg5[%swap3A_1152, %swap3A_1153] {strides = array<i32>} : memref<32x128xi32, #tpu.memory_space<vmem>>, vector<1x16xi32>,
    %swap3A_1155 = vector.shape_cast %swap3A_1154 : vector<1x16xi32> to vector<16xi32>
    %swap3A_1156 = vector.shape_cast %broadcast_in_dim3A_1144 : vector<16xi32> to vector<1x16xi32>
    tpu.vector_store %arg5[%swap3A_1152, %swap3A_1153], %swap3A_1156 {strides = array<i32>} : memref<32x128xi32, #tpu.memory_space<vmem>>, vector<1x16xi32>,
    %swap3A_1157 = arith.constant 15 : i32
    %swap3A_1158 = arith.index_cast %swap3A_1157 : i32 to index
    %swap3A_1159 = arith.constant 32 : index
    %swap3A_1160 = tpu.vector_load %arg5[%swap3A_1158, %swap3A_1159] {strides = array<i32>} : memref<32x128xi32, #tpu.memory_space<vmem>>, vector<1x16xi32>,
    %swap3A_1161 = vector.shape_cast %swap3A_1160 : vector<1x16xi32> to vector<16xi32>
    %swap3A_1162 = vector.shape_cast %broadcast_in_dim3A_1144 : vector<16xi32> to vector<1x16xi32>
    tpu.vector_store %arg5[%swap3A_1158, %swap3A_1159], %swap3A_1162 {strides = array<i32>} : memref<32x128xi32, #tpu.memory_space<vmem>>, vector<1x16xi32>,
    %swap3A_1163 = arith.constant 15 : i32
    %swap3A_1164 = arith.index_cast %swap3A_1163 : i32 to index
    %swap3A_1165 = arith.constant 48 : index
    %swap3A_1166 = tpu.vector_load %arg5[%swap3A_1164, %swap3A_1165] {strides = array<i32>} : memref<32x128xi32, #tpu.memory_space<vmem>>, vector<1x16xi32>,
    %swap3A_1167 = vector.shape_cast %swap3A_1166 : vector<1x16xi32> to vector<16xi32>
    %swap3A_1168 = vector.shape_cast %broadcast_in_dim3A_1144 : vector<16xi32> to vector<1x16xi32>
    tpu.vector_store %arg5[%swap3A_1164, %swap3A_1165], %swap3A_1168 {strides = array<i32>} : memref<32x128xi32, #tpu.memory_space<vmem>>, vector<1x16xi32>,
    %swap3A_1169 = arith.constant 15 : i32
    %swap3A_1170 = arith.index_cast %swap3A_1169 : i32 to index
    %swap3A_1171 = arith.constant 64 : index
    %swap3A_1172 = tpu.vector_load %arg5[%swap3A_1170, %swap3A_1171] {strides = array<i32>} : memref<32x128xi32, #tpu.memory_space<vmem>>, vector<1x16xi32>,
    %swap3A_1173 = vector.shape_cast %swap3A_1172 : vector<1x16xi32> to vector<16xi32>
    %swap3A_1174 = vector.shape_cast %broadcast_in_dim3A_1144 : vector<16xi32> to vector<1x16xi32>
    tpu.vector_store %arg5[%swap3A_1170, %swap3A_1171], %swap3A_1174 {strides = array<i32>} : memref<32x128xi32, #tpu.memory_space<vmem>>, vector<1x16xi32>,
    %swap3A_1175 = arith.constant 15 : i32
    %swap3A_1176 = arith.index_cast %swap3A_1175 : i32 to index
    %swap3A_1177 = arith.constant 80 : index
    %swap3A_1178 = tpu.vector_load %arg5[%swap3A_1176, %swap3A_1177] {strides = array<i32>} : memref<32x128xi32, #tpu.memory_space<vmem>>, vector<1x16xi32>,
    %swap3A_1179 = vector.shape_cast %swap3A_1178 : vector<1x16xi32> to vector<16xi32>
    %swap3A_1180 = vector.shape_cast %broadcast_in_dim3A_1144 : vector<16xi32> to vector<1x16xi32>
    tpu.vector_store %arg5[%swap3A_1176, %swap3A_1177], %swap3A_1180 {strides = array<i32>} : memref<32x128xi32, #tpu.memory_space<vmem>>, vector<1x16xi32>,
    %swap3A_1181 = arith.constant 15 : i32
    %swap3A_1182 = arith.index_cast %swap3A_1181 : i32 to index
    %swap3A_1183 = arith.constant 96 : index
    %swap3A_1184 = tpu.vector_load %arg5[%swap3A_1182, %swap3A_1183] {strides = array<i32>} : memref<32x128xi32, #tpu.memory_space<vmem>>, vector<1x16xi32>,
    %swap3A_1185 = vector.shape_cast %swap3A_1184 : vector<1x16xi32> to vector<16xi32>
    %swap3A_1186 = vector.shape_cast %broadcast_in_dim3A_1144 : vector<16xi32> to vector<1x16xi32>
    tpu.vector_store %arg5[%swap3A_1182, %swap3A_1183], %swap3A_1186 {strides = array<i32>} : memref<32x128xi32, #tpu.memory_space<vmem>>, vector<1x16xi32>,
    %swap3A_1187 = arith.constant 15 : i32
    %swap3A_1188 = arith.index_cast %swap3A_1187 : i32 to index
    %swap3A_1189 = arith.constant 112 : index
    %swap3A_1190 = tpu.vector_load %arg5[%swap3A_1188, %swap3A_1189] {strides = array<i32>} : memref<32x128xi32, #tpu.memory_space<vmem>>, vector<1x16xi32>,
    %swap3A_1191 = vector.shape_cast %swap3A_1190 : vector<1x16xi32> to vector<16xi32>
    %swap3A_1192 = vector.shape_cast %broadcast_in_dim3A_1144 : vector<16xi32> to vector<1x16xi32>
    tpu.vector_store %arg5[%swap3A_1188, %swap3A_1189], %swap3A_1192 {strides = array<i32>} : memref<32x128xi32, #tpu.memory_space<vmem>>, vector<1x16xi32>,
    %add3A_1193 = arith.constant 16 : i32
    %add3A_1194 = arith.addi %mul3A_2, %add3A_1193 : i32
    %jit3A_1195 = arith.constant 8 : i32
    %div3A_1196 = arith.divsi %add3A_1194, %jit3A_1195 : i32
    %sign3A_1197 = arith.constant 0 : i32
    %sign3A_1198 = arith.cmpi sgt, %add3A_1194, %sign3A_1197 : i32
    %sign3A_1199 = arith.extui %sign3A_1198 : i1 to i32
    %sign3A_1200 = arith.constant 0 : i32
    %sign3A_1201 = arith.cmpi slt, %add3A_1194, %sign3A_1200 : i32
    %sign3A_1202 = arith.extui %sign3A_1201 : i1 to i32
    %sign3A_1203 = arith.subi %sign3A_1199, %sign3A_1202 : i32
    %sign3A_1204 = arith.constant 0 : i32
    %sign3A_1205 = arith.cmpi sgt, %jit3A_1195, %sign3A_1204 : i32
    %sign3A_1206 = arith.extui %sign3A_1205 : i1 to i32
    %sign3A_1207 = arith.constant 0 : i32
    %sign3A_1208 = arith.cmpi slt, %jit3A_1195, %sign3A_1207 : i32
    %sign3A_1209 = arith.extui %sign3A_1208 : i1 to i32
    %sign3A_1210 = arith.subi %sign3A_1206, %sign3A_1209 : i32
    %ne3A_1211 = arith.cmpi ne, %sign3A_1203, %sign3A_1210 : i32
    %rem3A_1212 = arith.remsi %add3A_1194, %jit3A_1195 : i32
    %ne3A_1213 = arith.constant 0 : i32
    %ne3A_1214 = arith.cmpi ne, %rem3A_1212, %ne3A_1213 : i32
    %and3A_1215 = arith.andi %ne3A_1211, %ne3A_1214 : i1
    %sub3A_1216 = arith.constant 1 : i32
    %sub3A_1217 = arith.subi %div3A_1196, %sub3A_1216 : i32
    %select_n3A_1218 = arith.select %and3A_1215, %sub3A_1217, %div3A_1196 : i32
    %broadcast_in_dim3A_1219 = vector.broadcast %select_n3A_1218 : i32 to vector<16xi32>
    %swap3A_1220 = arith.constant 16 : i32
    %swap3A_1221 = arith.index_cast %swap3A_1220 : i32 to index
    %swap3A_1222 = arith.constant 0 : index
    %swap3A_1223 = tpu.vector_load %arg5[%swap3A_1221, %swap3A_1222] {strides = array<i32>} : memref<32x128xi32, #tpu.memory_space<vmem>>, vector<1x16xi32>,
    %swap3A_1224 = vector.shape_cast %swap3A_1223 : vector<1x16xi32> to vector<16xi32>
    %swap3A_1225 = vector.shape_cast %broadcast_in_dim3A_1219 : vector<16xi32> to vector<1x16xi32>
    tpu.vector_store %arg5[%swap3A_1221, %swap3A_1222], %swap3A_1225 {strides = array<i32>} : memref<32x128xi32, #tpu.memory_space<vmem>>, vector<1x16xi32>,
    %swap3A_1226 = arith.constant 16 : i32
    %swap3A_1227 = arith.index_cast %swap3A_1226 : i32 to index
    %swap3A_1228 = arith.constant 16 : index
    %swap3A_1229 = tpu.vector_load %arg5[%swap3A_1227, %swap3A_1228] {strides = array<i32>} : memref<32x128xi32, #tpu.memory_space<vmem>>, vector<1x16xi32>,
    %swap3A_1230 = vector.shape_cast %swap3A_1229 : vector<1x16xi32> to vector<16xi32>
    %swap3A_1231 = vector.shape_cast %broadcast_in_dim3A_1219 : vector<16xi32> to vector<1x16xi32>
    tpu.vector_store %arg5[%swap3A_1227, %swap3A_1228], %swap3A_1231 {strides = array<i32>} : memref<32x128xi32, #tpu.memory_space<vmem>>, vector<1x16xi32>,
    %swap3A_1232 = arith.constant 16 : i32
    %swap3A_1233 = arith.index_cast %swap3A_1232 : i32 to index
    %swap3A_1234 = arith.constant 32 : index
    %swap3A_1235 = tpu.vector_load %arg5[%swap3A_1233, %swap3A_1234] {strides = array<i32>} : memref<32x128xi32, #tpu.memory_space<vmem>>, vector<1x16xi32>,
    %swap3A_1236 = vector.shape_cast %swap3A_1235 : vector<1x16xi32> to vector<16xi32>
    %swap3A_1237 = vector.shape_cast %broadcast_in_dim3A_1219 : vector<16xi32> to vector<1x16xi32>
    tpu.vector_store %arg5[%swap3A_1233, %swap3A_1234], %swap3A_1237 {strides = array<i32>} : memref<32x128xi32, #tpu.memory_space<vmem>>, vector<1x16xi32>,
    %swap3A_1238 = arith.constant 16 : i32
    %swap3A_1239 = arith.index_cast %swap3A_1238 : i32 to index
    %swap3A_1240 = arith.constant 48 : index
    %swap3A_1241 = tpu.vector_load %arg5[%swap3A_1239, %swap3A_1240] {strides = array<i32>} : memref<32x128xi32, #tpu.memory_space<vmem>>, vector<1x16xi32>,
    %swap3A_1242 = vector.shape_cast %swap3A_1241 : vector<1x16xi32> to vector<16xi32>
    %swap3A_1243 = vector.shape_cast %broadcast_in_dim3A_1219 : vector<16xi32> to vector<1x16xi32>
    tpu.vector_store %arg5[%swap3A_1239, %swap3A_1240], %swap3A_1243 {strides = array<i32>} : memref<32x128xi32, #tpu.memory_space<vmem>>, vector<1x16xi32>,
    %swap3A_1244 = arith.constant 16 : i32
    %swap3A_1245 = arith.index_cast %swap3A_1244 : i32 to index
    %swap3A_1246 = arith.constant 64 : index
    %swap3A_1247 = tpu.vector_load %arg5[%swap3A_1245, %swap3A_1246] {strides = array<i32>} : memref<32x128xi32, #tpu.memory_space<vmem>>, vector<1x16xi32>,
    %swap3A_1248 = vector.shape_cast %swap3A_1247 : vector<1x16xi32> to vector<16xi32>
    %swap3A_1249 = vector.shape_cast %broadcast_in_dim3A_1219 : vector<16xi32> to vector<1x16xi32>
    tpu.vector_store %arg5[%swap3A_1245, %swap3A_1246], %swap3A_1249 {strides = array<i32>} : memref<32x128xi32, #tpu.memory_space<vmem>>, vector<1x16xi32>,
    %swap3A_1250 = arith.constant 16 : i32
    %swap3A_1251 = arith.index_cast %swap3A_1250 : i32 to index
    %swap3A_1252 = arith.constant 80 : index
    %swap3A_1253 = tpu.vector_load %arg5[%swap3A_1251, %swap3A_1252] {strides = array<i32>} : memref<32x128xi32, #tpu.memory_space<vmem>>, vector<1x16xi32>,
    %swap3A_1254 = vector.shape_cast %swap3A_1253 : vector<1x16xi32> to vector<16xi32>
    %swap3A_1255 = vector.shape_cast %broadcast_in_dim3A_1219 : vector<16xi32> to vector<1x16xi32>
    tpu.vector_store %arg5[%swap3A_1251, %swap3A_1252], %swap3A_1255 {strides = array<i32>} : memref<32x128xi32, #tpu.memory_space<vmem>>, vector<1x16xi32>,
    %swap3A_1256 = arith.constant 16 : i32
    %swap3A_1257 = arith.index_cast %swap3A_1256 : i32 to index
    %swap3A_1258 = arith.constant 96 : index
    %swap3A_1259 = tpu.vector_load %arg5[%swap3A_1257, %swap3A_1258] {strides = array<i32>} : memref<32x128xi32, #tpu.memory_space<vmem>>, vector<1x16xi32>,
    %swap3A_1260 = vector.shape_cast %swap3A_1259 : vector<1x16xi32> to vector<16xi32>
    %swap3A_1261 = vector.shape_cast %broadcast_in_dim3A_1219 : vector<16xi32> to vector<1x16xi32>
    tpu.vector_store %arg5[%swap3A_1257, %swap3A_1258], %swap3A_1261 {strides = array<i32>} : memref<32x128xi32, #tpu.memory_space<vmem>>, vector<1x16xi32>,
    %swap3A_1262 = arith.constant 16 : i32
    %swap3A_1263 = arith.index_cast %swap3A_1262 : i32 to index
    %swap3A_1264 = arith.constant 112 : index
    %swap3A_1265 = tpu.vector_load %arg5[%swap3A_1263, %swap3A_1264] {strides = array<i32>} : memref<32x128xi32, #tpu.memory_space<vmem>>, vector<1x16xi32>,
    %swap3A_1266 = vector.shape_cast %swap3A_1265 : vector<1x16xi32> to vector<16xi32>
    %swap3A_1267 = vector.shape_cast %broadcast_in_dim3A_1219 : vector<16xi32> to vector<1x16xi32>
    tpu.vector_store %arg5[%swap3A_1263, %swap3A_1264], %swap3A_1267 {strides = array<i32>} : memref<32x128xi32, #tpu.memory_space<vmem>>, vector<1x16xi32>,
    %add3A_1268 = arith.constant 17 : i32
    %add3A_1269 = arith.addi %mul3A_2, %add3A_1268 : i32
    %jit3A_1270 = arith.constant 8 : i32
    %div3A_1271 = arith.divsi %add3A_1269, %jit3A_1270 : i32
    %sign3A_1272 = arith.constant 0 : i32
    %sign3A_1273 = arith.cmpi sgt, %add3A_1269, %sign3A_1272 : i32
    %sign3A_1274 = arith.extui %sign3A_1273 : i1 to i32
    %sign3A_1275 = arith.constant 0 : i32
    %sign3A_1276 = arith.cmpi slt, %add3A_1269, %sign3A_1275 : i32
    %sign3A_1277 = arith.extui %sign3A_1276 : i1 to i32
    %sign3A_1278 = arith.subi %sign3A_1274, %sign3A_1277 : i32
    %sign3A_1279 = arith.constant 0 : i32
    %sign3A_1280 = arith.cmpi sgt, %jit3A_1270, %sign3A_1279 : i32
    %sign3A_1281 = arith.extui %sign3A_1280 : i1 to i32
    %sign3A_1282 = arith.constant 0 : i32
    %sign3A_1283 = arith.cmpi slt, %jit3A_1270, %sign3A_1282 : i32
    %sign3A_1284 = arith.extui %sign3A_1283 : i1 to i32
    %sign3A_1285 = arith.subi %sign3A_1281, %sign3A_1284 : i32
    %ne3A_1286 = arith.cmpi ne, %sign3A_1278, %sign3A_1285 : i32
    %rem3A_1287 = arith.remsi %add3A_1269, %jit3A_1270 : i32
    %ne3A_1288 = arith.constant 0 : i32
    %ne3A_1289 = arith.cmpi ne, %rem3A_1287, %ne3A_1288 : i32
    %and3A_1290 = arith.andi %ne3A_1286, %ne3A_1289 : i1
    %sub3A_1291 = arith.constant 1 : i32
    %sub3A_1292 = arith.subi %div3A_1271, %sub3A_1291 : i32
    %select_n3A_1293 = arith.select %and3A_1290, %sub3A_1292, %div3A_1271 : i32
    %broadcast_in_dim3A_1294 = vector.broadcast %select_n3A_1293 : i32 to vector<16xi32>
    %swap3A_1295 = arith.constant 17 : i32
    %swap3A_1296 = arith.index_cast %swap3A_1295 : i32 to index
    %swap3A_1297 = arith.constant 0 : index
    %swap3A_1298 = tpu.vector_load %arg5[%swap3A_1296, %swap3A_1297] {strides = array<i32>} : memref<32x128xi32, #tpu.memory_space<vmem>>, vector<1x16xi32>,
    %swap3A_1299 = vector.shape_cast %swap3A_1298 : vector<1x16xi32> to vector<16xi32>
    %swap3A_1300 = vector.shape_cast %broadcast_in_dim3A_1294 : vector<16xi32> to vector<1x16xi32>
    tpu.vector_store %arg5[%swap3A_1296, %swap3A_1297], %swap3A_1300 {strides = array<i32>} : memref<32x128xi32, #tpu.memory_space<vmem>>, vector<1x16xi32>,
    %swap3A_1301 = arith.constant 17 : i32
    %swap3A_1302 = arith.index_cast %swap3A_1301 : i32 to index
    %swap3A_1303 = arith.constant 16 : index
    %swap3A_1304 = tpu.vector_load %arg5[%swap3A_1302, %swap3A_1303] {strides = array<i32>} : memref<32x128xi32, #tpu.memory_space<vmem>>, vector<1x16xi32>,
    %swap3A_1305 = vector.shape_cast %swap3A_1304 : vector<1x16xi32> to vector<16xi32>
    %swap3A_1306 = vector.shape_cast %broadcast_in_dim3A_1294 : vector<16xi32> to vector<1x16xi32>
    tpu.vector_store %arg5[%swap3A_1302, %swap3A_1303], %swap3A_1306 {strides = array<i32>} : memref<32x128xi32, #tpu.memory_space<vmem>>, vector<1x16xi32>,
    %swap3A_1307 = arith.constant 17 : i32
    %swap3A_1308 = arith.index_cast %swap3A_1307 : i32 to index
    %swap3A_1309 = arith.constant 32 : index
    %swap3A_1310 = tpu.vector_load %arg5[%swap3A_1308, %swap3A_1309] {strides = array<i32>} : memref<32x128xi32, #tpu.memory_space<vmem>>, vector<1x16xi32>,
    %swap3A_1311 = vector.shape_cast %swap3A_1310 : vector<1x16xi32> to vector<16xi32>
    %swap3A_1312 = vector.shape_cast %broadcast_in_dim3A_1294 : vector<16xi32> to vector<1x16xi32>
    tpu.vector_store %arg5[%swap3A_1308, %swap3A_1309], %swap3A_1312 {strides = array<i32>} : memref<32x128xi32, #tpu.memory_space<vmem>>, vector<1x16xi32>,
    %swap3A_1313 = arith.constant 17 : i32
    %swap3A_1314 = arith.index_cast %swap3A_1313 : i32 to index
    %swap3A_1315 = arith.constant 48 : index
    %swap3A_1316 = tpu.vector_load %arg5[%swap3A_1314, %swap3A_1315] {strides = array<i32>} : memref<32x128xi32, #tpu.memory_space<vmem>>, vector<1x16xi32>,
    %swap3A_1317 = vector.shape_cast %swap3A_1316 : vector<1x16xi32> to vector<16xi32>
    %swap3A_1318 = vector.shape_cast %broadcast_in_dim3A_1294 : vector<16xi32> to vector<1x16xi32>
    tpu.vector_store %arg5[%swap3A_1314, %swap3A_1315], %swap3A_1318 {strides = array<i32>} : memref<32x128xi32, #tpu.memory_space<vmem>>, vector<1x16xi32>,
    %swap3A_1319 = arith.constant 17 : i32
    %swap3A_1320 = arith.index_cast %swap3A_1319 : i32 to index
    %swap3A_1321 = arith.constant 64 : index
    %swap3A_1322 = tpu.vector_load %arg5[%swap3A_1320, %swap3A_1321] {strides = array<i32>} : memref<32x128xi32, #tpu.memory_space<vmem>>, vector<1x16xi32>,
    %swap3A_1323 = vector.shape_cast %swap3A_1322 : vector<1x16xi32> to vector<16xi32>
    %swap3A_1324 = vector.shape_cast %broadcast_in_dim3A_1294 : vector<16xi32> to vector<1x16xi32>
    tpu.vector_store %arg5[%swap3A_1320, %swap3A_1321], %swap3A_1324 {strides = array<i32>} : memref<32x128xi32, #tpu.memory_space<vmem>>, vector<1x16xi32>,
    %swap3A_1325 = arith.constant 17 : i32
    %swap3A_1326 = arith.index_cast %swap3A_1325 : i32 to index
    %swap3A_1327 = arith.constant 80 : index
    %swap3A_1328 = tpu.vector_load %arg5[%swap3A_1326, %swap3A_1327] {strides = array<i32>} : memref<32x128xi32, #tpu.memory_space<vmem>>, vector<1x16xi32>,
    %swap3A_1329 = vector.shape_cast %swap3A_1328 : vector<1x16xi32> to vector<16xi32>
    %swap3A_1330 = vector.shape_cast %broadcast_in_dim3A_1294 : vector<16xi32> to vector<1x16xi32>
    tpu.vector_store %arg5[%swap3A_1326, %swap3A_1327], %swap3A_1330 {strides = array<i32>} : memref<32x128xi32, #tpu.memory_space<vmem>>, vector<1x16xi32>,
    %swap3A_1331 = arith.constant 17 : i32
    %swap3A_1332 = arith.index_cast %swap3A_1331 : i32 to index
    %swap3A_1333 = arith.constant 96 : index
    %swap3A_1334 = tpu.vector_load %arg5[%swap3A_1332, %swap3A_1333] {strides = array<i32>} : memref<32x128xi32, #tpu.memory_space<vmem>>, vector<1x16xi32>,
    %swap3A_1335 = vector.shape_cast %swap3A_1334 : vector<1x16xi32> to vector<16xi32>
    %swap3A_1336 = vector.shape_cast %broadcast_in_dim3A_1294 : vector<16xi32> to vector<1x16xi32>
    tpu.vector_store %arg5[%swap3A_1332, %swap3A_1333], %swap3A_1336 {strides = array<i32>} : memref<32x128xi32, #tpu.memory_space<vmem>>, vector<1x16xi32>,
    %swap3A_1337 = arith.constant 17 : i32
    %swap3A_1338 = arith.index_cast %swap3A_1337 : i32 to index
    %swap3A_1339 = arith.constant 112 : index
    %swap3A_1340 = tpu.vector_load %arg5[%swap3A_1338, %swap3A_1339] {strides = array<i32>} : memref<32x128xi32, #tpu.memory_space<vmem>>, vector<1x16xi32>,
    %swap3A_1341 = vector.shape_cast %swap3A_1340 : vector<1x16xi32> to vector<16xi32>
    %swap3A_1342 = vector.shape_cast %broadcast_in_dim3A_1294 : vector<16xi32> to vector<1x16xi32>
    tpu.vector_store %arg5[%swap3A_1338, %swap3A_1339], %swap3A_1342 {strides = array<i32>} : memref<32x128xi32, #tpu.memory_space<vmem>>, vector<1x16xi32>,
    %add3A_1343 = arith.constant 18 : i32
    %add3A_1344 = arith.addi %mul3A_2, %add3A_1343 : i32
    %jit3A_1345 = arith.constant 8 : i32
    %div3A_1346 = arith.divsi %add3A_1344, %jit3A_1345 : i32
    %sign3A_1347 = arith.constant 0 : i32
    %sign3A_1348 = arith.cmpi sgt, %add3A_1344, %sign3A_1347 : i32
    %sign3A_1349 = arith.extui %sign3A_1348 : i1 to i32
    %sign3A_1350 = arith.constant 0 : i32
    %sign3A_1351 = arith.cmpi slt, %add3A_1344, %sign3A_1350 : i32
    %sign3A_1352 = arith.extui %sign3A_1351 : i1 to i32
    %sign3A_1353 = arith.subi %sign3A_1349, %sign3A_1352 : i32
    %sign3A_1354 = arith.constant 0 : i32
    %sign3A_1355 = arith.cmpi sgt, %jit3A_1345, %sign3A_1354 : i32
    %sign3A_1356 = arith.extui %sign3A_1355 : i1 to i32
    %sign3A_1357 = arith.constant 0 : i32
    %sign3A_1358 = arith.cmpi slt, %jit3A_1345, %sign3A_1357 : i32
    %sign3A_1359 = arith.extui %sign3A_1358 : i1 to i32
    %sign3A_1360 = arith.subi %sign3A_1356, %sign3A_1359 : i32
    %ne3A_1361 = arith.cmpi ne, %sign3A_1353, %sign3A_1360 : i32
    %rem3A_1362 = arith.remsi %add3A_1344, %jit3A_1345 : i32
    %ne3A_1363 = arith.constant 0 : i32
    %ne3A_1364 = arith.cmpi ne, %rem3A_1362, %ne3A_1363 : i32
    %and3A_1365 = arith.andi %ne3A_1361, %ne3A_1364 : i1
    %sub3A_1366 = arith.constant 1 : i32
    %sub3A_1367 = arith.subi %div3A_1346, %sub3A_1366 : i32
    %select_n3A_1368 = arith.select %and3A_1365, %sub3A_1367, %div3A_1346 : i32
    %broadcast_in_dim3A_1369 = vector.broadcast %select_n3A_1368 : i32 to vector<16xi32>
    %swap3A_1370 = arith.constant 18 : i32
    %swap3A_1371 = arith.index_cast %swap3A_1370 : i32 to index
    %swap3A_1372 = arith.constant 0 : index
    %swap3A_1373 = tpu.vector_load %arg5[%swap3A_1371, %swap3A_1372] {strides = array<i32>} : memref<32x128xi32, #tpu.memory_space<vmem>>, vector<1x16xi32>,
    %swap3A_1374 = vector.shape_cast %swap3A_1373 : vector<1x16xi32> to vector<16xi32>
    %swap3A_1375 = vector.shape_cast %broadcast_in_dim3A_1369 : vector<16xi32> to vector<1x16xi32>
    tpu.vector_store %arg5[%swap3A_1371, %swap3A_1372], %swap3A_1375 {strides = array<i32>} : memref<32x128xi32, #tpu.memory_space<vmem>>, vector<1x16xi32>,
    %swap3A_1376 = arith.constant 18 : i32
    %swap3A_1377 = arith.index_cast %swap3A_1376 : i32 to index
    %swap3A_1378 = arith.constant 16 : index
    %swap3A_1379 = tpu.vector_load %arg5[%swap3A_1377, %swap3A_1378] {strides = array<i32>} : memref<32x128xi32, #tpu.memory_space<vmem>>, vector<1x16xi32>,
    %swap3A_1380 = vector.shape_cast %swap3A_1379 : vector<1x16xi32> to vector<16xi32>
    %swap3A_1381 = vector.shape_cast %broadcast_in_dim3A_1369 : vector<16xi32> to vector<1x16xi32>
    tpu.vector_store %arg5[%swap3A_1377, %swap3A_1378], %swap3A_1381 {strides = array<i32>} : memref<32x128xi32, #tpu.memory_space<vmem>>, vector<1x16xi32>,
    %swap3A_1382 = arith.constant 18 : i32
    %swap3A_1383 = arith.index_cast %swap3A_1382 : i32 to index
    %swap3A_1384 = arith.constant 32 : index
    %swap3A_1385 = tpu.vector_load %arg5[%swap3A_1383, %swap3A_1384] {strides = array<i32>} : memref<32x128xi32, #tpu.memory_space<vmem>>, vector<1x16xi32>,
    %swap3A_1386 = vector.shape_cast %swap3A_1385 : vector<1x16xi32> to vector<16xi32>
    %swap3A_1387 = vector.shape_cast %broadcast_in_dim3A_1369 : vector<16xi32> to vector<1x16xi32>
    tpu.vector_store %arg5[%swap3A_1383, %swap3A_1384], %swap3A_1387 {strides = array<i32>} : memref<32x128xi32, #tpu.memory_space<vmem>>, vector<1x16xi32>,
    %swap3A_1388 = arith.constant 18 : i32
    %swap3A_1389 = arith.index_cast %swap3A_1388 : i32 to index
    %swap3A_1390 = arith.constant 48 : index
    %swap3A_1391 = tpu.vector_load %arg5[%swap3A_1389, %swap3A_1390] {strides = array<i32>} : memref<32x128xi32, #tpu.memory_space<vmem>>, vector<1x16xi32>,
    %swap3A_1392 = vector.shape_cast %swap3A_1391 : vector<1x16xi32> to vector<16xi32>
    %swap3A_1393 = vector.shape_cast %broadcast_in_dim3A_1369 : vector<16xi32> to vector<1x16xi32>
    tpu.vector_store %arg5[%swap3A_1389, %swap3A_1390], %swap3A_1393 {strides = array<i32>} : memref<32x128xi32, #tpu.memory_space<vmem>>, vector<1x16xi32>,
    %swap3A_1394 = arith.constant 18 : i32
    %swap3A_1395 = arith.index_cast %swap3A_1394 : i32 to index
    %swap3A_1396 = arith.constant 64 : index
    %swap3A_1397 = tpu.vector_load %arg5[%swap3A_1395, %swap3A_1396] {strides = array<i32>} : memref<32x128xi32, #tpu.memory_space<vmem>>, vector<1x16xi32>,
    %swap3A_1398 = vector.shape_cast %swap3A_1397 : vector<1x16xi32> to vector<16xi32>
    %swap3A_1399 = vector.shape_cast %broadcast_in_dim3A_1369 : vector<16xi32> to vector<1x16xi32>
    tpu.vector_store %arg5[%swap3A_1395, %swap3A_1396], %swap3A_1399 {strides = array<i32>} : memref<32x128xi32, #tpu.memory_space<vmem>>, vector<1x16xi32>,
    %swap3A_1400 = arith.constant 18 : i32
    %swap3A_1401 = arith.index_cast %swap3A_1400 : i32 to index
    %swap3A_1402 = arith.constant 80 : index
    %swap3A_1403 = tpu.vector_load %arg5[%swap3A_1401, %swap3A_1402] {strides = array<i32>} : memref<32x128xi32, #tpu.memory_space<vmem>>, vector<1x16xi32>,
    %swap3A_1404 = vector.shape_cast %swap3A_1403 : vector<1x16xi32> to vector<16xi32>
    %swap3A_1405 = vector.shape_cast %broadcast_in_dim3A_1369 : vector<16xi32> to vector<1x16xi32>
    tpu.vector_store %arg5[%swap3A_1401, %swap3A_1402], %swap3A_1405 {strides = array<i32>} : memref<32x128xi32, #tpu.memory_space<vmem>>, vector<1x16xi32>,
    %swap3A_1406 = arith.constant 18 : i32
    %swap3A_1407 = arith.index_cast %swap3A_1406 : i32 to index
    %swap3A_1408 = arith.constant 96 : index
    %swap3A_1409 = tpu.vector_load %arg5[%swap3A_1407, %swap3A_1408] {strides = array<i32>} : memref<32x128xi32, #tpu.memory_space<vmem>>, vector<1x16xi32>,
    %swap3A_1410 = vector.shape_cast %swap3A_1409 : vector<1x16xi32> to vector<16xi32>
    %swap3A_1411 = vector.shape_cast %broadcast_in_dim3A_1369 : vector<16xi32> to vector<1x16xi32>
    tpu.vector_store %arg5[%swap3A_1407, %swap3A_1408], %swap3A_1411 {strides = array<i32>} : memref<32x128xi32, #tpu.memory_space<vmem>>, vector<1x16xi32>,
    %swap3A_1412 = arith.constant 18 : i32
    %swap3A_1413 = arith.index_cast %swap3A_1412 : i32 to index
    %swap3A_1414 = arith.constant 112 : index
    %swap3A_1415 = tpu.vector_load %arg5[%swap3A_1413, %swap3A_1414] {strides = array<i32>} : memref<32x128xi32, #tpu.memory_space<vmem>>, vector<1x16xi32>,
    %swap3A_1416 = vector.shape_cast %swap3A_1415 : vector<1x16xi32> to vector<16xi32>
    %swap3A_1417 = vector.shape_cast %broadcast_in_dim3A_1369 : vector<16xi32> to vector<1x16xi32>
    tpu.vector_store %arg5[%swap3A_1413, %swap3A_1414], %swap3A_1417 {strides = array<i32>} : memref<32x128xi32, #tpu.memory_space<vmem>>, vector<1x16xi32>,
    %add3A_1418 = arith.constant 19 : i32
    %add3A_1419 = arith.addi %mul3A_2, %add3A_1418 : i32
    %jit3A_1420 = arith.constant 8 : i32
    %div3A_1421 = arith.divsi %add3A_1419, %jit3A_1420 : i32
    %sign3A_1422 = arith.constant 0 : i32
    %sign3A_1423 = arith.cmpi sgt, %add3A_1419, %sign3A_1422 : i32
    %sign3A_1424 = arith.extui %sign3A_1423 : i1 to i32
    %sign3A_1425 = arith.constant 0 : i32
    %sign3A_1426 = arith.cmpi slt, %add3A_1419, %sign3A_1425 : i32
    %sign3A_1427 = arith.extui %sign3A_1426 : i1 to i32
    %sign3A_1428 = arith.subi %sign3A_1424, %sign3A_1427 : i32
    %sign3A_1429 = arith.constant 0 : i32
    %sign3A_1430 = arith.cmpi sgt, %jit3A_1420, %sign3A_1429 : i32
    %sign3A_1431 = arith.extui %sign3A_1430 : i1 to i32
    %sign3A_1432 = arith.constant 0 : i32
    %sign3A_1433 = arith.cmpi slt, %jit3A_1420, %sign3A_1432 : i32
    %sign3A_1434 = arith.extui %sign3A_1433 : i1 to i32
    %sign3A_1435 = arith.subi %sign3A_1431, %sign3A_1434 : i32
    %ne3A_1436 = arith.cmpi ne, %sign3A_1428, %sign3A_1435 : i32
    %rem3A_1437 = arith.remsi %add3A_1419, %jit3A_1420 : i32
    %ne3A_1438 = arith.constant 0 : i32
    %ne3A_1439 = arith.cmpi ne, %rem3A_1437, %ne3A_1438 : i32
    %and3A_1440 = arith.andi %ne3A_1436, %ne3A_1439 : i1
    %sub3A_1441 = arith.constant 1 : i32
    %sub3A_1442 = arith.subi %div3A_1421, %sub3A_1441 : i32
    %select_n3A_1443 = arith.select %and3A_1440, %sub3A_1442, %div3A_1421 : i32
    %broadcast_in_dim3A_1444 = vector.broadcast %select_n3A_1443 : i32 to vector<16xi32>
    %swap3A_1445 = arith.constant 19 : i32
    %swap3A_1446 = arith.index_cast %swap3A_1445 : i32 to index
    %swap3A_1447 = arith.constant 0 : index
    %swap3A_1448 = tpu.vector_load %arg5[%swap3A_1446, %swap3A_1447] {strides = array<i32>} : memref<32x128xi32, #tpu.memory_space<vmem>>, vector<1x16xi32>,
    %swap3A_1449 = vector.shape_cast %swap3A_1448 : vector<1x16xi32> to vector<16xi32>
    %swap3A_1450 = vector.shape_cast %broadcast_in_dim3A_1444 : vector<16xi32> to vector<1x16xi32>
    tpu.vector_store %arg5[%swap3A_1446, %swap3A_1447], %swap3A_1450 {strides = array<i32>} : memref<32x128xi32, #tpu.memory_space<vmem>>, vector<1x16xi32>,
    %swap3A_1451 = arith.constant 19 : i32
    %swap3A_1452 = arith.index_cast %swap3A_1451 : i32 to index
    %swap3A_1453 = arith.constant 16 : index
    %swap3A_1454 = tpu.vector_load %arg5[%swap3A_1452, %swap3A_1453] {strides = array<i32>} : memref<32x128xi32, #tpu.memory_space<vmem>>, vector<1x16xi32>,
    %swap3A_1455 = vector.shape_cast %swap3A_1454 : vector<1x16xi32> to vector<16xi32>
    %swap3A_1456 = vector.shape_cast %broadcast_in_dim3A_1444 : vector<16xi32> to vector<1x16xi32>
    tpu.vector_store %arg5[%swap3A_1452, %swap3A_1453], %swap3A_1456 {strides = array<i32>} : memref<32x128xi32, #tpu.memory_space<vmem>>, vector<1x16xi32>,
    %swap3A_1457 = arith.constant 19 : i32
    %swap3A_1458 = arith.index_cast %swap3A_1457 : i32 to index
    %swap3A_1459 = arith.constant 32 : index
    %swap3A_1460 = tpu.vector_load %arg5[%swap3A_1458, %swap3A_1459] {strides = array<i32>} : memref<32x128xi32, #tpu.memory_space<vmem>>, vector<1x16xi32>,
    %swap3A_1461 = vector.shape_cast %swap3A_1460 : vector<1x16xi32> to vector<16xi32>
    %swap3A_1462 = vector.shape_cast %broadcast_in_dim3A_1444 : vector<16xi32> to vector<1x16xi32>
    tpu.vector_store %arg5[%swap3A_1458, %swap3A_1459], %swap3A_1462 {strides = array<i32>} : memref<32x128xi32, #tpu.memory_space<vmem>>, vector<1x16xi32>,
    %swap3A_1463 = arith.constant 19 : i32
    %swap3A_1464 = arith.index_cast %swap3A_1463 : i32 to index
    %swap3A_1465 = arith.constant 48 : index
    %swap3A_1466 = tpu.vector_load %arg5[%swap3A_1464, %swap3A_1465] {strides = array<i32>} : memref<32x128xi32, #tpu.memory_space<vmem>>, vector<1x16xi32>,
    %swap3A_1467 = vector.shape_cast %swap3A_1466 : vector<1x16xi32> to vector<16xi32>
    %swap3A_1468 = vector.shape_cast %broadcast_in_dim3A_1444 : vector<16xi32> to vector<1x16xi32>
    tpu.vector_store %arg5[%swap3A_1464, %swap3A_1465], %swap3A_1468 {strides = array<i32>} : memref<32x128xi32, #tpu.memory_space<vmem>>, vector<1x16xi32>,
    %swap3A_1469 = arith.constant 19 : i32
    %swap3A_1470 = arith.index_cast %swap3A_1469 : i32 to index
    %swap3A_1471 = arith.constant 64 : index
    %swap3A_1472 = tpu.vector_load %arg5[%swap3A_1470, %swap3A_1471] {strides = array<i32>} : memref<32x128xi32, #tpu.memory_space<vmem>>, vector<1x16xi32>,
    %swap3A_1473 = vector.shape_cast %swap3A_1472 : vector<1x16xi32> to vector<16xi32>
    %swap3A_1474 = vector.shape_cast %broadcast_in_dim3A_1444 : vector<16xi32> to vector<1x16xi32>
    tpu.vector_store %arg5[%swap3A_1470, %swap3A_1471], %swap3A_1474 {strides = array<i32>} : memref<32x128xi32, #tpu.memory_space<vmem>>, vector<1x16xi32>,
    %swap3A_1475 = arith.constant 19 : i32
    %swap3A_1476 = arith.index_cast %swap3A_1475 : i32 to index
    %swap3A_1477 = arith.constant 80 : index
    %swap3A_1478 = tpu.vector_load %arg5[%swap3A_1476, %swap3A_1477] {strides = array<i32>} : memref<32x128xi32, #tpu.memory_space<vmem>>, vector<1x16xi32>,
    %swap3A_1479 = vector.shape_cast %swap3A_1478 : vector<1x16xi32> to vector<16xi32>
    %swap3A_1480 = vector.shape_cast %broadcast_in_dim3A_1444 : vector<16xi32> to vector<1x16xi32>
    tpu.vector_store %arg5[%swap3A_1476, %swap3A_1477], %swap3A_1480 {strides = array<i32>} : memref<32x128xi32, #tpu.memory_space<vmem>>, vector<1x16xi32>,
    %swap3A_1481 = arith.constant 19 : i32
    %swap3A_1482 = arith.index_cast %swap3A_1481 : i32 to index
    %swap3A_1483 = arith.constant 96 : index
    %swap3A_1484 = tpu.vector_load %arg5[%swap3A_1482, %swap3A_1483] {strides = array<i32>} : memref<32x128xi32, #tpu.memory_space<vmem>>, vector<1x16xi32>,
    %swap3A_1485 = vector.shape_cast %swap3A_1484 : vector<1x16xi32> to vector<16xi32>
    %swap3A_1486 = vector.shape_cast %broadcast_in_dim3A_1444 : vector<16xi32> to vector<1x16xi32>
    tpu.vector_store %arg5[%swap3A_1482, %swap3A_1483], %swap3A_1486 {strides = array<i32>} : memref<32x128xi32, #tpu.memory_space<vmem>>, vector<1x16xi32>,
    %swap3A_1487 = arith.constant 19 : i32
    %swap3A_1488 = arith.index_cast %swap3A_1487 : i32 to index
    %swap3A_1489 = arith.constant 112 : index
    %swap3A_1490 = tpu.vector_load %arg5[%swap3A_1488, %swap3A_1489] {strides = array<i32>} : memref<32x128xi32, #tpu.memory_space<vmem>>, vector<1x16xi32>,
    %swap3A_1491 = vector.shape_cast %swap3A_1490 : vector<1x16xi32> to vector<16xi32>
    %swap3A_1492 = vector.shape_cast %broadcast_in_dim3A_1444 : vector<16xi32> to vector<1x16xi32>
    tpu.vector_store %arg5[%swap3A_1488, %swap3A_1489], %swap3A_1492 {strides = array<i32>} : memref<32x128xi32, #tpu.memory_space<vmem>>, vector<1x16xi32>,
    %add3A_1493 = arith.constant 20 : i32
    %add3A_1494 = arith.addi %mul3A_2, %add3A_1493 : i32
    %jit3A_1495 = arith.constant 8 : i32
    %div3A_1496 = arith.divsi %add3A_1494, %jit3A_1495 : i32
    %sign3A_1497 = arith.constant 0 : i32
    %sign3A_1498 = arith.cmpi sgt, %add3A_1494, %sign3A_1497 : i32
    %sign3A_1499 = arith.extui %sign3A_1498 : i1 to i32
    %sign3A_1500 = arith.constant 0 : i32
    %sign3A_1501 = arith.cmpi slt, %add3A_1494, %sign3A_1500 : i32
    %sign3A_1502 = arith.extui %sign3A_1501 : i1 to i32
    %sign3A_1503 = arith.subi %sign3A_1499, %sign3A_1502 : i32
    %sign3A_1504 = arith.constant 0 : i32
    %sign3A_1505 = arith.cmpi sgt, %jit3A_1495, %sign3A_1504 : i32
    %sign3A_1506 = arith.extui %sign3A_1505 : i1 to i32
    %sign3A_1507 = arith.constant 0 : i32
    %sign3A_1508 = arith.cmpi slt, %jit3A_1495, %sign3A_1507 : i32
    %sign3A_1509 = arith.extui %sign3A_1508 : i1 to i32
    %sign3A_1510 = arith.subi %sign3A_1506, %sign3A_1509 : i32
    %ne3A_1511 = arith.cmpi ne, %sign3A_1503, %sign3A_1510 : i32
    %rem3A_1512 = arith.remsi %add3A_1494, %jit3A_1495 : i32
    %ne3A_1513 = arith.constant 0 : i32
    %ne3A_1514 = arith.cmpi ne, %rem3A_1512, %ne3A_1513 : i32
    %and3A_1515 = arith.andi %ne3A_1511, %ne3A_1514 : i1
    %sub3A_1516 = arith.constant 1 : i32
    %sub3A_1517 = arith.subi %div3A_1496, %sub3A_1516 : i32
    %select_n3A_1518 = arith.select %and3A_1515, %sub3A_1517, %div3A_1496 : i32
    %broadcast_in_dim3A_1519 = vector.broadcast %select_n3A_1518 : i32 to vector<16xi32>
    %swap3A_1520 = arith.constant 20 : i32
    %swap3A_1521 = arith.index_cast %swap3A_1520 : i32 to index
    %swap3A_1522 = arith.constant 0 : index
    %swap3A_1523 = tpu.vector_load %arg5[%swap3A_1521, %swap3A_1522] {strides = array<i32>} : memref<32x128xi32, #tpu.memory_space<vmem>>, vector<1x16xi32>,
    %swap3A_1524 = vector.shape_cast %swap3A_1523 : vector<1x16xi32> to vector<16xi32>
    %swap3A_1525 = vector.shape_cast %broadcast_in_dim3A_1519 : vector<16xi32> to vector<1x16xi32>
    tpu.vector_store %arg5[%swap3A_1521, %swap3A_1522], %swap3A_1525 {strides = array<i32>} : memref<32x128xi32, #tpu.memory_space<vmem>>, vector<1x16xi32>,
    %swap3A_1526 = arith.constant 20 : i32
    %swap3A_1527 = arith.index_cast %swap3A_1526 : i32 to index
    %swap3A_1528 = arith.constant 16 : index
    %swap3A_1529 = tpu.vector_load %arg5[%swap3A_1527, %swap3A_1528] {strides = array<i32>} : memref<32x128xi32, #tpu.memory_space<vmem>>, vector<1x16xi32>,
    %swap3A_1530 = vector.shape_cast %swap3A_1529 : vector<1x16xi32> to vector<16xi32>
    %swap3A_1531 = vector.shape_cast %broadcast_in_dim3A_1519 : vector<16xi32> to vector<1x16xi32>
    tpu.vector_store %arg5[%swap3A_1527, %swap3A_1528], %swap3A_1531 {strides = array<i32>} : memref<32x128xi32, #tpu.memory_space<vmem>>, vector<1x16xi32>,
    %swap3A_1532 = arith.constant 20 : i32
    %swap3A_1533 = arith.index_cast %swap3A_1532 : i32 to index
    %swap3A_1534 = arith.constant 32 : index
    %swap3A_1535 = tpu.vector_load %arg5[%swap3A_1533, %swap3A_1534] {strides = array<i32>} : memref<32x128xi32, #tpu.memory_space<vmem>>, vector<1x16xi32>,
    %swap3A_1536 = vector.shape_cast %swap3A_1535 : vector<1x16xi32> to vector<16xi32>
    %swap3A_1537 = vector.shape_cast %broadcast_in_dim3A_1519 : vector<16xi32> to vector<1x16xi32>
    tpu.vector_store %arg5[%swap3A_1533, %swap3A_1534], %swap3A_1537 {strides = array<i32>} : memref<32x128xi32, #tpu.memory_space<vmem>>, vector<1x16xi32>,
    %swap3A_1538 = arith.constant 20 : i32
    %swap3A_1539 = arith.index_cast %swap3A_1538 : i32 to index
    %swap3A_1540 = arith.constant 48 : index
    %swap3A_1541 = tpu.vector_load %arg5[%swap3A_1539, %swap3A_1540] {strides = array<i32>} : memref<32x128xi32, #tpu.memory_space<vmem>>, vector<1x16xi32>,
    %swap3A_1542 = vector.shape_cast %swap3A_1541 : vector<1x16xi32> to vector<16xi32>
    %swap3A_1543 = vector.shape_cast %broadcast_in_dim3A_1519 : vector<16xi32> to vector<1x16xi32>
    tpu.vector_store %arg5[%swap3A_1539, %swap3A_1540], %swap3A_1543 {strides = array<i32>} : memref<32x128xi32, #tpu.memory_space<vmem>>, vector<1x16xi32>,
    %swap3A_1544 = arith.constant 20 : i32
    %swap3A_1545 = arith.index_cast %swap3A_1544 : i32 to index
    %swap3A_1546 = arith.constant 64 : index
    %swap3A_1547 = tpu.vector_load %arg5[%swap3A_1545, %swap3A_1546] {strides = array<i32>} : memref<32x128xi32, #tpu.memory_space<vmem>>, vector<1x16xi32>,
    %swap3A_1548 = vector.shape_cast %swap3A_1547 : vector<1x16xi32> to vector<16xi32>
    %swap3A_1549 = vector.shape_cast %broadcast_in_dim3A_1519 : vector<16xi32> to vector<1x16xi32>
    tpu.vector_store %arg5[%swap3A_1545, %swap3A_1546], %swap3A_1549 {strides = array<i32>} : memref<32x128xi32, #tpu.memory_space<vmem>>, vector<1x16xi32>,
    %swap3A_1550 = arith.constant 20 : i32
    %swap3A_1551 = arith.index_cast %swap3A_1550 : i32 to index
    %swap3A_1552 = arith.constant 80 : index
    %swap3A_1553 = tpu.vector_load %arg5[%swap3A_1551, %swap3A_1552] {strides = array<i32>} : memref<32x128xi32, #tpu.memory_space<vmem>>, vector<1x16xi32>,
    %swap3A_1554 = vector.shape_cast %swap3A_1553 : vector<1x16xi32> to vector<16xi32>
    %swap3A_1555 = vector.shape_cast %broadcast_in_dim3A_1519 : vector<16xi32> to vector<1x16xi32>
    tpu.vector_store %arg5[%swap3A_1551, %swap3A_1552], %swap3A_1555 {strides = array<i32>} : memref<32x128xi32, #tpu.memory_space<vmem>>, vector<1x16xi32>,
    %swap3A_1556 = arith.constant 20 : i32
    %swap3A_1557 = arith.index_cast %swap3A_1556 : i32 to index
    %swap3A_1558 = arith.constant 96 : index
    %swap3A_1559 = tpu.vector_load %arg5[%swap3A_1557, %swap3A_1558] {strides = array<i32>} : memref<32x128xi32, #tpu.memory_space<vmem>>, vector<1x16xi32>,
    %swap3A_1560 = vector.shape_cast %swap3A_1559 : vector<1x16xi32> to vector<16xi32>
    %swap3A_1561 = vector.shape_cast %broadcast_in_dim3A_1519 : vector<16xi32> to vector<1x16xi32>
    tpu.vector_store %arg5[%swap3A_1557, %swap3A_1558], %swap3A_1561 {strides = array<i32>} : memref<32x128xi32, #tpu.memory_space<vmem>>, vector<1x16xi32>,
    %swap3A_1562 = arith.constant 20 : i32
    %swap3A_1563 = arith.index_cast %swap3A_1562 : i32 to index
    %swap3A_1564 = arith.constant 112 : index
    %swap3A_1565 = tpu.vector_load %arg5[%swap3A_1563, %swap3A_1564] {strides = array<i32>} : memref<32x128xi32, #tpu.memory_space<vmem>>, vector<1x16xi32>,
    %swap3A_1566 = vector.shape_cast %swap3A_1565 : vector<1x16xi32> to vector<16xi32>
    %swap3A_1567 = vector.shape_cast %broadcast_in_dim3A_1519 : vector<16xi32> to vector<1x16xi32>
    tpu.vector_store %arg5[%swap3A_1563, %swap3A_1564], %swap3A_1567 {strides = array<i32>} : memref<32x128xi32, #tpu.memory_space<vmem>>, vector<1x16xi32>,
    %add3A_1568 = arith.constant 21 : i32
    %add3A_1569 = arith.addi %mul3A_2, %add3A_1568 : i32
    %jit3A_1570 = arith.constant 8 : i32
    %div3A_1571 = arith.divsi %add3A_1569, %jit3A_1570 : i32
    %sign3A_1572 = arith.constant 0 : i32
    %sign3A_1573 = arith.cmpi sgt, %add3A_1569, %sign3A_1572 : i32
    %sign3A_1574 = arith.extui %sign3A_1573 : i1 to i32
    %sign3A_1575 = arith.constant 0 : i32
    %sign3A_1576 = arith.cmpi slt, %add3A_1569, %sign3A_1575 : i32
    %sign3A_1577 = arith.extui %sign3A_1576 : i1 to i32
    %sign3A_1578 = arith.subi %sign3A_1574, %sign3A_1577 : i32
    %sign3A_1579 = arith.constant 0 : i32
    %sign3A_1580 = arith.cmpi sgt, %jit3A_1570, %sign3A_1579 : i32
    %sign3A_1581 = arith.extui %sign3A_1580 : i1 to i32
    %sign3A_1582 = arith.constant 0 : i32
    %sign3A_1583 = arith.cmpi slt, %jit3A_1570, %sign3A_1582 : i32
    %sign3A_1584 = arith.extui %sign3A_1583 : i1 to i32
    %sign3A_1585 = arith.subi %sign3A_1581, %sign3A_1584 : i32
    %ne3A_1586 = arith.cmpi ne, %sign3A_1578, %sign3A_1585 : i32
    %rem3A_1587 = arith.remsi %add3A_1569, %jit3A_1570 : i32
    %ne3A_1588 = arith.constant 0 : i32
    %ne3A_1589 = arith.cmpi ne, %rem3A_1587, %ne3A_1588 : i32
    %and3A_1590 = arith.andi %ne3A_1586, %ne3A_1589 : i1
    %sub3A_1591 = arith.constant 1 : i32
    %sub3A_1592 = arith.subi %div3A_1571, %sub3A_1591 : i32
    %select_n3A_1593 = arith.select %and3A_1590, %sub3A_1592, %div3A_1571 : i32
    %broadcast_in_dim3A_1594 = vector.broadcast %select_n3A_1593 : i32 to vector<16xi32>
    %swap3A_1595 = arith.constant 21 : i32
    %swap3A_1596 = arith.index_cast %swap3A_1595 : i32 to index
    %swap3A_1597 = arith.constant 0 : index
    %swap3A_1598 = tpu.vector_load %arg5[%swap3A_1596, %swap3A_1597] {strides = array<i32>} : memref<32x128xi32, #tpu.memory_space<vmem>>, vector<1x16xi32>,
    %swap3A_1599 = vector.shape_cast %swap3A_1598 : vector<1x16xi32> to vector<16xi32>
    %swap3A_1600 = vector.shape_cast %broadcast_in_dim3A_1594 : vector<16xi32> to vector<1x16xi32>
    tpu.vector_store %arg5[%swap3A_1596, %swap3A_1597], %swap3A_1600 {strides = array<i32>} : memref<32x128xi32, #tpu.memory_space<vmem>>, vector<1x16xi32>,
    %swap3A_1601 = arith.constant 21 : i32
    %swap3A_1602 = arith.index_cast %swap3A_1601 : i32 to index
    %swap3A_1603 = arith.constant 16 : index
    %swap3A_1604 = tpu.vector_load %arg5[%swap3A_1602, %swap3A_1603] {strides = array<i32>} : memref<32x128xi32, #tpu.memory_space<vmem>>, vector<1x16xi32>,
    %swap3A_1605 = vector.shape_cast %swap3A_1604 : vector<1x16xi32> to vector<16xi32>
    %swap3A_1606 = vector.shape_cast %broadcast_in_dim3A_1594 : vector<16xi32> to vector<1x16xi32>
    tpu.vector_store %arg5[%swap3A_1602, %swap3A_1603], %swap3A_1606 {strides = array<i32>} : memref<32x128xi32, #tpu.memory_space<vmem>>, vector<1x16xi32>,
    %swap3A_1607 = arith.constant 21 : i32
    %swap3A_1608 = arith.index_cast %swap3A_1607 : i32 to index
    %swap3A_1609 = arith.constant 32 : index
    %swap3A_1610 = tpu.vector_load %arg5[%swap3A_1608, %swap3A_1609] {strides = array<i32>} : memref<32x128xi32, #tpu.memory_space<vmem>>, vector<1x16xi32>,
    %swap3A_1611 = vector.shape_cast %swap3A_1610 : vector<1x16xi32> to vector<16xi32>
    %swap3A_1612 = vector.shape_cast %broadcast_in_dim3A_1594 : vector<16xi32> to vector<1x16xi32>
    tpu.vector_store %arg5[%swap3A_1608, %swap3A_1609], %swap3A_1612 {strides = array<i32>} : memref<32x128xi32, #tpu.memory_space<vmem>>, vector<1x16xi32>,
    %swap3A_1613 = arith.constant 21 : i32
    %swap3A_1614 = arith.index_cast %swap3A_1613 : i32 to index
    %swap3A_1615 = arith.constant 48 : index
    %swap3A_1616 = tpu.vector_load %arg5[%swap3A_1614, %swap3A_1615] {strides = array<i32>} : memref<32x128xi32, #tpu.memory_space<vmem>>, vector<1x16xi32>,
    %swap3A_1617 = vector.shape_cast %swap3A_1616 : vector<1x16xi32> to vector<16xi32>
    %swap3A_1618 = vector.shape_cast %broadcast_in_dim3A_1594 : vector<16xi32> to vector<1x16xi32>
    tpu.vector_store %arg5[%swap3A_1614, %swap3A_1615], %swap3A_1618 {strides = array<i32>} : memref<32x128xi32, #tpu.memory_space<vmem>>, vector<1x16xi32>,
    %swap3A_1619 = arith.constant 21 : i32
    %swap3A_1620 = arith.index_cast %swap3A_1619 : i32 to index
    %swap3A_1621 = arith.constant 64 : index
    %swap3A_1622 = tpu.vector_load %arg5[%swap3A_1620, %swap3A_1621] {strides = array<i32>} : memref<32x128xi32, #tpu.memory_space<vmem>>, vector<1x16xi32>,
    %swap3A_1623 = vector.shape_cast %swap3A_1622 : vector<1x16xi32> to vector<16xi32>
    %swap3A_1624 = vector.shape_cast %broadcast_in_dim3A_1594 : vector<16xi32> to vector<1x16xi32>
    tpu.vector_store %arg5[%swap3A_1620, %swap3A_1621], %swap3A_1624 {strides = array<i32>} : memref<32x128xi32, #tpu.memory_space<vmem>>, vector<1x16xi32>,
    %swap3A_1625 = arith.constant 21 : i32
    %swap3A_1626 = arith.index_cast %swap3A_1625 : i32 to index
    %swap3A_1627 = arith.constant 80 : index
    %swap3A_1628 = tpu.vector_load %arg5[%swap3A_1626, %swap3A_1627] {strides = array<i32>} : memref<32x128xi32, #tpu.memory_space<vmem>>, vector<1x16xi32>,
    %swap3A_1629 = vector.shape_cast %swap3A_1628 : vector<1x16xi32> to vector<16xi32>
    %swap3A_1630 = vector.shape_cast %broadcast_in_dim3A_1594 : vector<16xi32> to vector<1x16xi32>
    tpu.vector_store %arg5[%swap3A_1626, %swap3A_1627], %swap3A_1630 {strides = array<i32>} : memref<32x128xi32, #tpu.memory_space<vmem>>, vector<1x16xi32>,
    %swap3A_1631 = arith.constant 21 : i32
    %swap3A_1632 = arith.index_cast %swap3A_1631 : i32 to index
    %swap3A_1633 = arith.constant 96 : index
    %swap3A_1634 = tpu.vector_load %arg5[%swap3A_1632, %swap3A_1633] {strides = array<i32>} : memref<32x128xi32, #tpu.memory_space<vmem>>, vector<1x16xi32>,
    %swap3A_1635 = vector.shape_cast %swap3A_1634 : vector<1x16xi32> to vector<16xi32>
    %swap3A_1636 = vector.shape_cast %broadcast_in_dim3A_1594 : vector<16xi32> to vector<1x16xi32>
    tpu.vector_store %arg5[%swap3A_1632, %swap3A_1633], %swap3A_1636 {strides = array<i32>} : memref<32x128xi32, #tpu.memory_space<vmem>>, vector<1x16xi32>,
    %swap3A_1637 = arith.constant 21 : i32
    %swap3A_1638 = arith.index_cast %swap3A_1637 : i32 to index
    %swap3A_1639 = arith.constant 112 : index
    %swap3A_1640 = tpu.vector_load %arg5[%swap3A_1638, %swap3A_1639] {strides = array<i32>} : memref<32x128xi32, #tpu.memory_space<vmem>>, vector<1x16xi32>,
    %swap3A_1641 = vector.shape_cast %swap3A_1640 : vector<1x16xi32> to vector<16xi32>
    %swap3A_1642 = vector.shape_cast %broadcast_in_dim3A_1594 : vector<16xi32> to vector<1x16xi32>
    tpu.vector_store %arg5[%swap3A_1638, %swap3A_1639], %swap3A_1642 {strides = array<i32>} : memref<32x128xi32, #tpu.memory_space<vmem>>, vector<1x16xi32>,
    %add3A_1643 = arith.constant 22 : i32
    %add3A_1644 = arith.addi %mul3A_2, %add3A_1643 : i32
    %jit3A_1645 = arith.constant 8 : i32
    %div3A_1646 = arith.divsi %add3A_1644, %jit3A_1645 : i32
    %sign3A_1647 = arith.constant 0 : i32
    %sign3A_1648 = arith.cmpi sgt, %add3A_1644, %sign3A_1647 : i32
    %sign3A_1649 = arith.extui %sign3A_1648 : i1 to i32
    %sign3A_1650 = arith.constant 0 : i32
    %sign3A_1651 = arith.cmpi slt, %add3A_1644, %sign3A_1650 : i32
    %sign3A_1652 = arith.extui %sign3A_1651 : i1 to i32
    %sign3A_1653 = arith.subi %sign3A_1649, %sign3A_1652 : i32
    %sign3A_1654 = arith.constant 0 : i32
    %sign3A_1655 = arith.cmpi sgt, %jit3A_1645, %sign3A_1654 : i32
    %sign3A_1656 = arith.extui %sign3A_1655 : i1 to i32
    %sign3A_1657 = arith.constant 0 : i32
    %sign3A_1658 = arith.cmpi slt, %jit3A_1645, %sign3A_1657 : i32
    %sign3A_1659 = arith.extui %sign3A_1658 : i1 to i32
    %sign3A_1660 = arith.subi %sign3A_1656, %sign3A_1659 : i32
    %ne3A_1661 = arith.cmpi ne, %sign3A_1653, %sign3A_1660 : i32
    %rem3A_1662 = arith.remsi %add3A_1644, %jit3A_1645 : i32
    %ne3A_1663 = arith.constant 0 : i32
    %ne3A_1664 = arith.cmpi ne, %rem3A_1662, %ne3A_1663 : i32
    %and3A_1665 = arith.andi %ne3A_1661, %ne3A_1664 : i1
    %sub3A_1666 = arith.constant 1 : i32
    %sub3A_1667 = arith.subi %div3A_1646, %sub3A_1666 : i32
    %select_n3A_1668 = arith.select %and3A_1665, %sub3A_1667, %div3A_1646 : i32
    %broadcast_in_dim3A_1669 = vector.broadcast %select_n3A_1668 : i32 to vector<16xi32>
    %swap3A_1670 = arith.constant 22 : i32
    %swap3A_1671 = arith.index_cast %swap3A_1670 : i32 to index
    %swap3A_1672 = arith.constant 0 : index
    %swap3A_1673 = tpu.vector_load %arg5[%swap3A_1671, %swap3A_1672] {strides = array<i32>} : memref<32x128xi32, #tpu.memory_space<vmem>>, vector<1x16xi32>,
    %swap3A_1674 = vector.shape_cast %swap3A_1673 : vector<1x16xi32> to vector<16xi32>
    %swap3A_1675 = vector.shape_cast %broadcast_in_dim3A_1669 : vector<16xi32> to vector<1x16xi32>
    tpu.vector_store %arg5[%swap3A_1671, %swap3A_1672], %swap3A_1675 {strides = array<i32>} : memref<32x128xi32, #tpu.memory_space<vmem>>, vector<1x16xi32>,
    %swap3A_1676 = arith.constant 22 : i32
    %swap3A_1677 = arith.index_cast %swap3A_1676 : i32 to index
    %swap3A_1678 = arith.constant 16 : index
    %swap3A_1679 = tpu.vector_load %arg5[%swap3A_1677, %swap3A_1678] {strides = array<i32>} : memref<32x128xi32, #tpu.memory_space<vmem>>, vector<1x16xi32>,
    %swap3A_1680 = vector.shape_cast %swap3A_1679 : vector<1x16xi32> to vector<16xi32>
    %swap3A_1681 = vector.shape_cast %broadcast_in_dim3A_1669 : vector<16xi32> to vector<1x16xi32>
    tpu.vector_store %arg5[%swap3A_1677, %swap3A_1678], %swap3A_1681 {strides = array<i32>} : memref<32x128xi32, #tpu.memory_space<vmem>>, vector<1x16xi32>,
    %swap3A_1682 = arith.constant 22 : i32
    %swap3A_1683 = arith.index_cast %swap3A_1682 : i32 to index
    %swap3A_1684 = arith.constant 32 : index
    %swap3A_1685 = tpu.vector_load %arg5[%swap3A_1683, %swap3A_1684] {strides = array<i32>} : memref<32x128xi32, #tpu.memory_space<vmem>>, vector<1x16xi32>,
    %swap3A_1686 = vector.shape_cast %swap3A_1685 : vector<1x16xi32> to vector<16xi32>
    %swap3A_1687 = vector.shape_cast %broadcast_in_dim3A_1669 : vector<16xi32> to vector<1x16xi32>
    tpu.vector_store %arg5[%swap3A_1683, %swap3A_1684], %swap3A_1687 {strides = array<i32>} : memref<32x128xi32, #tpu.memory_space<vmem>>, vector<1x16xi32>,
    %swap3A_1688 = arith.constant 22 : i32
    %swap3A_1689 = arith.index_cast %swap3A_1688 : i32 to index
    %swap3A_1690 = arith.constant 48 : index
    %swap3A_1691 = tpu.vector_load %arg5[%swap3A_1689, %swap3A_1690] {strides = array<i32>} : memref<32x128xi32, #tpu.memory_space<vmem>>, vector<1x16xi32>,
    %swap3A_1692 = vector.shape_cast %swap3A_1691 : vector<1x16xi32> to vector<16xi32>
    %swap3A_1693 = vector.shape_cast %broadcast_in_dim3A_1669 : vector<16xi32> to vector<1x16xi32>
    tpu.vector_store %arg5[%swap3A_1689, %swap3A_1690], %swap3A_1693 {strides = array<i32>} : memref<32x128xi32, #tpu.memory_space<vmem>>, vector<1x16xi32>,
    %swap3A_1694 = arith.constant 22 : i32
    %swap3A_1695 = arith.index_cast %swap3A_1694 : i32 to index
    %swap3A_1696 = arith.constant 64 : index
    %swap3A_1697 = tpu.vector_load %arg5[%swap3A_1695, %swap3A_1696] {strides = array<i32>} : memref<32x128xi32, #tpu.memory_space<vmem>>, vector<1x16xi32>,
    %swap3A_1698 = vector.shape_cast %swap3A_1697 : vector<1x16xi32> to vector<16xi32>
    %swap3A_1699 = vector.shape_cast %broadcast_in_dim3A_1669 : vector<16xi32> to vector<1x16xi32>
    tpu.vector_store %arg5[%swap3A_1695, %swap3A_1696], %swap3A_1699 {strides = array<i32>} : memref<32x128xi32, #tpu.memory_space<vmem>>, vector<1x16xi32>,
    %swap3A_1700 = arith.constant 22 : i32
    %swap3A_1701 = arith.index_cast %swap3A_1700 : i32 to index
    %swap3A_1702 = arith.constant 80 : index
    %swap3A_1703 = tpu.vector_load %arg5[%swap3A_1701, %swap3A_1702] {strides = array<i32>} : memref<32x128xi32, #tpu.memory_space<vmem>>, vector<1x16xi32>,
    %swap3A_1704 = vector.shape_cast %swap3A_1703 : vector<1x16xi32> to vector<16xi32>
    %swap3A_1705 = vector.shape_cast %broadcast_in_dim3A_1669 : vector<16xi32> to vector<1x16xi32>
    tpu.vector_store %arg5[%swap3A_1701, %swap3A_1702], %swap3A_1705 {strides = array<i32>} : memref<32x128xi32, #tpu.memory_space<vmem>>, vector<1x16xi32>,
    %swap3A_1706 = arith.constant 22 : i32
    %swap3A_1707 = arith.index_cast %swap3A_1706 : i32 to index
    %swap3A_1708 = arith.constant 96 : index
    %swap3A_1709 = tpu.vector_load %arg5[%swap3A_1707, %swap3A_1708] {strides = array<i32>} : memref<32x128xi32, #tpu.memory_space<vmem>>, vector<1x16xi32>,
    %swap3A_1710 = vector.shape_cast %swap3A_1709 : vector<1x16xi32> to vector<16xi32>
    %swap3A_1711 = vector.shape_cast %broadcast_in_dim3A_1669 : vector<16xi32> to vector<1x16xi32>
    tpu.vector_store %arg5[%swap3A_1707, %swap3A_1708], %swap3A_1711 {strides = array<i32>} : memref<32x128xi32, #tpu.memory_space<vmem>>, vector<1x16xi32>,
    %swap3A_1712 = arith.constant 22 : i32
    %swap3A_1713 = arith.index_cast %swap3A_1712 : i32 to index
    %swap3A_1714 = arith.constant 112 : index
    %swap3A_1715 = tpu.vector_load %arg5[%swap3A_1713, %swap3A_1714] {strides = array<i32>} : memref<32x128xi32, #tpu.memory_space<vmem>>, vector<1x16xi32>,
    %swap3A_1716 = vector.shape_cast %swap3A_1715 : vector<1x16xi32> to vector<16xi32>
    %swap3A_1717 = vector.shape_cast %broadcast_in_dim3A_1669 : vector<16xi32> to vector<1x16xi32>
    tpu.vector_store %arg5[%swap3A_1713, %swap3A_1714], %swap3A_1717 {strides = array<i32>} : memref<32x128xi32, #tpu.memory_space<vmem>>, vector<1x16xi32>,
    %add3A_1718 = arith.constant 23 : i32
    %add3A_1719 = arith.addi %mul3A_2, %add3A_1718 : i32
    %jit3A_1720 = arith.constant 8 : i32
    %div3A_1721 = arith.divsi %add3A_1719, %jit3A_1720 : i32
    %sign3A_1722 = arith.constant 0 : i32
    %sign3A_1723 = arith.cmpi sgt, %add3A_1719, %sign3A_1722 : i32
    %sign3A_1724 = arith.extui %sign3A_1723 : i1 to i32
    %sign3A_1725 = arith.constant 0 : i32
    %sign3A_1726 = arith.cmpi slt, %add3A_1719, %sign3A_1725 : i32
    %sign3A_1727 = arith.extui %sign3A_1726 : i1 to i32
    %sign3A_1728 = arith.subi %sign3A_1724, %sign3A_1727 : i32
    %sign3A_1729 = arith.constant 0 : i32
    %sign3A_1730 = arith.cmpi sgt, %jit3A_1720, %sign3A_1729 : i32
    %sign3A_1731 = arith.extui %sign3A_1730 : i1 to i32
    %sign3A_1732 = arith.constant 0 : i32
    %sign3A_1733 = arith.cmpi slt, %jit3A_1720, %sign3A_1732 : i32
    %sign3A_1734 = arith.extui %sign3A_1733 : i1 to i32
    %sign3A_1735 = arith.subi %sign3A_1731, %sign3A_1734 : i32
    %ne3A_1736 = arith.cmpi ne, %sign3A_1728, %sign3A_1735 : i32
    %rem3A_1737 = arith.remsi %add3A_1719, %jit3A_1720 : i32
    %ne3A_1738 = arith.constant 0 : i32
    %ne3A_1739 = arith.cmpi ne, %rem3A_1737, %ne3A_1738 : i32
    %and3A_1740 = arith.andi %ne3A_1736, %ne3A_1739 : i1
    %sub3A_1741 = arith.constant 1 : i32
    %sub3A_1742 = arith.subi %div3A_1721, %sub3A_1741 : i32
    %select_n3A_1743 = arith.select %and3A_1740, %sub3A_1742, %div3A_1721 : i32
    %broadcast_in_dim3A_1744 = vector.broadcast %select_n3A_1743 : i32 to vector<16xi32>
    %swap3A_1745 = arith.constant 23 : i32
    %swap3A_1746 = arith.index_cast %swap3A_1745 : i32 to index
    %swap3A_1747 = arith.constant 0 : index
    %swap3A_1748 = tpu.vector_load %arg5[%swap3A_1746, %swap3A_1747] {strides = array<i32>} : memref<32x128xi32, #tpu.memory_space<vmem>>, vector<1x16xi32>,
    %swap3A_1749 = vector.shape_cast %swap3A_1748 : vector<1x16xi32> to vector<16xi32>
    %swap3A_1750 = vector.shape_cast %broadcast_in_dim3A_1744 : vector<16xi32> to vector<1x16xi32>
    tpu.vector_store %arg5[%swap3A_1746, %swap3A_1747], %swap3A_1750 {strides = array<i32>} : memref<32x128xi32, #tpu.memory_space<vmem>>, vector<1x16xi32>,
    %swap3A_1751 = arith.constant 23 : i32
    %swap3A_1752 = arith.index_cast %swap3A_1751 : i32 to index
    %swap3A_1753 = arith.constant 16 : index
    %swap3A_1754 = tpu.vector_load %arg5[%swap3A_1752, %swap3A_1753] {strides = array<i32>} : memref<32x128xi32, #tpu.memory_space<vmem>>, vector<1x16xi32>,
    %swap3A_1755 = vector.shape_cast %swap3A_1754 : vector<1x16xi32> to vector<16xi32>
    %swap3A_1756 = vector.shape_cast %broadcast_in_dim3A_1744 : vector<16xi32> to vector<1x16xi32>
    tpu.vector_store %arg5[%swap3A_1752, %swap3A_1753], %swap3A_1756 {strides = array<i32>} : memref<32x128xi32, #tpu.memory_space<vmem>>, vector<1x16xi32>,
    %swap3A_1757 = arith.constant 23 : i32
    %swap3A_1758 = arith.index_cast %swap3A_1757 : i32 to index
    %swap3A_1759 = arith.constant 32 : index
    %swap3A_1760 = tpu.vector_load %arg5[%swap3A_1758, %swap3A_1759] {strides = array<i32>} : memref<32x128xi32, #tpu.memory_space<vmem>>, vector<1x16xi32>,
    %swap3A_1761 = vector.shape_cast %swap3A_1760 : vector<1x16xi32> to vector<16xi32>
    %swap3A_1762 = vector.shape_cast %broadcast_in_dim3A_1744 : vector<16xi32> to vector<1x16xi32>
    tpu.vector_store %arg5[%swap3A_1758, %swap3A_1759], %swap3A_1762 {strides = array<i32>} : memref<32x128xi32, #tpu.memory_space<vmem>>, vector<1x16xi32>,
    %swap3A_1763 = arith.constant 23 : i32
    %swap3A_1764 = arith.index_cast %swap3A_1763 : i32 to index
    %swap3A_1765 = arith.constant 48 : index
    %swap3A_1766 = tpu.vector_load %arg5[%swap3A_1764, %swap3A_1765] {strides = array<i32>} : memref<32x128xi32, #tpu.memory_space<vmem>>, vector<1x16xi32>,
    %swap3A_1767 = vector.shape_cast %swap3A_1766 : vector<1x16xi32> to vector<16xi32>
    %swap3A_1768 = vector.shape_cast %broadcast_in_dim3A_1744 : vector<16xi32> to vector<1x16xi32>
    tpu.vector_store %arg5[%swap3A_1764, %swap3A_1765], %swap3A_1768 {strides = array<i32>} : memref<32x128xi32, #tpu.memory_space<vmem>>, vector<1x16xi32>,
    %swap3A_1769 = arith.constant 23 : i32
    %swap3A_1770 = arith.index_cast %swap3A_1769 : i32 to index
    %swap3A_1771 = arith.constant 64 : index
    %swap3A_1772 = tpu.vector_load %arg5[%swap3A_1770, %swap3A_1771] {strides = array<i32>} : memref<32x128xi32, #tpu.memory_space<vmem>>, vector<1x16xi32>,
    %swap3A_1773 = vector.shape_cast %swap3A_1772 : vector<1x16xi32> to vector<16xi32>
    %swap3A_1774 = vector.shape_cast %broadcast_in_dim3A_1744 : vector<16xi32> to vector<1x16xi32>
    tpu.vector_store %arg5[%swap3A_1770, %swap3A_1771], %swap3A_1774 {strides = array<i32>} : memref<32x128xi32, #tpu.memory_space<vmem>>, vector<1x16xi32>,
    %swap3A_1775 = arith.constant 23 : i32
    %swap3A_1776 = arith.index_cast %swap3A_1775 : i32 to index
    %swap3A_1777 = arith.constant 80 : index
    %swap3A_1778 = tpu.vector_load %arg5[%swap3A_1776, %swap3A_1777] {strides = array<i32>} : memref<32x128xi32, #tpu.memory_space<vmem>>, vector<1x16xi32>,
    %swap3A_1779 = vector.shape_cast %swap3A_1778 : vector<1x16xi32> to vector<16xi32>
    %swap3A_1780 = vector.shape_cast %broadcast_in_dim3A_1744 : vector<16xi32> to vector<1x16xi32>
    tpu.vector_store %arg5[%swap3A_1776, %swap3A_1777], %swap3A_1780 {strides = array<i32>} : memref<32x128xi32, #tpu.memory_space<vmem>>, vector<1x16xi32>,
    %swap3A_1781 = arith.constant 23 : i32
    %swap3A_1782 = arith.index_cast %swap3A_1781 : i32 to index
    %swap3A_1783 = arith.constant 96 : index
    %swap3A_1784 = tpu.vector_load %arg5[%swap3A_1782, %swap3A_1783] {strides = array<i32>} : memref<32x128xi32, #tpu.memory_space<vmem>>, vector<1x16xi32>,
    %swap3A_1785 = vector.shape_cast %swap3A_1784 : vector<1x16xi32> to vector<16xi32>
    %swap3A_1786 = vector.shape_cast %broadcast_in_dim3A_1744 : vector<16xi32> to vector<1x16xi32>
    tpu.vector_store %arg5[%swap3A_1782, %swap3A_1783], %swap3A_1786 {strides = array<i32>} : memref<32x128xi32, #tpu.memory_space<vmem>>, vector<1x16xi32>,
    %swap3A_1787 = arith.constant 23 : i32
    %swap3A_1788 = arith.index_cast %swap3A_1787 : i32 to index
    %swap3A_1789 = arith.constant 112 : index
    %swap3A_1790 = tpu.vector_load %arg5[%swap3A_1788, %swap3A_1789] {strides = array<i32>} : memref<32x128xi32, #tpu.memory_space<vmem>>, vector<1x16xi32>,
    %swap3A_1791 = vector.shape_cast %swap3A_1790 : vector<1x16xi32> to vector<16xi32>
    %swap3A_1792 = vector.shape_cast %broadcast_in_dim3A_1744 : vector<16xi32> to vector<1x16xi32>
    tpu.vector_store %arg5[%swap3A_1788, %swap3A_1789], %swap3A_1792 {strides = array<i32>} : memref<32x128xi32, #tpu.memory_space<vmem>>, vector<1x16xi32>,
    %add3A_1793 = arith.constant 24 : i32
    %add3A_1794 = arith.addi %mul3A_2, %add3A_1793 : i32
    %jit3A_1795 = arith.constant 8 : i32
    %div3A_1796 = arith.divsi %add3A_1794, %jit3A_1795 : i32
    %sign3A_1797 = arith.constant 0 : i32
    %sign3A_1798 = arith.cmpi sgt, %add3A_1794, %sign3A_1797 : i32
    %sign3A_1799 = arith.extui %sign3A_1798 : i1 to i32
    %sign3A_1800 = arith.constant 0 : i32
    %sign3A_1801 = arith.cmpi slt, %add3A_1794, %sign3A_1800 : i32
    %sign3A_1802 = arith.extui %sign3A_1801 : i1 to i32
    %sign3A_1803 = arith.subi %sign3A_1799, %sign3A_1802 : i32
    %sign3A_1804 = arith.constant 0 : i32
    %sign3A_1805 = arith.cmpi sgt, %jit3A_1795, %sign3A_1804 : i32
    %sign3A_1806 = arith.extui %sign3A_1805 : i1 to i32
    %sign3A_1807 = arith.constant 0 : i32
    %sign3A_1808 = arith.cmpi slt, %jit3A_1795, %sign3A_1807 : i32
    %sign3A_1809 = arith.extui %sign3A_1808 : i1 to i32
    %sign3A_1810 = arith.subi %sign3A_1806, %sign3A_1809 : i32
    %ne3A_1811 = arith.cmpi ne, %sign3A_1803, %sign3A_1810 : i32
    %rem3A_1812 = arith.remsi %add3A_1794, %jit3A_1795 : i32
    %ne3A_1813 = arith.constant 0 : i32
    %ne3A_1814 = arith.cmpi ne, %rem3A_1812, %ne3A_1813 : i32
    %and3A_1815 = arith.andi %ne3A_1811, %ne3A_1814 : i1
    %sub3A_1816 = arith.constant 1 : i32
    %sub3A_1817 = arith.subi %div3A_1796, %sub3A_1816 : i32
    %select_n3A_1818 = arith.select %and3A_1815, %sub3A_1817, %div3A_1796 : i32
    %broadcast_in_dim3A_1819 = vector.broadcast %select_n3A_1818 : i32 to vector<16xi32>
    %swap3A_1820 = arith.constant 24 : i32
    %swap3A_1821 = arith.index_cast %swap3A_1820 : i32 to index
    %swap3A_1822 = arith.constant 0 : index
    %swap3A_1823 = tpu.vector_load %arg5[%swap3A_1821, %swap3A_1822] {strides = array<i32>} : memref<32x128xi32, #tpu.memory_space<vmem>>, vector<1x16xi32>,
    %swap3A_1824 = vector.shape_cast %swap3A_1823 : vector<1x16xi32> to vector<16xi32>
    %swap3A_1825 = vector.shape_cast %broadcast_in_dim3A_1819 : vector<16xi32> to vector<1x16xi32>
    tpu.vector_store %arg5[%swap3A_1821, %swap3A_1822], %swap3A_1825 {strides = array<i32>} : memref<32x128xi32, #tpu.memory_space<vmem>>, vector<1x16xi32>,
    %swap3A_1826 = arith.constant 24 : i32
    %swap3A_1827 = arith.index_cast %swap3A_1826 : i32 to index
    %swap3A_1828 = arith.constant 16 : index
    %swap3A_1829 = tpu.vector_load %arg5[%swap3A_1827, %swap3A_1828] {strides = array<i32>} : memref<32x128xi32, #tpu.memory_space<vmem>>, vector<1x16xi32>,
    %swap3A_1830 = vector.shape_cast %swap3A_1829 : vector<1x16xi32> to vector<16xi32>
    %swap3A_1831 = vector.shape_cast %broadcast_in_dim3A_1819 : vector<16xi32> to vector<1x16xi32>
    tpu.vector_store %arg5[%swap3A_1827, %swap3A_1828], %swap3A_1831 {strides = array<i32>} : memref<32x128xi32, #tpu.memory_space<vmem>>, vector<1x16xi32>,
    %swap3A_1832 = arith.constant 24 : i32
    %swap3A_1833 = arith.index_cast %swap3A_1832 : i32 to index
    %swap3A_1834 = arith.constant 32 : index
    %swap3A_1835 = tpu.vector_load %arg5[%swap3A_1833, %swap3A_1834] {strides = array<i32>} : memref<32x128xi32, #tpu.memory_space<vmem>>, vector<1x16xi32>,
    %swap3A_1836 = vector.shape_cast %swap3A_1835 : vector<1x16xi32> to vector<16xi32>
    %swap3A_1837 = vector.shape_cast %broadcast_in_dim3A_1819 : vector<16xi32> to vector<1x16xi32>
    tpu.vector_store %arg5[%swap3A_1833, %swap3A_1834], %swap3A_1837 {strides = array<i32>} : memref<32x128xi32, #tpu.memory_space<vmem>>, vector<1x16xi32>,
    %swap3A_1838 = arith.constant 24 : i32
    %swap3A_1839 = arith.index_cast %swap3A_1838 : i32 to index
    %swap3A_1840 = arith.constant 48 : index
    %swap3A_1841 = tpu.vector_load %arg5[%swap3A_1839, %swap3A_1840] {strides = array<i32>} : memref<32x128xi32, #tpu.memory_space<vmem>>, vector<1x16xi32>,
    %swap3A_1842 = vector.shape_cast %swap3A_1841 : vector<1x16xi32> to vector<16xi32>
    %swap3A_1843 = vector.shape_cast %broadcast_in_dim3A_1819 : vector<16xi32> to vector<1x16xi32>
    tpu.vector_store %arg5[%swap3A_1839, %swap3A_1840], %swap3A_1843 {strides = array<i32>} : memref<32x128xi32, #tpu.memory_space<vmem>>, vector<1x16xi32>,
    %swap3A_1844 = arith.constant 24 : i32
    %swap3A_1845 = arith.index_cast %swap3A_1844 : i32 to index
    %swap3A_1846 = arith.constant 64 : index
    %swap3A_1847 = tpu.vector_load %arg5[%swap3A_1845, %swap3A_1846] {strides = array<i32>} : memref<32x128xi32, #tpu.memory_space<vmem>>, vector<1x16xi32>,
    %swap3A_1848 = vector.shape_cast %swap3A_1847 : vector<1x16xi32> to vector<16xi32>
    %swap3A_1849 = vector.shape_cast %broadcast_in_dim3A_1819 : vector<16xi32> to vector<1x16xi32>
    tpu.vector_store %arg5[%swap3A_1845, %swap3A_1846], %swap3A_1849 {strides = array<i32>} : memref<32x128xi32, #tpu.memory_space<vmem>>, vector<1x16xi32>,
    %swap3A_1850 = arith.constant 24 : i32
    %swap3A_1851 = arith.index_cast %swap3A_1850 : i32 to index
    %swap3A_1852 = arith.constant 80 : index
    %swap3A_1853 = tpu.vector_load %arg5[%swap3A_1851, %swap3A_1852] {strides = array<i32>} : memref<32x128xi32, #tpu.memory_space<vmem>>, vector<1x16xi32>,
    %swap3A_1854 = vector.shape_cast %swap3A_1853 : vector<1x16xi32> to vector<16xi32>
    %swap3A_1855 = vector.shape_cast %broadcast_in_dim3A_1819 : vector<16xi32> to vector<1x16xi32>
    tpu.vector_store %arg5[%swap3A_1851, %swap3A_1852], %swap3A_1855 {strides = array<i32>} : memref<32x128xi32, #tpu.memory_space<vmem>>, vector<1x16xi32>,
    %swap3A_1856 = arith.constant 24 : i32
    %swap3A_1857 = arith.index_cast %swap3A_1856 : i32 to index
    %swap3A_1858 = arith.constant 96 : index
    %swap3A_1859 = tpu.vector_load %arg5[%swap3A_1857, %swap3A_1858] {strides = array<i32>} : memref<32x128xi32, #tpu.memory_space<vmem>>, vector<1x16xi32>,
    %swap3A_1860 = vector.shape_cast %swap3A_1859 : vector<1x16xi32> to vector<16xi32>
    %swap3A_1861 = vector.shape_cast %broadcast_in_dim3A_1819 : vector<16xi32> to vector<1x16xi32>
    tpu.vector_store %arg5[%swap3A_1857, %swap3A_1858], %swap3A_1861 {strides = array<i32>} : memref<32x128xi32, #tpu.memory_space<vmem>>, vector<1x16xi32>,
    %swap3A_1862 = arith.constant 24 : i32
    %swap3A_1863 = arith.index_cast %swap3A_1862 : i32 to index
    %swap3A_1864 = arith.constant 112 : index
    %swap3A_1865 = tpu.vector_load %arg5[%swap3A_1863, %swap3A_1864] {strides = array<i32>} : memref<32x128xi32, #tpu.memory_space<vmem>>, vector<1x16xi32>,
    %swap3A_1866 = vector.shape_cast %swap3A_1865 : vector<1x16xi32> to vector<16xi32>
    %swap3A_1867 = vector.shape_cast %broadcast_in_dim3A_1819 : vector<16xi32> to vector<1x16xi32>
    tpu.vector_store %arg5[%swap3A_1863, %swap3A_1864], %swap3A_1867 {strides = array<i32>} : memref<32x128xi32, #tpu.memory_space<vmem>>, vector<1x16xi32>,
    %add3A_1868 = arith.constant 25 : i32
    %add3A_1869 = arith.addi %mul3A_2, %add3A_1868 : i32
    %jit3A_1870 = arith.constant 8 : i32
    %div3A_1871 = arith.divsi %add3A_1869, %jit3A_1870 : i32
    %sign3A_1872 = arith.constant 0 : i32
    %sign3A_1873 = arith.cmpi sgt, %add3A_1869, %sign3A_1872 : i32
    %sign3A_1874 = arith.extui %sign3A_1873 : i1 to i32
    %sign3A_1875 = arith.constant 0 : i32
    %sign3A_1876 = arith.cmpi slt, %add3A_1869, %sign3A_1875 : i32
    %sign3A_1877 = arith.extui %sign3A_1876 : i1 to i32
    %sign3A_1878 = arith.subi %sign3A_1874, %sign3A_1877 : i32
    %sign3A_1879 = arith.constant 0 : i32
    %sign3A_1880 = arith.cmpi sgt, %jit3A_1870, %sign3A_1879 : i32
    %sign3A_1881 = arith.extui %sign3A_1880 : i1 to i32
    %sign3A_1882 = arith.constant 0 : i32
    %sign3A_1883 = arith.cmpi slt, %jit3A_1870, %sign3A_1882 : i32
    %sign3A_1884 = arith.extui %sign3A_1883 : i1 to i32
    %sign3A_1885 = arith.subi %sign3A_1881, %sign3A_1884 : i32
    %ne3A_1886 = arith.cmpi ne, %sign3A_1878, %sign3A_1885 : i32
    %rem3A_1887 = arith.remsi %add3A_1869, %jit3A_1870 : i32
    %ne3A_1888 = arith.constant 0 : i32
    %ne3A_1889 = arith.cmpi ne, %rem3A_1887, %ne3A_1888 : i32
    %and3A_1890 = arith.andi %ne3A_1886, %ne3A_1889 : i1
    %sub3A_1891 = arith.constant 1 : i32
    %sub3A_1892 = arith.subi %div3A_1871, %sub3A_1891 : i32
    %select_n3A_1893 = arith.select %and3A_1890, %sub3A_1892, %div3A_1871 : i32
    %broadcast_in_dim3A_1894 = vector.broadcast %select_n3A_1893 : i32 to vector<16xi32>
    %swap3A_1895 = arith.constant 25 : i32
    %swap3A_1896 = arith.index_cast %swap3A_1895 : i32 to index
    %swap3A_1897 = arith.constant 0 : index
    %swap3A_1898 = tpu.vector_load %arg5[%swap3A_1896, %swap3A_1897] {strides = array<i32>} : memref<32x128xi32, #tpu.memory_space<vmem>>, vector<1x16xi32>,
    %swap3A_1899 = vector.shape_cast %swap3A_1898 : vector<1x16xi32> to vector<16xi32>
    %swap3A_1900 = vector.shape_cast %broadcast_in_dim3A_1894 : vector<16xi32> to vector<1x16xi32>
    tpu.vector_store %arg5[%swap3A_1896, %swap3A_1897], %swap3A_1900 {strides = array<i32>} : memref<32x128xi32, #tpu.memory_space<vmem>>, vector<1x16xi32>,
    %swap3A_1901 = arith.constant 25 : i32
    %swap3A_1902 = arith.index_cast %swap3A_1901 : i32 to index
    %swap3A_1903 = arith.constant 16 : index
    %swap3A_1904 = tpu.vector_load %arg5[%swap3A_1902, %swap3A_1903] {strides = array<i32>} : memref<32x128xi32, #tpu.memory_space<vmem>>, vector<1x16xi32>,
    %swap3A_1905 = vector.shape_cast %swap3A_1904 : vector<1x16xi32> to vector<16xi32>
    %swap3A_1906 = vector.shape_cast %broadcast_in_dim3A_1894 : vector<16xi32> to vector<1x16xi32>
    tpu.vector_store %arg5[%swap3A_1902, %swap3A_1903], %swap3A_1906 {strides = array<i32>} : memref<32x128xi32, #tpu.memory_space<vmem>>, vector<1x16xi32>,
    %swap3A_1907 = arith.constant 25 : i32
    %swap3A_1908 = arith.index_cast %swap3A_1907 : i32 to index
    %swap3A_1909 = arith.constant 32 : index
    %swap3A_1910 = tpu.vector_load %arg5[%swap3A_1908, %swap3A_1909] {strides = array<i32>} : memref<32x128xi32, #tpu.memory_space<vmem>>, vector<1x16xi32>,
    %swap3A_1911 = vector.shape_cast %swap3A_1910 : vector<1x16xi32> to vector<16xi32>
    %swap3A_1912 = vector.shape_cast %broadcast_in_dim3A_1894 : vector<16xi32> to vector<1x16xi32>
    tpu.vector_store %arg5[%swap3A_1908, %swap3A_1909], %swap3A_1912 {strides = array<i32>} : memref<32x128xi32, #tpu.memory_space<vmem>>, vector<1x16xi32>,
    %swap3A_1913 = arith.constant 25 : i32
    %swap3A_1914 = arith.index_cast %swap3A_1913 : i32 to index
    %swap3A_1915 = arith.constant 48 : index
    %swap3A_1916 = tpu.vector_load %arg5[%swap3A_1914, %swap3A_1915] {strides = array<i32>} : memref<32x128xi32, #tpu.memory_space<vmem>>, vector<1x16xi32>,
    %swap3A_1917 = vector.shape_cast %swap3A_1916 : vector<1x16xi32> to vector<16xi32>
    %swap3A_1918 = vector.shape_cast %broadcast_in_dim3A_1894 : vector<16xi32> to vector<1x16xi32>
    tpu.vector_store %arg5[%swap3A_1914, %swap3A_1915], %swap3A_1918 {strides = array<i32>} : memref<32x128xi32, #tpu.memory_space<vmem>>, vector<1x16xi32>,
    %swap3A_1919 = arith.constant 25 : i32
    %swap3A_1920 = arith.index_cast %swap3A_1919 : i32 to index
    %swap3A_1921 = arith.constant 64 : index
    %swap3A_1922 = tpu.vector_load %arg5[%swap3A_1920, %swap3A_1921] {strides = array<i32>} : memref<32x128xi32, #tpu.memory_space<vmem>>, vector<1x16xi32>,
    %swap3A_1923 = vector.shape_cast %swap3A_1922 : vector<1x16xi32> to vector<16xi32>
    %swap3A_1924 = vector.shape_cast %broadcast_in_dim3A_1894 : vector<16xi32> to vector<1x16xi32>
    tpu.vector_store %arg5[%swap3A_1920, %swap3A_1921], %swap3A_1924 {strides = array<i32>} : memref<32x128xi32, #tpu.memory_space<vmem>>, vector<1x16xi32>,
    %swap3A_1925 = arith.constant 25 : i32
    %swap3A_1926 = arith.index_cast %swap3A_1925 : i32 to index
    %swap3A_1927 = arith.constant 80 : index
    %swap3A_1928 = tpu.vector_load %arg5[%swap3A_1926, %swap3A_1927] {strides = array<i32>} : memref<32x128xi32, #tpu.memory_space<vmem>>, vector<1x16xi32>,
    %swap3A_1929 = vector.shape_cast %swap3A_1928 : vector<1x16xi32> to vector<16xi32>
    %swap3A_1930 = vector.shape_cast %broadcast_in_dim3A_1894 : vector<16xi32> to vector<1x16xi32>
    tpu.vector_store %arg5[%swap3A_1926, %swap3A_1927], %swap3A_1930 {strides = array<i32>} : memref<32x128xi32, #tpu.memory_space<vmem>>, vector<1x16xi32>,
    %swap3A_1931 = arith.constant 25 : i32
    %swap3A_1932 = arith.index_cast %swap3A_1931 : i32 to index
    %swap3A_1933 = arith.constant 96 : index
    %swap3A_1934 = tpu.vector_load %arg5[%swap3A_1932, %swap3A_1933] {strides = array<i32>} : memref<32x128xi32, #tpu.memory_space<vmem>>, vector<1x16xi32>,
    %swap3A_1935 = vector.shape_cast %swap3A_1934 : vector<1x16xi32> to vector<16xi32>
    %swap3A_1936 = vector.shape_cast %broadcast_in_dim3A_1894 : vector<16xi32> to vector<1x16xi32>
    tpu.vector_store %arg5[%swap3A_1932, %swap3A_1933], %swap3A_1936 {strides = array<i32>} : memref<32x128xi32, #tpu.memory_space<vmem>>, vector<1x16xi32>,
    %swap3A_1937 = arith.constant 25 : i32
    %swap3A_1938 = arith.index_cast %swap3A_1937 : i32 to index
    %swap3A_1939 = arith.constant 112 : index
    %swap3A_1940 = tpu.vector_load %arg5[%swap3A_1938, %swap3A_1939] {strides = array<i32>} : memref<32x128xi32, #tpu.memory_space<vmem>>, vector<1x16xi32>,
    %swap3A_1941 = vector.shape_cast %swap3A_1940 : vector<1x16xi32> to vector<16xi32>
    %swap3A_1942 = vector.shape_cast %broadcast_in_dim3A_1894 : vector<16xi32> to vector<1x16xi32>
    tpu.vector_store %arg5[%swap3A_1938, %swap3A_1939], %swap3A_1942 {strides = array<i32>} : memref<32x128xi32, #tpu.memory_space<vmem>>, vector<1x16xi32>,
    %add3A_1943 = arith.constant 26 : i32
    %add3A_1944 = arith.addi %mul3A_2, %add3A_1943 : i32
    %jit3A_1945 = arith.constant 8 : i32
    %div3A_1946 = arith.divsi %add3A_1944, %jit3A_1945 : i32
    %sign3A_1947 = arith.constant 0 : i32
    %sign3A_1948 = arith.cmpi sgt, %add3A_1944, %sign3A_1947 : i32
    %sign3A_1949 = arith.extui %sign3A_1948 : i1 to i32
    %sign3A_1950 = arith.constant 0 : i32
    %sign3A_1951 = arith.cmpi slt, %add3A_1944, %sign3A_1950 : i32
    %sign3A_1952 = arith.extui %sign3A_1951 : i1 to i32
    %sign3A_1953 = arith.subi %sign3A_1949, %sign3A_1952 : i32
    %sign3A_1954 = arith.constant 0 : i32
    %sign3A_1955 = arith.cmpi sgt, %jit3A_1945, %sign3A_1954 : i32
    %sign3A_1956 = arith.extui %sign3A_1955 : i1 to i32
    %sign3A_1957 = arith.constant 0 : i32
    %sign3A_1958 = arith.cmpi slt, %jit3A_1945, %sign3A_1957 : i32
    %sign3A_1959 = arith.extui %sign3A_1958 : i1 to i32
    %sign3A_1960 = arith.subi %sign3A_1956, %sign3A_1959 : i32
    %ne3A_1961 = arith.cmpi ne, %sign3A_1953, %sign3A_1960 : i32
    %rem3A_1962 = arith.remsi %add3A_1944, %jit3A_1945 : i32
    %ne3A_1963 = arith.constant 0 : i32
    %ne3A_1964 = arith.cmpi ne, %rem3A_1962, %ne3A_1963 : i32
    %and3A_1965 = arith.andi %ne3A_1961, %ne3A_1964 : i1
    %sub3A_1966 = arith.constant 1 : i32
    %sub3A_1967 = arith.subi %div3A_1946, %sub3A_1966 : i32
    %select_n3A_1968 = arith.select %and3A_1965, %sub3A_1967, %div3A_1946 : i32
    %broadcast_in_dim3A_1969 = vector.broadcast %select_n3A_1968 : i32 to vector<16xi32>
    %swap3A_1970 = arith.constant 26 : i32
    %swap3A_1971 = arith.index_cast %swap3A_1970 : i32 to index
    %swap3A_1972 = arith.constant 0 : index
    %swap3A_1973 = tpu.vector_load %arg5[%swap3A_1971, %swap3A_1972] {strides = array<i32>} : memref<32x128xi32, #tpu.memory_space<vmem>>, vector<1x16xi32>,
    %swap3A_1974 = vector.shape_cast %swap3A_1973 : vector<1x16xi32> to vector<16xi32>
    %swap3A_1975 = vector.shape_cast %broadcast_in_dim3A_1969 : vector<16xi32> to vector<1x16xi32>
    tpu.vector_store %arg5[%swap3A_1971, %swap3A_1972], %swap3A_1975 {strides = array<i32>} : memref<32x128xi32, #tpu.memory_space<vmem>>, vector<1x16xi32>,
    %swap3A_1976 = arith.constant 26 : i32
    %swap3A_1977 = arith.index_cast %swap3A_1976 : i32 to index
    %swap3A_1978 = arith.constant 16 : index
    %swap3A_1979 = tpu.vector_load %arg5[%swap3A_1977, %swap3A_1978] {strides = array<i32>} : memref<32x128xi32, #tpu.memory_space<vmem>>, vector<1x16xi32>,
    %swap3A_1980 = vector.shape_cast %swap3A_1979 : vector<1x16xi32> to vector<16xi32>
    %swap3A_1981 = vector.shape_cast %broadcast_in_dim3A_1969 : vector<16xi32> to vector<1x16xi32>
    tpu.vector_store %arg5[%swap3A_1977, %swap3A_1978], %swap3A_1981 {strides = array<i32>} : memref<32x128xi32, #tpu.memory_space<vmem>>, vector<1x16xi32>,
    %swap3A_1982 = arith.constant 26 : i32
    %swap3A_1983 = arith.index_cast %swap3A_1982 : i32 to index
    %swap3A_1984 = arith.constant 32 : index
    %swap3A_1985 = tpu.vector_load %arg5[%swap3A_1983, %swap3A_1984] {strides = array<i32>} : memref<32x128xi32, #tpu.memory_space<vmem>>, vector<1x16xi32>,
    %swap3A_1986 = vector.shape_cast %swap3A_1985 : vector<1x16xi32> to vector<16xi32>
    %swap3A_1987 = vector.shape_cast %broadcast_in_dim3A_1969 : vector<16xi32> to vector<1x16xi32>
    tpu.vector_store %arg5[%swap3A_1983, %swap3A_1984], %swap3A_1987 {strides = array<i32>} : memref<32x128xi32, #tpu.memory_space<vmem>>, vector<1x16xi32>,
    %swap3A_1988 = arith.constant 26 : i32
    %swap3A_1989 = arith.index_cast %swap3A_1988 : i32 to index
    %swap3A_1990 = arith.constant 48 : index
    %swap3A_1991 = tpu.vector_load %arg5[%swap3A_1989, %swap3A_1990] {strides = array<i32>} : memref<32x128xi32, #tpu.memory_space<vmem>>, vector<1x16xi32>,
    %swap3A_1992 = vector.shape_cast %swap3A_1991 : vector<1x16xi32> to vector<16xi32>
    %swap3A_1993 = vector.shape_cast %broadcast_in_dim3A_1969 : vector<16xi32> to vector<1x16xi32>
    tpu.vector_store %arg5[%swap3A_1989, %swap3A_1990], %swap3A_1993 {strides = array<i32>} : memref<32x128xi32, #tpu.memory_space<vmem>>, vector<1x16xi32>,
    %swap3A_1994 = arith.constant 26 : i32
    %swap3A_1995 = arith.index_cast %swap3A_1994 : i32 to index
    %swap3A_1996 = arith.constant 64 : index
    %swap3A_1997 = tpu.vector_load %arg5[%swap3A_1995, %swap3A_1996] {strides = array<i32>} : memref<32x128xi32, #tpu.memory_space<vmem>>, vector<1x16xi32>,
    %swap3A_1998 = vector.shape_cast %swap3A_1997 : vector<1x16xi32> to vector<16xi32>
    %swap3A_1999 = vector.shape_cast %broadcast_in_dim3A_1969 : vector<16xi32> to vector<1x16xi32>
    tpu.vector_store %arg5[%swap3A_1995, %swap3A_1996], %swap3A_1999 {strides = array<i32>} : memref<32x128xi32, #tpu.memory_space<vmem>>, vector<1x16xi32>,
    %swap3A_2000 = arith.constant 26 : i32
    %swap3A_2001 = arith.index_cast %swap3A_2000 : i32 to index
    %swap3A_2002 = arith.constant 80 : index
    %swap3A_2003 = tpu.vector_load %arg5[%swap3A_2001, %swap3A_2002] {strides = array<i32>} : memref<32x128xi32, #tpu.memory_space<vmem>>, vector<1x16xi32>,
    %swap3A_2004 = vector.shape_cast %swap3A_2003 : vector<1x16xi32> to vector<16xi32>
    %swap3A_2005 = vector.shape_cast %broadcast_in_dim3A_1969 : vector<16xi32> to vector<1x16xi32>
    tpu.vector_store %arg5[%swap3A_2001, %swap3A_2002], %swap3A_2005 {strides = array<i32>} : memref<32x128xi32, #tpu.memory_space<vmem>>, vector<1x16xi32>,
    %swap3A_2006 = arith.constant 26 : i32
    %swap3A_2007 = arith.index_cast %swap3A_2006 : i32 to index
    %swap3A_2008 = arith.constant 96 : index
    %swap3A_2009 = tpu.vector_load %arg5[%swap3A_2007, %swap3A_2008] {strides = array<i32>} : memref<32x128xi32, #tpu.memory_space<vmem>>, vector<1x16xi32>,
    %swap3A_2010 = vector.shape_cast %swap3A_2009 : vector<1x16xi32> to vector<16xi32>
    %swap3A_2011 = vector.shape_cast %broadcast_in_dim3A_1969 : vector<16xi32> to vector<1x16xi32>
    tpu.vector_store %arg5[%swap3A_2007, %swap3A_2008], %swap3A_2011 {strides = array<i32>} : memref<32x128xi32, #tpu.memory_space<vmem>>, vector<1x16xi32>,
    %swap3A_2012 = arith.constant 26 : i32
    %swap3A_2013 = arith.index_cast %swap3A_2012 : i32 to index
    %swap3A_2014 = arith.constant 112 : index
    %swap3A_2015 = tpu.vector_load %arg5[%swap3A_2013, %swap3A_2014] {strides = array<i32>} : memref<32x128xi32, #tpu.memory_space<vmem>>, vector<1x16xi32>,
    %swap3A_2016 = vector.shape_cast %swap3A_2015 : vector<1x16xi32> to vector<16xi32>
    %swap3A_2017 = vector.shape_cast %broadcast_in_dim3A_1969 : vector<16xi32> to vector<1x16xi32>
    tpu.vector_store %arg5[%swap3A_2013, %swap3A_2014], %swap3A_2017 {strides = array<i32>} : memref<32x128xi32, #tpu.memory_space<vmem>>, vector<1x16xi32>,
    %add3A_2018 = arith.constant 27 : i32
    %add3A_2019 = arith.addi %mul3A_2, %add3A_2018 : i32
    %jit3A_2020 = arith.constant 8 : i32
    %div3A_2021 = arith.divsi %add3A_2019, %jit3A_2020 : i32
    %sign3A_2022 = arith.constant 0 : i32
    %sign3A_2023 = arith.cmpi sgt, %add3A_2019, %sign3A_2022 : i32
    %sign3A_2024 = arith.extui %sign3A_2023 : i1 to i32
    %sign3A_2025 = arith.constant 0 : i32
    %sign3A_2026 = arith.cmpi slt, %add3A_2019, %sign3A_2025 : i32
    %sign3A_2027 = arith.extui %sign3A_2026 : i1 to i32
    %sign3A_2028 = arith.subi %sign3A_2024, %sign3A_2027 : i32
    %sign3A_2029 = arith.constant 0 : i32
    %sign3A_2030 = arith.cmpi sgt, %jit3A_2020, %sign3A_2029 : i32
    %sign3A_2031 = arith.extui %sign3A_2030 : i1 to i32
    %sign3A_2032 = arith.constant 0 : i32
    %sign3A_2033 = arith.cmpi slt, %jit3A_2020, %sign3A_2032 : i32
    %sign3A_2034 = arith.extui %sign3A_2033 : i1 to i32
    %sign3A_2035 = arith.subi %sign3A_2031, %sign3A_2034 : i32
    %ne3A_2036 = arith.cmpi ne, %sign3A_2028, %sign3A_2035 : i32
    %rem3A_2037 = arith.remsi %add3A_2019, %jit3A_2020 : i32
    %ne3A_2038 = arith.constant 0 : i32
    %ne3A_2039 = arith.cmpi ne, %rem3A_2037, %ne3A_2038 : i32
    %and3A_2040 = arith.andi %ne3A_2036, %ne3A_2039 : i1
    %sub3A_2041 = arith.constant 1 : i32
    %sub3A_2042 = arith.subi %div3A_2021, %sub3A_2041 : i32
    %select_n3A_2043 = arith.select %and3A_2040, %sub3A_2042, %div3A_2021 : i32
    %broadcast_in_dim3A_2044 = vector.broadcast %select_n3A_2043 : i32 to vector<16xi32>
    %swap3A_2045 = arith.constant 27 : i32
    %swap3A_2046 = arith.index_cast %swap3A_2045 : i32 to index
    %swap3A_2047 = arith.constant 0 : index
    %swap3A_2048 = tpu.vector_load %arg5[%swap3A_2046, %swap3A_2047] {strides = array<i32>} : memref<32x128xi32, #tpu.memory_space<vmem>>, vector<1x16xi32>,
    %swap3A_2049 = vector.shape_cast %swap3A_2048 : vector<1x16xi32> to vector<16xi32>
    %swap3A_2050 = vector.shape_cast %broadcast_in_dim3A_2044 : vector<16xi32> to vector<1x16xi32>
    tpu.vector_store %arg5[%swap3A_2046, %swap3A_2047], %swap3A_2050 {strides = array<i32>} : memref<32x128xi32, #tpu.memory_space<vmem>>, vector<1x16xi32>,
    %swap3A_2051 = arith.constant 27 : i32
    %swap3A_2052 = arith.index_cast %swap3A_2051 : i32 to index
    %swap3A_2053 = arith.constant 16 : index
    %swap3A_2054 = tpu.vector_load %arg5[%swap3A_2052, %swap3A_2053] {strides = array<i32>} : memref<32x128xi32, #tpu.memory_space<vmem>>, vector<1x16xi32>,
    %swap3A_2055 = vector.shape_cast %swap3A_2054 : vector<1x16xi32> to vector<16xi32>
    %swap3A_2056 = vector.shape_cast %broadcast_in_dim3A_2044 : vector<16xi32> to vector<1x16xi32>
    tpu.vector_store %arg5[%swap3A_2052, %swap3A_2053], %swap3A_2056 {strides = array<i32>} : memref<32x128xi32, #tpu.memory_space<vmem>>, vector<1x16xi32>,
    %swap3A_2057 = arith.constant 27 : i32
    %swap3A_2058 = arith.index_cast %swap3A_2057 : i32 to index
    %swap3A_2059 = arith.constant 32 : index
    %swap3A_2060 = tpu.vector_load %arg5[%swap3A_2058, %swap3A_2059] {strides = array<i32>} : memref<32x128xi32, #tpu.memory_space<vmem>>, vector<1x16xi32>,
    %swap3A_2061 = vector.shape_cast %swap3A_2060 : vector<1x16xi32> to vector<16xi32>
    %swap3A_2062 = vector.shape_cast %broadcast_in_dim3A_2044 : vector<16xi32> to vector<1x16xi32>
    tpu.vector_store %arg5[%swap3A_2058, %swap3A_2059], %swap3A_2062 {strides = array<i32>} : memref<32x128xi32, #tpu.memory_space<vmem>>, vector<1x16xi32>,
    %swap3A_2063 = arith.constant 27 : i32
    %swap3A_2064 = arith.index_cast %swap3A_2063 : i32 to index
    %swap3A_2065 = arith.constant 48 : index
    %swap3A_2066 = tpu.vector_load %arg5[%swap3A_2064, %swap3A_2065] {strides = array<i32>} : memref<32x128xi32, #tpu.memory_space<vmem>>, vector<1x16xi32>,
    %swap3A_2067 = vector.shape_cast %swap3A_2066 : vector<1x16xi32> to vector<16xi32>
    %swap3A_2068 = vector.shape_cast %broadcast_in_dim3A_2044 : vector<16xi32> to vector<1x16xi32>
    tpu.vector_store %arg5[%swap3A_2064, %swap3A_2065], %swap3A_2068 {strides = array<i32>} : memref<32x128xi32, #tpu.memory_space<vmem>>, vector<1x16xi32>,
    %swap3A_2069 = arith.constant 27 : i32
    %swap3A_2070 = arith.index_cast %swap3A_2069 : i32 to index
    %swap3A_2071 = arith.constant 64 : index
    %swap3A_2072 = tpu.vector_load %arg5[%swap3A_2070, %swap3A_2071] {strides = array<i32>} : memref<32x128xi32, #tpu.memory_space<vmem>>, vector<1x16xi32>,
    %swap3A_2073 = vector.shape_cast %swap3A_2072 : vector<1x16xi32> to vector<16xi32>
    %swap3A_2074 = vector.shape_cast %broadcast_in_dim3A_2044 : vector<16xi32> to vector<1x16xi32>
    tpu.vector_store %arg5[%swap3A_2070, %swap3A_2071], %swap3A_2074 {strides = array<i32>} : memref<32x128xi32, #tpu.memory_space<vmem>>, vector<1x16xi32>,
    %swap3A_2075 = arith.constant 27 : i32
    %swap3A_2076 = arith.index_cast %swap3A_2075 : i32 to index
    %swap3A_2077 = arith.constant 80 : index
    %swap3A_2078 = tpu.vector_load %arg5[%swap3A_2076, %swap3A_2077] {strides = array<i32>} : memref<32x128xi32, #tpu.memory_space<vmem>>, vector<1x16xi32>,
    %swap3A_2079 = vector.shape_cast %swap3A_2078 : vector<1x16xi32> to vector<16xi32>
    %swap3A_2080 = vector.shape_cast %broadcast_in_dim3A_2044 : vector<16xi32> to vector<1x16xi32>
    tpu.vector_store %arg5[%swap3A_2076, %swap3A_2077], %swap3A_2080 {strides = array<i32>} : memref<32x128xi32, #tpu.memory_space<vmem>>, vector<1x16xi32>,
    %swap3A_2081 = arith.constant 27 : i32
    %swap3A_2082 = arith.index_cast %swap3A_2081 : i32 to index
    %swap3A_2083 = arith.constant 96 : index
    %swap3A_2084 = tpu.vector_load %arg5[%swap3A_2082, %swap3A_2083] {strides = array<i32>} : memref<32x128xi32, #tpu.memory_space<vmem>>, vector<1x16xi32>,
    %swap3A_2085 = vector.shape_cast %swap3A_2084 : vector<1x16xi32> to vector<16xi32>
    %swap3A_2086 = vector.shape_cast %broadcast_in_dim3A_2044 : vector<16xi32> to vector<1x16xi32>
    tpu.vector_store %arg5[%swap3A_2082, %swap3A_2083], %swap3A_2086 {strides = array<i32>} : memref<32x128xi32, #tpu.memory_space<vmem>>, vector<1x16xi32>,
    %swap3A_2087 = arith.constant 27 : i32
    %swap3A_2088 = arith.index_cast %swap3A_2087 : i32 to index
    %swap3A_2089 = arith.constant 112 : index
    %swap3A_2090 = tpu.vector_load %arg5[%swap3A_2088, %swap3A_2089] {strides = array<i32>} : memref<32x128xi32, #tpu.memory_space<vmem>>, vector<1x16xi32>,
    %swap3A_2091 = vector.shape_cast %swap3A_2090 : vector<1x16xi32> to vector<16xi32>
    %swap3A_2092 = vector.shape_cast %broadcast_in_dim3A_2044 : vector<16xi32> to vector<1x16xi32>
    tpu.vector_store %arg5[%swap3A_2088, %swap3A_2089], %swap3A_2092 {strides = array<i32>} : memref<32x128xi32, #tpu.memory_space<vmem>>, vector<1x16xi32>,
    %add3A_2093 = arith.constant 28 : i32
    %add3A_2094 = arith.addi %mul3A_2, %add3A_2093 : i32
    %jit3A_2095 = arith.constant 8 : i32
    %div3A_2096 = arith.divsi %add3A_2094, %jit3A_2095 : i32
    %sign3A_2097 = arith.constant 0 : i32
    %sign3A_2098 = arith.cmpi sgt, %add3A_2094, %sign3A_2097 : i32
    %sign3A_2099 = arith.extui %sign3A_2098 : i1 to i32
    %sign3A_2100 = arith.constant 0 : i32
    %sign3A_2101 = arith.cmpi slt, %add3A_2094, %sign3A_2100 : i32
    %sign3A_2102 = arith.extui %sign3A_2101 : i1 to i32
    %sign3A_2103 = arith.subi %sign3A_2099, %sign3A_2102 : i32
    %sign3A_2104 = arith.constant 0 : i32
    %sign3A_2105 = arith.cmpi sgt, %jit3A_2095, %sign3A_2104 : i32
    %sign3A_2106 = arith.extui %sign3A_2105 : i1 to i32
    %sign3A_2107 = arith.constant 0 : i32
    %sign3A_2108 = arith.cmpi slt, %jit3A_2095, %sign3A_2107 : i32
    %sign3A_2109 = arith.extui %sign3A_2108 : i1 to i32
    %sign3A_2110 = arith.subi %sign3A_2106, %sign3A_2109 : i32
    %ne3A_2111 = arith.cmpi ne, %sign3A_2103, %sign3A_2110 : i32
    %rem3A_2112 = arith.remsi %add3A_2094, %jit3A_2095 : i32
    %ne3A_2113 = arith.constant 0 : i32
    %ne3A_2114 = arith.cmpi ne, %rem3A_2112, %ne3A_2113 : i32
    %and3A_2115 = arith.andi %ne3A_2111, %ne3A_2114 : i1
    %sub3A_2116 = arith.constant 1 : i32
    %sub3A_2117 = arith.subi %div3A_2096, %sub3A_2116 : i32
    %select_n3A_2118 = arith.select %and3A_2115, %sub3A_2117, %div3A_2096 : i32
    %broadcast_in_dim3A_2119 = vector.broadcast %select_n3A_2118 : i32 to vector<16xi32>
    %swap3A_2120 = arith.constant 28 : i32
    %swap3A_2121 = arith.index_cast %swap3A_2120 : i32 to index
    %swap3A_2122 = arith.constant 0 : index
    %swap3A_2123 = tpu.vector_load %arg5[%swap3A_2121, %swap3A_2122] {strides = array<i32>} : memref<32x128xi32, #tpu.memory_space<vmem>>, vector<1x16xi32>,
    %swap3A_2124 = vector.shape_cast %swap3A_2123 : vector<1x16xi32> to vector<16xi32>
    %swap3A_2125 = vector.shape_cast %broadcast_in_dim3A_2119 : vector<16xi32> to vector<1x16xi32>
    tpu.vector_store %arg5[%swap3A_2121, %swap3A_2122], %swap3A_2125 {strides = array<i32>} : memref<32x128xi32, #tpu.memory_space<vmem>>, vector<1x16xi32>,
    %swap3A_2126 = arith.constant 28 : i32
    %swap3A_2127 = arith.index_cast %swap3A_2126 : i32 to index
    %swap3A_2128 = arith.constant 16 : index
    %swap3A_2129 = tpu.vector_load %arg5[%swap3A_2127, %swap3A_2128] {strides = array<i32>} : memref<32x128xi32, #tpu.memory_space<vmem>>, vector<1x16xi32>,
    %swap3A_2130 = vector.shape_cast %swap3A_2129 : vector<1x16xi32> to vector<16xi32>
    %swap3A_2131 = vector.shape_cast %broadcast_in_dim3A_2119 : vector<16xi32> to vector<1x16xi32>
    tpu.vector_store %arg5[%swap3A_2127, %swap3A_2128], %swap3A_2131 {strides = array<i32>} : memref<32x128xi32, #tpu.memory_space<vmem>>, vector<1x16xi32>,
    %swap3A_2132 = arith.constant 28 : i32
    %swap3A_2133 = arith.index_cast %swap3A_2132 : i32 to index
    %swap3A_2134 = arith.constant 32 : index
    %swap3A_2135 = tpu.vector_load %arg5[%swap3A_2133, %swap3A_2134] {strides = array<i32>} : memref<32x128xi32, #tpu.memory_space<vmem>>, vector<1x16xi32>,
    %swap3A_2136 = vector.shape_cast %swap3A_2135 : vector<1x16xi32> to vector<16xi32>
    %swap3A_2137 = vector.shape_cast %broadcast_in_dim3A_2119 : vector<16xi32> to vector<1x16xi32>
    tpu.vector_store %arg5[%swap3A_2133, %swap3A_2134], %swap3A_2137 {strides = array<i32>} : memref<32x128xi32, #tpu.memory_space<vmem>>, vector<1x16xi32>,
    %swap3A_2138 = arith.constant 28 : i32
    %swap3A_2139 = arith.index_cast %swap3A_2138 : i32 to index
    %swap3A_2140 = arith.constant 48 : index
    %swap3A_2141 = tpu.vector_load %arg5[%swap3A_2139, %swap3A_2140] {strides = array<i32>} : memref<32x128xi32, #tpu.memory_space<vmem>>, vector<1x16xi32>,
    %swap3A_2142 = vector.shape_cast %swap3A_2141 : vector<1x16xi32> to vector<16xi32>
    %swap3A_2143 = vector.shape_cast %broadcast_in_dim3A_2119 : vector<16xi32> to vector<1x16xi32>
    tpu.vector_store %arg5[%swap3A_2139, %swap3A_2140], %swap3A_2143 {strides = array<i32>} : memref<32x128xi32, #tpu.memory_space<vmem>>, vector<1x16xi32>,
    %swap3A_2144 = arith.constant 28 : i32
    %swap3A_2145 = arith.index_cast %swap3A_2144 : i32 to index
    %swap3A_2146 = arith.constant 64 : index
    %swap3A_2147 = tpu.vector_load %arg5[%swap3A_2145, %swap3A_2146] {strides = array<i32>} : memref<32x128xi32, #tpu.memory_space<vmem>>, vector<1x16xi32>,
    %swap3A_2148 = vector.shape_cast %swap3A_2147 : vector<1x16xi32> to vector<16xi32>
    %swap3A_2149 = vector.shape_cast %broadcast_in_dim3A_2119 : vector<16xi32> to vector<1x16xi32>
    tpu.vector_store %arg5[%swap3A_2145, %swap3A_2146], %swap3A_2149 {strides = array<i32>} : memref<32x128xi32, #tpu.memory_space<vmem>>, vector<1x16xi32>,
    %swap3A_2150 = arith.constant 28 : i32
    %swap3A_2151 = arith.index_cast %swap3A_2150 : i32 to index
    %swap3A_2152 = arith.constant 80 : index
    %swap3A_2153 = tpu.vector_load %arg5[%swap3A_2151, %swap3A_2152] {strides = array<i32>} : memref<32x128xi32, #tpu.memory_space<vmem>>, vector<1x16xi32>,
    %swap3A_2154 = vector.shape_cast %swap3A_2153 : vector<1x16xi32> to vector<16xi32>
    %swap3A_2155 = vector.shape_cast %broadcast_in_dim3A_2119 : vector<16xi32> to vector<1x16xi32>
    tpu.vector_store %arg5[%swap3A_2151, %swap3A_2152], %swap3A_2155 {strides = array<i32>} : memref<32x128xi32, #tpu.memory_space<vmem>>, vector<1x16xi32>,
    %swap3A_2156 = arith.constant 28 : i32
    %swap3A_2157 = arith.index_cast %swap3A_2156 : i32 to index
    %swap3A_2158 = arith.constant 96 : index
    %swap3A_2159 = tpu.vector_load %arg5[%swap3A_2157, %swap3A_2158] {strides = array<i32>} : memref<32x128xi32, #tpu.memory_space<vmem>>, vector<1x16xi32>,
    %swap3A_2160 = vector.shape_cast %swap3A_2159 : vector<1x16xi32> to vector<16xi32>
    %swap3A_2161 = vector.shape_cast %broadcast_in_dim3A_2119 : vector<16xi32> to vector<1x16xi32>
    tpu.vector_store %arg5[%swap3A_2157, %swap3A_2158], %swap3A_2161 {strides = array<i32>} : memref<32x128xi32, #tpu.memory_space<vmem>>, vector<1x16xi32>,
    %swap3A_2162 = arith.constant 28 : i32
    %swap3A_2163 = arith.index_cast %swap3A_2162 : i32 to index
    %swap3A_2164 = arith.constant 112 : index
    %swap3A_2165 = tpu.vector_load %arg5[%swap3A_2163, %swap3A_2164] {strides = array<i32>} : memref<32x128xi32, #tpu.memory_space<vmem>>, vector<1x16xi32>,
    %swap3A_2166 = vector.shape_cast %swap3A_2165 : vector<1x16xi32> to vector<16xi32>
    %swap3A_2167 = vector.shape_cast %broadcast_in_dim3A_2119 : vector<16xi32> to vector<1x16xi32>
    tpu.vector_store %arg5[%swap3A_2163, %swap3A_2164], %swap3A_2167 {strides = array<i32>} : memref<32x128xi32, #tpu.memory_space<vmem>>, vector<1x16xi32>,
    %add3A_2168 = arith.constant 29 : i32
    %add3A_2169 = arith.addi %mul3A_2, %add3A_2168 : i32
    %jit3A_2170 = arith.constant 8 : i32
    %div3A_2171 = arith.divsi %add3A_2169, %jit3A_2170 : i32
    %sign3A_2172 = arith.constant 0 : i32
    %sign3A_2173 = arith.cmpi sgt, %add3A_2169, %sign3A_2172 : i32
    %sign3A_2174 = arith.extui %sign3A_2173 : i1 to i32
    %sign3A_2175 = arith.constant 0 : i32
    %sign3A_2176 = arith.cmpi slt, %add3A_2169, %sign3A_2175 : i32
    %sign3A_2177 = arith.extui %sign3A_2176 : i1 to i32
    %sign3A_2178 = arith.subi %sign3A_2174, %sign3A_2177 : i32
    %sign3A_2179 = arith.constant 0 : i32
    %sign3A_2180 = arith.cmpi sgt, %jit3A_2170, %sign3A_2179 : i32
    %sign3A_2181 = arith.extui %sign3A_2180 : i1 to i32
    %sign3A_2182 = arith.constant 0 : i32
    %sign3A_2183 = arith.cmpi slt, %jit3A_2170, %sign3A_2182 : i32
    %sign3A_2184 = arith.extui %sign3A_2183 : i1 to i32
    %sign3A_2185 = arith.subi %sign3A_2181, %sign3A_2184 : i32
    %ne3A_2186 = arith.cmpi ne, %sign3A_2178, %sign3A_2185 : i32
    %rem3A_2187 = arith.remsi %add3A_2169, %jit3A_2170 : i32
    %ne3A_2188 = arith.constant 0 : i32
    %ne3A_2189 = arith.cmpi ne, %rem3A_2187, %ne3A_2188 : i32
    %and3A_2190 = arith.andi %ne3A_2186, %ne3A_2189 : i1
    %sub3A_2191 = arith.constant 1 : i32
    %sub3A_2192 = arith.subi %div3A_2171, %sub3A_2191 : i32
    %select_n3A_2193 = arith.select %and3A_2190, %sub3A_2192, %div3A_2171 : i32
    %broadcast_in_dim3A_2194 = vector.broadcast %select_n3A_2193 : i32 to vector<16xi32>
    %swap3A_2195 = arith.constant 29 : i32
    %swap3A_2196 = arith.index_cast %swap3A_2195 : i32 to index
    %swap3A_2197 = arith.constant 0 : index
    %swap3A_2198 = tpu.vector_load %arg5[%swap3A_2196, %swap3A_2197] {strides = array<i32>} : memref<32x128xi32, #tpu.memory_space<vmem>>, vector<1x16xi32>,
    %swap3A_2199 = vector.shape_cast %swap3A_2198 : vector<1x16xi32> to vector<16xi32>
    %swap3A_2200 = vector.shape_cast %broadcast_in_dim3A_2194 : vector<16xi32> to vector<1x16xi32>
    tpu.vector_store %arg5[%swap3A_2196, %swap3A_2197], %swap3A_2200 {strides = array<i32>} : memref<32x128xi32, #tpu.memory_space<vmem>>, vector<1x16xi32>,
    %swap3A_2201 = arith.constant 29 : i32
    %swap3A_2202 = arith.index_cast %swap3A_2201 : i32 to index
    %swap3A_2203 = arith.constant 16 : index
    %swap3A_2204 = tpu.vector_load %arg5[%swap3A_2202, %swap3A_2203] {strides = array<i32>} : memref<32x128xi32, #tpu.memory_space<vmem>>, vector<1x16xi32>,
    %swap3A_2205 = vector.shape_cast %swap3A_2204 : vector<1x16xi32> to vector<16xi32>
    %swap3A_2206 = vector.shape_cast %broadcast_in_dim3A_2194 : vector<16xi32> to vector<1x16xi32>
    tpu.vector_store %arg5[%swap3A_2202, %swap3A_2203], %swap3A_2206 {strides = array<i32>} : memref<32x128xi32, #tpu.memory_space<vmem>>, vector<1x16xi32>,
    %swap3A_2207 = arith.constant 29 : i32
    %swap3A_2208 = arith.index_cast %swap3A_2207 : i32 to index
    %swap3A_2209 = arith.constant 32 : index
    %swap3A_2210 = tpu.vector_load %arg5[%swap3A_2208, %swap3A_2209] {strides = array<i32>} : memref<32x128xi32, #tpu.memory_space<vmem>>, vector<1x16xi32>,
    %swap3A_2211 = vector.shape_cast %swap3A_2210 : vector<1x16xi32> to vector<16xi32>
    %swap3A_2212 = vector.shape_cast %broadcast_in_dim3A_2194 : vector<16xi32> to vector<1x16xi32>
    tpu.vector_store %arg5[%swap3A_2208, %swap3A_2209], %swap3A_2212 {strides = array<i32>} : memref<32x128xi32, #tpu.memory_space<vmem>>, vector<1x16xi32>,
    %swap3A_2213 = arith.constant 29 : i32
    %swap3A_2214 = arith.index_cast %swap3A_2213 : i32 to index
    %swap3A_2215 = arith.constant 48 : index
    %swap3A_2216 = tpu.vector_load %arg5[%swap3A_2214, %swap3A_2215] {strides = array<i32>} : memref<32x128xi32, #tpu.memory_space<vmem>>, vector<1x16xi32>,
    %swap3A_2217 = vector.shape_cast %swap3A_2216 : vector<1x16xi32> to vector<16xi32>
    %swap3A_2218 = vector.shape_cast %broadcast_in_dim3A_2194 : vector<16xi32> to vector<1x16xi32>
    tpu.vector_store %arg5[%swap3A_2214, %swap3A_2215], %swap3A_2218 {strides = array<i32>} : memref<32x128xi32, #tpu.memory_space<vmem>>, vector<1x16xi32>,
    %swap3A_2219 = arith.constant 29 : i32
    %swap3A_2220 = arith.index_cast %swap3A_2219 : i32 to index
    %swap3A_2221 = arith.constant 64 : index
    %swap3A_2222 = tpu.vector_load %arg5[%swap3A_2220, %swap3A_2221] {strides = array<i32>} : memref<32x128xi32, #tpu.memory_space<vmem>>, vector<1x16xi32>,
    %swap3A_2223 = vector.shape_cast %swap3A_2222 : vector<1x16xi32> to vector<16xi32>
    %swap3A_2224 = vector.shape_cast %broadcast_in_dim3A_2194 : vector<16xi32> to vector<1x16xi32>
    tpu.vector_store %arg5[%swap3A_2220, %swap3A_2221], %swap3A_2224 {strides = array<i32>} : memref<32x128xi32, #tpu.memory_space<vmem>>, vector<1x16xi32>,
    %swap3A_2225 = arith.constant 29 : i32
    %swap3A_2226 = arith.index_cast %swap3A_2225 : i32 to index
    %swap3A_2227 = arith.constant 80 : index
    %swap3A_2228 = tpu.vector_load %arg5[%swap3A_2226, %swap3A_2227] {strides = array<i32>} : memref<32x128xi32, #tpu.memory_space<vmem>>, vector<1x16xi32>,
    %swap3A_2229 = vector.shape_cast %swap3A_2228 : vector<1x16xi32> to vector<16xi32>
    %swap3A_2230 = vector.shape_cast %broadcast_in_dim3A_2194 : vector<16xi32> to vector<1x16xi32>
    tpu.vector_store %arg5[%swap3A_2226, %swap3A_2227], %swap3A_2230 {strides = array<i32>} : memref<32x128xi32, #tpu.memory_space<vmem>>, vector<1x16xi32>,
    %swap3A_2231 = arith.constant 29 : i32
    %swap3A_2232 = arith.index_cast %swap3A_2231 : i32 to index
    %swap3A_2233 = arith.constant 96 : index
    %swap3A_2234 = tpu.vector_load %arg5[%swap3A_2232, %swap3A_2233] {strides = array<i32>} : memref<32x128xi32, #tpu.memory_space<vmem>>, vector<1x16xi32>,
    %swap3A_2235 = vector.shape_cast %swap3A_2234 : vector<1x16xi32> to vector<16xi32>
    %swap3A_2236 = vector.shape_cast %broadcast_in_dim3A_2194 : vector<16xi32> to vector<1x16xi32>
    tpu.vector_store %arg5[%swap3A_2232, %swap3A_2233], %swap3A_2236 {strides = array<i32>} : memref<32x128xi32, #tpu.memory_space<vmem>>, vector<1x16xi32>,
    %swap3A_2237 = arith.constant 29 : i32
    %swap3A_2238 = arith.index_cast %swap3A_2237 : i32 to index
    %swap3A_2239 = arith.constant 112 : index
    %swap3A_2240 = tpu.vector_load %arg5[%swap3A_2238, %swap3A_2239] {strides = array<i32>} : memref<32x128xi32, #tpu.memory_space<vmem>>, vector<1x16xi32>,
    %swap3A_2241 = vector.shape_cast %swap3A_2240 : vector<1x16xi32> to vector<16xi32>
    %swap3A_2242 = vector.shape_cast %broadcast_in_dim3A_2194 : vector<16xi32> to vector<1x16xi32>
    tpu.vector_store %arg5[%swap3A_2238, %swap3A_2239], %swap3A_2242 {strides = array<i32>} : memref<32x128xi32, #tpu.memory_space<vmem>>, vector<1x16xi32>,
    %add3A_2243 = arith.constant 30 : i32
    %add3A_2244 = arith.addi %mul3A_2, %add3A_2243 : i32
    %jit3A_2245 = arith.constant 8 : i32
    %div3A_2246 = arith.divsi %add3A_2244, %jit3A_2245 : i32
    %sign3A_2247 = arith.constant 0 : i32
    %sign3A_2248 = arith.cmpi sgt, %add3A_2244, %sign3A_2247 : i32
    %sign3A_2249 = arith.extui %sign3A_2248 : i1 to i32
    %sign3A_2250 = arith.constant 0 : i32
    %sign3A_2251 = arith.cmpi slt, %add3A_2244, %sign3A_2250 : i32
    %sign3A_2252 = arith.extui %sign3A_2251 : i1 to i32
    %sign3A_2253 = arith.subi %sign3A_2249, %sign3A_2252 : i32
    %sign3A_2254 = arith.constant 0 : i32
    %sign3A_2255 = arith.cmpi sgt, %jit3A_2245, %sign3A_2254 : i32
    %sign3A_2256 = arith.extui %sign3A_2255 : i1 to i32
    %sign3A_2257 = arith.constant 0 : i32
    %sign3A_2258 = arith.cmpi slt, %jit3A_2245, %sign3A_2257 : i32
    %sign3A_2259 = arith.extui %sign3A_2258 : i1 to i32
    %sign3A_2260 = arith.subi %sign3A_2256, %sign3A_2259 : i32
    %ne3A_2261 = arith.cmpi ne, %sign3A_2253, %sign3A_2260 : i32
    %rem3A_2262 = arith.remsi %add3A_2244, %jit3A_2245 : i32
    %ne3A_2263 = arith.constant 0 : i32
    %ne3A_2264 = arith.cmpi ne, %rem3A_2262, %ne3A_2263 : i32
    %and3A_2265 = arith.andi %ne3A_2261, %ne3A_2264 : i1
    %sub3A_2266 = arith.constant 1 : i32
    %sub3A_2267 = arith.subi %div3A_2246, %sub3A_2266 : i32
    %select_n3A_2268 = arith.select %and3A_2265, %sub3A_2267, %div3A_2246 : i32
    %broadcast_in_dim3A_2269 = vector.broadcast %select_n3A_2268 : i32 to vector<16xi32>
    %swap3A_2270 = arith.constant 30 : i32
    %swap3A_2271 = arith.index_cast %swap3A_2270 : i32 to index
    %swap3A_2272 = arith.constant 0 : index
    %swap3A_2273 = tpu.vector_load %arg5[%swap3A_2271, %swap3A_2272] {strides = array<i32>} : memref<32x128xi32, #tpu.memory_space<vmem>>, vector<1x16xi32>,
    %swap3A_2274 = vector.shape_cast %swap3A_2273 : vector<1x16xi32> to vector<16xi32>
    %swap3A_2275 = vector.shape_cast %broadcast_in_dim3A_2269 : vector<16xi32> to vector<1x16xi32>
    tpu.vector_store %arg5[%swap3A_2271, %swap3A_2272], %swap3A_2275 {strides = array<i32>} : memref<32x128xi32, #tpu.memory_space<vmem>>, vector<1x16xi32>,
    %swap3A_2276 = arith.constant 30 : i32
    %swap3A_2277 = arith.index_cast %swap3A_2276 : i32 to index
    %swap3A_2278 = arith.constant 16 : index
    %swap3A_2279 = tpu.vector_load %arg5[%swap3A_2277, %swap3A_2278] {strides = array<i32>} : memref<32x128xi32, #tpu.memory_space<vmem>>, vector<1x16xi32>,
    %swap3A_2280 = vector.shape_cast %swap3A_2279 : vector<1x16xi32> to vector<16xi32>
    %swap3A_2281 = vector.shape_cast %broadcast_in_dim3A_2269 : vector<16xi32> to vector<1x16xi32>
    tpu.vector_store %arg5[%swap3A_2277, %swap3A_2278], %swap3A_2281 {strides = array<i32>} : memref<32x128xi32, #tpu.memory_space<vmem>>, vector<1x16xi32>,
    %swap3A_2282 = arith.constant 30 : i32
    %swap3A_2283 = arith.index_cast %swap3A_2282 : i32 to index
    %swap3A_2284 = arith.constant 32 : index
    %swap3A_2285 = tpu.vector_load %arg5[%swap3A_2283, %swap3A_2284] {strides = array<i32>} : memref<32x128xi32, #tpu.memory_space<vmem>>, vector<1x16xi32>,
    %swap3A_2286 = vector.shape_cast %swap3A_2285 : vector<1x16xi32> to vector<16xi32>
    %swap3A_2287 = vector.shape_cast %broadcast_in_dim3A_2269 : vector<16xi32> to vector<1x16xi32>
    tpu.vector_store %arg5[%swap3A_2283, %swap3A_2284], %swap3A_2287 {strides = array<i32>} : memref<32x128xi32, #tpu.memory_space<vmem>>, vector<1x16xi32>,
    %swap3A_2288 = arith.constant 30 : i32
    %swap3A_2289 = arith.index_cast %swap3A_2288 : i32 to index
    %swap3A_2290 = arith.constant 48 : index
    %swap3A_2291 = tpu.vector_load %arg5[%swap3A_2289, %swap3A_2290] {strides = array<i32>} : memref<32x128xi32, #tpu.memory_space<vmem>>, vector<1x16xi32>,
    %swap3A_2292 = vector.shape_cast %swap3A_2291 : vector<1x16xi32> to vector<16xi32>
    %swap3A_2293 = vector.shape_cast %broadcast_in_dim3A_2269 : vector<16xi32> to vector<1x16xi32>
    tpu.vector_store %arg5[%swap3A_2289, %swap3A_2290], %swap3A_2293 {strides = array<i32>} : memref<32x128xi32, #tpu.memory_space<vmem>>, vector<1x16xi32>,
    %swap3A_2294 = arith.constant 30 : i32
    %swap3A_2295 = arith.index_cast %swap3A_2294 : i32 to index
    %swap3A_2296 = arith.constant 64 : index
    %swap3A_2297 = tpu.vector_load %arg5[%swap3A_2295, %swap3A_2296] {strides = array<i32>} : memref<32x128xi32, #tpu.memory_space<vmem>>, vector<1x16xi32>,
    %swap3A_2298 = vector.shape_cast %swap3A_2297 : vector<1x16xi32> to vector<16xi32>
    %swap3A_2299 = vector.shape_cast %broadcast_in_dim3A_2269 : vector<16xi32> to vector<1x16xi32>
    tpu.vector_store %arg5[%swap3A_2295, %swap3A_2296], %swap3A_2299 {strides = array<i32>} : memref<32x128xi32, #tpu.memory_space<vmem>>, vector<1x16xi32>,
    %swap3A_2300 = arith.constant 30 : i32
    %swap3A_2301 = arith.index_cast %swap3A_2300 : i32 to index
    %swap3A_2302 = arith.constant 80 : index
    %swap3A_2303 = tpu.vector_load %arg5[%swap3A_2301, %swap3A_2302] {strides = array<i32>} : memref<32x128xi32, #tpu.memory_space<vmem>>, vector<1x16xi32>,
    %swap3A_2304 = vector.shape_cast %swap3A_2303 : vector<1x16xi32> to vector<16xi32>
    %swap3A_2305 = vector.shape_cast %broadcast_in_dim3A_2269 : vector<16xi32> to vector<1x16xi32>
    tpu.vector_store %arg5[%swap3A_2301, %swap3A_2302], %swap3A_2305 {strides = array<i32>} : memref<32x128xi32, #tpu.memory_space<vmem>>, vector<1x16xi32>,
    %swap3A_2306 = arith.constant 30 : i32
    %swap3A_2307 = arith.index_cast %swap3A_2306 : i32 to index
    %swap3A_2308 = arith.constant 96 : index
    %swap3A_2309 = tpu.vector_load %arg5[%swap3A_2307, %swap3A_2308] {strides = array<i32>} : memref<32x128xi32, #tpu.memory_space<vmem>>, vector<1x16xi32>,
    %swap3A_2310 = vector.shape_cast %swap3A_2309 : vector<1x16xi32> to vector<16xi32>
    %swap3A_2311 = vector.shape_cast %broadcast_in_dim3A_2269 : vector<16xi32> to vector<1x16xi32>
    tpu.vector_store %arg5[%swap3A_2307, %swap3A_2308], %swap3A_2311 {strides = array<i32>} : memref<32x128xi32, #tpu.memory_space<vmem>>, vector<1x16xi32>,
    %swap3A_2312 = arith.constant 30 : i32
    %swap3A_2313 = arith.index_cast %swap3A_2312 : i32 to index
    %swap3A_2314 = arith.constant 112 : index
    %swap3A_2315 = tpu.vector_load %arg5[%swap3A_2313, %swap3A_2314] {strides = array<i32>} : memref<32x128xi32, #tpu.memory_space<vmem>>, vector<1x16xi32>,
    %swap3A_2316 = vector.shape_cast %swap3A_2315 : vector<1x16xi32> to vector<16xi32>
    %swap3A_2317 = vector.shape_cast %broadcast_in_dim3A_2269 : vector<16xi32> to vector<1x16xi32>
    tpu.vector_store %arg5[%swap3A_2313, %swap3A_2314], %swap3A_2317 {strides = array<i32>} : memref<32x128xi32, #tpu.memory_space<vmem>>, vector<1x16xi32>,
    %add3A_2318 = arith.constant 31 : i32
    %add3A_2319 = arith.addi %mul3A_2, %add3A_2318 : i32
    %jit3A_2320 = arith.constant 8 : i32
    %div3A_2321 = arith.divsi %add3A_2319, %jit3A_2320 : i32
    %sign3A_2322 = arith.constant 0 : i32
    %sign3A_2323 = arith.cmpi sgt, %add3A_2319, %sign3A_2322 : i32
    %sign3A_2324 = arith.extui %sign3A_2323 : i1 to i32
    %sign3A_2325 = arith.constant 0 : i32
    %sign3A_2326 = arith.cmpi slt, %add3A_2319, %sign3A_2325 : i32
    %sign3A_2327 = arith.extui %sign3A_2326 : i1 to i32
    %sign3A_2328 = arith.subi %sign3A_2324, %sign3A_2327 : i32
    %sign3A_2329 = arith.constant 0 : i32
    %sign3A_2330 = arith.cmpi sgt, %jit3A_2320, %sign3A_2329 : i32
    %sign3A_2331 = arith.extui %sign3A_2330 : i1 to i32
    %sign3A_2332 = arith.constant 0 : i32
    %sign3A_2333 = arith.cmpi slt, %jit3A_2320, %sign3A_2332 : i32
    %sign3A_2334 = arith.extui %sign3A_2333 : i1 to i32
    %sign3A_2335 = arith.subi %sign3A_2331, %sign3A_2334 : i32
    %ne3A_2336 = arith.cmpi ne, %sign3A_2328, %sign3A_2335 : i32
    %rem3A_2337 = arith.remsi %add3A_2319, %jit3A_2320 : i32
    %ne3A_2338 = arith.constant 0 : i32
    %ne3A_2339 = arith.cmpi ne, %rem3A_2337, %ne3A_2338 : i32
    %and3A_2340 = arith.andi %ne3A_2336, %ne3A_2339 : i1
    %sub3A_2341 = arith.constant 1 : i32
    %sub3A_2342 = arith.subi %div3A_2321, %sub3A_2341 : i32
    %select_n3A_2343 = arith.select %and3A_2340, %sub3A_2342, %div3A_2321 : i32
    %broadcast_in_dim3A_2344 = vector.broadcast %select_n3A_2343 : i32 to vector<16xi32>
    %swap3A_2345 = arith.constant 31 : i32
    %swap3A_2346 = arith.index_cast %swap3A_2345 : i32 to index
    %swap3A_2347 = arith.constant 0 : index
    %swap3A_2348 = tpu.vector_load %arg5[%swap3A_2346, %swap3A_2347] {strides = array<i32>} : memref<32x128xi32, #tpu.memory_space<vmem>>, vector<1x16xi32>,
    %swap3A_2349 = vector.shape_cast %swap3A_2348 : vector<1x16xi32> to vector<16xi32>
    %swap3A_2350 = vector.shape_cast %broadcast_in_dim3A_2344 : vector<16xi32> to vector<1x16xi32>
    tpu.vector_store %arg5[%swap3A_2346, %swap3A_2347], %swap3A_2350 {strides = array<i32>} : memref<32x128xi32, #tpu.memory_space<vmem>>, vector<1x16xi32>,
    %swap3A_2351 = arith.constant 31 : i32
    %swap3A_2352 = arith.index_cast %swap3A_2351 : i32 to index
    %swap3A_2353 = arith.constant 16 : index
    %swap3A_2354 = tpu.vector_load %arg5[%swap3A_2352, %swap3A_2353] {strides = array<i32>} : memref<32x128xi32, #tpu.memory_space<vmem>>, vector<1x16xi32>,
    %swap3A_2355 = vector.shape_cast %swap3A_2354 : vector<1x16xi32> to vector<16xi32>
    %swap3A_2356 = vector.shape_cast %broadcast_in_dim3A_2344 : vector<16xi32> to vector<1x16xi32>
    tpu.vector_store %arg5[%swap3A_2352, %swap3A_2353], %swap3A_2356 {strides = array<i32>} : memref<32x128xi32, #tpu.memory_space<vmem>>, vector<1x16xi32>,
    %swap3A_2357 = arith.constant 31 : i32
    %swap3A_2358 = arith.index_cast %swap3A_2357 : i32 to index
    %swap3A_2359 = arith.constant 32 : index
    %swap3A_2360 = tpu.vector_load %arg5[%swap3A_2358, %swap3A_2359] {strides = array<i32>} : memref<32x128xi32, #tpu.memory_space<vmem>>, vector<1x16xi32>,
    %swap3A_2361 = vector.shape_cast %swap3A_2360 : vector<1x16xi32> to vector<16xi32>
    %swap3A_2362 = vector.shape_cast %broadcast_in_dim3A_2344 : vector<16xi32> to vector<1x16xi32>
    tpu.vector_store %arg5[%swap3A_2358, %swap3A_2359], %swap3A_2362 {strides = array<i32>} : memref<32x128xi32, #tpu.memory_space<vmem>>, vector<1x16xi32>,
    %swap3A_2363 = arith.constant 31 : i32
    %swap3A_2364 = arith.index_cast %swap3A_2363 : i32 to index
    %swap3A_2365 = arith.constant 48 : index
    %swap3A_2366 = tpu.vector_load %arg5[%swap3A_2364, %swap3A_2365] {strides = array<i32>} : memref<32x128xi32, #tpu.memory_space<vmem>>, vector<1x16xi32>,
    %swap3A_2367 = vector.shape_cast %swap3A_2366 : vector<1x16xi32> to vector<16xi32>
    %swap3A_2368 = vector.shape_cast %broadcast_in_dim3A_2344 : vector<16xi32> to vector<1x16xi32>
    tpu.vector_store %arg5[%swap3A_2364, %swap3A_2365], %swap3A_2368 {strides = array<i32>} : memref<32x128xi32, #tpu.memory_space<vmem>>, vector<1x16xi32>,
    %swap3A_2369 = arith.constant 31 : i32
    %swap3A_2370 = arith.index_cast %swap3A_2369 : i32 to index
    %swap3A_2371 = arith.constant 64 : index
    %swap3A_2372 = tpu.vector_load %arg5[%swap3A_2370, %swap3A_2371] {strides = array<i32>} : memref<32x128xi32, #tpu.memory_space<vmem>>, vector<1x16xi32>,
    %swap3A_2373 = vector.shape_cast %swap3A_2372 : vector<1x16xi32> to vector<16xi32>
    %swap3A_2374 = vector.shape_cast %broadcast_in_dim3A_2344 : vector<16xi32> to vector<1x16xi32>
    tpu.vector_store %arg5[%swap3A_2370, %swap3A_2371], %swap3A_2374 {strides = array<i32>} : memref<32x128xi32, #tpu.memory_space<vmem>>, vector<1x16xi32>,
    %swap3A_2375 = arith.constant 31 : i32
    %swap3A_2376 = arith.index_cast %swap3A_2375 : i32 to index
    %swap3A_2377 = arith.constant 80 : index
    %swap3A_2378 = tpu.vector_load %arg5[%swap3A_2376, %swap3A_2377] {strides = array<i32>} : memref<32x128xi32, #tpu.memory_space<vmem>>, vector<1x16xi32>,
    %swap3A_2379 = vector.shape_cast %swap3A_2378 : vector<1x16xi32> to vector<16xi32>
    %swap3A_2380 = vector.shape_cast %broadcast_in_dim3A_2344 : vector<16xi32> to vector<1x16xi32>
    tpu.vector_store %arg5[%swap3A_2376, %swap3A_2377], %swap3A_2380 {strides = array<i32>} : memref<32x128xi32, #tpu.memory_space<vmem>>, vector<1x16xi32>,
    %swap3A_2381 = arith.constant 31 : i32
    %swap3A_2382 = arith.index_cast %swap3A_2381 : i32 to index
    %swap3A_2383 = arith.constant 96 : index
    %swap3A_2384 = tpu.vector_load %arg5[%swap3A_2382, %swap3A_2383] {strides = array<i32>} : memref<32x128xi32, #tpu.memory_space<vmem>>, vector<1x16xi32>,
    %swap3A_2385 = vector.shape_cast %swap3A_2384 : vector<1x16xi32> to vector<16xi32>
    %swap3A_2386 = vector.shape_cast %broadcast_in_dim3A_2344 : vector<16xi32> to vector<1x16xi32>
    tpu.vector_store %arg5[%swap3A_2382, %swap3A_2383], %swap3A_2386 {strides = array<i32>} : memref<32x128xi32, #tpu.memory_space<vmem>>, vector<1x16xi32>,
    %swap3A_2387 = arith.constant 31 : i32
    %swap3A_2388 = arith.index_cast %swap3A_2387 : i32 to index
    %swap3A_2389 = arith.constant 112 : index
    %swap3A_2390 = tpu.vector_load %arg5[%swap3A_2388, %swap3A_2389] {strides = array<i32>} : memref<32x128xi32, #tpu.memory_space<vmem>>, vector<1x16xi32>,
    %swap3A_2391 = vector.shape_cast %swap3A_2390 : vector<1x16xi32> to vector<16xi32>
    %swap3A_2392 = vector.shape_cast %broadcast_in_dim3A_2344 : vector<16xi32> to vector<1x16xi32>
    tpu.vector_store %arg5[%swap3A_2388, %swap3A_2389], %swap3A_2392 {strides = array<i32>} : memref<32x128xi32, #tpu.memory_space<vmem>>, vector<1x16xi32>,
    %dma_start3A = arith.constant 0 : i32
    %dma_start3A_2393 = arith.constant 0 : i32
    %dma_start3A_2394 = arith.constant 0 : i32
    %dma_start3A_2395 = tpu.memref_slice %arg5[%dma_start3A, %dma_start3A_2394] : memref<32x128xi32, #tpu.memory_space<vmem>> -> memref<1x128xi32, #tpu.memory_space<vmem>>
    %dma_start3A_2396 = tpu.memref_squeeze %dma_start3A_2395 : memref<1x128xi32, #tpu.memory_space<vmem>> -> memref<128xi32, #tpu.memory_space<vmem>>
    %dma_start3A_2397 = arith.constant 0 : i32
    %dma_start3A_2398 = tpu.memref_slice %arg4[%dma_start3A_2393, %dma_start3A_2397] : memref<32x128xi32, #tpu.memory_space<vmem>> -> memref<1x128xi32, #tpu.memory_space<vmem>>
    %dma_start3A_2399 = tpu.memref_squeeze %dma_start3A_2398 : memref<1x128xi32, #tpu.memory_space<vmem>> -> memref<128xi32, #tpu.memory_space<vmem>>
    %dma_start3A_2400 = arith.constant 0 : i32
    %dma_start3A_2401 = tpu.memref_slice %arg3[%dma_start3A_2400] : memref<131072xi32, #tpu.memory_space<hbm>> -> memref<131072xi32, #tpu.memory_space<hbm>>
    tpu.enqueue_indirect_dma source(%dma_start3A_2396 : memref<128xi32, #tpu.memory_space<vmem>>) target(%dma_start3A_2401 : memref<131072xi32, #tpu.memory_space<hbm>>) offsets(%dma_start3A_2399 : memref<128xi32, #tpu.memory_space<vmem>>) semaphore(%arg6 : memref<!tpu.dma_semaphore, #tpu.memory_space<semaphore_mem>>)
    %dma_start3A_2402 = arith.constant 1 : i32
    %dma_start3A_2403 = arith.constant 1 : i32
    %dma_start3A_2404 = arith.constant 0 : i32
    %dma_start3A_2405 = tpu.memref_slice %arg5[%dma_start3A_2402, %dma_start3A_2404] : memref<32x128xi32, #tpu.memory_space<vmem>> -> memref<1x128xi32, #tpu.memory_space<vmem>>
    %dma_start3A_2406 = tpu.memref_squeeze %dma_start3A_2405 : memref<1x128xi32, #tpu.memory_space<vmem>> -> memref<128xi32, #tpu.memory_space<vmem>>
    %dma_start3A_2407 = arith.constant 0 : i32
    %dma_start3A_2408 = tpu.memref_slice %arg4[%dma_start3A_2403, %dma_start3A_2407] : memref<32x128xi32, #tpu.memory_space<vmem>> -> memref<1x128xi32, #tpu.memory_space<vmem>>
    %dma_start3A_2409 = tpu.memref_squeeze %dma_start3A_2408 : memref<1x128xi32, #tpu.memory_space<vmem>> -> memref<128xi32, #tpu.memory_space<vmem>>
    %dma_start3A_2410 = arith.constant 0 : i32
    %dma_start3A_2411 = tpu.memref_slice %arg3[%dma_start3A_2410] : memref<131072xi32, #tpu.memory_space<hbm>> -> memref<131072xi32, #tpu.memory_space<hbm>>
    tpu.enqueue_indirect_dma source(%dma_start3A_2406 : memref<128xi32, #tpu.memory_space<vmem>>) target(%dma_start3A_2411 : memref<131072xi32, #tpu.memory_space<hbm>>) offsets(%dma_start3A_2409 : memref<128xi32, #tpu.memory_space<vmem>>) semaphore(%arg6 : memref<!tpu.dma_semaphore, #tpu.memory_space<semaphore_mem>>)
    %dma_start3A_2412 = arith.constant 2 : i32
    %dma_start3A_2413 = arith.constant 2 : i32
    %dma_start3A_2414 = arith.constant 0 : i32
    %dma_start3A_2415 = tpu.memref_slice %arg5[%dma_start3A_2412, %dma_start3A_2414] : memref<32x128xi32, #tpu.memory_space<vmem>> -> memref<1x128xi32, #tpu.memory_space<vmem>>
    %dma_start3A_2416 = tpu.memref_squeeze %dma_start3A_2415 : memref<1x128xi32, #tpu.memory_space<vmem>> -> memref<128xi32, #tpu.memory_space<vmem>>
    %dma_start3A_2417 = arith.constant 0 : i32
    %dma_start3A_2418 = tpu.memref_slice %arg4[%dma_start3A_2413, %dma_start3A_2417] : memref<32x128xi32, #tpu.memory_space<vmem>> -> memref<1x128xi32, #tpu.memory_space<vmem>>
    %dma_start3A_2419 = tpu.memref_squeeze %dma_start3A_2418 : memref<1x128xi32, #tpu.memory_space<vmem>> -> memref<128xi32, #tpu.memory_space<vmem>>
    %dma_start3A_2420 = arith.constant 0 : i32
    %dma_start3A_2421 = tpu.memref_slice %arg3[%dma_start3A_2420] : memref<131072xi32, #tpu.memory_space<hbm>> -> memref<131072xi32, #tpu.memory_space<hbm>>
    tpu.enqueue_indirect_dma source(%dma_start3A_2416 : memref<128xi32, #tpu.memory_space<vmem>>) target(%dma_start3A_2421 : memref<131072xi32, #tpu.memory_space<hbm>>) offsets(%dma_start3A_2419 : memref<128xi32, #tpu.memory_space<vmem>>) semaphore(%arg6 : memref<!tpu.dma_semaphore, #tpu.memory_space<semaphore_mem>>)
    %dma_start3A_2422 = arith.constant 3 : i32
    %dma_start3A_2423 = arith.constant 3 : i32
    %dma_start3A_2424 = arith.constant 0 : i32
    %dma_start3A_2425 = tpu.memref_slice %arg5[%dma_start3A_2422, %dma_start3A_2424] : memref<32x128xi32, #tpu.memory_space<vmem>> -> memref<1x128xi32, #tpu.memory_space<vmem>>
    %dma_start3A_2426 = tpu.memref_squeeze %dma_start3A_2425 : memref<1x128xi32, #tpu.memory_space<vmem>> -> memref<128xi32, #tpu.memory_space<vmem>>
    %dma_start3A_2427 = arith.constant 0 : i32
    %dma_start3A_2428 = tpu.memref_slice %arg4[%dma_start3A_2423, %dma_start3A_2427] : memref<32x128xi32, #tpu.memory_space<vmem>> -> memref<1x128xi32, #tpu.memory_space<vmem>>
    %dma_start3A_2429 = tpu.memref_squeeze %dma_start3A_2428 : memref<1x128xi32, #tpu.memory_space<vmem>> -> memref<128xi32, #tpu.memory_space<vmem>>
    %dma_start3A_2430 = arith.constant 0 : i32
    %dma_start3A_2431 = tpu.memref_slice %arg3[%dma_start3A_2430] : memref<131072xi32, #tpu.memory_space<hbm>> -> memref<131072xi32, #tpu.memory_space<hbm>>
    tpu.enqueue_indirect_dma source(%dma_start3A_2426 : memref<128xi32, #tpu.memory_space<vmem>>) target(%dma_start3A_2431 : memref<131072xi32, #tpu.memory_space<hbm>>) offsets(%dma_start3A_2429 : memref<128xi32, #tpu.memory_space<vmem>>) semaphore(%arg6 : memref<!tpu.dma_semaphore, #tpu.memory_space<semaphore_mem>>)
    %dma_start3A_2432 = arith.constant 4 : i32
    %dma_start3A_2433 = arith.constant 4 : i32
    %dma_start3A_2434 = arith.constant 0 : i32
    %dma_start3A_2435 = tpu.memref_slice %arg5[%dma_start3A_2432, %dma_start3A_2434] : memref<32x128xi32, #tpu.memory_space<vmem>> -> memref<1x128xi32, #tpu.memory_space<vmem>>
    %dma_start3A_2436 = tpu.memref_squeeze %dma_start3A_2435 : memref<1x128xi32, #tpu.memory_space<vmem>> -> memref<128xi32, #tpu.memory_space<vmem>>
    %dma_start3A_2437 = arith.constant 0 : i32
    %dma_start3A_2438 = tpu.memref_slice %arg4[%dma_start3A_2433, %dma_start3A_2437] : memref<32x128xi32, #tpu.memory_space<vmem>> -> memref<1x128xi32, #tpu.memory_space<vmem>>
    %dma_start3A_2439 = tpu.memref_squeeze %dma_start3A_2438 : memref<1x128xi32, #tpu.memory_space<vmem>> -> memref<128xi32, #tpu.memory_space<vmem>>
    %dma_start3A_2440 = arith.constant 0 : i32
    %dma_start3A_2441 = tpu.memref_slice %arg3[%dma_start3A_2440] : memref<131072xi32, #tpu.memory_space<hbm>> -> memref<131072xi32, #tpu.memory_space<hbm>>
    tpu.enqueue_indirect_dma source(%dma_start3A_2436 : memref<128xi32, #tpu.memory_space<vmem>>) target(%dma_start3A_2441 : memref<131072xi32, #tpu.memory_space<hbm>>) offsets(%dma_start3A_2439 : memref<128xi32, #tpu.memory_space<vmem>>) semaphore(%arg6 : memref<!tpu.dma_semaphore, #tpu.memory_space<semaphore_mem>>)
    %dma_start3A_2442 = arith.constant 5 : i32
    %dma_start3A_2443 = arith.constant 5 : i32
    %dma_start3A_2444 = arith.constant 0 : i32
    %dma_start3A_2445 = tpu.memref_slice %arg5[%dma_start3A_2442, %dma_start3A_2444] : memref<32x128xi32, #tpu.memory_space<vmem>> -> memref<1x128xi32, #tpu.memory_space<vmem>>
    %dma_start3A_2446 = tpu.memref_squeeze %dma_start3A_2445 : memref<1x128xi32, #tpu.memory_space<vmem>> -> memref<128xi32, #tpu.memory_space<vmem>>
    %dma_start3A_2447 = arith.constant 0 : i32
    %dma_start3A_2448 = tpu.memref_slice %arg4[%dma_start3A_2443, %dma_start3A_2447] : memref<32x128xi32, #tpu.memory_space<vmem>> -> memref<1x128xi32, #tpu.memory_space<vmem>>
    %dma_start3A_2449 = tpu.memref_squeeze %dma_start3A_2448 : memref<1x128xi32, #tpu.memory_space<vmem>> -> memref<128xi32, #tpu.memory_space<vmem>>
    %dma_start3A_2450 = arith.constant 0 : i32
    %dma_start3A_2451 = tpu.memref_slice %arg3[%dma_start3A_2450] : memref<131072xi32, #tpu.memory_space<hbm>> -> memref<131072xi32, #tpu.memory_space<hbm>>
    tpu.enqueue_indirect_dma source(%dma_start3A_2446 : memref<128xi32, #tpu.memory_space<vmem>>) target(%dma_start3A_2451 : memref<131072xi32, #tpu.memory_space<hbm>>) offsets(%dma_start3A_2449 : memref<128xi32, #tpu.memory_space<vmem>>) semaphore(%arg6 : memref<!tpu.dma_semaphore, #tpu.memory_space<semaphore_mem>>)
    %dma_start3A_2452 = arith.constant 6 : i32
    %dma_start3A_2453 = arith.constant 6 : i32
    %dma_start3A_2454 = arith.constant 0 : i32
    %dma_start3A_2455 = tpu.memref_slice %arg5[%dma_start3A_2452, %dma_start3A_2454] : memref<32x128xi32, #tpu.memory_space<vmem>> -> memref<1x128xi32, #tpu.memory_space<vmem>>
    %dma_start3A_2456 = tpu.memref_squeeze %dma_start3A_2455 : memref<1x128xi32, #tpu.memory_space<vmem>> -> memref<128xi32, #tpu.memory_space<vmem>>
    %dma_start3A_2457 = arith.constant 0 : i32
    %dma_start3A_2458 = tpu.memref_slice %arg4[%dma_start3A_2453, %dma_start3A_2457] : memref<32x128xi32, #tpu.memory_space<vmem>> -> memref<1x128xi32, #tpu.memory_space<vmem>>
    %dma_start3A_2459 = tpu.memref_squeeze %dma_start3A_2458 : memref<1x128xi32, #tpu.memory_space<vmem>> -> memref<128xi32, #tpu.memory_space<vmem>>
    %dma_start3A_2460 = arith.constant 0 : i32
    %dma_start3A_2461 = tpu.memref_slice %arg3[%dma_start3A_2460] : memref<131072xi32, #tpu.memory_space<hbm>> -> memref<131072xi32, #tpu.memory_space<hbm>>
    tpu.enqueue_indirect_dma source(%dma_start3A_2456 : memref<128xi32, #tpu.memory_space<vmem>>) target(%dma_start3A_2461 : memref<131072xi32, #tpu.memory_space<hbm>>) offsets(%dma_start3A_2459 : memref<128xi32, #tpu.memory_space<vmem>>) semaphore(%arg6 : memref<!tpu.dma_semaphore, #tpu.memory_space<semaphore_mem>>)
    %dma_start3A_2462 = arith.constant 7 : i32
    %dma_start3A_2463 = arith.constant 7 : i32
    %dma_start3A_2464 = arith.constant 0 : i32
    %dma_start3A_2465 = tpu.memref_slice %arg5[%dma_start3A_2462, %dma_start3A_2464] : memref<32x128xi32, #tpu.memory_space<vmem>> -> memref<1x128xi32, #tpu.memory_space<vmem>>
    %dma_start3A_2466 = tpu.memref_squeeze %dma_start3A_2465 : memref<1x128xi32, #tpu.memory_space<vmem>> -> memref<128xi32, #tpu.memory_space<vmem>>
    %dma_start3A_2467 = arith.constant 0 : i32
    %dma_start3A_2468 = tpu.memref_slice %arg4[%dma_start3A_2463, %dma_start3A_2467] : memref<32x128xi32, #tpu.memory_space<vmem>> -> memref<1x128xi32, #tpu.memory_space<vmem>>
    %dma_start3A_2469 = tpu.memref_squeeze %dma_start3A_2468 : memref<1x128xi32, #tpu.memory_space<vmem>> -> memref<128xi32, #tpu.memory_space<vmem>>
    %dma_start3A_2470 = arith.constant 0 : i32
    %dma_start3A_2471 = tpu.memref_slice %arg3[%dma_start3A_2470] : memref<131072xi32, #tpu.memory_space<hbm>> -> memref<131072xi32, #tpu.memory_space<hbm>>
    tpu.enqueue_indirect_dma source(%dma_start3A_2466 : memref<128xi32, #tpu.memory_space<vmem>>) target(%dma_start3A_2471 : memref<131072xi32, #tpu.memory_space<hbm>>) offsets(%dma_start3A_2469 : memref<128xi32, #tpu.memory_space<vmem>>) semaphore(%arg6 : memref<!tpu.dma_semaphore, #tpu.memory_space<semaphore_mem>>)
    %dma_start3A_2472 = arith.constant 8 : i32
    %dma_start3A_2473 = arith.constant 8 : i32
    %dma_start3A_2474 = arith.constant 0 : i32
    %dma_start3A_2475 = tpu.memref_slice %arg5[%dma_start3A_2472, %dma_start3A_2474] : memref<32x128xi32, #tpu.memory_space<vmem>> -> memref<1x128xi32, #tpu.memory_space<vmem>>
    %dma_start3A_2476 = tpu.memref_squeeze %dma_start3A_2475 : memref<1x128xi32, #tpu.memory_space<vmem>> -> memref<128xi32, #tpu.memory_space<vmem>>
    %dma_start3A_2477 = arith.constant 0 : i32
    %dma_start3A_2478 = tpu.memref_slice %arg4[%dma_start3A_2473, %dma_start3A_2477] : memref<32x128xi32, #tpu.memory_space<vmem>> -> memref<1x128xi32, #tpu.memory_space<vmem>>
    %dma_start3A_2479 = tpu.memref_squeeze %dma_start3A_2478 : memref<1x128xi32, #tpu.memory_space<vmem>> -> memref<128xi32, #tpu.memory_space<vmem>>
    %dma_start3A_2480 = arith.constant 0 : i32
    %dma_start3A_2481 = tpu.memref_slice %arg3[%dma_start3A_2480] : memref<131072xi32, #tpu.memory_space<hbm>> -> memref<131072xi32, #tpu.memory_space<hbm>>
    tpu.enqueue_indirect_dma source(%dma_start3A_2476 : memref<128xi32, #tpu.memory_space<vmem>>) target(%dma_start3A_2481 : memref<131072xi32, #tpu.memory_space<hbm>>) offsets(%dma_start3A_2479 : memref<128xi32, #tpu.memory_space<vmem>>) semaphore(%arg6 : memref<!tpu.dma_semaphore, #tpu.memory_space<semaphore_mem>>)
    %dma_start3A_2482 = arith.constant 9 : i32
    %dma_start3A_2483 = arith.constant 9 : i32
    %dma_start3A_2484 = arith.constant 0 : i32
    %dma_start3A_2485 = tpu.memref_slice %arg5[%dma_start3A_2482, %dma_start3A_2484] : memref<32x128xi32, #tpu.memory_space<vmem>> -> memref<1x128xi32, #tpu.memory_space<vmem>>
    %dma_start3A_2486 = tpu.memref_squeeze %dma_start3A_2485 : memref<1x128xi32, #tpu.memory_space<vmem>> -> memref<128xi32, #tpu.memory_space<vmem>>
    %dma_start3A_2487 = arith.constant 0 : i32
    %dma_start3A_2488 = tpu.memref_slice %arg4[%dma_start3A_2483, %dma_start3A_2487] : memref<32x128xi32, #tpu.memory_space<vmem>> -> memref<1x128xi32, #tpu.memory_space<vmem>>
    %dma_start3A_2489 = tpu.memref_squeeze %dma_start3A_2488 : memref<1x128xi32, #tpu.memory_space<vmem>> -> memref<128xi32, #tpu.memory_space<vmem>>
    %dma_start3A_2490 = arith.constant 0 : i32
    %dma_start3A_2491 = tpu.memref_slice %arg3[%dma_start3A_2490] : memref<131072xi32, #tpu.memory_space<hbm>> -> memref<131072xi32, #tpu.memory_space<hbm>>
    tpu.enqueue_indirect_dma source(%dma_start3A_2486 : memref<128xi32, #tpu.memory_space<vmem>>) target(%dma_start3A_2491 : memref<131072xi32, #tpu.memory_space<hbm>>) offsets(%dma_start3A_2489 : memref<128xi32, #tpu.memory_space<vmem>>) semaphore(%arg6 : memref<!tpu.dma_semaphore, #tpu.memory_space<semaphore_mem>>)
    %dma_start3A_2492 = arith.constant 10 : i32
    %dma_start3A_2493 = arith.constant 10 : i32
    %dma_start3A_2494 = arith.constant 0 : i32
    %dma_start3A_2495 = tpu.memref_slice %arg5[%dma_start3A_2492, %dma_start3A_2494] : memref<32x128xi32, #tpu.memory_space<vmem>> -> memref<1x128xi32, #tpu.memory_space<vmem>>
    %dma_start3A_2496 = tpu.memref_squeeze %dma_start3A_2495 : memref<1x128xi32, #tpu.memory_space<vmem>> -> memref<128xi32, #tpu.memory_space<vmem>>
    %dma_start3A_2497 = arith.constant 0 : i32
    %dma_start3A_2498 = tpu.memref_slice %arg4[%dma_start3A_2493, %dma_start3A_2497] : memref<32x128xi32, #tpu.memory_space<vmem>> -> memref<1x128xi32, #tpu.memory_space<vmem>>
    %dma_start3A_2499 = tpu.memref_squeeze %dma_start3A_2498 : memref<1x128xi32, #tpu.memory_space<vmem>> -> memref<128xi32, #tpu.memory_space<vmem>>
    %dma_start3A_2500 = arith.constant 0 : i32
    %dma_start3A_2501 = tpu.memref_slice %arg3[%dma_start3A_2500] : memref<131072xi32, #tpu.memory_space<hbm>> -> memref<131072xi32, #tpu.memory_space<hbm>>
    tpu.enqueue_indirect_dma source(%dma_start3A_2496 : memref<128xi32, #tpu.memory_space<vmem>>) target(%dma_start3A_2501 : memref<131072xi32, #tpu.memory_space<hbm>>) offsets(%dma_start3A_2499 : memref<128xi32, #tpu.memory_space<vmem>>) semaphore(%arg6 : memref<!tpu.dma_semaphore, #tpu.memory_space<semaphore_mem>>)
    %dma_start3A_2502 = arith.constant 11 : i32
    %dma_start3A_2503 = arith.constant 11 : i32
    %dma_start3A_2504 = arith.constant 0 : i32
    %dma_start3A_2505 = tpu.memref_slice %arg5[%dma_start3A_2502, %dma_start3A_2504] : memref<32x128xi32, #tpu.memory_space<vmem>> -> memref<1x128xi32, #tpu.memory_space<vmem>>
    %dma_start3A_2506 = tpu.memref_squeeze %dma_start3A_2505 : memref<1x128xi32, #tpu.memory_space<vmem>> -> memref<128xi32, #tpu.memory_space<vmem>>
    %dma_start3A_2507 = arith.constant 0 : i32
    %dma_start3A_2508 = tpu.memref_slice %arg4[%dma_start3A_2503, %dma_start3A_2507] : memref<32x128xi32, #tpu.memory_space<vmem>> -> memref<1x128xi32, #tpu.memory_space<vmem>>
    %dma_start3A_2509 = tpu.memref_squeeze %dma_start3A_2508 : memref<1x128xi32, #tpu.memory_space<vmem>> -> memref<128xi32, #tpu.memory_space<vmem>>
    %dma_start3A_2510 = arith.constant 0 : i32
    %dma_start3A_2511 = tpu.memref_slice %arg3[%dma_start3A_2510] : memref<131072xi32, #tpu.memory_space<hbm>> -> memref<131072xi32, #tpu.memory_space<hbm>>
    tpu.enqueue_indirect_dma source(%dma_start3A_2506 : memref<128xi32, #tpu.memory_space<vmem>>) target(%dma_start3A_2511 : memref<131072xi32, #tpu.memory_space<hbm>>) offsets(%dma_start3A_2509 : memref<128xi32, #tpu.memory_space<vmem>>) semaphore(%arg6 : memref<!tpu.dma_semaphore, #tpu.memory_space<semaphore_mem>>)
    %dma_start3A_2512 = arith.constant 12 : i32
    %dma_start3A_2513 = arith.constant 12 : i32
    %dma_start3A_2514 = arith.constant 0 : i32
    %dma_start3A_2515 = tpu.memref_slice %arg5[%dma_start3A_2512, %dma_start3A_2514] : memref<32x128xi32, #tpu.memory_space<vmem>> -> memref<1x128xi32, #tpu.memory_space<vmem>>
    %dma_start3A_2516 = tpu.memref_squeeze %dma_start3A_2515 : memref<1x128xi32, #tpu.memory_space<vmem>> -> memref<128xi32, #tpu.memory_space<vmem>>
    %dma_start3A_2517 = arith.constant 0 : i32
    %dma_start3A_2518 = tpu.memref_slice %arg4[%dma_start3A_2513, %dma_start3A_2517] : memref<32x128xi32, #tpu.memory_space<vmem>> -> memref<1x128xi32, #tpu.memory_space<vmem>>
    %dma_start3A_2519 = tpu.memref_squeeze %dma_start3A_2518 : memref<1x128xi32, #tpu.memory_space<vmem>> -> memref<128xi32, #tpu.memory_space<vmem>>
    %dma_start3A_2520 = arith.constant 0 : i32
    %dma_start3A_2521 = tpu.memref_slice %arg3[%dma_start3A_2520] : memref<131072xi32, #tpu.memory_space<hbm>> -> memref<131072xi32, #tpu.memory_space<hbm>>
    tpu.enqueue_indirect_dma source(%dma_start3A_2516 : memref<128xi32, #tpu.memory_space<vmem>>) target(%dma_start3A_2521 : memref<131072xi32, #tpu.memory_space<hbm>>) offsets(%dma_start3A_2519 : memref<128xi32, #tpu.memory_space<vmem>>) semaphore(%arg6 : memref<!tpu.dma_semaphore, #tpu.memory_space<semaphore_mem>>)
    %dma_start3A_2522 = arith.constant 13 : i32
    %dma_start3A_2523 = arith.constant 13 : i32
    %dma_start3A_2524 = arith.constant 0 : i32
    %dma_start3A_2525 = tpu.memref_slice %arg5[%dma_start3A_2522, %dma_start3A_2524] : memref<32x128xi32, #tpu.memory_space<vmem>> -> memref<1x128xi32, #tpu.memory_space<vmem>>
    %dma_start3A_2526 = tpu.memref_squeeze %dma_start3A_2525 : memref<1x128xi32, #tpu.memory_space<vmem>> -> memref<128xi32, #tpu.memory_space<vmem>>
    %dma_start3A_2527 = arith.constant 0 : i32
    %dma_start3A_2528 = tpu.memref_slice %arg4[%dma_start3A_2523, %dma_start3A_2527] : memref<32x128xi32, #tpu.memory_space<vmem>> -> memref<1x128xi32, #tpu.memory_space<vmem>>
    %dma_start3A_2529 = tpu.memref_squeeze %dma_start3A_2528 : memref<1x128xi32, #tpu.memory_space<vmem>> -> memref<128xi32, #tpu.memory_space<vmem>>
    %dma_start3A_2530 = arith.constant 0 : i32
    %dma_start3A_2531 = tpu.memref_slice %arg3[%dma_start3A_2530] : memref<131072xi32, #tpu.memory_space<hbm>> -> memref<131072xi32, #tpu.memory_space<hbm>>
    tpu.enqueue_indirect_dma source(%dma_start3A_2526 : memref<128xi32, #tpu.memory_space<vmem>>) target(%dma_start3A_2531 : memref<131072xi32, #tpu.memory_space<hbm>>) offsets(%dma_start3A_2529 : memref<128xi32, #tpu.memory_space<vmem>>) semaphore(%arg6 : memref<!tpu.dma_semaphore, #tpu.memory_space<semaphore_mem>>)
    %dma_start3A_2532 = arith.constant 14 : i32
    %dma_start3A_2533 = arith.constant 14 : i32
    %dma_start3A_2534 = arith.constant 0 : i32
    %dma_start3A_2535 = tpu.memref_slice %arg5[%dma_start3A_2532, %dma_start3A_2534] : memref<32x128xi32, #tpu.memory_space<vmem>> -> memref<1x128xi32, #tpu.memory_space<vmem>>
    %dma_start3A_2536 = tpu.memref_squeeze %dma_start3A_2535 : memref<1x128xi32, #tpu.memory_space<vmem>> -> memref<128xi32, #tpu.memory_space<vmem>>
    %dma_start3A_2537 = arith.constant 0 : i32
    %dma_start3A_2538 = tpu.memref_slice %arg4[%dma_start3A_2533, %dma_start3A_2537] : memref<32x128xi32, #tpu.memory_space<vmem>> -> memref<1x128xi32, #tpu.memory_space<vmem>>
    %dma_start3A_2539 = tpu.memref_squeeze %dma_start3A_2538 : memref<1x128xi32, #tpu.memory_space<vmem>> -> memref<128xi32, #tpu.memory_space<vmem>>
    %dma_start3A_2540 = arith.constant 0 : i32
    %dma_start3A_2541 = tpu.memref_slice %arg3[%dma_start3A_2540] : memref<131072xi32, #tpu.memory_space<hbm>> -> memref<131072xi32, #tpu.memory_space<hbm>>
    tpu.enqueue_indirect_dma source(%dma_start3A_2536 : memref<128xi32, #tpu.memory_space<vmem>>) target(%dma_start3A_2541 : memref<131072xi32, #tpu.memory_space<hbm>>) offsets(%dma_start3A_2539 : memref<128xi32, #tpu.memory_space<vmem>>) semaphore(%arg6 : memref<!tpu.dma_semaphore, #tpu.memory_space<semaphore_mem>>)
    %dma_start3A_2542 = arith.constant 15 : i32
    %dma_start3A_2543 = arith.constant 15 : i32
    %dma_start3A_2544 = arith.constant 0 : i32
    %dma_start3A_2545 = tpu.memref_slice %arg5[%dma_start3A_2542, %dma_start3A_2544] : memref<32x128xi32, #tpu.memory_space<vmem>> -> memref<1x128xi32, #tpu.memory_space<vmem>>
    %dma_start3A_2546 = tpu.memref_squeeze %dma_start3A_2545 : memref<1x128xi32, #tpu.memory_space<vmem>> -> memref<128xi32, #tpu.memory_space<vmem>>
    %dma_start3A_2547 = arith.constant 0 : i32
    %dma_start3A_2548 = tpu.memref_slice %arg4[%dma_start3A_2543, %dma_start3A_2547] : memref<32x128xi32, #tpu.memory_space<vmem>> -> memref<1x128xi32, #tpu.memory_space<vmem>>
    %dma_start3A_2549 = tpu.memref_squeeze %dma_start3A_2548 : memref<1x128xi32, #tpu.memory_space<vmem>> -> memref<128xi32, #tpu.memory_space<vmem>>
    %dma_start3A_2550 = arith.constant 0 : i32
    %dma_start3A_2551 = tpu.memref_slice %arg3[%dma_start3A_2550] : memref<131072xi32, #tpu.memory_space<hbm>> -> memref<131072xi32, #tpu.memory_space<hbm>>
    tpu.enqueue_indirect_dma source(%dma_start3A_2546 : memref<128xi32, #tpu.memory_space<vmem>>) target(%dma_start3A_2551 : memref<131072xi32, #tpu.memory_space<hbm>>) offsets(%dma_start3A_2549 : memref<128xi32, #tpu.memory_space<vmem>>) semaphore(%arg6 : memref<!tpu.dma_semaphore, #tpu.memory_space<semaphore_mem>>)
    %dma_start3A_2552 = arith.constant 16 : i32
    %dma_start3A_2553 = arith.constant 16 : i32
    %dma_start3A_2554 = arith.constant 0 : i32
    %dma_start3A_2555 = tpu.memref_slice %arg5[%dma_start3A_2552, %dma_start3A_2554] : memref<32x128xi32, #tpu.memory_space<vmem>> -> memref<1x128xi32, #tpu.memory_space<vmem>>
    %dma_start3A_2556 = tpu.memref_squeeze %dma_start3A_2555 : memref<1x128xi32, #tpu.memory_space<vmem>> -> memref<128xi32, #tpu.memory_space<vmem>>
    %dma_start3A_2557 = arith.constant 0 : i32
    %dma_start3A_2558 = tpu.memref_slice %arg4[%dma_start3A_2553, %dma_start3A_2557] : memref<32x128xi32, #tpu.memory_space<vmem>> -> memref<1x128xi32, #tpu.memory_space<vmem>>
    %dma_start3A_2559 = tpu.memref_squeeze %dma_start3A_2558 : memref<1x128xi32, #tpu.memory_space<vmem>> -> memref<128xi32, #tpu.memory_space<vmem>>
    %dma_start3A_2560 = arith.constant 0 : i32
    %dma_start3A_2561 = tpu.memref_slice %arg3[%dma_start3A_2560] : memref<131072xi32, #tpu.memory_space<hbm>> -> memref<131072xi32, #tpu.memory_space<hbm>>
    tpu.enqueue_indirect_dma source(%dma_start3A_2556 : memref<128xi32, #tpu.memory_space<vmem>>) target(%dma_start3A_2561 : memref<131072xi32, #tpu.memory_space<hbm>>) offsets(%dma_start3A_2559 : memref<128xi32, #tpu.memory_space<vmem>>) semaphore(%arg6 : memref<!tpu.dma_semaphore, #tpu.memory_space<semaphore_mem>>)
    %dma_start3A_2562 = arith.constant 17 : i32
    %dma_start3A_2563 = arith.constant 17 : i32
    %dma_start3A_2564 = arith.constant 0 : i32
    %dma_start3A_2565 = tpu.memref_slice %arg5[%dma_start3A_2562, %dma_start3A_2564] : memref<32x128xi32, #tpu.memory_space<vmem>> -> memref<1x128xi32, #tpu.memory_space<vmem>>
    %dma_start3A_2566 = tpu.memref_squeeze %dma_start3A_2565 : memref<1x128xi32, #tpu.memory_space<vmem>> -> memref<128xi32, #tpu.memory_space<vmem>>
    %dma_start3A_2567 = arith.constant 0 : i32
    %dma_start3A_2568 = tpu.memref_slice %arg4[%dma_start3A_2563, %dma_start3A_2567] : memref<32x128xi32, #tpu.memory_space<vmem>> -> memref<1x128xi32, #tpu.memory_space<vmem>>
    %dma_start3A_2569 = tpu.memref_squeeze %dma_start3A_2568 : memref<1x128xi32, #tpu.memory_space<vmem>> -> memref<128xi32, #tpu.memory_space<vmem>>
    %dma_start3A_2570 = arith.constant 0 : i32
    %dma_start3A_2571 = tpu.memref_slice %arg3[%dma_start3A_2570] : memref<131072xi32, #tpu.memory_space<hbm>> -> memref<131072xi32, #tpu.memory_space<hbm>>
    tpu.enqueue_indirect_dma source(%dma_start3A_2566 : memref<128xi32, #tpu.memory_space<vmem>>) target(%dma_start3A_2571 : memref<131072xi32, #tpu.memory_space<hbm>>) offsets(%dma_start3A_2569 : memref<128xi32, #tpu.memory_space<vmem>>) semaphore(%arg6 : memref<!tpu.dma_semaphore, #tpu.memory_space<semaphore_mem>>)
    %dma_start3A_2572 = arith.constant 18 : i32
    %dma_start3A_2573 = arith.constant 18 : i32
    %dma_start3A_2574 = arith.constant 0 : i32
    %dma_start3A_2575 = tpu.memref_slice %arg5[%dma_start3A_2572, %dma_start3A_2574] : memref<32x128xi32, #tpu.memory_space<vmem>> -> memref<1x128xi32, #tpu.memory_space<vmem>>
    %dma_start3A_2576 = tpu.memref_squeeze %dma_start3A_2575 : memref<1x128xi32, #tpu.memory_space<vmem>> -> memref<128xi32, #tpu.memory_space<vmem>>
    %dma_start3A_2577 = arith.constant 0 : i32
    %dma_start3A_2578 = tpu.memref_slice %arg4[%dma_start3A_2573, %dma_start3A_2577] : memref<32x128xi32, #tpu.memory_space<vmem>> -> memref<1x128xi32, #tpu.memory_space<vmem>>
    %dma_start3A_2579 = tpu.memref_squeeze %dma_start3A_2578 : memref<1x128xi32, #tpu.memory_space<vmem>> -> memref<128xi32, #tpu.memory_space<vmem>>
    %dma_start3A_2580 = arith.constant 0 : i32
    %dma_start3A_2581 = tpu.memref_slice %arg3[%dma_start3A_2580] : memref<131072xi32, #tpu.memory_space<hbm>> -> memref<131072xi32, #tpu.memory_space<hbm>>
    tpu.enqueue_indirect_dma source(%dma_start3A_2576 : memref<128xi32, #tpu.memory_space<vmem>>) target(%dma_start3A_2581 : memref<131072xi32, #tpu.memory_space<hbm>>) offsets(%dma_start3A_2579 : memref<128xi32, #tpu.memory_space<vmem>>) semaphore(%arg6 : memref<!tpu.dma_semaphore, #tpu.memory_space<semaphore_mem>>)
    %dma_start3A_2582 = arith.constant 19 : i32
    %dma_start3A_2583 = arith.constant 19 : i32
    %dma_start3A_2584 = arith.constant 0 : i32
    %dma_start3A_2585 = tpu.memref_slice %arg5[%dma_start3A_2582, %dma_start3A_2584] : memref<32x128xi32, #tpu.memory_space<vmem>> -> memref<1x128xi32, #tpu.memory_space<vmem>>
    %dma_start3A_2586 = tpu.memref_squeeze %dma_start3A_2585 : memref<1x128xi32, #tpu.memory_space<vmem>> -> memref<128xi32, #tpu.memory_space<vmem>>
    %dma_start3A_2587 = arith.constant 0 : i32
    %dma_start3A_2588 = tpu.memref_slice %arg4[%dma_start3A_2583, %dma_start3A_2587] : memref<32x128xi32, #tpu.memory_space<vmem>> -> memref<1x128xi32, #tpu.memory_space<vmem>>
    %dma_start3A_2589 = tpu.memref_squeeze %dma_start3A_2588 : memref<1x128xi32, #tpu.memory_space<vmem>> -> memref<128xi32, #tpu.memory_space<vmem>>
    %dma_start3A_2590 = arith.constant 0 : i32
    %dma_start3A_2591 = tpu.memref_slice %arg3[%dma_start3A_2590] : memref<131072xi32, #tpu.memory_space<hbm>> -> memref<131072xi32, #tpu.memory_space<hbm>>
    tpu.enqueue_indirect_dma source(%dma_start3A_2586 : memref<128xi32, #tpu.memory_space<vmem>>) target(%dma_start3A_2591 : memref<131072xi32, #tpu.memory_space<hbm>>) offsets(%dma_start3A_2589 : memref<128xi32, #tpu.memory_space<vmem>>) semaphore(%arg6 : memref<!tpu.dma_semaphore, #tpu.memory_space<semaphore_mem>>)
    %dma_start3A_2592 = arith.constant 20 : i32
    %dma_start3A_2593 = arith.constant 20 : i32
    %dma_start3A_2594 = arith.constant 0 : i32
    %dma_start3A_2595 = tpu.memref_slice %arg5[%dma_start3A_2592, %dma_start3A_2594] : memref<32x128xi32, #tpu.memory_space<vmem>> -> memref<1x128xi32, #tpu.memory_space<vmem>>
    %dma_start3A_2596 = tpu.memref_squeeze %dma_start3A_2595 : memref<1x128xi32, #tpu.memory_space<vmem>> -> memref<128xi32, #tpu.memory_space<vmem>>
    %dma_start3A_2597 = arith.constant 0 : i32
    %dma_start3A_2598 = tpu.memref_slice %arg4[%dma_start3A_2593, %dma_start3A_2597] : memref<32x128xi32, #tpu.memory_space<vmem>> -> memref<1x128xi32, #tpu.memory_space<vmem>>
    %dma_start3A_2599 = tpu.memref_squeeze %dma_start3A_2598 : memref<1x128xi32, #tpu.memory_space<vmem>> -> memref<128xi32, #tpu.memory_space<vmem>>
    %dma_start3A_2600 = arith.constant 0 : i32
    %dma_start3A_2601 = tpu.memref_slice %arg3[%dma_start3A_2600] : memref<131072xi32, #tpu.memory_space<hbm>> -> memref<131072xi32, #tpu.memory_space<hbm>>
    tpu.enqueue_indirect_dma source(%dma_start3A_2596 : memref<128xi32, #tpu.memory_space<vmem>>) target(%dma_start3A_2601 : memref<131072xi32, #tpu.memory_space<hbm>>) offsets(%dma_start3A_2599 : memref<128xi32, #tpu.memory_space<vmem>>) semaphore(%arg6 : memref<!tpu.dma_semaphore, #tpu.memory_space<semaphore_mem>>)
    %dma_start3A_2602 = arith.constant 21 : i32
    %dma_start3A_2603 = arith.constant 21 : i32
    %dma_start3A_2604 = arith.constant 0 : i32
    %dma_start3A_2605 = tpu.memref_slice %arg5[%dma_start3A_2602, %dma_start3A_2604] : memref<32x128xi32, #tpu.memory_space<vmem>> -> memref<1x128xi32, #tpu.memory_space<vmem>>
    %dma_start3A_2606 = tpu.memref_squeeze %dma_start3A_2605 : memref<1x128xi32, #tpu.memory_space<vmem>> -> memref<128xi32, #tpu.memory_space<vmem>>
    %dma_start3A_2607 = arith.constant 0 : i32
    %dma_start3A_2608 = tpu.memref_slice %arg4[%dma_start3A_2603, %dma_start3A_2607] : memref<32x128xi32, #tpu.memory_space<vmem>> -> memref<1x128xi32, #tpu.memory_space<vmem>>
    %dma_start3A_2609 = tpu.memref_squeeze %dma_start3A_2608 : memref<1x128xi32, #tpu.memory_space<vmem>> -> memref<128xi32, #tpu.memory_space<vmem>>
    %dma_start3A_2610 = arith.constant 0 : i32
    %dma_start3A_2611 = tpu.memref_slice %arg3[%dma_start3A_2610] : memref<131072xi32, #tpu.memory_space<hbm>> -> memref<131072xi32, #tpu.memory_space<hbm>>
    tpu.enqueue_indirect_dma source(%dma_start3A_2606 : memref<128xi32, #tpu.memory_space<vmem>>) target(%dma_start3A_2611 : memref<131072xi32, #tpu.memory_space<hbm>>) offsets(%dma_start3A_2609 : memref<128xi32, #tpu.memory_space<vmem>>) semaphore(%arg6 : memref<!tpu.dma_semaphore, #tpu.memory_space<semaphore_mem>>)
    %dma_start3A_2612 = arith.constant 22 : i32
    %dma_start3A_2613 = arith.constant 22 : i32
    %dma_start3A_2614 = arith.constant 0 : i32
    %dma_start3A_2615 = tpu.memref_slice %arg5[%dma_start3A_2612, %dma_start3A_2614] : memref<32x128xi32, #tpu.memory_space<vmem>> -> memref<1x128xi32, #tpu.memory_space<vmem>>
    %dma_start3A_2616 = tpu.memref_squeeze %dma_start3A_2615 : memref<1x128xi32, #tpu.memory_space<vmem>> -> memref<128xi32, #tpu.memory_space<vmem>>
    %dma_start3A_2617 = arith.constant 0 : i32
    %dma_start3A_2618 = tpu.memref_slice %arg4[%dma_start3A_2613, %dma_start3A_2617] : memref<32x128xi32, #tpu.memory_space<vmem>> -> memref<1x128xi32, #tpu.memory_space<vmem>>
    %dma_start3A_2619 = tpu.memref_squeeze %dma_start3A_2618 : memref<1x128xi32, #tpu.memory_space<vmem>> -> memref<128xi32, #tpu.memory_space<vmem>>
    %dma_start3A_2620 = arith.constant 0 : i32
    %dma_start3A_2621 = tpu.memref_slice %arg3[%dma_start3A_2620] : memref<131072xi32, #tpu.memory_space<hbm>> -> memref<131072xi32, #tpu.memory_space<hbm>>
    tpu.enqueue_indirect_dma source(%dma_start3A_2616 : memref<128xi32, #tpu.memory_space<vmem>>) target(%dma_start3A_2621 : memref<131072xi32, #tpu.memory_space<hbm>>) offsets(%dma_start3A_2619 : memref<128xi32, #tpu.memory_space<vmem>>) semaphore(%arg6 : memref<!tpu.dma_semaphore, #tpu.memory_space<semaphore_mem>>)
    %dma_start3A_2622 = arith.constant 23 : i32
    %dma_start3A_2623 = arith.constant 23 : i32
    %dma_start3A_2624 = arith.constant 0 : i32
    %dma_start3A_2625 = tpu.memref_slice %arg5[%dma_start3A_2622, %dma_start3A_2624] : memref<32x128xi32, #tpu.memory_space<vmem>> -> memref<1x128xi32, #tpu.memory_space<vmem>>
    %dma_start3A_2626 = tpu.memref_squeeze %dma_start3A_2625 : memref<1x128xi32, #tpu.memory_space<vmem>> -> memref<128xi32, #tpu.memory_space<vmem>>
    %dma_start3A_2627 = arith.constant 0 : i32
    %dma_start3A_2628 = tpu.memref_slice %arg4[%dma_start3A_2623, %dma_start3A_2627] : memref<32x128xi32, #tpu.memory_space<vmem>> -> memref<1x128xi32, #tpu.memory_space<vmem>>
    %dma_start3A_2629 = tpu.memref_squeeze %dma_start3A_2628 : memref<1x128xi32, #tpu.memory_space<vmem>> -> memref<128xi32, #tpu.memory_space<vmem>>
    %dma_start3A_2630 = arith.constant 0 : i32
    %dma_start3A_2631 = tpu.memref_slice %arg3[%dma_start3A_2630] : memref<131072xi32, #tpu.memory_space<hbm>> -> memref<131072xi32, #tpu.memory_space<hbm>>
    tpu.enqueue_indirect_dma source(%dma_start3A_2626 : memref<128xi32, #tpu.memory_space<vmem>>) target(%dma_start3A_2631 : memref<131072xi32, #tpu.memory_space<hbm>>) offsets(%dma_start3A_2629 : memref<128xi32, #tpu.memory_space<vmem>>) semaphore(%arg6 : memref<!tpu.dma_semaphore, #tpu.memory_space<semaphore_mem>>)
    %dma_start3A_2632 = arith.constant 24 : i32
    %dma_start3A_2633 = arith.constant 24 : i32
    %dma_start3A_2634 = arith.constant 0 : i32
    %dma_start3A_2635 = tpu.memref_slice %arg5[%dma_start3A_2632, %dma_start3A_2634] : memref<32x128xi32, #tpu.memory_space<vmem>> -> memref<1x128xi32, #tpu.memory_space<vmem>>
    %dma_start3A_2636 = tpu.memref_squeeze %dma_start3A_2635 : memref<1x128xi32, #tpu.memory_space<vmem>> -> memref<128xi32, #tpu.memory_space<vmem>>
    %dma_start3A_2637 = arith.constant 0 : i32
    %dma_start3A_2638 = tpu.memref_slice %arg4[%dma_start3A_2633, %dma_start3A_2637] : memref<32x128xi32, #tpu.memory_space<vmem>> -> memref<1x128xi32, #tpu.memory_space<vmem>>
    %dma_start3A_2639 = tpu.memref_squeeze %dma_start3A_2638 : memref<1x128xi32, #tpu.memory_space<vmem>> -> memref<128xi32, #tpu.memory_space<vmem>>
    %dma_start3A_2640 = arith.constant 0 : i32
    %dma_start3A_2641 = tpu.memref_slice %arg3[%dma_start3A_2640] : memref<131072xi32, #tpu.memory_space<hbm>> -> memref<131072xi32, #tpu.memory_space<hbm>>
    tpu.enqueue_indirect_dma source(%dma_start3A_2636 : memref<128xi32, #tpu.memory_space<vmem>>) target(%dma_start3A_2641 : memref<131072xi32, #tpu.memory_space<hbm>>) offsets(%dma_start3A_2639 : memref<128xi32, #tpu.memory_space<vmem>>) semaphore(%arg6 : memref<!tpu.dma_semaphore, #tpu.memory_space<semaphore_mem>>)
    %dma_start3A_2642 = arith.constant 25 : i32
    %dma_start3A_2643 = arith.constant 25 : i32
    %dma_start3A_2644 = arith.constant 0 : i32
    %dma_start3A_2645 = tpu.memref_slice %arg5[%dma_start3A_2642, %dma_start3A_2644] : memref<32x128xi32, #tpu.memory_space<vmem>> -> memref<1x128xi32, #tpu.memory_space<vmem>>
    %dma_start3A_2646 = tpu.memref_squeeze %dma_start3A_2645 : memref<1x128xi32, #tpu.memory_space<vmem>> -> memref<128xi32, #tpu.memory_space<vmem>>
    %dma_start3A_2647 = arith.constant 0 : i32
    %dma_start3A_2648 = tpu.memref_slice %arg4[%dma_start3A_2643, %dma_start3A_2647] : memref<32x128xi32, #tpu.memory_space<vmem>> -> memref<1x128xi32, #tpu.memory_space<vmem>>
    %dma_start3A_2649 = tpu.memref_squeeze %dma_start3A_2648 : memref<1x128xi32, #tpu.memory_space<vmem>> -> memref<128xi32, #tpu.memory_space<vmem>>
    %dma_start3A_2650 = arith.constant 0 : i32
    %dma_start3A_2651 = tpu.memref_slice %arg3[%dma_start3A_2650] : memref<131072xi32, #tpu.memory_space<hbm>> -> memref<131072xi32, #tpu.memory_space<hbm>>
    tpu.enqueue_indirect_dma source(%dma_start3A_2646 : memref<128xi32, #tpu.memory_space<vmem>>) target(%dma_start3A_2651 : memref<131072xi32, #tpu.memory_space<hbm>>) offsets(%dma_start3A_2649 : memref<128xi32, #tpu.memory_space<vmem>>) semaphore(%arg6 : memref<!tpu.dma_semaphore, #tpu.memory_space<semaphore_mem>>)
    %dma_start3A_2652 = arith.constant 26 : i32
    %dma_start3A_2653 = arith.constant 26 : i32
    %dma_start3A_2654 = arith.constant 0 : i32
    %dma_start3A_2655 = tpu.memref_slice %arg5[%dma_start3A_2652, %dma_start3A_2654] : memref<32x128xi32, #tpu.memory_space<vmem>> -> memref<1x128xi32, #tpu.memory_space<vmem>>
    %dma_start3A_2656 = tpu.memref_squeeze %dma_start3A_2655 : memref<1x128xi32, #tpu.memory_space<vmem>> -> memref<128xi32, #tpu.memory_space<vmem>>
    %dma_start3A_2657 = arith.constant 0 : i32
    %dma_start3A_2658 = tpu.memref_slice %arg4[%dma_start3A_2653, %dma_start3A_2657] : memref<32x128xi32, #tpu.memory_space<vmem>> -> memref<1x128xi32, #tpu.memory_space<vmem>>
    %dma_start3A_2659 = tpu.memref_squeeze %dma_start3A_2658 : memref<1x128xi32, #tpu.memory_space<vmem>> -> memref<128xi32, #tpu.memory_space<vmem>>
    %dma_start3A_2660 = arith.constant 0 : i32
    %dma_start3A_2661 = tpu.memref_slice %arg3[%dma_start3A_2660] : memref<131072xi32, #tpu.memory_space<hbm>> -> memref<131072xi32, #tpu.memory_space<hbm>>
    tpu.enqueue_indirect_dma source(%dma_start3A_2656 : memref<128xi32, #tpu.memory_space<vmem>>) target(%dma_start3A_2661 : memref<131072xi32, #tpu.memory_space<hbm>>) offsets(%dma_start3A_2659 : memref<128xi32, #tpu.memory_space<vmem>>) semaphore(%arg6 : memref<!tpu.dma_semaphore, #tpu.memory_space<semaphore_mem>>)
    %dma_start3A_2662 = arith.constant 27 : i32
    %dma_start3A_2663 = arith.constant 27 : i32
    %dma_start3A_2664 = arith.constant 0 : i32
    %dma_start3A_2665 = tpu.memref_slice %arg5[%dma_start3A_2662, %dma_start3A_2664] : memref<32x128xi32, #tpu.memory_space<vmem>> -> memref<1x128xi32, #tpu.memory_space<vmem>>
    %dma_start3A_2666 = tpu.memref_squeeze %dma_start3A_2665 : memref<1x128xi32, #tpu.memory_space<vmem>> -> memref<128xi32, #tpu.memory_space<vmem>>
    %dma_start3A_2667 = arith.constant 0 : i32
    %dma_start3A_2668 = tpu.memref_slice %arg4[%dma_start3A_2663, %dma_start3A_2667] : memref<32x128xi32, #tpu.memory_space<vmem>> -> memref<1x128xi32, #tpu.memory_space<vmem>>
    %dma_start3A_2669 = tpu.memref_squeeze %dma_start3A_2668 : memref<1x128xi32, #tpu.memory_space<vmem>> -> memref<128xi32, #tpu.memory_space<vmem>>
    %dma_start3A_2670 = arith.constant 0 : i32
    %dma_start3A_2671 = tpu.memref_slice %arg3[%dma_start3A_2670] : memref<131072xi32, #tpu.memory_space<hbm>> -> memref<131072xi32, #tpu.memory_space<hbm>>
    tpu.enqueue_indirect_dma source(%dma_start3A_2666 : memref<128xi32, #tpu.memory_space<vmem>>) target(%dma_start3A_2671 : memref<131072xi32, #tpu.memory_space<hbm>>) offsets(%dma_start3A_2669 : memref<128xi32, #tpu.memory_space<vmem>>) semaphore(%arg6 : memref<!tpu.dma_semaphore, #tpu.memory_space<semaphore_mem>>)
    %dma_start3A_2672 = arith.constant 28 : i32
    %dma_start3A_2673 = arith.constant 28 : i32
    %dma_start3A_2674 = arith.constant 0 : i32
    %dma_start3A_2675 = tpu.memref_slice %arg5[%dma_start3A_2672, %dma_start3A_2674] : memref<32x128xi32, #tpu.memory_space<vmem>> -> memref<1x128xi32, #tpu.memory_space<vmem>>
    %dma_start3A_2676 = tpu.memref_squeeze %dma_start3A_2675 : memref<1x128xi32, #tpu.memory_space<vmem>> -> memref<128xi32, #tpu.memory_space<vmem>>
    %dma_start3A_2677 = arith.constant 0 : i32
    %dma_start3A_2678 = tpu.memref_slice %arg4[%dma_start3A_2673, %dma_start3A_2677] : memref<32x128xi32, #tpu.memory_space<vmem>> -> memref<1x128xi32, #tpu.memory_space<vmem>>
    %dma_start3A_2679 = tpu.memref_squeeze %dma_start3A_2678 : memref<1x128xi32, #tpu.memory_space<vmem>> -> memref<128xi32, #tpu.memory_space<vmem>>
    %dma_start3A_2680 = arith.constant 0 : i32
    %dma_start3A_2681 = tpu.memref_slice %arg3[%dma_start3A_2680] : memref<131072xi32, #tpu.memory_space<hbm>> -> memref<131072xi32, #tpu.memory_space<hbm>>
    tpu.enqueue_indirect_dma source(%dma_start3A_2676 : memref<128xi32, #tpu.memory_space<vmem>>) target(%dma_start3A_2681 : memref<131072xi32, #tpu.memory_space<hbm>>) offsets(%dma_start3A_2679 : memref<128xi32, #tpu.memory_space<vmem>>) semaphore(%arg6 : memref<!tpu.dma_semaphore, #tpu.memory_space<semaphore_mem>>)
    %dma_start3A_2682 = arith.constant 29 : i32
    %dma_start3A_2683 = arith.constant 29 : i32
    %dma_start3A_2684 = arith.constant 0 : i32
    %dma_start3A_2685 = tpu.memref_slice %arg5[%dma_start3A_2682, %dma_start3A_2684] : memref<32x128xi32, #tpu.memory_space<vmem>> -> memref<1x128xi32, #tpu.memory_space<vmem>>
    %dma_start3A_2686 = tpu.memref_squeeze %dma_start3A_2685 : memref<1x128xi32, #tpu.memory_space<vmem>> -> memref<128xi32, #tpu.memory_space<vmem>>
    %dma_start3A_2687 = arith.constant 0 : i32
    %dma_start3A_2688 = tpu.memref_slice %arg4[%dma_start3A_2683, %dma_start3A_2687] : memref<32x128xi32, #tpu.memory_space<vmem>> -> memref<1x128xi32, #tpu.memory_space<vmem>>
    %dma_start3A_2689 = tpu.memref_squeeze %dma_start3A_2688 : memref<1x128xi32, #tpu.memory_space<vmem>> -> memref<128xi32, #tpu.memory_space<vmem>>
    %dma_start3A_2690 = arith.constant 0 : i32
    %dma_start3A_2691 = tpu.memref_slice %arg3[%dma_start3A_2690] : memref<131072xi32, #tpu.memory_space<hbm>> -> memref<131072xi32, #tpu.memory_space<hbm>>
    tpu.enqueue_indirect_dma source(%dma_start3A_2686 : memref<128xi32, #tpu.memory_space<vmem>>) target(%dma_start3A_2691 : memref<131072xi32, #tpu.memory_space<hbm>>) offsets(%dma_start3A_2689 : memref<128xi32, #tpu.memory_space<vmem>>) semaphore(%arg6 : memref<!tpu.dma_semaphore, #tpu.memory_space<semaphore_mem>>)
    %dma_start3A_2692 = arith.constant 30 : i32
    %dma_start3A_2693 = arith.constant 30 : i32
    %dma_start3A_2694 = arith.constant 0 : i32
    %dma_start3A_2695 = tpu.memref_slice %arg5[%dma_start3A_2692, %dma_start3A_2694] : memref<32x128xi32, #tpu.memory_space<vmem>> -> memref<1x128xi32, #tpu.memory_space<vmem>>
    %dma_start3A_2696 = tpu.memref_squeeze %dma_start3A_2695 : memref<1x128xi32, #tpu.memory_space<vmem>> -> memref<128xi32, #tpu.memory_space<vmem>>
    %dma_start3A_2697 = arith.constant 0 : i32
    %dma_start3A_2698 = tpu.memref_slice %arg4[%dma_start3A_2693, %dma_start3A_2697] : memref<32x128xi32, #tpu.memory_space<vmem>> -> memref<1x128xi32, #tpu.memory_space<vmem>>
    %dma_start3A_2699 = tpu.memref_squeeze %dma_start3A_2698 : memref<1x128xi32, #tpu.memory_space<vmem>> -> memref<128xi32, #tpu.memory_space<vmem>>
    %dma_start3A_2700 = arith.constant 0 : i32
    %dma_start3A_2701 = tpu.memref_slice %arg3[%dma_start3A_2700] : memref<131072xi32, #tpu.memory_space<hbm>> -> memref<131072xi32, #tpu.memory_space<hbm>>
    tpu.enqueue_indirect_dma source(%dma_start3A_2696 : memref<128xi32, #tpu.memory_space<vmem>>) target(%dma_start3A_2701 : memref<131072xi32, #tpu.memory_space<hbm>>) offsets(%dma_start3A_2699 : memref<128xi32, #tpu.memory_space<vmem>>) semaphore(%arg6 : memref<!tpu.dma_semaphore, #tpu.memory_space<semaphore_mem>>)
    %dma_start3A_2702 = arith.constant 31 : i32
    %dma_start3A_2703 = arith.constant 31 : i32
    %dma_start3A_2704 = arith.constant 0 : i32
    %dma_start3A_2705 = tpu.memref_slice %arg5[%dma_start3A_2702, %dma_start3A_2704] : memref<32x128xi32, #tpu.memory_space<vmem>> -> memref<1x128xi32, #tpu.memory_space<vmem>>
    %dma_start3A_2706 = tpu.memref_squeeze %dma_start3A_2705 : memref<1x128xi32, #tpu.memory_space<vmem>> -> memref<128xi32, #tpu.memory_space<vmem>>
    %dma_start3A_2707 = arith.constant 0 : i32
    %dma_start3A_2708 = tpu.memref_slice %arg4[%dma_start3A_2703, %dma_start3A_2707] : memref<32x128xi32, #tpu.memory_space<vmem>> -> memref<1x128xi32, #tpu.memory_space<vmem>>
    %dma_start3A_2709 = tpu.memref_squeeze %dma_start3A_2708 : memref<1x128xi32, #tpu.memory_space<vmem>> -> memref<128xi32, #tpu.memory_space<vmem>>
    %dma_start3A_2710 = arith.constant 0 : i32
    %dma_start3A_2711 = tpu.memref_slice %arg3[%dma_start3A_2710] : memref<131072xi32, #tpu.memory_space<hbm>> -> memref<131072xi32, #tpu.memory_space<hbm>>
    tpu.enqueue_indirect_dma source(%dma_start3A_2706 : memref<128xi32, #tpu.memory_space<vmem>>) target(%dma_start3A_2711 : memref<131072xi32, #tpu.memory_space<hbm>>) offsets(%dma_start3A_2709 : memref<128xi32, #tpu.memory_space<vmem>>) semaphore(%arg6 : memref<!tpu.dma_semaphore, #tpu.memory_space<semaphore_mem>>)
    %dma_wait3A = arith.constant 0 : i32
    %dma_wait3A_2712 = arith.constant 0 : i32
    %dma_wait3A_2713 = arith.constant 0 : i32
    %dma_wait3A_2714 = tpu.memref_slice %arg5[%dma_wait3A, %dma_wait3A_2713] : memref<32x128xi32, #tpu.memory_space<vmem>> -> memref<1x128xi32, #tpu.memory_space<vmem>>
    %dma_wait3A_2715 = tpu.memref_squeeze %dma_wait3A_2714 : memref<1x128xi32, #tpu.memory_space<vmem>> -> memref<128xi32, #tpu.memory_space<vmem>>
    %dma_wait3A_2716 = arith.constant 0 : i32
    %dma_wait3A_2717 = tpu.memref_slice %arg4[%dma_wait3A_2712, %dma_wait3A_2716] : memref<32x128xi32, #tpu.memory_space<vmem>> -> memref<1x128xi32, #tpu.memory_space<vmem>>
    %dma_wait3A_2718 = tpu.memref_squeeze %dma_wait3A_2717 : memref<1x128xi32, #tpu.memory_space<vmem>> -> memref<128xi32, #tpu.memory_space<vmem>>
    %dma_wait3A_2719 = arith.constant 0 : i32
    %dma_wait3A_2720 = tpu.memref_slice %arg3[%dma_wait3A_2719] : memref<131072xi32, #tpu.memory_space<hbm>> -> memref<131072xi32, #tpu.memory_space<hbm>>
    tpu.wait_indirect_dma semaphore(%arg6 : memref<!tpu.dma_semaphore, #tpu.memory_space<semaphore_mem>>) src(%dma_wait3A_2715 : memref<128xi32, #tpu.memory_space<vmem>>) dst(%dma_wait3A_2720 : memref<131072xi32, #tpu.memory_space<hbm>>)
    %dma_wait3A_2721 = arith.constant 1 : i32
    %dma_wait3A_2722 = arith.constant 1 : i32
    %dma_wait3A_2723 = arith.constant 0 : i32
    %dma_wait3A_2724 = tpu.memref_slice %arg5[%dma_wait3A_2721, %dma_wait3A_2723] : memref<32x128xi32, #tpu.memory_space<vmem>> -> memref<1x128xi32, #tpu.memory_space<vmem>>
    %dma_wait3A_2725 = tpu.memref_squeeze %dma_wait3A_2724 : memref<1x128xi32, #tpu.memory_space<vmem>> -> memref<128xi32, #tpu.memory_space<vmem>>
    %dma_wait3A_2726 = arith.constant 0 : i32
    %dma_wait3A_2727 = tpu.memref_slice %arg4[%dma_wait3A_2722, %dma_wait3A_2726] : memref<32x128xi32, #tpu.memory_space<vmem>> -> memref<1x128xi32, #tpu.memory_space<vmem>>
    %dma_wait3A_2728 = tpu.memref_squeeze %dma_wait3A_2727 : memref<1x128xi32, #tpu.memory_space<vmem>> -> memref<128xi32, #tpu.memory_space<vmem>>
    %dma_wait3A_2729 = arith.constant 0 : i32
    %dma_wait3A_2730 = tpu.memref_slice %arg3[%dma_wait3A_2729] : memref<131072xi32, #tpu.memory_space<hbm>> -> memref<131072xi32, #tpu.memory_space<hbm>>
    tpu.wait_indirect_dma semaphore(%arg6 : memref<!tpu.dma_semaphore, #tpu.memory_space<semaphore_mem>>) src(%dma_wait3A_2725 : memref<128xi32, #tpu.memory_space<vmem>>) dst(%dma_wait3A_2730 : memref<131072xi32, #tpu.memory_space<hbm>>)
    %dma_wait3A_2731 = arith.constant 2 : i32
    %dma_wait3A_2732 = arith.constant 2 : i32
    %dma_wait3A_2733 = arith.constant 0 : i32
    %dma_wait3A_2734 = tpu.memref_slice %arg5[%dma_wait3A_2731, %dma_wait3A_2733] : memref<32x128xi32, #tpu.memory_space<vmem>> -> memref<1x128xi32, #tpu.memory_space<vmem>>
    %dma_wait3A_2735 = tpu.memref_squeeze %dma_wait3A_2734 : memref<1x128xi32, #tpu.memory_space<vmem>> -> memref<128xi32, #tpu.memory_space<vmem>>
    %dma_wait3A_2736 = arith.constant 0 : i32
    %dma_wait3A_2737 = tpu.memref_slice %arg4[%dma_wait3A_2732, %dma_wait3A_2736] : memref<32x128xi32, #tpu.memory_space<vmem>> -> memref<1x128xi32, #tpu.memory_space<vmem>>
    %dma_wait3A_2738 = tpu.memref_squeeze %dma_wait3A_2737 : memref<1x128xi32, #tpu.memory_space<vmem>> -> memref<128xi32, #tpu.memory_space<vmem>>
    %dma_wait3A_2739 = arith.constant 0 : i32
    %dma_wait3A_2740 = tpu.memref_slice %arg3[%dma_wait3A_2739] : memref<131072xi32, #tpu.memory_space<hbm>> -> memref<131072xi32, #tpu.memory_space<hbm>>
    tpu.wait_indirect_dma semaphore(%arg6 : memref<!tpu.dma_semaphore, #tpu.memory_space<semaphore_mem>>) src(%dma_wait3A_2735 : memref<128xi32, #tpu.memory_space<vmem>>) dst(%dma_wait3A_2740 : memref<131072xi32, #tpu.memory_space<hbm>>)
    %dma_wait3A_2741 = arith.constant 3 : i32
    %dma_wait3A_2742 = arith.constant 3 : i32
    %dma_wait3A_2743 = arith.constant 0 : i32
    %dma_wait3A_2744 = tpu.memref_slice %arg5[%dma_wait3A_2741, %dma_wait3A_2743] : memref<32x128xi32, #tpu.memory_space<vmem>> -> memref<1x128xi32, #tpu.memory_space<vmem>>
    %dma_wait3A_2745 = tpu.memref_squeeze %dma_wait3A_2744 : memref<1x128xi32, #tpu.memory_space<vmem>> -> memref<128xi32, #tpu.memory_space<vmem>>
    %dma_wait3A_2746 = arith.constant 0 : i32
    %dma_wait3A_2747 = tpu.memref_slice %arg4[%dma_wait3A_2742, %dma_wait3A_2746] : memref<32x128xi32, #tpu.memory_space<vmem>> -> memref<1x128xi32, #tpu.memory_space<vmem>>
    %dma_wait3A_2748 = tpu.memref_squeeze %dma_wait3A_2747 : memref<1x128xi32, #tpu.memory_space<vmem>> -> memref<128xi32, #tpu.memory_space<vmem>>
    %dma_wait3A_2749 = arith.constant 0 : i32
    %dma_wait3A_2750 = tpu.memref_slice %arg3[%dma_wait3A_2749] : memref<131072xi32, #tpu.memory_space<hbm>> -> memref<131072xi32, #tpu.memory_space<hbm>>
    tpu.wait_indirect_dma semaphore(%arg6 : memref<!tpu.dma_semaphore, #tpu.memory_space<semaphore_mem>>) src(%dma_wait3A_2745 : memref<128xi32, #tpu.memory_space<vmem>>) dst(%dma_wait3A_2750 : memref<131072xi32, #tpu.memory_space<hbm>>)
    %dma_wait3A_2751 = arith.constant 4 : i32
    %dma_wait3A_2752 = arith.constant 4 : i32
    %dma_wait3A_2753 = arith.constant 0 : i32
    %dma_wait3A_2754 = tpu.memref_slice %arg5[%dma_wait3A_2751, %dma_wait3A_2753] : memref<32x128xi32, #tpu.memory_space<vmem>> -> memref<1x128xi32, #tpu.memory_space<vmem>>
    %dma_wait3A_2755 = tpu.memref_squeeze %dma_wait3A_2754 : memref<1x128xi32, #tpu.memory_space<vmem>> -> memref<128xi32, #tpu.memory_space<vmem>>
    %dma_wait3A_2756 = arith.constant 0 : i32
    %dma_wait3A_2757 = tpu.memref_slice %arg4[%dma_wait3A_2752, %dma_wait3A_2756] : memref<32x128xi32, #tpu.memory_space<vmem>> -> memref<1x128xi32, #tpu.memory_space<vmem>>
    %dma_wait3A_2758 = tpu.memref_squeeze %dma_wait3A_2757 : memref<1x128xi32, #tpu.memory_space<vmem>> -> memref<128xi32, #tpu.memory_space<vmem>>
    %dma_wait3A_2759 = arith.constant 0 : i32
    %dma_wait3A_2760 = tpu.memref_slice %arg3[%dma_wait3A_2759] : memref<131072xi32, #tpu.memory_space<hbm>> -> memref<131072xi32, #tpu.memory_space<hbm>>
    tpu.wait_indirect_dma semaphore(%arg6 : memref<!tpu.dma_semaphore, #tpu.memory_space<semaphore_mem>>) src(%dma_wait3A_2755 : memref<128xi32, #tpu.memory_space<vmem>>) dst(%dma_wait3A_2760 : memref<131072xi32, #tpu.memory_space<hbm>>)
    %dma_wait3A_2761 = arith.constant 5 : i32
    %dma_wait3A_2762 = arith.constant 5 : i32
    %dma_wait3A_2763 = arith.constant 0 : i32
    %dma_wait3A_2764 = tpu.memref_slice %arg5[%dma_wait3A_2761, %dma_wait3A_2763] : memref<32x128xi32, #tpu.memory_space<vmem>> -> memref<1x128xi32, #tpu.memory_space<vmem>>
    %dma_wait3A_2765 = tpu.memref_squeeze %dma_wait3A_2764 : memref<1x128xi32, #tpu.memory_space<vmem>> -> memref<128xi32, #tpu.memory_space<vmem>>
    %dma_wait3A_2766 = arith.constant 0 : i32
    %dma_wait3A_2767 = tpu.memref_slice %arg4[%dma_wait3A_2762, %dma_wait3A_2766] : memref<32x128xi32, #tpu.memory_space<vmem>> -> memref<1x128xi32, #tpu.memory_space<vmem>>
    %dma_wait3A_2768 = tpu.memref_squeeze %dma_wait3A_2767 : memref<1x128xi32, #tpu.memory_space<vmem>> -> memref<128xi32, #tpu.memory_space<vmem>>
    %dma_wait3A_2769 = arith.constant 0 : i32
    %dma_wait3A_2770 = tpu.memref_slice %arg3[%dma_wait3A_2769] : memref<131072xi32, #tpu.memory_space<hbm>> -> memref<131072xi32, #tpu.memory_space<hbm>>
    tpu.wait_indirect_dma semaphore(%arg6 : memref<!tpu.dma_semaphore, #tpu.memory_space<semaphore_mem>>) src(%dma_wait3A_2765 : memref<128xi32, #tpu.memory_space<vmem>>) dst(%dma_wait3A_2770 : memref<131072xi32, #tpu.memory_space<hbm>>)
    %dma_wait3A_2771 = arith.constant 6 : i32
    %dma_wait3A_2772 = arith.constant 6 : i32
    %dma_wait3A_2773 = arith.constant 0 : i32
    %dma_wait3A_2774 = tpu.memref_slice %arg5[%dma_wait3A_2771, %dma_wait3A_2773] : memref<32x128xi32, #tpu.memory_space<vmem>> -> memref<1x128xi32, #tpu.memory_space<vmem>>
    %dma_wait3A_2775 = tpu.memref_squeeze %dma_wait3A_2774 : memref<1x128xi32, #tpu.memory_space<vmem>> -> memref<128xi32, #tpu.memory_space<vmem>>
    %dma_wait3A_2776 = arith.constant 0 : i32
    %dma_wait3A_2777 = tpu.memref_slice %arg4[%dma_wait3A_2772, %dma_wait3A_2776] : memref<32x128xi32, #tpu.memory_space<vmem>> -> memref<1x128xi32, #tpu.memory_space<vmem>>
    %dma_wait3A_2778 = tpu.memref_squeeze %dma_wait3A_2777 : memref<1x128xi32, #tpu.memory_space<vmem>> -> memref<128xi32, #tpu.memory_space<vmem>>
    %dma_wait3A_2779 = arith.constant 0 : i32
    %dma_wait3A_2780 = tpu.memref_slice %arg3[%dma_wait3A_2779] : memref<131072xi32, #tpu.memory_space<hbm>> -> memref<131072xi32, #tpu.memory_space<hbm>>
    tpu.wait_indirect_dma semaphore(%arg6 : memref<!tpu.dma_semaphore, #tpu.memory_space<semaphore_mem>>) src(%dma_wait3A_2775 : memref<128xi32, #tpu.memory_space<vmem>>) dst(%dma_wait3A_2780 : memref<131072xi32, #tpu.memory_space<hbm>>)
    %dma_wait3A_2781 = arith.constant 7 : i32
    %dma_wait3A_2782 = arith.constant 7 : i32
    %dma_wait3A_2783 = arith.constant 0 : i32
    %dma_wait3A_2784 = tpu.memref_slice %arg5[%dma_wait3A_2781, %dma_wait3A_2783] : memref<32x128xi32, #tpu.memory_space<vmem>> -> memref<1x128xi32, #tpu.memory_space<vmem>>
    %dma_wait3A_2785 = tpu.memref_squeeze %dma_wait3A_2784 : memref<1x128xi32, #tpu.memory_space<vmem>> -> memref<128xi32, #tpu.memory_space<vmem>>
    %dma_wait3A_2786 = arith.constant 0 : i32
    %dma_wait3A_2787 = tpu.memref_slice %arg4[%dma_wait3A_2782, %dma_wait3A_2786] : memref<32x128xi32, #tpu.memory_space<vmem>> -> memref<1x128xi32, #tpu.memory_space<vmem>>
    %dma_wait3A_2788 = tpu.memref_squeeze %dma_wait3A_2787 : memref<1x128xi32, #tpu.memory_space<vmem>> -> memref<128xi32, #tpu.memory_space<vmem>>
    %dma_wait3A_2789 = arith.constant 0 : i32
    %dma_wait3A_2790 = tpu.memref_slice %arg3[%dma_wait3A_2789] : memref<131072xi32, #tpu.memory_space<hbm>> -> memref<131072xi32, #tpu.memory_space<hbm>>
    tpu.wait_indirect_dma semaphore(%arg6 : memref<!tpu.dma_semaphore, #tpu.memory_space<semaphore_mem>>) src(%dma_wait3A_2785 : memref<128xi32, #tpu.memory_space<vmem>>) dst(%dma_wait3A_2790 : memref<131072xi32, #tpu.memory_space<hbm>>)
    %dma_wait3A_2791 = arith.constant 8 : i32
    %dma_wait3A_2792 = arith.constant 8 : i32
    %dma_wait3A_2793 = arith.constant 0 : i32
    %dma_wait3A_2794 = tpu.memref_slice %arg5[%dma_wait3A_2791, %dma_wait3A_2793] : memref<32x128xi32, #tpu.memory_space<vmem>> -> memref<1x128xi32, #tpu.memory_space<vmem>>
    %dma_wait3A_2795 = tpu.memref_squeeze %dma_wait3A_2794 : memref<1x128xi32, #tpu.memory_space<vmem>> -> memref<128xi32, #tpu.memory_space<vmem>>
    %dma_wait3A_2796 = arith.constant 0 : i32
    %dma_wait3A_2797 = tpu.memref_slice %arg4[%dma_wait3A_2792, %dma_wait3A_2796] : memref<32x128xi32, #tpu.memory_space<vmem>> -> memref<1x128xi32, #tpu.memory_space<vmem>>
    %dma_wait3A_2798 = tpu.memref_squeeze %dma_wait3A_2797 : memref<1x128xi32, #tpu.memory_space<vmem>> -> memref<128xi32, #tpu.memory_space<vmem>>
    %dma_wait3A_2799 = arith.constant 0 : i32
    %dma_wait3A_2800 = tpu.memref_slice %arg3[%dma_wait3A_2799] : memref<131072xi32, #tpu.memory_space<hbm>> -> memref<131072xi32, #tpu.memory_space<hbm>>
    tpu.wait_indirect_dma semaphore(%arg6 : memref<!tpu.dma_semaphore, #tpu.memory_space<semaphore_mem>>) src(%dma_wait3A_2795 : memref<128xi32, #tpu.memory_space<vmem>>) dst(%dma_wait3A_2800 : memref<131072xi32, #tpu.memory_space<hbm>>)
    %dma_wait3A_2801 = arith.constant 9 : i32
    %dma_wait3A_2802 = arith.constant 9 : i32
    %dma_wait3A_2803 = arith.constant 0 : i32
    %dma_wait3A_2804 = tpu.memref_slice %arg5[%dma_wait3A_2801, %dma_wait3A_2803] : memref<32x128xi32, #tpu.memory_space<vmem>> -> memref<1x128xi32, #tpu.memory_space<vmem>>
    %dma_wait3A_2805 = tpu.memref_squeeze %dma_wait3A_2804 : memref<1x128xi32, #tpu.memory_space<vmem>> -> memref<128xi32, #tpu.memory_space<vmem>>
    %dma_wait3A_2806 = arith.constant 0 : i32
    %dma_wait3A_2807 = tpu.memref_slice %arg4[%dma_wait3A_2802, %dma_wait3A_2806] : memref<32x128xi32, #tpu.memory_space<vmem>> -> memref<1x128xi32, #tpu.memory_space<vmem>>
    %dma_wait3A_2808 = tpu.memref_squeeze %dma_wait3A_2807 : memref<1x128xi32, #tpu.memory_space<vmem>> -> memref<128xi32, #tpu.memory_space<vmem>>
    %dma_wait3A_2809 = arith.constant 0 : i32
    %dma_wait3A_2810 = tpu.memref_slice %arg3[%dma_wait3A_2809] : memref<131072xi32, #tpu.memory_space<hbm>> -> memref<131072xi32, #tpu.memory_space<hbm>>
    tpu.wait_indirect_dma semaphore(%arg6 : memref<!tpu.dma_semaphore, #tpu.memory_space<semaphore_mem>>) src(%dma_wait3A_2805 : memref<128xi32, #tpu.memory_space<vmem>>) dst(%dma_wait3A_2810 : memref<131072xi32, #tpu.memory_space<hbm>>)
    %dma_wait3A_2811 = arith.constant 10 : i32
    %dma_wait3A_2812 = arith.constant 10 : i32
    %dma_wait3A_2813 = arith.constant 0 : i32
    %dma_wait3A_2814 = tpu.memref_slice %arg5[%dma_wait3A_2811, %dma_wait3A_2813] : memref<32x128xi32, #tpu.memory_space<vmem>> -> memref<1x128xi32, #tpu.memory_space<vmem>>
    %dma_wait3A_2815 = tpu.memref_squeeze %dma_wait3A_2814 : memref<1x128xi32, #tpu.memory_space<vmem>> -> memref<128xi32, #tpu.memory_space<vmem>>
    %dma_wait3A_2816 = arith.constant 0 : i32
    %dma_wait3A_2817 = tpu.memref_slice %arg4[%dma_wait3A_2812, %dma_wait3A_2816] : memref<32x128xi32, #tpu.memory_space<vmem>> -> memref<1x128xi32, #tpu.memory_space<vmem>>
    %dma_wait3A_2818 = tpu.memref_squeeze %dma_wait3A_2817 : memref<1x128xi32, #tpu.memory_space<vmem>> -> memref<128xi32, #tpu.memory_space<vmem>>
    %dma_wait3A_2819 = arith.constant 0 : i32
    %dma_wait3A_2820 = tpu.memref_slice %arg3[%dma_wait3A_2819] : memref<131072xi32, #tpu.memory_space<hbm>> -> memref<131072xi32, #tpu.memory_space<hbm>>
    tpu.wait_indirect_dma semaphore(%arg6 : memref<!tpu.dma_semaphore, #tpu.memory_space<semaphore_mem>>) src(%dma_wait3A_2815 : memref<128xi32, #tpu.memory_space<vmem>>) dst(%dma_wait3A_2820 : memref<131072xi32, #tpu.memory_space<hbm>>)
    %dma_wait3A_2821 = arith.constant 11 : i32
    %dma_wait3A_2822 = arith.constant 11 : i32
    %dma_wait3A_2823 = arith.constant 0 : i32
    %dma_wait3A_2824 = tpu.memref_slice %arg5[%dma_wait3A_2821, %dma_wait3A_2823] : memref<32x128xi32, #tpu.memory_space<vmem>> -> memref<1x128xi32, #tpu.memory_space<vmem>>
    %dma_wait3A_2825 = tpu.memref_squeeze %dma_wait3A_2824 : memref<1x128xi32, #tpu.memory_space<vmem>> -> memref<128xi32, #tpu.memory_space<vmem>>
    %dma_wait3A_2826 = arith.constant 0 : i32
    %dma_wait3A_2827 = tpu.memref_slice %arg4[%dma_wait3A_2822, %dma_wait3A_2826] : memref<32x128xi32, #tpu.memory_space<vmem>> -> memref<1x128xi32, #tpu.memory_space<vmem>>
    %dma_wait3A_2828 = tpu.memref_squeeze %dma_wait3A_2827 : memref<1x128xi32, #tpu.memory_space<vmem>> -> memref<128xi32, #tpu.memory_space<vmem>>
    %dma_wait3A_2829 = arith.constant 0 : i32
    %dma_wait3A_2830 = tpu.memref_slice %arg3[%dma_wait3A_2829] : memref<131072xi32, #tpu.memory_space<hbm>> -> memref<131072xi32, #tpu.memory_space<hbm>>
    tpu.wait_indirect_dma semaphore(%arg6 : memref<!tpu.dma_semaphore, #tpu.memory_space<semaphore_mem>>) src(%dma_wait3A_2825 : memref<128xi32, #tpu.memory_space<vmem>>) dst(%dma_wait3A_2830 : memref<131072xi32, #tpu.memory_space<hbm>>)
    %dma_wait3A_2831 = arith.constant 12 : i32
    %dma_wait3A_2832 = arith.constant 12 : i32
    %dma_wait3A_2833 = arith.constant 0 : i32
    %dma_wait3A_2834 = tpu.memref_slice %arg5[%dma_wait3A_2831, %dma_wait3A_2833] : memref<32x128xi32, #tpu.memory_space<vmem>> -> memref<1x128xi32, #tpu.memory_space<vmem>>
    %dma_wait3A_2835 = tpu.memref_squeeze %dma_wait3A_2834 : memref<1x128xi32, #tpu.memory_space<vmem>> -> memref<128xi32, #tpu.memory_space<vmem>>
    %dma_wait3A_2836 = arith.constant 0 : i32
    %dma_wait3A_2837 = tpu.memref_slice %arg4[%dma_wait3A_2832, %dma_wait3A_2836] : memref<32x128xi32, #tpu.memory_space<vmem>> -> memref<1x128xi32, #tpu.memory_space<vmem>>
    %dma_wait3A_2838 = tpu.memref_squeeze %dma_wait3A_2837 : memref<1x128xi32, #tpu.memory_space<vmem>> -> memref<128xi32, #tpu.memory_space<vmem>>
    %dma_wait3A_2839 = arith.constant 0 : i32
    %dma_wait3A_2840 = tpu.memref_slice %arg3[%dma_wait3A_2839] : memref<131072xi32, #tpu.memory_space<hbm>> -> memref<131072xi32, #tpu.memory_space<hbm>>
    tpu.wait_indirect_dma semaphore(%arg6 : memref<!tpu.dma_semaphore, #tpu.memory_space<semaphore_mem>>) src(%dma_wait3A_2835 : memref<128xi32, #tpu.memory_space<vmem>>) dst(%dma_wait3A_2840 : memref<131072xi32, #tpu.memory_space<hbm>>)
    %dma_wait3A_2841 = arith.constant 13 : i32
    %dma_wait3A_2842 = arith.constant 13 : i32
    %dma_wait3A_2843 = arith.constant 0 : i32
    %dma_wait3A_2844 = tpu.memref_slice %arg5[%dma_wait3A_2841, %dma_wait3A_2843] : memref<32x128xi32, #tpu.memory_space<vmem>> -> memref<1x128xi32, #tpu.memory_space<vmem>>
    %dma_wait3A_2845 = tpu.memref_squeeze %dma_wait3A_2844 : memref<1x128xi32, #tpu.memory_space<vmem>> -> memref<128xi32, #tpu.memory_space<vmem>>
    %dma_wait3A_2846 = arith.constant 0 : i32
    %dma_wait3A_2847 = tpu.memref_slice %arg4[%dma_wait3A_2842, %dma_wait3A_2846] : memref<32x128xi32, #tpu.memory_space<vmem>> -> memref<1x128xi32, #tpu.memory_space<vmem>>
    %dma_wait3A_2848 = tpu.memref_squeeze %dma_wait3A_2847 : memref<1x128xi32, #tpu.memory_space<vmem>> -> memref<128xi32, #tpu.memory_space<vmem>>
    %dma_wait3A_2849 = arith.constant 0 : i32
    %dma_wait3A_2850 = tpu.memref_slice %arg3[%dma_wait3A_2849] : memref<131072xi32, #tpu.memory_space<hbm>> -> memref<131072xi32, #tpu.memory_space<hbm>>
    tpu.wait_indirect_dma semaphore(%arg6 : memref<!tpu.dma_semaphore, #tpu.memory_space<semaphore_mem>>) src(%dma_wait3A_2845 : memref<128xi32, #tpu.memory_space<vmem>>) dst(%dma_wait3A_2850 : memref<131072xi32, #tpu.memory_space<hbm>>)
    %dma_wait3A_2851 = arith.constant 14 : i32
    %dma_wait3A_2852 = arith.constant 14 : i32
    %dma_wait3A_2853 = arith.constant 0 : i32
    %dma_wait3A_2854 = tpu.memref_slice %arg5[%dma_wait3A_2851, %dma_wait3A_2853] : memref<32x128xi32, #tpu.memory_space<vmem>> -> memref<1x128xi32, #tpu.memory_space<vmem>>
    %dma_wait3A_2855 = tpu.memref_squeeze %dma_wait3A_2854 : memref<1x128xi32, #tpu.memory_space<vmem>> -> memref<128xi32, #tpu.memory_space<vmem>>
    %dma_wait3A_2856 = arith.constant 0 : i32
    %dma_wait3A_2857 = tpu.memref_slice %arg4[%dma_wait3A_2852, %dma_wait3A_2856] : memref<32x128xi32, #tpu.memory_space<vmem>> -> memref<1x128xi32, #tpu.memory_space<vmem>>
    %dma_wait3A_2858 = tpu.memref_squeeze %dma_wait3A_2857 : memref<1x128xi32, #tpu.memory_space<vmem>> -> memref<128xi32, #tpu.memory_space<vmem>>
    %dma_wait3A_2859 = arith.constant 0 : i32
    %dma_wait3A_2860 = tpu.memref_slice %arg3[%dma_wait3A_2859] : memref<131072xi32, #tpu.memory_space<hbm>> -> memref<131072xi32, #tpu.memory_space<hbm>>
    tpu.wait_indirect_dma semaphore(%arg6 : memref<!tpu.dma_semaphore, #tpu.memory_space<semaphore_mem>>) src(%dma_wait3A_2855 : memref<128xi32, #tpu.memory_space<vmem>>) dst(%dma_wait3A_2860 : memref<131072xi32, #tpu.memory_space<hbm>>)
    %dma_wait3A_2861 = arith.constant 15 : i32
    %dma_wait3A_2862 = arith.constant 15 : i32
    %dma_wait3A_2863 = arith.constant 0 : i32
    %dma_wait3A_2864 = tpu.memref_slice %arg5[%dma_wait3A_2861, %dma_wait3A_2863] : memref<32x128xi32, #tpu.memory_space<vmem>> -> memref<1x128xi32, #tpu.memory_space<vmem>>
    %dma_wait3A_2865 = tpu.memref_squeeze %dma_wait3A_2864 : memref<1x128xi32, #tpu.memory_space<vmem>> -> memref<128xi32, #tpu.memory_space<vmem>>
    %dma_wait3A_2866 = arith.constant 0 : i32
    %dma_wait3A_2867 = tpu.memref_slice %arg4[%dma_wait3A_2862, %dma_wait3A_2866] : memref<32x128xi32, #tpu.memory_space<vmem>> -> memref<1x128xi32, #tpu.memory_space<vmem>>
    %dma_wait3A_2868 = tpu.memref_squeeze %dma_wait3A_2867 : memref<1x128xi32, #tpu.memory_space<vmem>> -> memref<128xi32, #tpu.memory_space<vmem>>
    %dma_wait3A_2869 = arith.constant 0 : i32
    %dma_wait3A_2870 = tpu.memref_slice %arg3[%dma_wait3A_2869] : memref<131072xi32, #tpu.memory_space<hbm>> -> memref<131072xi32, #tpu.memory_space<hbm>>
    tpu.wait_indirect_dma semaphore(%arg6 : memref<!tpu.dma_semaphore, #tpu.memory_space<semaphore_mem>>) src(%dma_wait3A_2865 : memref<128xi32, #tpu.memory_space<vmem>>) dst(%dma_wait3A_2870 : memref<131072xi32, #tpu.memory_space<hbm>>)
    %dma_wait3A_2871 = arith.constant 16 : i32
    %dma_wait3A_2872 = arith.constant 16 : i32
    %dma_wait3A_2873 = arith.constant 0 : i32
    %dma_wait3A_2874 = tpu.memref_slice %arg5[%dma_wait3A_2871, %dma_wait3A_2873] : memref<32x128xi32, #tpu.memory_space<vmem>> -> memref<1x128xi32, #tpu.memory_space<vmem>>
    %dma_wait3A_2875 = tpu.memref_squeeze %dma_wait3A_2874 : memref<1x128xi32, #tpu.memory_space<vmem>> -> memref<128xi32, #tpu.memory_space<vmem>>
    %dma_wait3A_2876 = arith.constant 0 : i32
    %dma_wait3A_2877 = tpu.memref_slice %arg4[%dma_wait3A_2872, %dma_wait3A_2876] : memref<32x128xi32, #tpu.memory_space<vmem>> -> memref<1x128xi32, #tpu.memory_space<vmem>>
    %dma_wait3A_2878 = tpu.memref_squeeze %dma_wait3A_2877 : memref<1x128xi32, #tpu.memory_space<vmem>> -> memref<128xi32, #tpu.memory_space<vmem>>
    %dma_wait3A_2879 = arith.constant 0 : i32
    %dma_wait3A_2880 = tpu.memref_slice %arg3[%dma_wait3A_2879] : memref<131072xi32, #tpu.memory_space<hbm>> -> memref<131072xi32, #tpu.memory_space<hbm>>
    tpu.wait_indirect_dma semaphore(%arg6 : memref<!tpu.dma_semaphore, #tpu.memory_space<semaphore_mem>>) src(%dma_wait3A_2875 : memref<128xi32, #tpu.memory_space<vmem>>) dst(%dma_wait3A_2880 : memref<131072xi32, #tpu.memory_space<hbm>>)
    %dma_wait3A_2881 = arith.constant 17 : i32
    %dma_wait3A_2882 = arith.constant 17 : i32
    %dma_wait3A_2883 = arith.constant 0 : i32
    %dma_wait3A_2884 = tpu.memref_slice %arg5[%dma_wait3A_2881, %dma_wait3A_2883] : memref<32x128xi32, #tpu.memory_space<vmem>> -> memref<1x128xi32, #tpu.memory_space<vmem>>
    %dma_wait3A_2885 = tpu.memref_squeeze %dma_wait3A_2884 : memref<1x128xi32, #tpu.memory_space<vmem>> -> memref<128xi32, #tpu.memory_space<vmem>>
    %dma_wait3A_2886 = arith.constant 0 : i32
    %dma_wait3A_2887 = tpu.memref_slice %arg4[%dma_wait3A_2882, %dma_wait3A_2886] : memref<32x128xi32, #tpu.memory_space<vmem>> -> memref<1x128xi32, #tpu.memory_space<vmem>>
    %dma_wait3A_2888 = tpu.memref_squeeze %dma_wait3A_2887 : memref<1x128xi32, #tpu.memory_space<vmem>> -> memref<128xi32, #tpu.memory_space<vmem>>
    %dma_wait3A_2889 = arith.constant 0 : i32
    %dma_wait3A_2890 = tpu.memref_slice %arg3[%dma_wait3A_2889] : memref<131072xi32, #tpu.memory_space<hbm>> -> memref<131072xi32, #tpu.memory_space<hbm>>
    tpu.wait_indirect_dma semaphore(%arg6 : memref<!tpu.dma_semaphore, #tpu.memory_space<semaphore_mem>>) src(%dma_wait3A_2885 : memref<128xi32, #tpu.memory_space<vmem>>) dst(%dma_wait3A_2890 : memref<131072xi32, #tpu.memory_space<hbm>>)
    %dma_wait3A_2891 = arith.constant 18 : i32
    %dma_wait3A_2892 = arith.constant 18 : i32
    %dma_wait3A_2893 = arith.constant 0 : i32
    %dma_wait3A_2894 = tpu.memref_slice %arg5[%dma_wait3A_2891, %dma_wait3A_2893] : memref<32x128xi32, #tpu.memory_space<vmem>> -> memref<1x128xi32, #tpu.memory_space<vmem>>
    %dma_wait3A_2895 = tpu.memref_squeeze %dma_wait3A_2894 : memref<1x128xi32, #tpu.memory_space<vmem>> -> memref<128xi32, #tpu.memory_space<vmem>>
    %dma_wait3A_2896 = arith.constant 0 : i32
    %dma_wait3A_2897 = tpu.memref_slice %arg4[%dma_wait3A_2892, %dma_wait3A_2896] : memref<32x128xi32, #tpu.memory_space<vmem>> -> memref<1x128xi32, #tpu.memory_space<vmem>>
    %dma_wait3A_2898 = tpu.memref_squeeze %dma_wait3A_2897 : memref<1x128xi32, #tpu.memory_space<vmem>> -> memref<128xi32, #tpu.memory_space<vmem>>
    %dma_wait3A_2899 = arith.constant 0 : i32
    %dma_wait3A_2900 = tpu.memref_slice %arg3[%dma_wait3A_2899] : memref<131072xi32, #tpu.memory_space<hbm>> -> memref<131072xi32, #tpu.memory_space<hbm>>
    tpu.wait_indirect_dma semaphore(%arg6 : memref<!tpu.dma_semaphore, #tpu.memory_space<semaphore_mem>>) src(%dma_wait3A_2895 : memref<128xi32, #tpu.memory_space<vmem>>) dst(%dma_wait3A_2900 : memref<131072xi32, #tpu.memory_space<hbm>>)
    %dma_wait3A_2901 = arith.constant 19 : i32
    %dma_wait3A_2902 = arith.constant 19 : i32
    %dma_wait3A_2903 = arith.constant 0 : i32
    %dma_wait3A_2904 = tpu.memref_slice %arg5[%dma_wait3A_2901, %dma_wait3A_2903] : memref<32x128xi32, #tpu.memory_space<vmem>> -> memref<1x128xi32, #tpu.memory_space<vmem>>
    %dma_wait3A_2905 = tpu.memref_squeeze %dma_wait3A_2904 : memref<1x128xi32, #tpu.memory_space<vmem>> -> memref<128xi32, #tpu.memory_space<vmem>>
    %dma_wait3A_2906 = arith.constant 0 : i32
    %dma_wait3A_2907 = tpu.memref_slice %arg4[%dma_wait3A_2902, %dma_wait3A_2906] : memref<32x128xi32, #tpu.memory_space<vmem>> -> memref<1x128xi32, #tpu.memory_space<vmem>>
    %dma_wait3A_2908 = tpu.memref_squeeze %dma_wait3A_2907 : memref<1x128xi32, #tpu.memory_space<vmem>> -> memref<128xi32, #tpu.memory_space<vmem>>
    %dma_wait3A_2909 = arith.constant 0 : i32
    %dma_wait3A_2910 = tpu.memref_slice %arg3[%dma_wait3A_2909] : memref<131072xi32, #tpu.memory_space<hbm>> -> memref<131072xi32, #tpu.memory_space<hbm>>
    tpu.wait_indirect_dma semaphore(%arg6 : memref<!tpu.dma_semaphore, #tpu.memory_space<semaphore_mem>>) src(%dma_wait3A_2905 : memref<128xi32, #tpu.memory_space<vmem>>) dst(%dma_wait3A_2910 : memref<131072xi32, #tpu.memory_space<hbm>>)
    %dma_wait3A_2911 = arith.constant 20 : i32
    %dma_wait3A_2912 = arith.constant 20 : i32
    %dma_wait3A_2913 = arith.constant 0 : i32
    %dma_wait3A_2914 = tpu.memref_slice %arg5[%dma_wait3A_2911, %dma_wait3A_2913] : memref<32x128xi32, #tpu.memory_space<vmem>> -> memref<1x128xi32, #tpu.memory_space<vmem>>
    %dma_wait3A_2915 = tpu.memref_squeeze %dma_wait3A_2914 : memref<1x128xi32, #tpu.memory_space<vmem>> -> memref<128xi32, #tpu.memory_space<vmem>>
    %dma_wait3A_2916 = arith.constant 0 : i32
    %dma_wait3A_2917 = tpu.memref_slice %arg4[%dma_wait3A_2912, %dma_wait3A_2916] : memref<32x128xi32, #tpu.memory_space<vmem>> -> memref<1x128xi32, #tpu.memory_space<vmem>>
    %dma_wait3A_2918 = tpu.memref_squeeze %dma_wait3A_2917 : memref<1x128xi32, #tpu.memory_space<vmem>> -> memref<128xi32, #tpu.memory_space<vmem>>
    %dma_wait3A_2919 = arith.constant 0 : i32
    %dma_wait3A_2920 = tpu.memref_slice %arg3[%dma_wait3A_2919] : memref<131072xi32, #tpu.memory_space<hbm>> -> memref<131072xi32, #tpu.memory_space<hbm>>
    tpu.wait_indirect_dma semaphore(%arg6 : memref<!tpu.dma_semaphore, #tpu.memory_space<semaphore_mem>>) src(%dma_wait3A_2915 : memref<128xi32, #tpu.memory_space<vmem>>) dst(%dma_wait3A_2920 : memref<131072xi32, #tpu.memory_space<hbm>>)
    %dma_wait3A_2921 = arith.constant 21 : i32
    %dma_wait3A_2922 = arith.constant 21 : i32
    %dma_wait3A_2923 = arith.constant 0 : i32
    %dma_wait3A_2924 = tpu.memref_slice %arg5[%dma_wait3A_2921, %dma_wait3A_2923] : memref<32x128xi32, #tpu.memory_space<vmem>> -> memref<1x128xi32, #tpu.memory_space<vmem>>
    %dma_wait3A_2925 = tpu.memref_squeeze %dma_wait3A_2924 : memref<1x128xi32, #tpu.memory_space<vmem>> -> memref<128xi32, #tpu.memory_space<vmem>>
    %dma_wait3A_2926 = arith.constant 0 : i32
    %dma_wait3A_2927 = tpu.memref_slice %arg4[%dma_wait3A_2922, %dma_wait3A_2926] : memref<32x128xi32, #tpu.memory_space<vmem>> -> memref<1x128xi32, #tpu.memory_space<vmem>>
    %dma_wait3A_2928 = tpu.memref_squeeze %dma_wait3A_2927 : memref<1x128xi32, #tpu.memory_space<vmem>> -> memref<128xi32, #tpu.memory_space<vmem>>
    %dma_wait3A_2929 = arith.constant 0 : i32
    %dma_wait3A_2930 = tpu.memref_slice %arg3[%dma_wait3A_2929] : memref<131072xi32, #tpu.memory_space<hbm>> -> memref<131072xi32, #tpu.memory_space<hbm>>
    tpu.wait_indirect_dma semaphore(%arg6 : memref<!tpu.dma_semaphore, #tpu.memory_space<semaphore_mem>>) src(%dma_wait3A_2925 : memref<128xi32, #tpu.memory_space<vmem>>) dst(%dma_wait3A_2930 : memref<131072xi32, #tpu.memory_space<hbm>>)
    %dma_wait3A_2931 = arith.constant 22 : i32
    %dma_wait3A_2932 = arith.constant 22 : i32
    %dma_wait3A_2933 = arith.constant 0 : i32
    %dma_wait3A_2934 = tpu.memref_slice %arg5[%dma_wait3A_2931, %dma_wait3A_2933] : memref<32x128xi32, #tpu.memory_space<vmem>> -> memref<1x128xi32, #tpu.memory_space<vmem>>
    %dma_wait3A_2935 = tpu.memref_squeeze %dma_wait3A_2934 : memref<1x128xi32, #tpu.memory_space<vmem>> -> memref<128xi32, #tpu.memory_space<vmem>>
    %dma_wait3A_2936 = arith.constant 0 : i32
    %dma_wait3A_2937 = tpu.memref_slice %arg4[%dma_wait3A_2932, %dma_wait3A_2936] : memref<32x128xi32, #tpu.memory_space<vmem>> -> memref<1x128xi32, #tpu.memory_space<vmem>>
    %dma_wait3A_2938 = tpu.memref_squeeze %dma_wait3A_2937 : memref<1x128xi32, #tpu.memory_space<vmem>> -> memref<128xi32, #tpu.memory_space<vmem>>
    %dma_wait3A_2939 = arith.constant 0 : i32
    %dma_wait3A_2940 = tpu.memref_slice %arg3[%dma_wait3A_2939] : memref<131072xi32, #tpu.memory_space<hbm>> -> memref<131072xi32, #tpu.memory_space<hbm>>
    tpu.wait_indirect_dma semaphore(%arg6 : memref<!tpu.dma_semaphore, #tpu.memory_space<semaphore_mem>>) src(%dma_wait3A_2935 : memref<128xi32, #tpu.memory_space<vmem>>) dst(%dma_wait3A_2940 : memref<131072xi32, #tpu.memory_space<hbm>>)
    %dma_wait3A_2941 = arith.constant 23 : i32
    %dma_wait3A_2942 = arith.constant 23 : i32
    %dma_wait3A_2943 = arith.constant 0 : i32
    %dma_wait3A_2944 = tpu.memref_slice %arg5[%dma_wait3A_2941, %dma_wait3A_2943] : memref<32x128xi32, #tpu.memory_space<vmem>> -> memref<1x128xi32, #tpu.memory_space<vmem>>
    %dma_wait3A_2945 = tpu.memref_squeeze %dma_wait3A_2944 : memref<1x128xi32, #tpu.memory_space<vmem>> -> memref<128xi32, #tpu.memory_space<vmem>>
    %dma_wait3A_2946 = arith.constant 0 : i32
    %dma_wait3A_2947 = tpu.memref_slice %arg4[%dma_wait3A_2942, %dma_wait3A_2946] : memref<32x128xi32, #tpu.memory_space<vmem>> -> memref<1x128xi32, #tpu.memory_space<vmem>>
    %dma_wait3A_2948 = tpu.memref_squeeze %dma_wait3A_2947 : memref<1x128xi32, #tpu.memory_space<vmem>> -> memref<128xi32, #tpu.memory_space<vmem>>
    %dma_wait3A_2949 = arith.constant 0 : i32
    %dma_wait3A_2950 = tpu.memref_slice %arg3[%dma_wait3A_2949] : memref<131072xi32, #tpu.memory_space<hbm>> -> memref<131072xi32, #tpu.memory_space<hbm>>
    tpu.wait_indirect_dma semaphore(%arg6 : memref<!tpu.dma_semaphore, #tpu.memory_space<semaphore_mem>>) src(%dma_wait3A_2945 : memref<128xi32, #tpu.memory_space<vmem>>) dst(%dma_wait3A_2950 : memref<131072xi32, #tpu.memory_space<hbm>>)
    %dma_wait3A_2951 = arith.constant 24 : i32
    %dma_wait3A_2952 = arith.constant 24 : i32
    %dma_wait3A_2953 = arith.constant 0 : i32
    %dma_wait3A_2954 = tpu.memref_slice %arg5[%dma_wait3A_2951, %dma_wait3A_2953] : memref<32x128xi32, #tpu.memory_space<vmem>> -> memref<1x128xi32, #tpu.memory_space<vmem>>
    %dma_wait3A_2955 = tpu.memref_squeeze %dma_wait3A_2954 : memref<1x128xi32, #tpu.memory_space<vmem>> -> memref<128xi32, #tpu.memory_space<vmem>>
    %dma_wait3A_2956 = arith.constant 0 : i32
    %dma_wait3A_2957 = tpu.memref_slice %arg4[%dma_wait3A_2952, %dma_wait3A_2956] : memref<32x128xi32, #tpu.memory_space<vmem>> -> memref<1x128xi32, #tpu.memory_space<vmem>>
    %dma_wait3A_2958 = tpu.memref_squeeze %dma_wait3A_2957 : memref<1x128xi32, #tpu.memory_space<vmem>> -> memref<128xi32, #tpu.memory_space<vmem>>
    %dma_wait3A_2959 = arith.constant 0 : i32
    %dma_wait3A_2960 = tpu.memref_slice %arg3[%dma_wait3A_2959] : memref<131072xi32, #tpu.memory_space<hbm>> -> memref<131072xi32, #tpu.memory_space<hbm>>
    tpu.wait_indirect_dma semaphore(%arg6 : memref<!tpu.dma_semaphore, #tpu.memory_space<semaphore_mem>>) src(%dma_wait3A_2955 : memref<128xi32, #tpu.memory_space<vmem>>) dst(%dma_wait3A_2960 : memref<131072xi32, #tpu.memory_space<hbm>>)
    %dma_wait3A_2961 = arith.constant 25 : i32
    %dma_wait3A_2962 = arith.constant 25 : i32
    %dma_wait3A_2963 = arith.constant 0 : i32
    %dma_wait3A_2964 = tpu.memref_slice %arg5[%dma_wait3A_2961, %dma_wait3A_2963] : memref<32x128xi32, #tpu.memory_space<vmem>> -> memref<1x128xi32, #tpu.memory_space<vmem>>
    %dma_wait3A_2965 = tpu.memref_squeeze %dma_wait3A_2964 : memref<1x128xi32, #tpu.memory_space<vmem>> -> memref<128xi32, #tpu.memory_space<vmem>>
    %dma_wait3A_2966 = arith.constant 0 : i32
    %dma_wait3A_2967 = tpu.memref_slice %arg4[%dma_wait3A_2962, %dma_wait3A_2966] : memref<32x128xi32, #tpu.memory_space<vmem>> -> memref<1x128xi32, #tpu.memory_space<vmem>>
    %dma_wait3A_2968 = tpu.memref_squeeze %dma_wait3A_2967 : memref<1x128xi32, #tpu.memory_space<vmem>> -> memref<128xi32, #tpu.memory_space<vmem>>
    %dma_wait3A_2969 = arith.constant 0 : i32
    %dma_wait3A_2970 = tpu.memref_slice %arg3[%dma_wait3A_2969] : memref<131072xi32, #tpu.memory_space<hbm>> -> memref<131072xi32, #tpu.memory_space<hbm>>
    tpu.wait_indirect_dma semaphore(%arg6 : memref<!tpu.dma_semaphore, #tpu.memory_space<semaphore_mem>>) src(%dma_wait3A_2965 : memref<128xi32, #tpu.memory_space<vmem>>) dst(%dma_wait3A_2970 : memref<131072xi32, #tpu.memory_space<hbm>>)
    %dma_wait3A_2971 = arith.constant 26 : i32
    %dma_wait3A_2972 = arith.constant 26 : i32
    %dma_wait3A_2973 = arith.constant 0 : i32
    %dma_wait3A_2974 = tpu.memref_slice %arg5[%dma_wait3A_2971, %dma_wait3A_2973] : memref<32x128xi32, #tpu.memory_space<vmem>> -> memref<1x128xi32, #tpu.memory_space<vmem>>
    %dma_wait3A_2975 = tpu.memref_squeeze %dma_wait3A_2974 : memref<1x128xi32, #tpu.memory_space<vmem>> -> memref<128xi32, #tpu.memory_space<vmem>>
    %dma_wait3A_2976 = arith.constant 0 : i32
    %dma_wait3A_2977 = tpu.memref_slice %arg4[%dma_wait3A_2972, %dma_wait3A_2976] : memref<32x128xi32, #tpu.memory_space<vmem>> -> memref<1x128xi32, #tpu.memory_space<vmem>>
    %dma_wait3A_2978 = tpu.memref_squeeze %dma_wait3A_2977 : memref<1x128xi32, #tpu.memory_space<vmem>> -> memref<128xi32, #tpu.memory_space<vmem>>
    %dma_wait3A_2979 = arith.constant 0 : i32
    %dma_wait3A_2980 = tpu.memref_slice %arg3[%dma_wait3A_2979] : memref<131072xi32, #tpu.memory_space<hbm>> -> memref<131072xi32, #tpu.memory_space<hbm>>
    tpu.wait_indirect_dma semaphore(%arg6 : memref<!tpu.dma_semaphore, #tpu.memory_space<semaphore_mem>>) src(%dma_wait3A_2975 : memref<128xi32, #tpu.memory_space<vmem>>) dst(%dma_wait3A_2980 : memref<131072xi32, #tpu.memory_space<hbm>>)
    %dma_wait3A_2981 = arith.constant 27 : i32
    %dma_wait3A_2982 = arith.constant 27 : i32
    %dma_wait3A_2983 = arith.constant 0 : i32
    %dma_wait3A_2984 = tpu.memref_slice %arg5[%dma_wait3A_2981, %dma_wait3A_2983] : memref<32x128xi32, #tpu.memory_space<vmem>> -> memref<1x128xi32, #tpu.memory_space<vmem>>
    %dma_wait3A_2985 = tpu.memref_squeeze %dma_wait3A_2984 : memref<1x128xi32, #tpu.memory_space<vmem>> -> memref<128xi32, #tpu.memory_space<vmem>>
    %dma_wait3A_2986 = arith.constant 0 : i32
    %dma_wait3A_2987 = tpu.memref_slice %arg4[%dma_wait3A_2982, %dma_wait3A_2986] : memref<32x128xi32, #tpu.memory_space<vmem>> -> memref<1x128xi32, #tpu.memory_space<vmem>>
    %dma_wait3A_2988 = tpu.memref_squeeze %dma_wait3A_2987 : memref<1x128xi32, #tpu.memory_space<vmem>> -> memref<128xi32, #tpu.memory_space<vmem>>
    %dma_wait3A_2989 = arith.constant 0 : i32
    %dma_wait3A_2990 = tpu.memref_slice %arg3[%dma_wait3A_2989] : memref<131072xi32, #tpu.memory_space<hbm>> -> memref<131072xi32, #tpu.memory_space<hbm>>
    tpu.wait_indirect_dma semaphore(%arg6 : memref<!tpu.dma_semaphore, #tpu.memory_space<semaphore_mem>>) src(%dma_wait3A_2985 : memref<128xi32, #tpu.memory_space<vmem>>) dst(%dma_wait3A_2990 : memref<131072xi32, #tpu.memory_space<hbm>>)
    %dma_wait3A_2991 = arith.constant 28 : i32
    %dma_wait3A_2992 = arith.constant 28 : i32
    %dma_wait3A_2993 = arith.constant 0 : i32
    %dma_wait3A_2994 = tpu.memref_slice %arg5[%dma_wait3A_2991, %dma_wait3A_2993] : memref<32x128xi32, #tpu.memory_space<vmem>> -> memref<1x128xi32, #tpu.memory_space<vmem>>
    %dma_wait3A_2995 = tpu.memref_squeeze %dma_wait3A_2994 : memref<1x128xi32, #tpu.memory_space<vmem>> -> memref<128xi32, #tpu.memory_space<vmem>>
    %dma_wait3A_2996 = arith.constant 0 : i32
    %dma_wait3A_2997 = tpu.memref_slice %arg4[%dma_wait3A_2992, %dma_wait3A_2996] : memref<32x128xi32, #tpu.memory_space<vmem>> -> memref<1x128xi32, #tpu.memory_space<vmem>>
    %dma_wait3A_2998 = tpu.memref_squeeze %dma_wait3A_2997 : memref<1x128xi32, #tpu.memory_space<vmem>> -> memref<128xi32, #tpu.memory_space<vmem>>
    %dma_wait3A_2999 = arith.constant 0 : i32
    %dma_wait3A_3000 = tpu.memref_slice %arg3[%dma_wait3A_2999] : memref<131072xi32, #tpu.memory_space<hbm>> -> memref<131072xi32, #tpu.memory_space<hbm>>
    tpu.wait_indirect_dma semaphore(%arg6 : memref<!tpu.dma_semaphore, #tpu.memory_space<semaphore_mem>>) src(%dma_wait3A_2995 : memref<128xi32, #tpu.memory_space<vmem>>) dst(%dma_wait3A_3000 : memref<131072xi32, #tpu.memory_space<hbm>>)
    %dma_wait3A_3001 = arith.constant 29 : i32
    %dma_wait3A_3002 = arith.constant 29 : i32
    %dma_wait3A_3003 = arith.constant 0 : i32
    %dma_wait3A_3004 = tpu.memref_slice %arg5[%dma_wait3A_3001, %dma_wait3A_3003] : memref<32x128xi32, #tpu.memory_space<vmem>> -> memref<1x128xi32, #tpu.memory_space<vmem>>
    %dma_wait3A_3005 = tpu.memref_squeeze %dma_wait3A_3004 : memref<1x128xi32, #tpu.memory_space<vmem>> -> memref<128xi32, #tpu.memory_space<vmem>>
    %dma_wait3A_3006 = arith.constant 0 : i32
    %dma_wait3A_3007 = tpu.memref_slice %arg4[%dma_wait3A_3002, %dma_wait3A_3006] : memref<32x128xi32, #tpu.memory_space<vmem>> -> memref<1x128xi32, #tpu.memory_space<vmem>>
    %dma_wait3A_3008 = tpu.memref_squeeze %dma_wait3A_3007 : memref<1x128xi32, #tpu.memory_space<vmem>> -> memref<128xi32, #tpu.memory_space<vmem>>
    %dma_wait3A_3009 = arith.constant 0 : i32
    %dma_wait3A_3010 = tpu.memref_slice %arg3[%dma_wait3A_3009] : memref<131072xi32, #tpu.memory_space<hbm>> -> memref<131072xi32, #tpu.memory_space<hbm>>
    tpu.wait_indirect_dma semaphore(%arg6 : memref<!tpu.dma_semaphore, #tpu.memory_space<semaphore_mem>>) src(%dma_wait3A_3005 : memref<128xi32, #tpu.memory_space<vmem>>) dst(%dma_wait3A_3010 : memref<131072xi32, #tpu.memory_space<hbm>>)
    %dma_wait3A_3011 = arith.constant 30 : i32
    %dma_wait3A_3012 = arith.constant 30 : i32
    %dma_wait3A_3013 = arith.constant 0 : i32
    %dma_wait3A_3014 = tpu.memref_slice %arg5[%dma_wait3A_3011, %dma_wait3A_3013] : memref<32x128xi32, #tpu.memory_space<vmem>> -> memref<1x128xi32, #tpu.memory_space<vmem>>
    %dma_wait3A_3015 = tpu.memref_squeeze %dma_wait3A_3014 : memref<1x128xi32, #tpu.memory_space<vmem>> -> memref<128xi32, #tpu.memory_space<vmem>>
    %dma_wait3A_3016 = arith.constant 0 : i32
    %dma_wait3A_3017 = tpu.memref_slice %arg4[%dma_wait3A_3012, %dma_wait3A_3016] : memref<32x128xi32, #tpu.memory_space<vmem>> -> memref<1x128xi32, #tpu.memory_space<vmem>>
    %dma_wait3A_3018 = tpu.memref_squeeze %dma_wait3A_3017 : memref<1x128xi32, #tpu.memory_space<vmem>> -> memref<128xi32, #tpu.memory_space<vmem>>
    %dma_wait3A_3019 = arith.constant 0 : i32
    %dma_wait3A_3020 = tpu.memref_slice %arg3[%dma_wait3A_3019] : memref<131072xi32, #tpu.memory_space<hbm>> -> memref<131072xi32, #tpu.memory_space<hbm>>
    tpu.wait_indirect_dma semaphore(%arg6 : memref<!tpu.dma_semaphore, #tpu.memory_space<semaphore_mem>>) src(%dma_wait3A_3015 : memref<128xi32, #tpu.memory_space<vmem>>) dst(%dma_wait3A_3020 : memref<131072xi32, #tpu.memory_space<hbm>>)
    %dma_wait3A_3021 = arith.constant 31 : i32
    %dma_wait3A_3022 = arith.constant 31 : i32
    %dma_wait3A_3023 = arith.constant 0 : i32
    %dma_wait3A_3024 = tpu.memref_slice %arg5[%dma_wait3A_3021, %dma_wait3A_3023] : memref<32x128xi32, #tpu.memory_space<vmem>> -> memref<1x128xi32, #tpu.memory_space<vmem>>
    %dma_wait3A_3025 = tpu.memref_squeeze %dma_wait3A_3024 : memref<1x128xi32, #tpu.memory_space<vmem>> -> memref<128xi32, #tpu.memory_space<vmem>>
    %dma_wait3A_3026 = arith.constant 0 : i32
    %dma_wait3A_3027 = tpu.memref_slice %arg4[%dma_wait3A_3022, %dma_wait3A_3026] : memref<32x128xi32, #tpu.memory_space<vmem>> -> memref<1x128xi32, #tpu.memory_space<vmem>>
    %dma_wait3A_3028 = tpu.memref_squeeze %dma_wait3A_3027 : memref<1x128xi32, #tpu.memory_space<vmem>> -> memref<128xi32, #tpu.memory_space<vmem>>
    %dma_wait3A_3029 = arith.constant 0 : i32
    %dma_wait3A_3030 = tpu.memref_slice %arg3[%dma_wait3A_3029] : memref<131072xi32, #tpu.memory_space<hbm>> -> memref<131072xi32, #tpu.memory_space<hbm>>
    tpu.wait_indirect_dma semaphore(%arg6 : memref<!tpu.dma_semaphore, #tpu.memory_space<semaphore_mem>>) src(%dma_wait3A_3025 : memref<128xi32, #tpu.memory_space<vmem>>) dst(%dma_wait3A_3030 : memref<131072xi32, #tpu.memory_space<hbm>>)
    return
  }
}

</mosaic_0001>

<sc_bundles>
// kernel: kernel.3.cloned.1.call-start
scs
__scs_entry_jumppad:
0x0: {  	(pc) =	sbr.rel $0x88, $3  }
0x1: {  	(tag) =	ssettag $0x0;
	lr =	simm.s32 $0x1  }
0x2: {  	[smem:$0x3FA0] =	sst lr;
	_ =	strace $0xD0000000  }
0x3: {  	_ = 	snop  }
0x4: {  	_ = 	snop  }
0x5: {  	_ = 	snop  }
0x6: {  	_ = 	snop  }
0x7: {  	_ = 	snop  }
__scs_overlays_trampoline_lowered:
0x8: {  	[smem:$0x3FAF] =	sst s0  }
0x9: {  	[smem:$0x3FB0] =	sst s1  }
0xa: {  	[smem:$0x3FB1] =	sst s2  }
0xb: {  	[smem:$0x3FB2] =	sst s3  }
0xc: {  	[smem:$0x3FB3] =	sst s4  }
0xd: {  	[smem:$0x3FB4] =	sst s5  }
0xe: {  	[smem:$0x3FB5] =	sst s6  }
0xf: {  	[smem:$0x3FB6] =	sst s7  }
0x10: {  	[smem:$0x3FB7] =	sst s8  }
0x11: {  	[smem:$0x3FB8] =	sst s9;
	s0 =	simm.s32 @!p0 $0x0  }
0x12: {  	s1 =	sld [smem:$0x3F9E];
	s0 =	simm.s32 @p0 $0x1  }
0x13: {  	[smem:$0x3FB9] =	sst s0;
	s0 =	simm.s32 @!p1 $0x0  }
0x14: {  	s2 =	sld [smem:$0x3F9D];
	s0 =	simm.s32 @p1 $0x1  }
0x15: {  	[smem:$0x3FBA] =	sst s0;
	s0 =	simm.s32 @!p2 $0x0  }
0x16: {  	s3 =	sld [smem:$0x3FDB];
	s0 =	simm.s32 @p2 $0x1  }
0x17: {  	s4 =	simm.s32 $0x1BF5;
	[smem:$0x3FBC] =	sst s0  }
0x18: {  	s0 =	sld [smem:$0x3F9F];
	_ =	swait.ge [sflag:s4], $0x0  }
0x19: {  	s7 =	sld [smem:$0x3FA0]  }
0x1a: {  	s8 =	sadd.s32 $0xFFFFE003, lr  }
0x1b: {  	s9 =	sadd.s32 $0xFFFFFEF7, lr;
	s5 =	simm.s32 $0xFFFFFFFF;
	p2 =	slt.u32 s8, $0xFFFFF086  }
0x1c: {  	p1 =	slt.u32 s9, $0xF7A;
	s5 =	simm.s32 @!p2 $0x0  }
0x1d: {  	s5 =	simm.s32 @p1 $0x1;
	p0 =	seq.s32 s7, s2  }
0x1e: {  	s7 =	smul.u32 @!p0 $0xF7A, s2;
	p2 =	seq.s32 @!p0 s5, $0x0  }
0x1f: {  	s9 =	smul.u32 $0xF7A, s1;
	s8 =	simm.s32 @!p0 $0x1BF5;
	p2 =	por !p2, p0  }
0x20: {  	[sflag:s8] =	ssyncset.s32 @!p0 $0xFFFFF086;
	s6 =	sadd.s32 @!p0 s3, s7;
	s7 =	simm.s32 @!p0 $0x108  }
0x21: {  	s3 =	sadd.s32 s3, s9;
	s6 =	sadd.s32 @!p0 $0x88, s6;
	s7 =	simm.s32 @p2 $0x1082  }
0x22: {  	[simem:s7], [sflag:s8] =	dma.local @!p0 [hbm:s6], $0xF7A  }
0x23: {  	s9 =	sor.u32 $0xD0000000, s2;
	s6 =	simm.s32 $0x108;
	_ =	swait.ge @!p0 [sflag:s8], $0x0  }
0x24: {  	s3 =	sadd.s32 $0x88, s3;
	s6 =	simm.s32 @!p1 $0x1082;
	[sflag:s4] =	ssyncset.s32 $0xFFFFF086  }
0x25: {  	[simem:s6], [sflag:s4] =	dma.local [hbm:s3], $0xF7A  }
0x26: {  	[smem:$0x3FA0] =	sst s1;
	(tag) =	ssettag s2;
	_ =	strace s9  }
0x27: {  	s1 =	sld [smem:$0x3FB0]  }
0x28: {  	s2 =	sld [smem:$0x3FB1]  }
0x29: {  	s4 =	sld [smem:$0x3FB3]  }
0x2a: {  	p0 =	seq.s32 s5, $0x0;
	s5 =	sld [smem:$0x3FB4]  }
0x2b: {  	s6 =	sld [smem:$0x3FB5]  }
0x2c: {  	s7 =	sld [smem:$0x3FB6]  }
0x2d: {  	s3 =	simm.s32 $0x108;
	s8 =	sld [smem:$0x3FB7]  }
0x2e: {  	s3 =	simm.s32 @!p0 $0x1082;
	s9 =	sld [smem:$0x3FB8]  }
0x2f: {  	lr =	sadd.s32 s0, s3;
	s0 =	sld [smem:$0x3FAF]  }
0x30: {  	s3 =	sld [smem:$0x3FB2]  }
0x31: {  	[smem:$0x3FBB] =	sst s10  }
0x32: {  	s10 =	sld [smem:$0x3FB9];
	_ =	sdelay $0x3  }
0x33: {  	p0 =	seq.s32 s10, $0x1;
	s10 =	sld [smem:$0x3FBB];
	_ =	sdelay $0x3  }
0x34: {  	[smem:$0x3FBB] =	sst s10  }
0x35: {  	s10 =	sld [smem:$0x3FBA];
	_ =	sdelay $0x3  }
0x36: {  	p1 =	seq.s32 s10, $0x1;
	s10 =	sld [smem:$0x3FBB];
	_ =	sdelay $0x3  }
0x37: {  	[smem:$0x3FBB] =	sst s10  }
0x38: {  	s10 =	sld [smem:$0x3FBC]  }
0x39: {  	_ = 	snop;
	(pc) =	sbr.ind lr, $3  }
0x3a: {  	_ = 	snop  }
0x3b: {  	_ = 	snop  }
0x3c: {  	p2 =	seq.s32 s10, $0x1;
	s10 =	sld [smem:$0x3FBB]  }
0x3d: {  	_ =	shalt  }
0x3e: {  	_ =	shalt  }
0x3f: {  	_ =	shalt  }
0x40: {  	_ =	shalt  }
0x41: {  	_ =	shalt  }
0x42: {  	_ =	shalt  }
0x43: {  	_ =	shalt  }
0x44: {  	_ =	shalt  }
0x45: {  	_ =	shalt  }
0x46: {  	_ =	shalt  }
0x47: {  	_ =	shalt  }
0x48: {  	_ =	shalt  }
0x49: {  	_ =	shalt  }
0x4a: {  	_ =	shalt  }
0x4b: {  	_ =	shalt  }
0x4c: {  	_ =	shalt  }
0x4d: {  	_ =	shalt  }
0x4e: {  	_ =	shalt  }
0x4f: {  	_ =	shalt  }
0x50: {  	_ =	shalt  }
0x51: {  	_ =	shalt  }
0x52: {  	_ =	shalt  }
0x53: {  	_ =	shalt  }
0x54: {  	_ =	shalt  }
0x55: {  	_ =	shalt  }
0x56: {  	_ =	shalt  }
0x57: {  	_ =	shalt  }
0x58: {  	_ =	shalt  }
0x59: {  	_ =	shalt  }
0x5a: {  	_ =	shalt  }
0x5b: {  	_ =	shalt  }
0x5c: {  	_ =	shalt  }
0x5d: {  	_ =	shalt  }
0x5e: {  	_ =	shalt  }
0x5f: {  	_ =	shalt  }
0x60: {  	_ =	shalt  }
0x61: {  	_ =	shalt  }
0x62: {  	_ =	shalt  }
0x63: {  	_ =	shalt  }
0x64: {  	_ =	shalt  }
0x65: {  	_ =	shalt  }
0x66: {  	_ =	shalt  }
0x67: {  	_ =	shalt  }
0x68: {  	_ =	shalt  }
0x69: {  	_ =	shalt  }
0x6a: {  	_ =	shalt  }
0x6b: {  	_ =	shalt  }
0x6c: {  	_ =	shalt  }
0x6d: {  	_ =	shalt  }
0x6e: {  	_ =	shalt  }
0x6f: {  	_ =	shalt  }
0x70: {  	_ =	shalt  }
0x71: {  	_ =	shalt  }
0x72: {  	_ =	shalt  }
0x73: {  	_ =	shalt  }
0x74: {  	_ =	shalt  }
0x75: {  	_ =	shalt  }
0x76: {  	_ =	shalt  }
0x77: {  	_ =	shalt  }
0x78: {  	_ =	shalt  }
0x79: {  	_ =	shalt  }
0x7a: {  	_ =	shalt  }
0x7b: {  	_ =	shalt  }
0x7c: {  	_ =	shalt  }
0x7d: {  	_ =	shalt  }
0x7e: {  	_ =	shalt  }
0x7f: {  	_ =	shalt  }
0x80: {  	_ =	shalt  }
0x81: {  	_ =	shalt  }
0x82: {  	_ =	shalt  }
0x83: {  	_ =	shalt  }
0x84: {  	_ =	shalt  }
0x85: {  	_ =	shalt  }
0x86: {  	_ =	shalt  }
0x87: {  	_ =	shalt  }
.Lfunc_end0:
.L_simem_size_0:
called_computation_lowered:
.L_overlay_start_0:
0x88: {  	s2 =	sld [smem:$0x3FD9]  }
0x89: {  	s3 =	sld [smem:$0x3FFE];
	_ =	sdelay $0x1  }
0x8a: {  	s1 =	srdreg.scid  }
0x8b: {  	s0 =	sand.u32 $0x1, s1  }
0x8c: {  	s18 =	sshll.u32 s0, $0xA;
	s2 =	sadd.s32 s3, s2  }
0x8d: {  	s2 =	sadd.s32 s2, s18  }
0x8e: {  	[smem:$0x3FC7] =	sst s2  }
0x8f: {  	_ = 	snop  }
0x90: {  	s2 =	sld [smem:$0x3FC9]  }
0x91: {  	s19 =	sld [smem:$0x3FD0];
	(tm) =	ssettm $0x1  }
0x92: {  	s4 =	sld [smem:$0x3FFB];
	_ =	sdelay $0x3  }
0x93: {  	_ =	strace s4  }
0x94: {  	s4 =	sld [smem:$0x3FFC];
	_ =	sdelay $0x3  }
0x95: {  	_ =	strace s4  }
0x96: {  	s4 =	sld [smem:$0x3FFD];
	_ =	sdelay $0x3  }
0x97: {  	_ =	strace s4  }
0x98: {  	_ =	strace $0x8FFFFFFF  }
0x99: {  	s20 =	sld [smem:$0x3FDB];
	_ =	sdelay $0x1  }
0x9a: {  	s5 =	simm.s32 $_scs_section_size  }
0x9b: {  	s6 =	simm.s32 $_size__tile_overlayer_lowered;
	s7 =	simm.s32 $_tile_overlayer_lowered  }
0x9c: {  	s23 =	simm.s32 $0x1BFF;
	s22 =	sshll.u32 s7, $0x1;
	s4 =	sadd.s32 s5, s20  }
0x9d: {  	s8 =	simm.s32 $0x0;
	s21 =	sshll.u32 s6, $0x1;
	s6 =	sadd.s32 s22, s4  }
0x9e: {  	[timem:s8], [sflag:s23] =	dma.local [hbm:s6], s21  }
0x9f: {  	_ =	swait.ge [sflag:s23], s21  }
0xa0: {  	s5 =	ssub.s32 $0x0, s21;
	[sflag:s23] =	ssyncset.done $0x0  }
0xa1: {  	[sflag:s23] =	ssyncadd.s32 s5;
	_ =	sdelay $0x1  }
0xa2: {  	s24 =	simm.s32 $0x1B8B  }
0xa3: {  	_ =	swait.ge [sflag:s24], $0x1  }
0xa4: {  	[sflag:s24] =	ssyncset.done $0x0  }
0xa5: {  	s25 =	simm.s32 $0x1B8E;
	[sflag:s24] =	ssyncadd.s32 $0xFFFFFFFF  }
0xa6: {  	s26 =	simm.s32 $execute0_lowered;
	[smem:$0x3FD2] =	sst s25  }
0xa7: {  	s5 =	sshll.u32 s26, $0x1;
	_ =	strace $0x80000046;
	[dreg:$0x1] =	wrdreg $0xFFFFFFFF  }
0xa8: {  	s28 =	simm.s32 $_size_execute0_lowered;
	s4 =	sadd.s32 s4, s5;
	[dreg:$0x0] =	wrdreg $0x0  }
0xa9: {  	s5 =	sshll.u32 s28, $0x1;
	[dreg:$0x2] =	wrdreg s4  }
0xaa: {  	[dreg:$0x3] =	wrdreg s5  }
0xab: {  	[dreg:$0x4] =	wrdreg $0xC0  }
0xac: {  	_ =	task [dreg:s8], $0x5FFFF  }
0xad: {  	[dreg:$0x1] =	wrdreg $0xFFFFFFFF  }
0xae: {  	[dreg:$0x0] =	wrdreg $0x60  }
0xaf: {  	[dreg:$0x2] =	wrdreg s2  }
0xb0: {  	[dreg:$0x3] =	wrdreg s19  }
0xb1: {  	[dreg:$0x4] =	wrdreg $0x9  }
0xb2: {  	_ =	task.clear_ibuf [dreg:s8], $0x5FFFF;
	_ =	strace $0x90000046  }
0xb3: {  	s29 =	simm.s32 $0x9;
	_ =	strace $0x80000048  }
0xb4: {  	_ =	swait.ge [sflag:s29], $0x1  }
0xb5: {  	[sflag:s29] =	ssyncadd.s32 $0xFFFFFFFF  }
0xb6: {  	_ =	strace $0x90000048  }
0xb7: {  	_ =	sfence  }
0xb8: {  	s30 =	sld [smem:$0x0];
	_ =	sdelay $0x2  }
0xb9: {  	s31 =	sshll.u32 s1, $0xD;
	s1 =	sshrl.u32 s1, $0x2  }
0xba: {  	s3 =	sand.u32 $0x4000, s31;
	s1 =	sadd.s32 s1, s30  }
0xbb: {  	s0 =	sor.u32 s3, s0;
	s1 =	sshll.u32 s1, $0x11  }
0xbc: {  	s0 =	sor.u32 s1, s0  }
0xbd: {  	s0 =	sadd.s32 $0x8F2B, s0  }
0xbe: {  	[sflag:s0] =	ssyncadd.remote.s32 $0x1  }
0xbf: {  	_ =	sfence.sel $0xFFFF  }
0xc0: {  	[dreg:$0x0] =	wrdreg $0xFFFFFFFF;
	(pc) =	sbr.abs _section_cstart, $3  }
0xc1: {  	[dreg:$0x1] =	wrdreg $0xFFFFFFFF  }
0xc2: {  	_ =	task.clear_ibuf [dreg:s8], $0x2FFFF;
	_ =	strace $0x9FFFFFFF  }
0xc3: {  	(tm) =	ssettm $0x7FFFFFFF  }
tec
execute0_lowered:
.L_overlay_start_1:
0x0: {  	(tag) =	ssettag $0x1  }
0x1: {  	s5 =	rddreg [dreg:$0x0]  }
0x2: {  	s2 =	rddreg [dreg:$0x1];
	s3 =	simm.s32 $0x0  }
0x3: {  	s17 =	simm.s32 $0x1000;
	[smem:$0x7FF] =	sst s3  }
0x4: {  	s18 =	simm.s32 $0x1080;
	_ =	strace $0x80000047;
	[dreg:$0x4] =	wrdreg s17  }
0x5: {  	s19 =	simm.s32 $0x100;
	[dreg:$0x5] =	wrdreg s18  }
0x6: {  	s20 =	simm.s32 $0x1100;
	[dreg:$0x6] =	wrdreg s19  }
0x7: {  	s21 =	simm.s32 $0x180;
	[dreg:$0x7] =	wrdreg s20  }
0x8: {  	s22 =	simm.s32 $0x1180;
	[dreg:$0x8] =	wrdreg s21  }
0x9: {  	s23 =	simm.s32 $0x200;
	[dreg:$0x9] =	wrdreg s22  }
0xa: {  	s24 =	simm.s32 $0x1200;
	[dreg:$0xa] =	wrdreg s23  }
0xb: {  	s25 =	simm.s32 $0x280;
	[dreg:$0xb] =	wrdreg s24  }
0xc: {  	s0 =	stileid.u32;
	s26 =	simm.s32 $0x1280;
	[dreg:$0xc] =	wrdreg s25  }
0xd: {  	s16 =	sshll.u32 s0, $0x6;
	s0 =	simm.s32 $0x300;
	[dreg:$0xd] =	wrdreg s26  }
0xe: {  	s7 =	simm.s32 $0x380;
	[dreg:$0xe] =	wrdreg s0  }
0xf: {  	s8 =	simm.s32 $0x1380;
	[dreg:$0x10] =	wrdreg s7  }
0x10: {  	s9 =	simm.s32 $0x400;
	[dreg:$0x11] =	wrdreg s8  }
0x11: {  	s10 =	simm.s32 $0x1400;
	[dreg:$0x12] =	wrdreg s9  }
0x12: {  	s11 =	simm.s32 $0x480;
	[dreg:$0x13] =	wrdreg s10  }
0x13: {  	s12 =	simm.s32 $0x1480;
	[dreg:$0x14] =	wrdreg s11  }
0x14: {  	s13 =	simm.s32 $0x500;
	[dreg:$0x15] =	wrdreg s12  }
0x15: {  	s14 =	simm.s32 $0x1500;
	[dreg:$0x16] =	wrdreg s13  }
0x16: {  	s1 =	srdreg.scid;
	s15 =	simm.s32 $0x580;
	[dreg:$0x17] =	wrdreg s14  }
0x17: {  	s28 =	simm.s32 $0xF00;
	[dreg:$0x18] =	wrdreg s15;
	s17 =	simm.s32 $0x600  }
0x18: {  	s29 =	simm.s32 $0x1F00;
	s18 =	simm.s32 $0x1600;
	[dreg:$0x1a] =	wrdreg s17  }
0x19: {  	s4 =	sand.u32 $0x1, s1;
	s19 =	simm.s32 $0x680;
	[dreg:$0x1b] =	wrdreg s18  }
0x1a: {  	s6 =	sshll.u32 s4, $0x5;
	s20 =	simm.s32 $0x1680;
	[dreg:$0x1c] =	wrdreg s19  }
0x1b: {  	s21 =	simm.s32 $0x700;
	s22 =	simm.s32 $0x1700;
	[dreg:$0x1d] =	wrdreg s20  }
0x1c: {  	s23 =	simm.s32 $0x780;
	s4 =	ssub.s32 $0x2, s4;
	[dreg:$0x1e] =	wrdreg s21  }
0x1d: {  	s24 =	simm.s32 $0x1780;
	s26 =	simm.s32 $0x800;
	[dreg:$0x1f] =	wrdreg s22  }
0x1e: {  	s0 =	simm.s32 $0x1800;
	s7 =	simm.s32 $0x1880;
	[smem:$0x7F4] =	sst s23  }
0x1f: {  	s8 =	simm.s32 $0x900;
	s10 =	simm.s32 $0x1A80;
	[smem:$0x7F5] =	sst s24  }
0x20: {  	s11 =	simm.s32 $0xB00;
	s12 =	simm.s32 $0x1B00;
	[smem:$0x7F6] =	sst s26  }
0x21: {  	s13 =	simm.s32 $0xB80;
	s14 =	simm.s32 $0x1B80;
	[smem:$0x7F7] =	sst s0  }
0x22: {  	s15 =	simm.s32 $0xC00;
	s1 =	sor.u32 s6, s16;
	[smem:$0x7F9] =	sst s7  }
0x23: {  	s16 =	simm.s32 $0x1580;
	s25 =	sshrl.u32 s4, $0x1;
	[smem:$0x7FA] =	sst s8  }
0x24: {  	s26 =	simm.s32 $0x980;
	s7 =	simm.s32 $0x1980;
	s17 =	simm.s32 $0xC80  }
0x25: {  	s18 =	simm.s32 $0x1C80;
	s19 =	simm.s32 $0xD00;
	s20 =	simm.s32 $0x1D00  }
0x26: {  	s21 =	simm.s32 $0xD80;
	s22 =	simm.s32 $0x1D80;
	s23 =	simm.s32 $0xE00  }
0x27: {  	s24 =	simm.s32 $0x1E00;
	s6 =	sshll.u32 s1, $0x4;
	[dreg:$0x19] =	wrdreg s16  }
0x28: {  	s4 =	ssub.s32 s4, s25;
	s1 =	sshrl.u32 s1, $0x3;
	[smem:$0x7FC] =	sst s26  }
0x29: {  	s25 =	simm.s32 $0x1900;
	[smem:$0x7FD] =	sst s7;
	s16 =	simm.s32 $0x1C00  }
0x2a: {  	s26 =	simm.s32 $0x1E80;
	s5 =	sadd.s32 s5, s6;
	s6 =	simm.s32 $0x1300  }
0x2b: {  	s30 =	sor.u32 $0x1, s1;
	s31 =	sor.u32 $0x2, s1;
	[smem:$0x7FB] =	sst s25  }
0x2c: {  	s9 =	sor.u32 $0x3, s1;
	s4 =	smax.u32 s4, $0x1;
	[dreg:$0x3] =	wrdreg s5  }
0x2d: {  	s25 =	simm.s32 $0xE80;
	v0 =	vmov s1;
	s1 =	simm.s32 $0x1;
	[dreg:$0xf] =	wrdreg s6  }
0x2e: {  	s6 =	simm.s32 $0x880;
	s5 =	simm.s32 $0x2;
	v1 =	vmov s30;
	s30 =	simm.s32 $0xF80  }
0x2f: {  	v2 =	vmov s31;
	v3 =	vmov s9;
	s31 =	simm.s32 $0x1F80;
	[smem:$0x7F8] =	sst s6;
	s6 =	simm.s32 $0x80  }
.LBB2_1:
0x30: {  	s0 =	rddreg [dreg:$0x3]  }
0x31: {  	[tilespmem:s3], [sflag:$0x2] =	stream.linear.gather [hbm4b:s0+s3], $0x1000, $0x38;
	[tilespmem:$0x2000] =	vst v63  }
0x32: {  	_ =	swait.ge [sflag:s5], $0x1000  }
0x33: {  	[sflag:s5] =	ssyncset.done $0x0  }
0x34: {  	[sflag:s5] =	ssyncadd.s32 $0xFFFFF000  }
0x35: {  	[tilespmem:$0x1000] =	vst v0  }
0x36: {  	[tilespmem:$0x1010] =	vst v0  }
0x37: {  	[tilespmem:$0x1020] =	vst v0  }
0x38: {  	[tilespmem:$0x1030] =	vst v0  }
0x39: {  	[tilespmem:$0x1040] =	vst v0  }
0x3a: {  	[tilespmem:$0x1050] =	vst v0  }
0x3b: {  	[tilespmem:$0x1060] =	vst v0  }
0x3c: {  	[tilespmem:$0x1070] =	vst v0  }
0x3d: {  	[tilespmem:$0x1080] =	vst v0  }
0x3e: {  	[tilespmem:$0x1090] =	vst v0  }
0x3f: {  	[tilespmem:$0x10A0] =	vst v0  }
0x40: {  	[tilespmem:$0x10B0] =	vst v0  }
0x41: {  	[tilespmem:$0x10C0] =	vst v0  }
0x42: {  	[tilespmem:$0x10D0] =	vst v0  }
0x43: {  	[tilespmem:$0x10E0] =	vst v0  }
0x44: {  	[tilespmem:$0x10F0] =	vst v0  }
0x45: {  	[tilespmem:$0x1100] =	vst v0  }
0x46: {  	[tilespmem:$0x1110] =	vst v0  }
0x47: {  	[tilespmem:$0x1120] =	vst v0  }
0x48: {  	[tilespmem:$0x1130] =	vst v0  }
0x49: {  	[tilespmem:$0x1140] =	vst v0  }
0x4a: {  	[tilespmem:$0x1150] =	vst v0  }
0x4b: {  	[tilespmem:$0x1160] =	vst v0  }
0x4c: {  	[tilespmem:$0x1170] =	vst v0  }
0x4d: {  	[tilespmem:$0x1180] =	vst v0  }
0x4e: {  	[tilespmem:$0x1190] =	vst v0  }
0x4f: {  	[tilespmem:$0x11A0] =	vst v0  }
0x50: {  	[tilespmem:$0x11B0] =	vst v0  }
0x51: {  	[tilespmem:$0x11C0] =	vst v0  }
0x52: {  	[tilespmem:$0x11D0] =	vst v0  }
0x53: {  	[tilespmem:$0x11E0] =	vst v0  }
0x54: {  	[tilespmem:$0x11F0] =	vst v0  }
0x55: {  	[tilespmem:$0x1200] =	vst v0  }
0x56: {  	[tilespmem:$0x1210] =	vst v0  }
0x57: {  	[tilespmem:$0x1220] =	vst v0  }
0x58: {  	[tilespmem:$0x1230] =	vst v0  }
0x59: {  	[tilespmem:$0x1240] =	vst v0  }
0x5a: {  	[tilespmem:$0x1250] =	vst v0  }
0x5b: {  	[tilespmem:$0x1260] =	vst v0  }
0x5c: {  	[tilespmem:$0x1270] =	vst v0  }
0x5d: {  	[tilespmem:$0x1280] =	vst v0  }
0x5e: {  	[tilespmem:$0x1290] =	vst v0  }
0x5f: {  	[tilespmem:$0x12A0] =	vst v0  }
0x60: {  	[tilespmem:$0x12B0] =	vst v0  }
0x61: {  	[tilespmem:$0x12C0] =	vst v0  }
0x62: {  	[tilespmem:$0x12D0] =	vst v0  }
0x63: {  	[tilespmem:$0x12E0] =	vst v0  }
0x64: {  	[tilespmem:$0x12F0] =	vst v0  }
0x65: {  	[tilespmem:$0x1300] =	vst v0  }
0x66: {  	[tilespmem:$0x1310] =	vst v0  }
0x67: {  	[tilespmem:$0x1320] =	vst v0  }
0x68: {  	[tilespmem:$0x1330] =	vst v0  }
0x69: {  	[tilespmem:$0x1340] =	vst v0  }
0x6a: {  	[tilespmem:$0x1350] =	vst v0  }
0x6b: {  	[tilespmem:$0x1360] =	vst v0  }
0x6c: {  	[tilespmem:$0x1370] =	vst v0  }
0x6d: {  	[tilespmem:$0x1380] =	vst v0  }
0x6e: {  	[tilespmem:$0x1390] =	vst v0  }
0x6f: {  	[tilespmem:$0x13A0] =	vst v0  }
0x70: {  	[tilespmem:$0x13B0] =	vst v0  }
0x71: {  	[tilespmem:$0x13C0] =	vst v0  }
0x72: {  	[tilespmem:$0x13D0] =	vst v0  }
0x73: {  	[tilespmem:$0x13E0] =	vst v0  }
0x74: {  	[tilespmem:$0x13F0] =	vst v0  }
0x75: {  	[tilespmem:$0x1400] =	vst v1  }
0x76: {  	[tilespmem:$0x1410] =	vst v1  }
0x77: {  	[tilespmem:$0x1420] =	vst v1  }
0x78: {  	[tilespmem:$0x1430] =	vst v1  }
0x79: {  	[tilespmem:$0x1440] =	vst v1  }
0x7a: {  	[tilespmem:$0x1450] =	vst v1  }
0x7b: {  	[tilespmem:$0x1460] =	vst v1  }
0x7c: {  	[tilespmem:$0x1470] =	vst v1  }
0x7d: {  	[tilespmem:$0x1480] =	vst v1  }
0x7e: {  	[tilespmem:$0x1490] =	vst v1  }
0x7f: {  	[tilespmem:$0x14A0] =	vst v1  }
0x80: {  	[tilespmem:$0x14B0] =	vst v1  }
0x81: {  	[tilespmem:$0x14C0] =	vst v1  }
0x82: {  	[tilespmem:$0x14D0] =	vst v1  }
0x83: {  	[tilespmem:$0x14E0] =	vst v1  }
0x84: {  	[tilespmem:$0x14F0] =	vst v1  }
0x85: {  	[tilespmem:$0x1500] =	vst v1  }
0x86: {  	[tilespmem:$0x1510] =	vst v1  }
0x87: {  	[tilespmem:$0x1520] =	vst v1  }
0x88: {  	[tilespmem:$0x1530] =	vst v1  }
0x89: {  	[tilespmem:$0x1540] =	vst v1  }
0x8a: {  	[tilespmem:$0x1550] =	vst v1  }
0x8b: {  	[tilespmem:$0x1560] =	vst v1  }
0x8c: {  	[tilespmem:$0x1570] =	vst v1  }
0x8d: {  	[tilespmem:$0x1580] =	vst v1  }
0x8e: {  	[tilespmem:$0x1590] =	vst v1  }
0x8f: {  	[tilespmem:$0x15A0] =	vst v1  }
0x90: {  	[tilespmem:$0x15B0] =	vst v1  }
0x91: {  	[tilespmem:$0x15C0] =	vst v1  }
0x92: {  	[tilespmem:$0x15D0] =	vst v1  }
0x93: {  	[tilespmem:$0x15E0] =	vst v1  }
0x94: {  	[tilespmem:$0x15F0] =	vst v1  }
0x95: {  	[tilespmem:$0x1600] =	vst v1  }
0x96: {  	[tilespmem:$0x1610] =	vst v1  }
0x97: {  	[tilespmem:$0x1620] =	vst v1  }
0x98: {  	[tilespmem:$0x1630] =	vst v1  }
0x99: {  	[tilespmem:$0x1640] =	vst v1  }
0x9a: {  	[tilespmem:$0x1650] =	vst v1  }
0x9b: {  	[tilespmem:$0x1660] =	vst v1  }
0x9c: {  	[tilespmem:$0x1670] =	vst v1  }
0x9d: {  	[tilespmem:$0x1680] =	vst v1  }
0x9e: {  	[tilespmem:$0x1690] =	vst v1  }
0x9f: {  	[tilespmem:$0x16A0] =	vst v1  }
0xa0: {  	[tilespmem:$0x16B0] =	vst v1  }
0xa1: {  	[tilespmem:$0x16C0] =	vst v1  }
0xa2: {  	[tilespmem:$0x16D0] =	vst v1  }
0xa3: {  	[tilespmem:$0x16E0] =	vst v1  }
0xa4: {  	[tilespmem:$0x16F0] =	vst v1  }
0xa5: {  	[tilespmem:$0x1700] =	vst v1  }
0xa6: {  	[tilespmem:$0x1710] =	vst v1  }
0xa7: {  	[tilespmem:$0x1720] =	vst v1  }
0xa8: {  	[tilespmem:$0x1730] =	vst v1  }
0xa9: {  	[tilespmem:$0x1740] =	vst v1  }
0xaa: {  	[tilespmem:$0x1750] =	vst v1  }
0xab: {  	[tilespmem:$0x1760] =	vst v1  }
0xac: {  	[tilespmem:$0x1770] =	vst v1  }
0xad: {  	[tilespmem:$0x1780] =	vst v1  }
0xae: {  	[tilespmem:$0x1790] =	vst v1  }
0xaf: {  	[tilespmem:$0x17A0] =	vst v1  }
0xb0: {  	[tilespmem:$0x17B0] =	vst v1  }
0xb1: {  	[tilespmem:$0x17C0] =	vst v1  }
0xb2: {  	[tilespmem:$0x17D0] =	vst v1  }
0xb3: {  	[tilespmem:$0x17E0] =	vst v1  }
0xb4: {  	[tilespmem:$0x17F0] =	vst v1  }
0xb5: {  	[tilespmem:$0x1800] =	vst v2  }
0xb6: {  	[tilespmem:$0x1810] =	vst v2  }
0xb7: {  	[tilespmem:$0x1820] =	vst v2  }
0xb8: {  	[tilespmem:$0x1830] =	vst v2  }
0xb9: {  	[tilespmem:$0x1840] =	vst v2  }
0xba: {  	[tilespmem:$0x1850] =	vst v2  }
0xbb: {  	[tilespmem:$0x1860] =	vst v2  }
0xbc: {  	[tilespmem:$0x1870] =	vst v2  }
0xbd: {  	[tilespmem:$0x1880] =	vst v2  }
0xbe: {  	[tilespmem:$0x1890] =	vst v2  }
0xbf: {  	[tilespmem:$0x18A0] =	vst v2  }
0xc0: {  	[tilespmem:$0x18B0] =	vst v2  }
0xc1: {  	[tilespmem:$0x18C0] =	vst v2  }
0xc2: {  	[tilespmem:$0x18D0] =	vst v2  }
0xc3: {  	[tilespmem:$0x18E0] =	vst v2  }
0xc4: {  	[tilespmem:$0x18F0] =	vst v2  }
0xc5: {  	[tilespmem:$0x1900] =	vst v2  }
0xc6: {  	[tilespmem:$0x1910] =	vst v2  }
0xc7: {  	[tilespmem:$0x1920] =	vst v2  }
0xc8: {  	[tilespmem:$0x1930] =	vst v2  }
0xc9: {  	[tilespmem:$0x1940] =	vst v2  }
0xca: {  	[tilespmem:$0x1950] =	vst v2  }
0xcb: {  	[tilespmem:$0x1960] =	vst v2  }
0xcc: {  	[tilespmem:$0x1970] =	vst v2  }
0xcd: {  	[tilespmem:$0x1980] =	vst v2  }
0xce: {  	[tilespmem:$0x1990] =	vst v2  }
0xcf: {  	[tilespmem:$0x19A0] =	vst v2  }
0xd0: {  	[tilespmem:$0x19B0] =	vst v2  }
0xd1: {  	[tilespmem:$0x19C0] =	vst v2  }
0xd2: {  	[tilespmem:$0x19D0] =	vst v2  }
0xd3: {  	[tilespmem:$0x19E0] =	vst v2  }
0xd4: {  	[tilespmem:$0x19F0] =	vst v2  }
0xd5: {  	[tilespmem:$0x1A00] =	vst v2  }
0xd6: {  	[tilespmem:$0x1A10] =	vst v2  }
0xd7: {  	[tilespmem:$0x1A20] =	vst v2  }
0xd8: {  	[tilespmem:$0x1A30] =	vst v2  }
0xd9: {  	[tilespmem:$0x1A40] =	vst v2  }
0xda: {  	[tilespmem:$0x1A50] =	vst v2  }
0xdb: {  	[tilespmem:$0x1A60] =	vst v2  }
0xdc: {  	[tilespmem:$0x1A70] =	vst v2  }
0xdd: {  	[tilespmem:$0x1A80] =	vst v2  }
0xde: {  	[tilespmem:$0x1A90] =	vst v2  }
0xdf: {  	[tilespmem:$0x1AA0] =	vst v2  }
0xe0: {  	[tilespmem:$0x1AB0] =	vst v2  }
0xe1: {  	[tilespmem:$0x1AC0] =	vst v2  }
0xe2: {  	[tilespmem:$0x1AD0] =	vst v2  }
0xe3: {  	[tilespmem:$0x1AE0] =	vst v2  }
0xe4: {  	[tilespmem:$0x1AF0] =	vst v2  }
0xe5: {  	[tilespmem:$0x1B00] =	vst v2  }
0xe6: {  	[tilespmem:$0x1B10] =	vst v2  }
0xe7: {  	[tilespmem:$0x1B20] =	vst v2  }
0xe8: {  	[tilespmem:$0x1B30] =	vst v2  }
0xe9: {  	[tilespmem:$0x1B40] =	vst v2  }
0xea: {  	[tilespmem:$0x1B50] =	vst v2  }
0xeb: {  	[tilespmem:$0x1B60] =	vst v2  }
0xec: {  	[tilespmem:$0x1B70] =	vst v2  }
0xed: {  	[tilespmem:$0x1B80] =	vst v2  }
0xee: {  	[tilespmem:$0x1B90] =	vst v2  }
0xef: {  	[tilespmem:$0x1BA0] =	vst v2  }
0xf0: {  	[tilespmem:$0x1BB0] =	vst v2  }
0xf1: {  	[tilespmem:$0x1BC0] =	vst v2  }
0xf2: {  	[tilespmem:$0x1BD0] =	vst v2  }
0xf3: {  	[tilespmem:$0x1BE0] =	vst v2  }
0xf4: {  	[tilespmem:$0x1BF0] =	vst v2  }
0xf5: {  	[tilespmem:$0x1C00] =	vst v3  }
0xf6: {  	[tilespmem:$0x1C10] =	vst v3  }
0xf7: {  	[tilespmem:$0x1C20] =	vst v3  }
0xf8: {  	[tilespmem:$0x1C30] =	vst v3  }
0xf9: {  	[tilespmem:$0x1C40] =	vst v3  }
0xfa: {  	[tilespmem:$0x1C50] =	vst v3  }
0xfb: {  	[tilespmem:$0x1C60] =	vst v3  }
0xfc: {  	[tilespmem:$0x1C70] =	vst v3  }
0xfd: {  	[tilespmem:$0x1C80] =	vst v3  }
0xfe: {  	[tilespmem:$0x1C90] =	vst v3  }
0xff: {  	[tilespmem:$0x1CA0] =	vst v3  }
0x100: {  	[tilespmem:$0x1CB0] =	vst v3  }
0x101: {  	[tilespmem:$0x1CC0] =	vst v3  }
0x102: {  	[tilespmem:$0x1CD0] =	vst v3  }
0x103: {  	[tilespmem:$0x1CE0] =	vst v3  }
0x104: {  	[tilespmem:$0x1CF0] =	vst v3  }
0x105: {  	[tilespmem:$0x1D00] =	vst v3  }
0x106: {  	[tilespmem:$0x1D10] =	vst v3  }
0x107: {  	[tilespmem:$0x1D20] =	vst v3  }
0x108: {  	[tilespmem:$0x1D30] =	vst v3  }
0x109: {  	[tilespmem:$0x1D40] =	vst v3  }
0x10a: {  	[tilespmem:$0x1D50] =	vst v3  }
0x10b: {  	[tilespmem:$0x1D60] =	vst v3  }
0x10c: {  	[tilespmem:$0x1D70] =	vst v3  }
0x10d: {  	[tilespmem:$0x1D80] =	vst v3  }
0x10e: {  	[tilespmem:$0x1D90] =	vst v3  }
0x10f: {  	[tilespmem:$0x1DA0] =	vst v3  }
0x110: {  	[tilespmem:$0x1DB0] =	vst v3  }
0x111: {  	[tilespmem:$0x1DC0] =	vst v3  }
0x112: {  	[tilespmem:$0x1DD0] =	vst v3  }
0x113: {  	[tilespmem:$0x1DE0] =	vst v3  }
0x114: {  	[tilespmem:$0x1DF0] =	vst v3  }
0x115: {  	[tilespmem:$0x1E00] =	vst v3  }
0x116: {  	[tilespmem:$0x1E10] =	vst v3  }
0x117: {  	[tilespmem:$0x1E20] =	vst v3  }
0x118: {  	[tilespmem:$0x1E30] =	vst v3  }
0x119: {  	[tilespmem:$0x1E40] =	vst v3  }
0x11a: {  	[tilespmem:$0x1E50] =	vst v3  }
0x11b: {  	[tilespmem:$0x1E60] =	vst v3  }
0x11c: {  	[tilespmem:$0x1E70] =	vst v3  }
0x11d: {  	[tilespmem:$0x1E80] =	vst v3  }
0x11e: {  	[tilespmem:$0x1E90] =	vst v3  }
0x11f: {  	[tilespmem:$0x1EA0] =	vst v3  }
0x120: {  	[tilespmem:$0x1EB0] =	vst v3  }
0x121: {  	[tilespmem:$0x1EC0] =	vst v3  }
0x122: {  	[tilespmem:$0x1ED0] =	vst v3  }
0x123: {  	[tilespmem:$0x1EE0] =	vst v3  }
0x124: {  	[tilespmem:$0x1EF0] =	vst v3  }
0x125: {  	[tilespmem:$0x1F00] =	vst v3  }
0x126: {  	[tilespmem:$0x1F10] =	vst v3  }
0x127: {  	[tilespmem:$0x1F20] =	vst v3  }
0x128: {  	[tilespmem:$0x1F30] =	vst v3  }
0x129: {  	[tilespmem:$0x1F40] =	vst v3  }
0x12a: {  	[tilespmem:$0x1F50] =	vst v3  }
0x12b: {  	[tilespmem:$0x1F60] =	vst v3  }
0x12c: {  	[tilespmem:$0x1F70] =	vst v3  }
0x12d: {  	[tilespmem:$0x1F80] =	vst v3  }
0x12e: {  	[tilespmem:$0x1F90] =	vst v3  }
0x12f: {  	[tilespmem:$0x1FA0] =	vst v3  }
0x130: {  	[tilespmem:$0x1FB0] =	vst v3  }
0x131: {  	s9 =	rddreg [dreg:$0x4];
	[tilespmem:$0x1FD0] =	vst v3  }
0x132: {  	s7 =	rddreg [dreg:$0x5];
	[tilespmem:$0x1FE0] =	vst v3  }
0x133: {  	s0 =	rddreg [dreg:$0x6];
	[tilespmem:$0x1FC0] =	vst v3  }
0x134: {  	s8 =	rddreg [dreg:$0x8];
	[tilespmem:$0x1FF0] =	vst v3  }
0x135: {  	[hbm4b:s2+s6] =	stream.indirect.scatter [tilespmem:s9], [sflag:$0x1], $0x1, s3, s6, $0xb8;
	[tilespmem:$0x2000] =	vst v63  }
0x136: {  	s9 =	rddreg [dreg:$0x9]  }
0x137: {  	[hbm4b:s2+s6] =	stream.indirect.scatter [tilespmem:s7], [sflag:$0x1], $0x1, s6, s6, $0xb8;
	[tilespmem:$0x2000] =	vst v63  }
0x138: {  	s7 =	rddreg [dreg:$0x7]  }
0x139: {  	[hbm4b:s2+s6] =	stream.indirect.scatter [tilespmem:s7], [sflag:$0x1], $0x1, s0, s6, $0xb8;
	[tilespmem:$0x2000] =	vst v63  }
0x13a: {  	s0 =	rddreg [dreg:$0xa]  }
0x13b: {  	s7 =	rddreg [dreg:$0xb]  }
0x13c: {  	[hbm4b:s2+s6] =	stream.indirect.scatter [tilespmem:s9], [sflag:$0x1], $0x1, s8, s6, $0xb8;
	[tilespmem:$0x2000] =	vst v63  }
0x13d: {  	s8 =	rddreg [dreg:$0xc]  }
0x13e: {  	s9 =	rddreg [dreg:$0xd]  }
0x13f: {  	[hbm4b:s2+s6] =	stream.indirect.scatter [tilespmem:s7], [sflag:$0x1], $0x1, s0, s6, $0xb8;
	[tilespmem:$0x2000] =	vst v63  }
0x140: {  	s0 =	rddreg [dreg:$0xe]  }
0x141: {  	s7 =	rddreg [dreg:$0xf]  }
0x142: {  	[hbm4b:s2+s6] =	stream.indirect.scatter [tilespmem:s9], [sflag:$0x1], $0x1, s8, s6, $0xb8;
	[tilespmem:$0x2000] =	vst v63  }
0x143: {  	s8 =	rddreg [dreg:$0x10]  }
0x144: {  	s9 =	rddreg [dreg:$0x11]  }
0x145: {  	[hbm4b:s2+s6] =	stream.indirect.scatter [tilespmem:s7], [sflag:$0x1], $0x1, s0, s6, $0xb8;
	[tilespmem:$0x2000] =	vst v63  }
0x146: {  	s0 =	rddreg [dreg:$0x12]  }
0x147: {  	s7 =	rddreg [dreg:$0x13]  }
0x148: {  	[hbm4b:s2+s6] =	stream.indirect.scatter [tilespmem:s9], [sflag:$0x1], $0x1, s8, s6, $0xb8;
	[tilespmem:$0x2000] =	vst v63  }
0x149: {  	s8 =	rddreg [dreg:$0x14]  }
0x14a: {  	s9 =	rddreg [dreg:$0x15]  }
0x14b: {  	[hbm4b:s2+s6] =	stream.indirect.scatter [tilespmem:s7], [sflag:$0x1], $0x1, s0, s6, $0xb8;
	[tilespmem:$0x2000] =	vst v63  }
0x14c: {  	s0 =	rddreg [dreg:$0x16]  }
0x14d: {  	s7 =	rddreg [dreg:$0x17]  }
0x14e: {  	[hbm4b:s2+s6] =	stream.indirect.scatter [tilespmem:s9], [sflag:$0x1], $0x1, s8, s6, $0xb8;
	[tilespmem:$0x2000] =	vst v63  }
0x14f: {  	s8 =	rddreg [dreg:$0x18]  }
0x150: {  	s9 =	rddreg [dreg:$0x19]  }
0x151: {  	[hbm4b:s2+s6] =	stream.indirect.scatter [tilespmem:s7], [sflag:$0x1], $0x1, s0, s6, $0xb8;
	[tilespmem:$0x2000] =	vst v63  }
0x152: {  	s0 =	rddreg [dreg:$0x1a]  }
0x153: {  	s7 =	rddreg [dreg:$0x1b]  }
0x154: {  	[hbm4b:s2+s6] =	stream.indirect.scatter [tilespmem:s9], [sflag:$0x1], $0x1, s8, s6, $0xb8;
	[tilespmem:$0x2000] =	vst v63  }
0x155: {  	s8 =	rddreg [dreg:$0x1c]  }
0x156: {  	s9 =	rddreg [dreg:$0x1d]  }
0x157: {  	[hbm4b:s2+s6] =	stream.indirect.scatter [tilespmem:s7], [sflag:$0x1], $0x1, s0, s6, $0xb8;
	[tilespmem:$0x2000] =	vst v63  }
0x158: {  	s0 =	rddreg [dreg:$0x1e]  }
0x159: {  	s7 =	rddreg [dreg:$0x1f]  }
0x15a: {  	[hbm4b:s2+s6] =	stream.indirect.scatter [tilespmem:s9], [sflag:$0x1], $0x1, s8, s6, $0xb8;
	[tilespmem:$0x2000] =	vst v63  }
0x15b: {  	s8 =	sld [smem:$0x7F4]  }
0x15c: {  	s9 =	sld [smem:$0x7F5]  }
0x15d: {  	[hbm4b:s2+s6] =	stream.indirect.scatter [tilespmem:s7], [sflag:$0x1], $0x1, s0, s6, $0xb8;
	[tilespmem:$0x2000] =	vst v63  }
0x15e: {  	s0 =	sld [smem:$0x7F6]  }
0x15f: {  	s7 =	sld [smem:$0x7F7]  }
0x160: {  	[hbm4b:s2+s6] =	stream.indirect.scatter [tilespmem:s9], [sflag:$0x1], $0x1, s8, s6, $0xb8;
	[tilespmem:$0x2000] =	vst v63  }
0x161: {  	s8 =	sld [smem:$0x7F8]  }
0x162: {  	s9 =	sld [smem:$0x7F9]  }
0x163: {  	[hbm4b:s2+s6] =	stream.indirect.scatter [tilespmem:s7], [sflag:$0x1], $0x1, s0, s6, $0xb8;
	[tilespmem:$0x2000] =	vst v63  }
0x164: {  	s0 =	sld [smem:$0x7FA]  }
0x165: {  	s7 =	sld [smem:$0x7FB]  }
0x166: {  	[hbm4b:s2+s6] =	stream.indirect.scatter [tilespmem:s9], [sflag:$0x1], $0x1, s8, s6, $0xb8;
	[tilespmem:$0x2000] =	vst v63  }
0x167: {  	s8 =	sld [smem:$0x7FC]  }
0x168: {  	s9 =	sld [smem:$0x7FD]  }
0x169: {  	[hbm4b:s2+s6] =	stream.indirect.scatter [tilespmem:s7], [sflag:$0x1], $0x1, s0, s6, $0xb8;
	[tilespmem:$0x2000] =	vst v63  }
0x16a: {  	_ = 	snop  }
0x16b: {  	[hbm4b:s2+s6] =	stream.indirect.scatter [tilespmem:s9], [sflag:$0x1], $0x1, s8, s6, $0xb8;
	[tilespmem:$0x2000] =	vst v63  }
0x16c: {  	s7 =	simm.s32 $0xA00;
	s8 =	simm.s32 $0x1A00  }
0x16d: {  	[hbm4b:s2+s6] =	stream.indirect.scatter [tilespmem:s8], [sflag:$0x1], $0x1, s7, s6, $0xb8;
	[tilespmem:$0x2000] =	vst v63  }
0x16e: {  	s9 =	simm.s32 $0xA80  }
0x16f: {  	[hbm4b:s2+s6] =	stream.indirect.scatter [tilespmem:s10], [sflag:$0x1], $0x1, s9, s6, $0xb8;
	[tilespmem:$0x2000] =	vst v63  }
0x170: {  	_ = 	snop  }
0x171: {  	[hbm4b:s2+s6] =	stream.indirect.scatter [tilespmem:s12], [sflag:$0x1], $0x1, s11, s6, $0xb8;
	[tilespmem:$0x2000] =	vst v63  }
0x172: {  	_ = 	snop  }
0x173: {  	[hbm4b:s2+s6] =	stream.indirect.scatter [tilespmem:s14], [sflag:$0x1], $0x1, s13, s6, $0xb8;
	[tilespmem:$0x2000] =	vst v63  }
0x174: {  	_ = 	snop  }
0x175: {  	[hbm4b:s2+s6] =	stream.indirect.scatter [tilespmem:s16], [sflag:$0x1], $0x1, s15, s6, $0xb8;
	[tilespmem:$0x2000] =	vst v63  }
0x176: {  	_ = 	snop  }
0x177: {  	[hbm4b:s2+s6] =	stream.indirect.scatter [tilespmem:s18], [sflag:$0x1], $0x1, s17, s6, $0xb8;
	[tilespmem:$0x2000] =	vst v63  }
0x178: {  	_ = 	snop  }
0x179: {  	[hbm4b:s2+s6] =	stream.indirect.scatter [tilespmem:s20], [sflag:$0x1], $0x1, s19, s6, $0xb8;
	[tilespmem:$0x2000] =	vst v63  }
0x17a: {  	_ = 	snop  }
0x17b: {  	[hbm4b:s2+s6] =	stream.indirect.scatter [tilespmem:s22], [sflag:$0x1], $0x1, s21, s6, $0xb8;
	[tilespmem:$0x2000] =	vst v63  }
0x17c: {  	_ = 	snop  }
0x17d: {  	[hbm4b:s2+s6] =	stream.indirect.scatter [tilespmem:s24], [sflag:$0x1], $0x1, s23, s6, $0xb8;
	[tilespmem:$0x2000] =	vst v63  }
0x17e: {  	_ = 	snop  }
0x17f: {  	[hbm4b:s2+s6] =	stream.indirect.scatter [tilespmem:s26], [sflag:$0x1], $0x1, s25, s6, $0xb8;
	[tilespmem:$0x2000] =	vst v63  }
0x180: {  	_ = 	snop  }
0x181: {  	[hbm4b:s2+s6] =	stream.indirect.scatter [tilespmem:s29], [sflag:$0x1], $0x1, s28, s6, $0xb8;
	[tilespmem:$0x2000] =	vst v63  }
0x182: {  	_ = 	snop  }
0x183: {  	[hbm4b:s2+s6] =	stream.indirect.scatter [tilespmem:s31], [sflag:$0x1], $0x1, s30, s6, $0xb8;
	[tilespmem:$0x2000] =	vst v63  }
0x184: {  	_ =	swait.ge [sflag:s1], $0x80  }
0x185: {  	[sflag:s1] =	ssyncset.done $0x0  }
0x186: {  	[sflag:s1] =	ssyncadd.s32 $0xFFFFFF80  }
0x187: {  	_ =	swait.ge [sflag:s1], $0x80  }
0x188: {  	[sflag:s1] =	ssyncset.done $0x0  }
0x189: {  	[sflag:s1] =	ssyncadd.s32 $0xFFFFFF80  }
0x18a: {  	_ =	swait.ge [sflag:s1], $0x80  }
0x18b: {  	[sflag:s1] =	ssyncset.done $0x0  }
0x18c: {  	[sflag:s1] =	ssyncadd.s32 $0xFFFFFF80  }
0x18d: {  	_ =	swait.ge [sflag:s1], $0x80  }
0x18e: {  	[sflag:s1] =	ssyncset.done $0x0  }
0x18f: {  	[sflag:s1] =	ssyncadd.s32 $0xFFFFFF80  }
0x190: {  	_ =	swait.ge [sflag:s1], $0x80  }
0x191: {  	[sflag:s1] =	ssyncset.done $0x0  }
0x192: {  	[sflag:s1] =	ssyncadd.s32 $0xFFFFFF80  }
0x193: {  	_ =	swait.ge [sflag:s1], $0x80  }
0x194: {  	[sflag:s1] =	ssyncset.done $0x0  }
0x195: {  	[sflag:s1] =	ssyncadd.s32 $0xFFFFFF80  }
0x196: {  	_ =	swait.ge [sflag:s1], $0x80  }
0x197: {  	[sflag:s1] =	ssyncset.done $0x0  }
0x198: {  	[sflag:s1] =	ssyncadd.s32 $0xFFFFFF80  }
0x199: {  	_ =	swait.ge [sflag:s1], $0x80  }
0x19a: {  	[sflag:s1] =	ssyncset.done $0x0  }
0x19b: {  	[sflag:s1] =	ssyncadd.s32 $0xFFFFFF80  }
0x19c: {  	_ =	swait.ge [sflag:s1], $0x80  }
0x19d: {  	[sflag:s1] =	ssyncset.done $0x0  }
0x19e: {  	[sflag:s1] =	ssyncadd.s32 $0xFFFFFF80  }
0x19f: {  	_ =	swait.ge [sflag:s1], $0x80  }
0x1a0: {  	[sflag:s1] =	ssyncset.done $0x0  }
0x1a1: {  	[sflag:s1] =	ssyncadd.s32 $0xFFFFFF80  }
0x1a2: {  	_ =	swait.ge [sflag:s1], $0x80  }
0x1a3: {  	[sflag:s1] =	ssyncset.done $0x0  }
0x1a4: {  	[sflag:s1] =	ssyncadd.s32 $0xFFFFFF80  }
0x1a5: {  	_ =	swait.ge [sflag:s1], $0x80  }
0x1a6: {  	[sflag:s1] =	ssyncset.done $0x0  }
0x1a7: {  	[sflag:s1] =	ssyncadd.s32 $0xFFFFFF80  }
0x1a8: {  	_ =	swait.ge [sflag:s1], $0x80  }
0x1a9: {  	[sflag:s1] =	ssyncset.done $0x0  }
0x1aa: {  	[sflag:s1] =	ssyncadd.s32 $0xFFFFFF80  }
0x1ab: {  	_ =	swait.ge [sflag:s1], $0x80  }
0x1ac: {  	[sflag:s1] =	ssyncset.done $0x0  }
0x1ad: {  	[sflag:s1] =	ssyncadd.s32 $0xFFFFFF80  }
0x1ae: {  	_ =	swait.ge [sflag:s1], $0x80  }
0x1af: {  	[sflag:s1] =	ssyncset.done $0x0  }
0x1b0: {  	[sflag:s1] =	ssyncadd.s32 $0xFFFFFF80  }
0x1b1: {  	_ =	swait.ge [sflag:s1], $0x80  }
0x1b2: {  	[sflag:s1] =	ssyncset.done $0x0  }
0x1b3: {  	[sflag:s1] =	ssyncadd.s32 $0xFFFFFF80  }
0x1b4: {  	_ =	swait.ge [sflag:s1], $0x80  }
0x1b5: {  	[sflag:s1] =	ssyncset.done $0x0  }
0x1b6: {  	[sflag:s1] =	ssyncadd.s32 $0xFFFFFF80  }
0x1b7: {  	_ =	swait.ge [sflag:s1], $0x80  }
0x1b8: {  	[sflag:s1] =	ssyncset.done $0x0  }
0x1b9: {  	[sflag:s1] =	ssyncadd.s32 $0xFFFFFF80  }
0x1ba: {  	_ =	swait.ge [sflag:s1], $0x80  }
0x1bb: {  	[sflag:s1] =	ssyncset.done $0x0  }
0x1bc: {  	[sflag:s1] =	ssyncadd.s32 $0xFFFFFF80  }
0x1bd: {  	_ =	swait.ge [sflag:s1], $0x80  }
0x1be: {  	[sflag:s1] =	ssyncset.done $0x0  }
0x1bf: {  	[sflag:s1] =	ssyncadd.s32 $0xFFFFFF80  }
0x1c0: {  	_ =	swait.ge [sflag:s1], $0x80  }
0x1c1: {  	[sflag:s1] =	ssyncset.done $0x0  }
0x1c2: {  	[sflag:s1] =	ssyncadd.s32 $0xFFFFFF80  }
0x1c3: {  	_ =	swait.ge [sflag:s1], $0x80  }
0x1c4: {  	[sflag:s1] =	ssyncset.done $0x0  }
0x1c5: {  	[sflag:s1] =	ssyncadd.s32 $0xFFFFFF80  }
0x1c6: {  	_ =	swait.ge [sflag:s1], $0x80  }
0x1c7: {  	[sflag:s1] =	ssyncset.done $0x0  }
0x1c8: {  	[sflag:s1] =	ssyncadd.s32 $0xFFFFFF80  }
0x1c9: {  	_ =	swait.ge [sflag:s1], $0x80  }
0x1ca: {  	[sflag:s1] =	ssyncset.done $0x0  }
0x1cb: {  	[sflag:s1] =	ssyncadd.s32 $0xFFFFFF80  }
0x1cc: {  	_ =	swait.ge [sflag:s1], $0x80  }
0x1cd: {  	[sflag:s1] =	ssyncset.done $0x0  }
0x1ce: {  	[sflag:s1] =	ssyncadd.s32 $0xFFFFFF80  }
0x1cf: {  	_ =	swait.ge [sflag:s1], $0x80  }
0x1d0: {  	[sflag:s1] =	ssyncset.done $0x0  }
0x1d1: {  	[sflag:s1] =	ssyncadd.s32 $0xFFFFFF80  }
0x1d2: {  	_ =	swait.ge [sflag:s1], $0x80  }
0x1d3: {  	[sflag:s1] =	ssyncset.done $0x0  }
0x1d4: {  	[sflag:s1] =	ssyncadd.s32 $0xFFFFFF80  }
0x1d5: {  	_ =	swait.ge [sflag:s1], $0x80  }
0x1d6: {  	[sflag:s1] =	ssyncset.done $0x0  }
0x1d7: {  	[sflag:s1] =	ssyncadd.s32 $0xFFFFFF80  }
0x1d8: {  	_ =	swait.ge [sflag:s1], $0x80  }
0x1d9: {  	[sflag:s1] =	ssyncset.done $0x0  }
0x1da: {  	[sflag:s1] =	ssyncadd.s32 $0xFFFFFF80  }
0x1db: {  	_ =	swait.ge [sflag:s1], $0x80  }
0x1dc: {  	[sflag:s1] =	ssyncset.done $0x0  }
0x1dd: {  	[sflag:s1] =	ssyncadd.s32 $0xFFFFFF80  }
0x1de: {  	p0 =	sne.s32 s4, $0x1;
	_ =	swait.ge [sflag:s1], $0x80  }
.Ltmp0:
0x1df: {  	[sflag:s1] =	ssyncset.done $0x0;
	(pc) =	sbr.rel @p0 .LBB2_1-.Ltmp0, $4  }
0x1e0: {  	[sflag:s1] =	ssyncadd.s32 $0xFFFFFF80  }
0x1e1: {  	_ =	swait.ge [sflag:s1], $0x80  }
0x1e2: {  	[sflag:s1] =	ssyncset.done $0x0  }
0x1e3: {  	s4 =	sadd.s32 $0xFFFFFFFF, s4;
	[sflag:s1] =	ssyncadd.s32 $0xFFFFFF80  }
0x1e4: {  	_ =	sfence.sel $0x180000  }
0x1e5: {  	[bflag:$0x0] =	sbarrier.arrive $0xFFFF  }
0x1e6: {  	_ =	strace $0x90000047  }
0x1e7: {  	s0 =	stileid.u32;
	[bflag:$0x2] =	sbarrier.arrive $0xFFFF  }
0x1e8: {  	p0 =	sne.s32 s0, $0x0;
	s0 =	rddreg [dreg:$0x2]  }
0x1e9: {  	s0 =	sadd.s32 @!p0 $0x100000, s0  }
0x1ea: {  	[sflag:s0] =	ssyncadd.tile.s32 @!p0 $0x1;
	_ =	shalt  }
.Lfunc_end2:
_tile_overlayer_lowered:
.L_overlay_start_2:
0x1eb: {  	(tag) =	ssettag $0x2  }
0x1ec: {  	s0 =	rddreg [dreg:$0x0];
	s2 =	stileid.u32  }
0x1ed: {  	s1 =	rddreg [dreg:$0x1];
	p0 =	sne.s32 s2, $0x0  }
0x1ee: {  	s3 =	rddreg [dreg:$0x2];
	[bflag:$0x3] =	sbarrier.arrive $0xFFFF;
	s2 =	simm.s32 @!p0 $0x1C02  }
0x1ef: {  	[timem:s3], [sflag:s2] =	dma.local @!p0 [hbm:s0], s1  }
0x1f0: {  	s0 =	simm.s32 @!p0 $0x2  }
0x1f1: {  	_ =	swait.ge @!p0 [sflag:s0], s1  }
0x1f2: {  	s1 =	ssub.s32 @!p0 $0x0, s1;
	[sflag:s0] =	ssyncset.done @!p0 $0x0  }
0x1f3: {  	[sflag:s0] =	ssyncadd.s32 @!p0 s1  }
0x1f4: {  	[bflag:$0x3] =	sbarrier.arrive $0xFFFF  }
0x1f5: {  	_ =	shalt  }

</sc_bundles>
